<compile_context>
chip_gen: v7x
topology: tpu7x:2x2x1
jax: 0.10.2.dev20260603
libtpu: 0.0.44.dev20260713+nightly
codegen_flags: <defaults>
</compile_context>

<pallas_src>
import functools

import jax
import jax.numpy as jnp
from jax import lax
from jax.experimental import pallas as pl
from jax.experimental.pallas import tpu as pltpu
from jax.experimental.pallas import tpu_sc as plsc

N = 10000
E = 320000
D = 128
NLAYERS = 4

NC = 2
NS = 16
EW = E // (NC * NS)
K = 80
NCHUNK = EW // K
NPAD = 10240
RPT = NPAD // NS

@functools.cache
def _sc_mesh():
    return plsc.VectorSubcoreMesh(core_axis_name="c", subcore_axis_name="s")



def _fill_f32(ref, nrows, ncols, value):
    vec = jnp.full((16,), value, jnp.float32)

    def st(i, _):
        r = i // (ncols // 16)
        col = (i % (ncols // 16)) * 16
        ref[r, pl.ds(col, 16)] = vec
        return ()

    lax.fori_loop(0, nrows * (ncols // 16), st, ())


def _agg_body(x_hbm, src_hbm, dst_hbm, out_hbm,
              sidx, didx, rows0, rows1, acc, sem0, sem1):
    c = lax.axis_index("c")
    s = lax.axis_index("s")
    w = c * NS + s

    pltpu.sync_copy(src_hbm.at[w], sidx)
    pltpu.sync_copy(dst_hbm.at[w], didx)

    _fill_f32(rows0, K, D, 0.0)
    for j in range(RPT // K):
        pltpu.sync_copy(rows0, acc.at[pl.ds(s * RPT + j * K, K)])
    plsc.subcore_barrier()

    def gather(j, rows, sem):
        pltpu.async_copy(x_hbm.at[sidx.at[pl.ds(j * K, K)]], rows, sem)

    def drain(rows, sem):
        pltpu.make_async_copy(x_hbm.at[pl.ds(0, K)], rows, sem).wait()

    def scat(j, rows):
        pltpu.sync_copy(rows, acc.at[didx.at[j]], add=True)

    gather(0, rows0, sem0)
    gather(1, rows1, sem1)

    def step(i, _):
        j = 2 * i
        drain(rows0, sem0)
        scat(j, rows0)
        gather(j + 2, rows0, sem0)
        drain(rows1, sem1)
        scat(j + 1, rows1)
        gather(j + 3, rows1, sem1)
        return ()

    lax.fori_loop(0, (NCHUNK - 3) // 2, step, ())
    drain(rows0, sem0)
    scat(NCHUNK - 3, rows0)
    gather(NCHUNK - 1, rows0, sem0)
    drain(rows1, sem1)
    scat(NCHUNK - 2, rows1)
    drain(rows0, sem0)
    scat(NCHUNK - 1, rows0)

    plsc.subcore_barrier()
    pltpu.sync_copy(acc.at[pl.ds(s * RPT, RPT)], out_hbm.at[c, pl.ds(s * RPT, RPT)])


@functools.cache
def _agg_kernel():
    return pl.kernel(
        _agg_body,
        out_type=jax.ShapeDtypeStruct((NC, NPAD, D), jnp.float32),
        mesh=_sc_mesh(),
        scratch_types=[
            pltpu.VMEM((EW,), jnp.int32),
            pltpu.VMEM((NCHUNK, K), jnp.int32),
            pltpu.VMEM((K, D), jnp.float32),
            pltpu.VMEM((K, D), jnp.float32),
            pltpu.VMEM_SHARED((NPAD, D), jnp.float32),
            pltpu.SemaphoreType.DMA,
            pltpu.SemaphoreType.DMA,
        ],
    )


def _agg_call(x, src3, dst3):
    return _agg_kernel()(x, src3, dst3)


def _deg_body(dst_hbm, out_hbm, didx, rows, acc):
    c = lax.axis_index("c")
    s = lax.axis_index("s")
    w = c * NS + s

    pltpu.sync_copy(dst_hbm.at[w], didx)

    _fill_f32(rows, K, D, 0.0)
    for j in range(RPT // K):
        pltpu.sync_copy(rows, acc.at[pl.ds(s * RPT + j * K, K)])
    _fill_f32(rows, K, D, 1.0)
    plsc.subcore_barrier()

    def step(j, _):
        pltpu.sync_copy(rows, acc.at[didx.at[j]], add=True)
        return ()

    lax.fori_loop(0, NCHUNK, step, ())
    plsc.subcore_barrier()
    pltpu.sync_copy(acc.at[pl.ds(s * RPT, RPT)], out_hbm.at[c, pl.ds(s * RPT, RPT)])


@functools.cache
def _deg_kernel():
    return pl.kernel(
        _deg_body,
        out_type=jax.ShapeDtypeStruct((NC, NPAD, D), jnp.float32),
        mesh=_sc_mesh(),
        scratch_types=[
            pltpu.VMEM((NCHUNK, K), jnp.int32),
            pltpu.VMEM((K, D), jnp.float32),
            pltpu.VMEM_SHARED((NPAD, D), jnp.float32),
        ],
    )


def _deg_call(dst):
    return _deg_kernel()(dst)



def _emb_body(h_ref, W_ref, b_ref, dp_ref, x_ref, inv_ref):
    x_ref[...] = (
        jnp.dot(h_ref[...], W_ref[...], preferred_element_type=jnp.float32)
        + b_ref[...]
    )
    dp = dp_ref[...]
    deg = dp[0, :N, 0:1] + dp[1, :N, 0:1]
    inv_ref[...] = 1.0 / jnp.maximum(deg, 1.0)


def _emb_call(h, W, b, deg_parts):
    return pl.pallas_call(
        _emb_body,
        out_shape=[
            jax.ShapeDtypeStruct((N, D), jnp.float32),
            jax.ShapeDtypeStruct((N, 1), jnp.float32),
        ],
    )(h, W, b, deg_parts)


def _layer_body(x_ref, p_ref, inv_ref, Wx_ref, Wc_ref, b_ref, g_ref, be_ref, o_ref):
    x = x_ref[...]
    cagg = (p_ref[0, :N] + p_ref[1, :N]) * inv_ref[...]
    bundle = (
        jnp.dot(x, Wx_ref[...], preferred_element_type=jnp.float32)
        + jnp.dot(cagg, Wc_ref[...], preferred_element_type=jnp.float32)
        + b_ref[...]
    )
    nrm = jnp.sqrt(jnp.sum(bundle * bundle, axis=1, keepdims=True))
    bundle = bundle / jnp.maximum(nrm, 1e-12)
    bundle = jnp.maximum(bundle, 0.0)
    mean = jnp.mean(bundle, axis=0, keepdims=True)
    ctr = bundle - mean
    var = jnp.mean(ctr * ctr, axis=0, keepdims=True)
    bundle = ctr * (g_ref[...] / jnp.sqrt(var + 1e-5)) + be_ref[...]
    o_ref[...] = x + bundle


def _layer_call(x, parts, inv, Wx, Wc, b, g, be):
    return pl.pallas_call(
        _layer_body,
        out_shape=jax.ShapeDtypeStruct((N, D), jnp.float32),
    )(x, parts, inv, Wx, Wc, b, g, be)


def _readout_body(x_ref, W0_ref, b0_ref, W1_ref, b1_ref, W2_ref, b2_ref, y_ref):
    y = jnp.maximum(
        jnp.dot(x_ref[...], W0_ref[...], preferred_element_type=jnp.float32)
        + b0_ref[...], 0.0)
    y = jnp.maximum(
        jnp.dot(y, W1_ref[...], preferred_element_type=jnp.float32)
        + b1_ref[...], 0.0)
    y_ref[...] = (
        jnp.dot(y, W2_ref[...], preferred_element_type=jnp.float32)
        + b2_ref[...])


def _readout_call(x, W0, b0, W1, b1, W2, b2):
    return pl.pallas_call(
        _readout_body,
        out_shape=jax.ShapeDtypeStruct((N, 40), jnp.float32),
    )(x, W0, b0, W1, b1, W2, b2)



def kernel(h, e, edge_index, W_emb, b_emb, Ws, bs, gammas, betas,
           Wm0, bm0, Wm1, bm1, Wm2, bm2):
    src = edge_index[0].reshape(NC * NS, EW)
    dst = edge_index[1].reshape(NC * NS, NCHUNK, K)
    deg_parts = _deg_call(dst)
    x, inv = _emb_call(h, W_emb, b_emb.reshape(1, D), deg_parts)
    for l in range(NLAYERS):
        parts = _agg_call(x, src, dst)
        x = _layer_call(x, parts, inv, Ws[l, :D], Ws[l, D:],
                        bs[l].reshape(1, D), gammas[l].reshape(1, D),
                        betas[l].reshape(1, D))
    y = _readout_call(x, Wm0, bm0.reshape(1, -1), Wm1, bm1.reshape(1, -1),
                      Wm2, bm2.reshape(1, -1))
    return y

# --- scband reference (transcript-rebuilt; emitter-appended) ---
"""Pipeline reference for scband-graph-sage-net-47725676593242 (READ-ONLY COPY).

The authoritative reference and input builder live on the scoring server;
editing this copy changes nothing except your own understanding.
"""

import jax, jax.numpy as jnp
import numpy as np

N_NODES = 10000
N_EDGES = 320000
D = 128
N_LAYERS = 4
N_CLASSES = 40


def setup_inputs(seed: int = 0) -> dict:
    key = jax.random.key(seed)
    ks = jax.random.split(key, 20)
    h = jax.random.normal(ks[0], (N_NODES, D), dtype=jnp.float32)
    e = jax.random.normal(ks[1], (N_EDGES, 4), dtype=jnp.float32)
    edge_index = jax.random.randint(ks[2], (2, N_EDGES), 0, N_NODES, dtype=jnp.int32)
    # embedding_h: Linear(in_dim=128 -> hidden_dim=128)
    W_emb = jax.random.normal(ks[3], (D, D), dtype=jnp.float32) * 0.05
    b_emb = jnp.zeros((D,), dtype=jnp.float32)
    # 4 GraphSageLayers (mean aggregator), NodeApply linear: (2*D -> D)
    Ws = jax.random.normal(ks[4], (N_LAYERS, 2 * D, D), dtype=jnp.float32) * 0.05
    bs = jnp.zeros((N_LAYERS, D), dtype=jnp.float32)
    gammas = jnp.ones((N_LAYERS, D), dtype=jnp.float32)
    betas = jnp.zeros((N_LAYERS, D), dtype=jnp.float32)
    # MLPReadout (L=2): 128->64->32->40
    Wm0 = jax.random.normal(ks[5], (D, D // 2), dtype=jnp.float32) * 0.05
    bm0 = jnp.zeros((D // 2,), dtype=jnp.float32)
    Wm1 = jax.random.normal(ks[6], (D // 2, D // 4), dtype=jnp.float32) * 0.05
    bm1 = jnp.zeros((D // 4,), dtype=jnp.float32)
    Wm2 = jax.random.normal(ks[7], (D // 4, N_CLASSES), dtype=jnp.float32) * 0.05
    bm2 = jnp.zeros((N_CLASSES,), dtype=jnp.float32)
    return {"h": h, "e": e, "edge_index": edge_index, "W_emb": W_emb, "b_emb": b_emb,
            "Ws": Ws, "bs": bs, "gammas": gammas, "betas": betas,
            "Wm0": Wm0, "bm0": bm0, "Wm1": Wm1, "bm1": bm1, "Wm2": Wm2, "bm2": bm2}


def reference(h, e, edge_index, W_emb, b_emb, Ws, bs, gammas, betas, Wm0, bm0, Wm1, bm1, Wm2, bm2):
    src = edge_index[0]
    dst = edge_index[1]
    ones = jnp.ones((src.shape[0],), dtype=jnp.float32)
    deg = jax.ops.segment_sum(ones, dst, num_segments=N_NODES)
    deg = jnp.maximum(deg, 1.0)[:, None]
    # embedding_h
    x = h @ W_emb + b_emb
    # GraphSage layers: mean aggregator + NodeApply(concat->linear->L2norm->relu) + BN + residual
    for l in range(N_LAYERS):
        h_in = x
        msgs = jnp.take(x, src, axis=0)
        c = jax.ops.segment_sum(msgs, dst, num_segments=N_NODES) / deg
        bundle = jnp.concatenate([x, c], axis=1) @ Ws[l] + bs[l]
        norm = jnp.sqrt(jnp.sum(bundle * bundle, axis=1, keepdims=True))
        bundle = bundle / jnp.maximum(norm, 1e-12)
        bundle = jax.nn.relu(bundle)
        mean = jnp.mean(bundle, axis=0)
        var = jnp.var(bundle, axis=0)
        bundle = (bundle - mean) / jnp.sqrt(var + 1e-5) * gammas[l] + betas[l]
        x = h_in + bundle
    # MLPReadout
    y = jax.nn.relu(x @ Wm0 + bm0)
    y = jax.nn.relu(y @ Wm1 + bm1)
    y = y @ Wm2 + bm2
    return y

if __name__ == "__main__":
    import jax
    _d = setup_inputs()
    print(jax.jit(kernel)(*tuple(_d.values())))

</pallas_src>

<mosaic_0001>
#map = affine_map<(d0, d1) -> (0, 0, 0)>
module attributes {stable_mosaic.version = 14 : i64} {
  func.func @_deg_body(%arg0: i32, %arg1: i32, %arg2: memref<32x125x80xi32, #tpu.memory_space<hbm>>, %arg3: memref<2x10240x128xf32, #tpu.memory_space<hbm>>, %arg4: memref<125x80xi32, #tpu.memory_space<vmem>>, %arg5: memref<80x128xf32, #tpu.memory_space<vmem>>, %arg6: memref<10240x128xf32, #tpu.memory_space<vmem_shared>>) attributes {dimension_semantics = [#tpu.dimension_semantics<core_parallel>, #tpu.dimension_semantics<subcore_parallel>], iteration_bounds = array<i64: 2, 16>, scalar_prefetch = 0 : i64, scratch_operands = 3 : i64, tpu.core_type = #tpu.core_type<sc_vector_subcore>, window_params = [{transform_indices = #map}, {transform_indices = #map}]} {
    %mul3A = arith.constant 16 : i32
    %mul3A_0 = arith.muli %arg0, %mul3A : i32
    %add3A = arith.addi %mul3A_0, %arg1 : i32
    "tpu.region"() ({
      %run_scoped3A = tpu.sem_alloc : memref<!tpu.dma_semaphore, #tpu.memory_space<semaphore_mem>>
      %dma_start3A = arith.constant 0 : i32
      %dma_start3A_55 = arith.constant 0 : i32
      %dma_start3A_56 = tpu.memref_slice %arg2[%add3A, %dma_start3A, %dma_start3A_55] : memref<32x125x80xi32, #tpu.memory_space<hbm>> -> memref<1x125x80xi32, #tpu.memory_space<hbm>>
      %dma_start3A_57 = tpu.memref_squeeze %dma_start3A_56 : memref<1x125x80xi32, #tpu.memory_space<hbm>> -> memref<125x80xi32, #tpu.memory_space<hbm>>
      %dma_start3A_58 = arith.constant 0 : i32
      %dma_start3A_59 = arith.constant 0 : i32
      %dma_start3A_60 = tpu.memref_slice %arg2[%add3A, %dma_start3A_58, %dma_start3A_59] : memref<32x125x80xi32, #tpu.memory_space<hbm>> -> memref<1x125x80xi32, #tpu.memory_space<hbm>>
      %dma_start3A_61 = tpu.memref_squeeze %dma_start3A_60 : memref<1x125x80xi32, #tpu.memory_space<hbm>> -> memref<125x80xi32, #tpu.memory_space<hbm>>
      tpu.enqueue_dma source(%dma_start3A_61 : memref<125x80xi32, #tpu.memory_space<hbm>>) target(%arg4 : memref<125x80xi32, #tpu.memory_space<vmem>>) target_semaphore(%run_scoped3A : memref<!tpu.dma_semaphore, #tpu.memory_space<semaphore_mem>>)
      %dma_wait3A = arith.constant 0 : i32
      %dma_wait3A_62 = arith.constant 0 : i32
      %dma_wait3A_63 = tpu.memref_slice %arg2[%add3A, %dma_wait3A, %dma_wait3A_62] : memref<32x125x80xi32, #tpu.memory_space<hbm>> -> memref<1x125x80xi32, #tpu.memory_space<hbm>>
      %dma_wait3A_64 = tpu.memref_squeeze %dma_wait3A_63 : memref<1x125x80xi32, #tpu.memory_space<hbm>> -> memref<125x80xi32, #tpu.memory_space<hbm>>
      %dma_wait3A_65 = arith.constant 0 : i32
      %dma_wait3A_66 = arith.constant 0 : i32
      %dma_wait3A_67 = tpu.memref_slice %arg2[%add3A, %dma_wait3A_65, %dma_wait3A_66] : memref<32x125x80xi32, #tpu.memory_space<hbm>> -> memref<1x125x80xi32, #tpu.memory_space<hbm>>
      %dma_wait3A_68 = tpu.memref_squeeze %dma_wait3A_67 : memref<1x125x80xi32, #tpu.memory_space<hbm>> -> memref<125x80xi32, #tpu.memory_space<hbm>>
      tpu.wait_dma2 semaphore(%run_scoped3A : memref<!tpu.dma_semaphore, #tpu.memory_space<semaphore_mem>>) src(%dma_wait3A_68 : memref<125x80xi32, #tpu.memory_space<hbm>>) dst(%arg4 : memref<125x80xi32, #tpu.memory_space<vmem>>)
      tpu.yield
    }) : () -> ()
    %broadcast_in_dim3A = arith.constant 0.000000e+00 : f32
    %broadcast_in_dim3A_1 = vector.broadcast %broadcast_in_dim3A : f32 to vector<16xf32>
    %scan3A = arith.constant 0 : i32
    %scan3A_2 = arith.constant 640 : i32
    %scan3A_3 = arith.addi %scan3A, %scan3A_2 : i32
    %scan3A_4 = arith.constant 1 : i32
    scf.for %scan3A_55 = %scan3A to %scan3A_3 step %scan3A_4  : i32 {
      %jit3A = arith.constant 8 : i32
      %div3A = arith.divsi %scan3A_55, %jit3A : i32
      %sign3A = arith.constant 0 : i32
      %sign3A_56 = arith.cmpi sgt, %scan3A_55, %sign3A : i32
      %sign3A_57 = arith.extui %sign3A_56 : i1 to i32
      %sign3A_58 = arith.constant 0 : i32
      %sign3A_59 = arith.cmpi slt, %scan3A_55, %sign3A_58 : i32
      %sign3A_60 = arith.extui %sign3A_59 : i1 to i32
      %sign3A_61 = arith.subi %sign3A_57, %sign3A_60 : i32
      %sign3A_62 = arith.constant 0 : i32
      %sign3A_63 = arith.cmpi sgt, %jit3A, %sign3A_62 : i32
      %sign3A_64 = arith.extui %sign3A_63 : i1 to i32
      %sign3A_65 = arith.constant 0 : i32
      %sign3A_66 = arith.cmpi slt, %jit3A, %sign3A_65 : i32
      %sign3A_67 = arith.extui %sign3A_66 : i1 to i32
      %sign3A_68 = arith.subi %sign3A_64, %sign3A_67 : i32
      %ne3A = arith.cmpi ne, %sign3A_61, %sign3A_68 : i32
      %rem3A = arith.remsi %scan3A_55, %jit3A : i32
      %ne3A_69 = arith.constant 0 : i32
      %ne3A_70 = arith.cmpi ne, %rem3A, %ne3A_69 : i32
      %and3A = arith.andi %ne3A, %ne3A_70 : i1
      %sub3A = arith.constant 1 : i32
      %sub3A_71 = arith.subi %div3A, %sub3A : i32
      %select_n3A = arith.select %and3A, %sub3A_71, %div3A : i32
      %jit3A_72 = arith.constant 8 : i32
      %eq3A = arith.constant 0 : i32
      %eq3A_73 = arith.cmpi eq, %jit3A_72, %eq3A : i32
      %jit3A_74 = arith.constant 1 : i32
      %select_n3A_75 = arith.select %eq3A_73, %jit3A_74, %jit3A_72 : i32
      %rem3A_76 = arith.remsi %scan3A_55, %select_n3A_75 : i32
      %ne3A_77 = arith.constant 0 : i32
      %ne3A_78 = arith.cmpi ne, %rem3A_76, %ne3A_77 : i32
      %lt3A = arith.constant 0 : i32
      %lt3A_79 = arith.cmpi slt, %rem3A_76, %lt3A : i32
      %lt3A_80 = arith.constant 0 : i32
      %lt3A_81 = arith.cmpi slt, %select_n3A_75, %lt3A_80 : i32
      %ne3A_82 = arith.xori %lt3A_79, %lt3A_81 : i1
      %and3A_83 = arith.andi %ne3A_82, %ne3A_78 : i1
      %add3A_84 = arith.addi %rem3A_76, %select_n3A_75 : i32
      %select_n3A_85 = arith.select %and3A_83, %add3A_84, %rem3A_76 : i32
      %mul3A_86 = arith.constant 16 : i32
      %mul3A_87 = arith.muli %select_n3A_85, %mul3A_86 : i32
      %swap3A = arith.index_cast %select_n3A : i32 to index
      %swap3A_88 = arith.index_cast %mul3A_87 : i32 to index
      %swap3A_89 = tpu.vector_load %arg5[%swap3A, %swap3A_88] {strides = array<i32>} : memref<80x128xf32, #tpu.memory_space<vmem>>, vector<1x16xf32>,
      %swap3A_90 = vector.shape_cast %swap3A_89 : vector<1x16xf32> to vector<16xf32>
      %swap3A_91 = vector.shape_cast %broadcast_in_dim3A_1 : vector<16xf32> to vector<1x16xf32>
      tpu.vector_store %arg5[%swap3A, %swap3A_88], %swap3A_91 {strides = array<i32>} : memref<80x128xf32, #tpu.memory_space<vmem>>, vector<1x16xf32>,
    }
    %scan3A_5 = arith.constant 640 : i32
    %mul3A_6 = arith.constant 640 : i32
    %mul3A_7 = arith.muli %arg1, %mul3A_6 : i32
    %add3A_8 = arith.constant 0 : i32
    %add3A_9 = arith.addi %mul3A_7, %add3A_8 : i32
    "tpu.region"() ({
      %run_scoped3A = tpu.sem_alloc : memref<!tpu.dma_semaphore, #tpu.memory_space<semaphore_mem>>
      %dma_start3A = arith.constant 0 : i32
      %dma_start3A_55 = tpu.memref_slice %arg6[%add3A_9, %dma_start3A] : memref<10240x128xf32, #tpu.memory_space<vmem_shared>> -> memref<80x128xf32, #tpu.memory_space<vmem_shared>>
      %dma_start3A_56 = arith.constant 0 : i32
      %dma_start3A_57 = tpu.memref_slice %arg6[%add3A_9, %dma_start3A_56] : memref<10240x128xf32, #tpu.memory_space<vmem_shared>> -> memref<80x128xf32, #tpu.memory_space<vmem_shared>>
      tpu.enqueue_dma source(%arg5 : memref<80x128xf32, #tpu.memory_space<vmem>>) target(%dma_start3A_57 : memref<80x128xf32, #tpu.memory_space<vmem_shared>>) target_semaphore(%run_scoped3A : memref<!tpu.dma_semaphore, #tpu.memory_space<semaphore_mem>>)
      %dma_wait3A = arith.constant 0 : i32
      %dma_wait3A_58 = tpu.memref_slice %arg6[%add3A_9, %dma_wait3A] : memref<10240x128xf32, #tpu.memory_space<vmem_shared>> -> memref<80x128xf32, #tpu.memory_space<vmem_shared>>
      %dma_wait3A_59 = arith.constant 0 : i32
      %dma_wait3A_60 = tpu.memref_slice %arg6[%add3A_9, %dma_wait3A_59] : memref<10240x128xf32, #tpu.memory_space<vmem_shared>> -> memref<80x128xf32, #tpu.memory_space<vmem_shared>>
      tpu.wait_dma2 semaphore(%run_scoped3A : memref<!tpu.dma_semaphore, #tpu.memory_space<semaphore_mem>>) src(%arg5 : memref<80x128xf32, #tpu.memory_space<vmem>>) dst(%dma_wait3A_60 : memref<80x128xf32, #tpu.memory_space<vmem_shared>>)
      tpu.yield
    }) : () -> ()
    %mul3A_10 = arith.constant 640 : i32
    %mul3A_11 = arith.muli %arg1, %mul3A_10 : i32
    %add3A_12 = arith.constant 80 : i32
    %add3A_13 = arith.addi %mul3A_11, %add3A_12 : i32
    "tpu.region"() ({
      %run_scoped3A = tpu.sem_alloc : memref<!tpu.dma_semaphore, #tpu.memory_space<semaphore_mem>>
      %dma_start3A = arith.constant 0 : i32
      %dma_start3A_55 = tpu.memref_slice %arg6[%add3A_13, %dma_start3A] : memref<10240x128xf32, #tpu.memory_space<vmem_shared>> -> memref<80x128xf32, #tpu.memory_space<vmem_shared>>
      %dma_start3A_56 = arith.constant 0 : i32
      %dma_start3A_57 = tpu.memref_slice %arg6[%add3A_13, %dma_start3A_56] : memref<10240x128xf32, #tpu.memory_space<vmem_shared>> -> memref<80x128xf32, #tpu.memory_space<vmem_shared>>
      tpu.enqueue_dma source(%arg5 : memref<80x128xf32, #tpu.memory_space<vmem>>) target(%dma_start3A_57 : memref<80x128xf32, #tpu.memory_space<vmem_shared>>) target_semaphore(%run_scoped3A : memref<!tpu.dma_semaphore, #tpu.memory_space<semaphore_mem>>)
      %dma_wait3A = arith.constant 0 : i32
      %dma_wait3A_58 = tpu.memref_slice %arg6[%add3A_13, %dma_wait3A] : memref<10240x128xf32, #tpu.memory_space<vmem_shared>> -> memref<80x128xf32, #tpu.memory_space<vmem_shared>>
      %dma_wait3A_59 = arith.constant 0 : i32
      %dma_wait3A_60 = tpu.memref_slice %arg6[%add3A_13, %dma_wait3A_59] : memref<10240x128xf32, #tpu.memory_space<vmem_shared>> -> memref<80x128xf32, #tpu.memory_space<vmem_shared>>
      tpu.wait_dma2 semaphore(%run_scoped3A : memref<!tpu.dma_semaphore, #tpu.memory_space<semaphore_mem>>) src(%arg5 : memref<80x128xf32, #tpu.memory_space<vmem>>) dst(%dma_wait3A_60 : memref<80x128xf32, #tpu.memory_space<vmem_shared>>)
      tpu.yield
    }) : () -> ()
    %mul3A_14 = arith.constant 640 : i32
    %mul3A_15 = arith.muli %arg1, %mul3A_14 : i32
    %add3A_16 = arith.constant 160 : i32
    %add3A_17 = arith.addi %mul3A_15, %add3A_16 : i32
    "tpu.region"() ({
      %run_scoped3A = tpu.sem_alloc : memref<!tpu.dma_semaphore, #tpu.memory_space<semaphore_mem>>
      %dma_start3A = arith.constant 0 : i32
      %dma_start3A_55 = tpu.memref_slice %arg6[%add3A_17, %dma_start3A] : memref<10240x128xf32, #tpu.memory_space<vmem_shared>> -> memref<80x128xf32, #tpu.memory_space<vmem_shared>>
      %dma_start3A_56 = arith.constant 0 : i32
      %dma_start3A_57 = tpu.memref_slice %arg6[%add3A_17, %dma_start3A_56] : memref<10240x128xf32, #tpu.memory_space<vmem_shared>> -> memref<80x128xf32, #tpu.memory_space<vmem_shared>>
      tpu.enqueue_dma source(%arg5 : memref<80x128xf32, #tpu.memory_space<vmem>>) target(%dma_start3A_57 : memref<80x128xf32, #tpu.memory_space<vmem_shared>>) target_semaphore(%run_scoped3A : memref<!tpu.dma_semaphore, #tpu.memory_space<semaphore_mem>>)
      %dma_wait3A = arith.constant 0 : i32
      %dma_wait3A_58 = tpu.memref_slice %arg6[%add3A_17, %dma_wait3A] : memref<10240x128xf32, #tpu.memory_space<vmem_shared>> -> memref<80x128xf32, #tpu.memory_space<vmem_shared>>
      %dma_wait3A_59 = arith.constant 0 : i32
      %dma_wait3A_60 = tpu.memref_slice %arg6[%add3A_17, %dma_wait3A_59] : memref<10240x128xf32, #tpu.memory_space<vmem_shared>> -> memref<80x128xf32, #tpu.memory_space<vmem_shared>>
      tpu.wait_dma2 semaphore(%run_scoped3A : memref<!tpu.dma_semaphore, #tpu.memory_space<semaphore_mem>>) src(%arg5 : memref<80x128xf32, #tpu.memory_space<vmem>>) dst(%dma_wait3A_60 : memref<80x128xf32, #tpu.memory_space<vmem_shared>>)
      tpu.yield
    }) : () -> ()
    %mul3A_18 = arith.constant 640 : i32
    %mul3A_19 = arith.muli %arg1, %mul3A_18 : i32
    %add3A_20 = arith.constant 240 : i32
    %add3A_21 = arith.addi %mul3A_19, %add3A_20 : i32
    "tpu.region"() ({
      %run_scoped3A = tpu.sem_alloc : memref<!tpu.dma_semaphore, #tpu.memory_space<semaphore_mem>>
      %dma_start3A = arith.constant 0 : i32
      %dma_start3A_55 = tpu.memref_slice %arg6[%add3A_21, %dma_start3A] : memref<10240x128xf32, #tpu.memory_space<vmem_shared>> -> memref<80x128xf32, #tpu.memory_space<vmem_shared>>
      %dma_start3A_56 = arith.constant 0 : i32
      %dma_start3A_57 = tpu.memref_slice %arg6[%add3A_21, %dma_start3A_56] : memref<10240x128xf32, #tpu.memory_space<vmem_shared>> -> memref<80x128xf32, #tpu.memory_space<vmem_shared>>
      tpu.enqueue_dma source(%arg5 : memref<80x128xf32, #tpu.memory_space<vmem>>) target(%dma_start3A_57 : memref<80x128xf32, #tpu.memory_space<vmem_shared>>) target_semaphore(%run_scoped3A : memref<!tpu.dma_semaphore, #tpu.memory_space<semaphore_mem>>)
      %dma_wait3A = arith.constant 0 : i32
      %dma_wait3A_58 = tpu.memref_slice %arg6[%add3A_21, %dma_wait3A] : memref<10240x128xf32, #tpu.memory_space<vmem_shared>> -> memref<80x128xf32, #tpu.memory_space<vmem_shared>>
      %dma_wait3A_59 = arith.constant 0 : i32
      %dma_wait3A_60 = tpu.memref_slice %arg6[%add3A_21, %dma_wait3A_59] : memref<10240x128xf32, #tpu.memory_space<vmem_shared>> -> memref<80x128xf32, #tpu.memory_space<vmem_shared>>
      tpu.wait_dma2 semaphore(%run_scoped3A : memref<!tpu.dma_semaphore, #tpu.memory_space<semaphore_mem>>) src(%arg5 : memref<80x128xf32, #tpu.memory_space<vmem>>) dst(%dma_wait3A_60 : memref<80x128xf32, #tpu.memory_space<vmem_shared>>)
      tpu.yield
    }) : () -> ()
    %mul3A_22 = arith.constant 640 : i32
    %mul3A_23 = arith.muli %arg1, %mul3A_22 : i32
    %add3A_24 = arith.constant 320 : i32
    %add3A_25 = arith.addi %mul3A_23, %add3A_24 : i32
    "tpu.region"() ({
      %run_scoped3A = tpu.sem_alloc : memref<!tpu.dma_semaphore, #tpu.memory_space<semaphore_mem>>
      %dma_start3A = arith.constant 0 : i32
      %dma_start3A_55 = tpu.memref_slice %arg6[%add3A_25, %dma_start3A] : memref<10240x128xf32, #tpu.memory_space<vmem_shared>> -> memref<80x128xf32, #tpu.memory_space<vmem_shared>>
      %dma_start3A_56 = arith.constant 0 : i32
      %dma_start3A_57 = tpu.memref_slice %arg6[%add3A_25, %dma_start3A_56] : memref<10240x128xf32, #tpu.memory_space<vmem_shared>> -> memref<80x128xf32, #tpu.memory_space<vmem_shared>>
      tpu.enqueue_dma source(%arg5 : memref<80x128xf32, #tpu.memory_space<vmem>>) target(%dma_start3A_57 : memref<80x128xf32, #tpu.memory_space<vmem_shared>>) target_semaphore(%run_scoped3A : memref<!tpu.dma_semaphore, #tpu.memory_space<semaphore_mem>>)
      %dma_wait3A = arith.constant 0 : i32
      %dma_wait3A_58 = tpu.memref_slice %arg6[%add3A_25, %dma_wait3A] : memref<10240x128xf32, #tpu.memory_space<vmem_shared>> -> memref<80x128xf32, #tpu.memory_space<vmem_shared>>
      %dma_wait3A_59 = arith.constant 0 : i32
      %dma_wait3A_60 = tpu.memref_slice %arg6[%add3A_25, %dma_wait3A_59] : memref<10240x128xf32, #tpu.memory_space<vmem_shared>> -> memref<80x128xf32, #tpu.memory_space<vmem_shared>>
      tpu.wait_dma2 semaphore(%run_scoped3A : memref<!tpu.dma_semaphore, #tpu.memory_space<semaphore_mem>>) src(%arg5 : memref<80x128xf32, #tpu.memory_space<vmem>>) dst(%dma_wait3A_60 : memref<80x128xf32, #tpu.memory_space<vmem_shared>>)
      tpu.yield
    }) : () -> ()
    %mul3A_26 = arith.constant 640 : i32
    %mul3A_27 = arith.muli %arg1, %mul3A_26 : i32
    %add3A_28 = arith.constant 400 : i32
    %add3A_29 = arith.addi %mul3A_27, %add3A_28 : i32
    "tpu.region"() ({
      %run_scoped3A = tpu.sem_alloc : memref<!tpu.dma_semaphore, #tpu.memory_space<semaphore_mem>>
      %dma_start3A = arith.constant 0 : i32
      %dma_start3A_55 = tpu.memref_slice %arg6[%add3A_29, %dma_start3A] : memref<10240x128xf32, #tpu.memory_space<vmem_shared>> -> memref<80x128xf32, #tpu.memory_space<vmem_shared>>
      %dma_start3A_56 = arith.constant 0 : i32
      %dma_start3A_57 = tpu.memref_slice %arg6[%add3A_29, %dma_start3A_56] : memref<10240x128xf32, #tpu.memory_space<vmem_shared>> -> memref<80x128xf32, #tpu.memory_space<vmem_shared>>
      tpu.enqueue_dma source(%arg5 : memref<80x128xf32, #tpu.memory_space<vmem>>) target(%dma_start3A_57 : memref<80x128xf32, #tpu.memory_space<vmem_shared>>) target_semaphore(%run_scoped3A : memref<!tpu.dma_semaphore, #tpu.memory_space<semaphore_mem>>)
      %dma_wait3A = arith.constant 0 : i32
      %dma_wait3A_58 = tpu.memref_slice %arg6[%add3A_29, %dma_wait3A] : memref<10240x128xf32, #tpu.memory_space<vmem_shared>> -> memref<80x128xf32, #tpu.memory_space<vmem_shared>>
      %dma_wait3A_59 = arith.constant 0 : i32
      %dma_wait3A_60 = tpu.memref_slice %arg6[%add3A_29, %dma_wait3A_59] : memref<10240x128xf32, #tpu.memory_space<vmem_shared>> -> memref<80x128xf32, #tpu.memory_space<vmem_shared>>
      tpu.wait_dma2 semaphore(%run_scoped3A : memref<!tpu.dma_semaphore, #tpu.memory_space<semaphore_mem>>) src(%arg5 : memref<80x128xf32, #tpu.memory_space<vmem>>) dst(%dma_wait3A_60 : memref<80x128xf32, #tpu.memory_space<vmem_shared>>)
      tpu.yield
    }) : () -> ()
    %mul3A_30 = arith.constant 640 : i32
    %mul3A_31 = arith.muli %arg1, %mul3A_30 : i32
    %add3A_32 = arith.constant 480 : i32
    %add3A_33 = arith.addi %mul3A_31, %add3A_32 : i32
    "tpu.region"() ({
      %run_scoped3A = tpu.sem_alloc : memref<!tpu.dma_semaphore, #tpu.memory_space<semaphore_mem>>
      %dma_start3A = arith.constant 0 : i32
      %dma_start3A_55 = tpu.memref_slice %arg6[%add3A_33, %dma_start3A] : memref<10240x128xf32, #tpu.memory_space<vmem_shared>> -> memref<80x128xf32, #tpu.memory_space<vmem_shared>>
      %dma_start3A_56 = arith.constant 0 : i32
      %dma_start3A_57 = tpu.memref_slice %arg6[%add3A_33, %dma_start3A_56] : memref<10240x128xf32, #tpu.memory_space<vmem_shared>> -> memref<80x128xf32, #tpu.memory_space<vmem_shared>>
      tpu.enqueue_dma source(%arg5 : memref<80x128xf32, #tpu.memory_space<vmem>>) target(%dma_start3A_57 : memref<80x128xf32, #tpu.memory_space<vmem_shared>>) target_semaphore(%run_scoped3A : memref<!tpu.dma_semaphore, #tpu.memory_space<semaphore_mem>>)
      %dma_wait3A = arith.constant 0 : i32
      %dma_wait3A_58 = tpu.memref_slice %arg6[%add3A_33, %dma_wait3A] : memref<10240x128xf32, #tpu.memory_space<vmem_shared>> -> memref<80x128xf32, #tpu.memory_space<vmem_shared>>
      %dma_wait3A_59 = arith.constant 0 : i32
      %dma_wait3A_60 = tpu.memref_slice %arg6[%add3A_33, %dma_wait3A_59] : memref<10240x128xf32, #tpu.memory_space<vmem_shared>> -> memref<80x128xf32, #tpu.memory_space<vmem_shared>>
      tpu.wait_dma2 semaphore(%run_scoped3A : memref<!tpu.dma_semaphore, #tpu.memory_space<semaphore_mem>>) src(%arg5 : memref<80x128xf32, #tpu.memory_space<vmem>>) dst(%dma_wait3A_60 : memref<80x128xf32, #tpu.memory_space<vmem_shared>>)
      tpu.yield
    }) : () -> ()
    %mul3A_34 = arith.constant 640 : i32
    %mul3A_35 = arith.muli %arg1, %mul3A_34 : i32
    %add3A_36 = arith.constant 560 : i32
    %add3A_37 = arith.addi %mul3A_35, %add3A_36 : i32
    "tpu.region"() ({
      %run_scoped3A = tpu.sem_alloc : memref<!tpu.dma_semaphore, #tpu.memory_space<semaphore_mem>>
      %dma_start3A = arith.constant 0 : i32
      %dma_start3A_55 = tpu.memref_slice %arg6[%add3A_37, %dma_start3A] : memref<10240x128xf32, #tpu.memory_space<vmem_shared>> -> memref<80x128xf32, #tpu.memory_space<vmem_shared>>
      %dma_start3A_56 = arith.constant 0 : i32
      %dma_start3A_57 = tpu.memref_slice %arg6[%add3A_37, %dma_start3A_56] : memref<10240x128xf32, #tpu.memory_space<vmem_shared>> -> memref<80x128xf32, #tpu.memory_space<vmem_shared>>
      tpu.enqueue_dma source(%arg5 : memref<80x128xf32, #tpu.memory_space<vmem>>) target(%dma_start3A_57 : memref<80x128xf32, #tpu.memory_space<vmem_shared>>) target_semaphore(%run_scoped3A : memref<!tpu.dma_semaphore, #tpu.memory_space<semaphore_mem>>)
      %dma_wait3A = arith.constant 0 : i32
      %dma_wait3A_58 = tpu.memref_slice %arg6[%add3A_37, %dma_wait3A] : memref<10240x128xf32, #tpu.memory_space<vmem_shared>> -> memref<80x128xf32, #tpu.memory_space<vmem_shared>>
      %dma_wait3A_59 = arith.constant 0 : i32
      %dma_wait3A_60 = tpu.memref_slice %arg6[%add3A_37, %dma_wait3A_59] : memref<10240x128xf32, #tpu.memory_space<vmem_shared>> -> memref<80x128xf32, #tpu.memory_space<vmem_shared>>
      tpu.wait_dma2 semaphore(%run_scoped3A : memref<!tpu.dma_semaphore, #tpu.memory_space<semaphore_mem>>) src(%arg5 : memref<80x128xf32, #tpu.memory_space<vmem>>) dst(%dma_wait3A_60 : memref<80x128xf32, #tpu.memory_space<vmem_shared>>)
      tpu.yield
    }) : () -> ()
    %broadcast_in_dim3A_38 = arith.constant 1.000000e+00 : f32
    %broadcast_in_dim3A_39 = vector.broadcast %broadcast_in_dim3A_38 : f32 to vector<16xf32>
    %scan3A_40 = arith.constant 0 : i32
    %scan3A_41 = arith.constant 640 : i32
    %scan3A_42 = arith.addi %scan3A_40, %scan3A_41 : i32
    %scan3A_43 = arith.constant 1 : i32
    scf.for %scan3A_55 = %scan3A_40 to %scan3A_42 step %scan3A_43  : i32 {
      %jit3A = arith.constant 8 : i32
      %div3A = arith.divsi %scan3A_55, %jit3A : i32
      %sign3A = arith.constant 0 : i32
      %sign3A_56 = arith.cmpi sgt, %scan3A_55, %sign3A : i32
      %sign3A_57 = arith.extui %sign3A_56 : i1 to i32
      %sign3A_58 = arith.constant 0 : i32
      %sign3A_59 = arith.cmpi slt, %scan3A_55, %sign3A_58 : i32
      %sign3A_60 = arith.extui %sign3A_59 : i1 to i32
      %sign3A_61 = arith.subi %sign3A_57, %sign3A_60 : i32
      %sign3A_62 = arith.constant 0 : i32
      %sign3A_63 = arith.cmpi sgt, %jit3A, %sign3A_62 : i32
      %sign3A_64 = arith.extui %sign3A_63 : i1 to i32
      %sign3A_65 = arith.constant 0 : i32
      %sign3A_66 = arith.cmpi slt, %jit3A, %sign3A_65 : i32
      %sign3A_67 = arith.extui %sign3A_66 : i1 to i32
      %sign3A_68 = arith.subi %sign3A_64, %sign3A_67 : i32
      %ne3A = arith.cmpi ne, %sign3A_61, %sign3A_68 : i32
      %rem3A = arith.remsi %scan3A_55, %jit3A : i32
      %ne3A_69 = arith.constant 0 : i32
      %ne3A_70 = arith.cmpi ne, %rem3A, %ne3A_69 : i32
      %and3A = arith.andi %ne3A, %ne3A_70 : i1
      %sub3A = arith.constant 1 : i32
      %sub3A_71 = arith.subi %div3A, %sub3A : i32
      %select_n3A = arith.select %and3A, %sub3A_71, %div3A : i32
      %jit3A_72 = arith.constant 8 : i32
      %eq3A = arith.constant 0 : i32
      %eq3A_73 = arith.cmpi eq, %jit3A_72, %eq3A : i32
      %jit3A_74 = arith.constant 1 : i32
      %select_n3A_75 = arith.select %eq3A_73, %jit3A_74, %jit3A_72 : i32
      %rem3A_76 = arith.remsi %scan3A_55, %select_n3A_75 : i32
      %ne3A_77 = arith.constant 0 : i32
      %ne3A_78 = arith.cmpi ne, %rem3A_76, %ne3A_77 : i32
      %lt3A = arith.constant 0 : i32
      %lt3A_79 = arith.cmpi slt, %rem3A_76, %lt3A : i32
      %lt3A_80 = arith.constant 0 : i32
      %lt3A_81 = arith.cmpi slt, %select_n3A_75, %lt3A_80 : i32
      %ne3A_82 = arith.xori %lt3A_79, %lt3A_81 : i1
      %and3A_83 = arith.andi %ne3A_82, %ne3A_78 : i1
      %add3A_84 = arith.addi %rem3A_76, %select_n3A_75 : i32
      %select_n3A_85 = arith.select %and3A_83, %add3A_84, %rem3A_76 : i32
      %mul3A_86 = arith.constant 16 : i32
      %mul3A_87 = arith.muli %select_n3A_85, %mul3A_86 : i32
      %swap3A = arith.index_cast %select_n3A : i32 to index
      %swap3A_88 = arith.index_cast %mul3A_87 : i32 to index
      %swap3A_89 = tpu.vector_load %arg5[%swap3A, %swap3A_88] {strides = array<i32>} : memref<80x128xf32, #tpu.memory_space<vmem>>, vector<1x16xf32>,
      %swap3A_90 = vector.shape_cast %swap3A_89 : vector<1x16xf32> to vector<16xf32>
      %swap3A_91 = vector.shape_cast %broadcast_in_dim3A_39 : vector<16xf32> to vector<1x16xf32>
      tpu.vector_store %arg5[%swap3A, %swap3A_88], %swap3A_91 {strides = array<i32>} : memref<80x128xf32, #tpu.memory_space<vmem>>, vector<1x16xf32>,
    }
    %scan3A_44 = arith.constant 640 : i32
    %barrier3A = arith.constant 0 : index
    tpu.barrier barrier_id(%barrier3A)
    %scan3A_45 = arith.constant 0 : i32
    %scan3A_46 = arith.constant 125 : i32
    %scan3A_47 = arith.addi %scan3A_45, %scan3A_46 : i32
    %scan3A_48 = arith.constant 1 : i32
    scf.for %scan3A_55 = %scan3A_45 to %scan3A_47 step %scan3A_48  : i32 {
      "tpu.region"() ({
        %run_scoped3A = tpu.sem_alloc : memref<!tpu.dma_semaphore, #tpu.memory_space<semaphore_mem>>
        %dma_start3A = arith.constant 0 : i32
        %dma_start3A_56 = tpu.memref_slice %arg4[%scan3A_55, %dma_start3A] : memref<125x80xi32, #tpu.memory_space<vmem>> -> memref<1x80xi32, #tpu.memory_space<vmem>>
        %dma_start3A_57 = tpu.memref_squeeze %dma_start3A_56 : memref<1x80xi32, #tpu.memory_space<vmem>> -> memref<80xi32, #tpu.memory_space<vmem>>
        %dma_start3A_58 = arith.constant 0 : i32
        %dma_start3A_59 = arith.constant 0 : i32
        %dma_start3A_60 = tpu.memref_slice %arg6[%dma_start3A_58, %dma_start3A_59] : memref<10240x128xf32, #tpu.memory_space<vmem_shared>> -> memref<10240x128xf32, #tpu.memory_space<vmem_shared>>
        tpu.enqueue_indirect_dma source(%arg5 : memref<80x128xf32, #tpu.memory_space<vmem>>) target(%dma_start3A_60 : memref<10240x128xf32, #tpu.memory_space<vmem_shared>>) offsets(%dma_start3A_57 : memref<80xi32, #tpu.memory_space<vmem>>) semaphore(%run_scoped3A : memref<!tpu.dma_semaphore, #tpu.memory_space<semaphore_mem>>) {add = true}
        %dma_wait3A = arith.constant 0 : i32
        %dma_wait3A_61 = tpu.memref_slice %arg4[%scan3A_55, %dma_wait3A] : memref<125x80xi32, #tpu.memory_space<vmem>> -> memref<1x80xi32, #tpu.memory_space<vmem>>
        %dma_wait3A_62 = tpu.memref_squeeze %dma_wait3A_61 : memref<1x80xi32, #tpu.memory_space<vmem>> -> memref<80xi32, #tpu.memory_space<vmem>>
        %dma_wait3A_63 = arith.constant 0 : i32
        %dma_wait3A_64 = arith.constant 0 : i32
        %dma_wait3A_65 = tpu.memref_slice %arg6[%dma_wait3A_63, %dma_wait3A_64] : memref<10240x128xf32, #tpu.memory_space<vmem_shared>> -> memref<10240x128xf32, #tpu.memory_space<vmem_shared>>
        tpu.wait_indirect_dma semaphore(%run_scoped3A : memref<!tpu.dma_semaphore, #tpu.memory_space<semaphore_mem>>) src(%arg5 : memref<80x128xf32, #tpu.memory_space<vmem>>) dst(%dma_wait3A_65 : memref<10240x128xf32, #tpu.memory_space<vmem_shared>>)
        tpu.yield
      }) : () -> ()
    }
    %scan3A_49 = arith.constant 125 : i32
    %barrier3A_50 = arith.constant 0 : index
    tpu.barrier barrier_id(%barrier3A_50)
    %mul3A_51 = arith.constant 640 : i32
    %mul3A_52 = arith.muli %arg1, %mul3A_51 : i32
    %mul3A_53 = arith.constant 640 : i32
    %mul3A_54 = arith.muli %arg1, %mul3A_53 : i32
    "tpu.region"() ({
      %run_scoped3A = tpu.sem_alloc : memref<!tpu.dma_semaphore, #tpu.memory_space<semaphore_mem>>
      %dma_start3A = arith.constant 0 : i32
      %dma_start3A_55 = tpu.memref_slice %arg3[%arg0, %mul3A_54, %dma_start3A] : memref<2x10240x128xf32, #tpu.memory_space<hbm>> -> memref<1x640x128xf32, #tpu.memory_space<hbm>>
      %dma_start3A_56 = tpu.memref_squeeze %dma_start3A_55 : memref<1x640x128xf32, #tpu.memory_space<hbm>> -> memref<640x128xf32, #tpu.memory_space<hbm>>
      %dma_start3A_57 = arith.constant 0 : i32
      %dma_start3A_58 = tpu.memref_slice %arg6[%mul3A_52, %dma_start3A_57] : memref<10240x128xf32, #tpu.memory_space<vmem_shared>> -> memref<640x128xf32, #tpu.memory_space<vmem_shared>>
      tpu.enqueue_dma source(%dma_start3A_58 : memref<640x128xf32, #tpu.memory_space<vmem_shared>>) target(%dma_start3A_56 : memref<640x128xf32, #tpu.memory_space<hbm>>) target_semaphore(%run_scoped3A : memref<!tpu.dma_semaphore, #tpu.memory_space<semaphore_mem>>)
      %dma_wait3A = arith.constant 0 : i32
      %dma_wait3A_59 = tpu.memref_slice %arg3[%arg0, %mul3A_54, %dma_wait3A] : memref<2x10240x128xf32, #tpu.memory_space<hbm>> -> memref<1x640x128xf32, #tpu.memory_space<hbm>>
      %dma_wait3A_60 = tpu.memref_squeeze %dma_wait3A_59 : memref<1x640x128xf32, #tpu.memory_space<hbm>> -> memref<640x128xf32, #tpu.memory_space<hbm>>
      %dma_wait3A_61 = arith.constant 0 : i32
      %dma_wait3A_62 = tpu.memref_slice %arg6[%mul3A_52, %dma_wait3A_61] : memref<10240x128xf32, #tpu.memory_space<vmem_shared>> -> memref<640x128xf32, #tpu.memory_space<vmem_shared>>
      tpu.wait_dma2 semaphore(%run_scoped3A : memref<!tpu.dma_semaphore, #tpu.memory_space<semaphore_mem>>) src(%dma_wait3A_62 : memref<640x128xf32, #tpu.memory_space<vmem_shared>>) dst(%dma_wait3A_60 : memref<640x128xf32, #tpu.memory_space<hbm>>)
      tpu.yield
    }) : () -> ()
    return
  }
}

#map = affine_map<(d0, d1) -> (0, 0)>
#map1 = affine_map<(d0, d1) -> (0, 0, 0)>
module attributes {stable_mosaic.version = 14 : i64} {
  func.func @_agg_body(%arg0: i32, %arg1: i32, %arg2: memref<10000x128xf32, #tpu.memory_space<hbm>>, %arg3: memref<32x10000xi32, #tpu.memory_space<hbm>>, %arg4: memref<32x125x80xi32, #tpu.memory_space<hbm>>, %arg5: memref<2x10240x128xf32, #tpu.memory_space<hbm>>, %arg6: memref<10000xi32, #tpu.memory_space<vmem>>, %arg7: memref<125x80xi32, #tpu.memory_space<vmem>>, %arg8: memref<80x128xf32, #tpu.memory_space<vmem>>, %arg9: memref<80x128xf32, #tpu.memory_space<vmem>>, %arg10: memref<10240x128xf32, #tpu.memory_space<vmem_shared>>, %arg11: memref<!tpu.dma_semaphore, #tpu.memory_space<semaphore_mem>>, %arg12: memref<!tpu.dma_semaphore, #tpu.memory_space<semaphore_mem>>) attributes {dimension_semantics = [#tpu.dimension_semantics<core_parallel>, #tpu.dimension_semantics<subcore_parallel>], iteration_bounds = array<i64: 2, 16>, scalar_prefetch = 0 : i64, scratch_operands = 7 : i64, tpu.core_type = #tpu.core_type<sc_vector_subcore>, window_params = [{transform_indices = #map}, {transform_indices = #map}, {transform_indices = #map1}, {transform_indices = #map1}]} {
    %mul3A = arith.constant 16 : i32
    %mul3A_0 = arith.muli %arg0, %mul3A : i32
    %add3A = arith.addi %mul3A_0, %arg1 : i32
    "tpu.region"() ({
      %run_scoped3A_81 = tpu.sem_alloc : memref<!tpu.dma_semaphore, #tpu.memory_space<semaphore_mem>>
      %dma_start3A_82 = arith.constant 0 : i32
      %dma_start3A_83 = tpu.memref_slice %arg3[%add3A, %dma_start3A_82] : memref<32x10000xi32, #tpu.memory_space<hbm>> -> memref<1x10000xi32, #tpu.memory_space<hbm>>
      %dma_start3A_84 = tpu.memref_squeeze %dma_start3A_83 : memref<1x10000xi32, #tpu.memory_space<hbm>> -> memref<10000xi32, #tpu.memory_space<hbm>>
      %dma_start3A_85 = arith.constant 0 : i32
      %dma_start3A_86 = tpu.memref_slice %arg3[%add3A, %dma_start3A_85] : memref<32x10000xi32, #tpu.memory_space<hbm>> -> memref<1x10000xi32, #tpu.memory_space<hbm>>
      %dma_start3A_87 = tpu.memref_squeeze %dma_start3A_86 : memref<1x10000xi32, #tpu.memory_space<hbm>> -> memref<10000xi32, #tpu.memory_space<hbm>>
      tpu.enqueue_dma source(%dma_start3A_87 : memref<10000xi32, #tpu.memory_space<hbm>>) target(%arg6 : memref<10000xi32, #tpu.memory_space<vmem>>) target_semaphore(%run_scoped3A_81 : memref<!tpu.dma_semaphore, #tpu.memory_space<semaphore_mem>>)
      %dma_wait3A_88 = arith.constant 0 : i32
      %dma_wait3A_89 = tpu.memref_slice %arg3[%add3A, %dma_wait3A_88] : memref<32x10000xi32, #tpu.memory_space<hbm>> -> memref<1x10000xi32, #tpu.memory_space<hbm>>
      %dma_wait3A_90 = tpu.memref_squeeze %dma_wait3A_89 : memref<1x10000xi32, #tpu.memory_space<hbm>> -> memref<10000xi32, #tpu.memory_space<hbm>>
      %dma_wait3A_91 = arith.constant 0 : i32
      %dma_wait3A_92 = tpu.memref_slice %arg3[%add3A, %dma_wait3A_91] : memref<32x10000xi32, #tpu.memory_space<hbm>> -> memref<1x10000xi32, #tpu.memory_space<hbm>>
      %dma_wait3A_93 = tpu.memref_squeeze %dma_wait3A_92 : memref<1x10000xi32, #tpu.memory_space<hbm>> -> memref<10000xi32, #tpu.memory_space<hbm>>
      tpu.wait_dma2 semaphore(%run_scoped3A_81 : memref<!tpu.dma_semaphore, #tpu.memory_space<semaphore_mem>>) src(%dma_wait3A_93 : memref<10000xi32, #tpu.memory_space<hbm>>) dst(%arg6 : memref<10000xi32, #tpu.memory_space<vmem>>)
      tpu.yield
    }) : () -> ()
    "tpu.region"() ({
      %run_scoped3A_81 = tpu.sem_alloc : memref<!tpu.dma_semaphore, #tpu.memory_space<semaphore_mem>>
      %dma_start3A_82 = arith.constant 0 : i32
      %dma_start3A_83 = arith.constant 0 : i32
      %dma_start3A_84 = tpu.memref_slice %arg4[%add3A, %dma_start3A_82, %dma_start3A_83] : memref<32x125x80xi32, #tpu.memory_space<hbm>> -> memref<1x125x80xi32, #tpu.memory_space<hbm>>
      %dma_start3A_85 = tpu.memref_squeeze %dma_start3A_84 : memref<1x125x80xi32, #tpu.memory_space<hbm>> -> memref<125x80xi32, #tpu.memory_space<hbm>>
      %dma_start3A_86 = arith.constant 0 : i32
      %dma_start3A_87 = arith.constant 0 : i32
      %dma_start3A_88 = tpu.memref_slice %arg4[%add3A, %dma_start3A_86, %dma_start3A_87] : memref<32x125x80xi32, #tpu.memory_space<hbm>> -> memref<1x125x80xi32, #tpu.memory_space<hbm>>
      %dma_start3A_89 = tpu.memref_squeeze %dma_start3A_88 : memref<1x125x80xi32, #tpu.memory_space<hbm>> -> memref<125x80xi32, #tpu.memory_space<hbm>>
      tpu.enqueue_dma source(%dma_start3A_89 : memref<125x80xi32, #tpu.memory_space<hbm>>) target(%arg7 : memref<125x80xi32, #tpu.memory_space<vmem>>) target_semaphore(%run_scoped3A_81 : memref<!tpu.dma_semaphore, #tpu.memory_space<semaphore_mem>>)
      %dma_wait3A_90 = arith.constant 0 : i32
      %dma_wait3A_91 = arith.constant 0 : i32
      %dma_wait3A_92 = tpu.memref_slice %arg4[%add3A, %dma_wait3A_90, %dma_wait3A_91] : memref<32x125x80xi32, #tpu.memory_space<hbm>> -> memref<1x125x80xi32, #tpu.memory_space<hbm>>
      %dma_wait3A_93 = tpu.memref_squeeze %dma_wait3A_92 : memref<1x125x80xi32, #tpu.memory_space<hbm>> -> memref<125x80xi32, #tpu.memory_space<hbm>>
      %dma_wait3A_94 = arith.constant 0 : i32
      %dma_wait3A_95 = arith.constant 0 : i32
      %dma_wait3A_96 = tpu.memref_slice %arg4[%add3A, %dma_wait3A_94, %dma_wait3A_95] : memref<32x125x80xi32, #tpu.memory_space<hbm>> -> memref<1x125x80xi32, #tpu.memory_space<hbm>>
      %dma_wait3A_97 = tpu.memref_squeeze %dma_wait3A_96 : memref<1x125x80xi32, #tpu.memory_space<hbm>> -> memref<125x80xi32, #tpu.memory_space<hbm>>
      tpu.wait_dma2 semaphore(%run_scoped3A_81 : memref<!tpu.dma_semaphore, #tpu.memory_space<semaphore_mem>>) src(%dma_wait3A_97 : memref<125x80xi32, #tpu.memory_space<hbm>>) dst(%arg7 : memref<125x80xi32, #tpu.memory_space<vmem>>)
      tpu.yield
    }) : () -> ()
    %broadcast_in_dim3A = arith.constant 0.000000e+00 : f32
    %broadcast_in_dim3A_1 = vector.broadcast %broadcast_in_dim3A : f32 to vector<16xf32>
    %scan3A = arith.constant 0 : i32
    %scan3A_2 = arith.constant 640 : i32
    %scan3A_3 = arith.addi %scan3A, %scan3A_2 : i32
    %scan3A_4 = arith.constant 1 : i32
    scf.for %scan3A_81 = %scan3A to %scan3A_3 step %scan3A_4  : i32 {
      %jit3A = arith.constant 8 : i32
      %div3A = arith.divsi %scan3A_81, %jit3A : i32
      %sign3A = arith.constant 0 : i32
      %sign3A_82 = arith.cmpi sgt, %scan3A_81, %sign3A : i32
      %sign3A_83 = arith.extui %sign3A_82 : i1 to i32
      %sign3A_84 = arith.constant 0 : i32
      %sign3A_85 = arith.cmpi slt, %scan3A_81, %sign3A_84 : i32
      %sign3A_86 = arith.extui %sign3A_85 : i1 to i32
      %sign3A_87 = arith.subi %sign3A_83, %sign3A_86 : i32
      %sign3A_88 = arith.constant 0 : i32
      %sign3A_89 = arith.cmpi sgt, %jit3A, %sign3A_88 : i32
      %sign3A_90 = arith.extui %sign3A_89 : i1 to i32
      %sign3A_91 = arith.constant 0 : i32
      %sign3A_92 = arith.cmpi slt, %jit3A, %sign3A_91 : i32
      %sign3A_93 = arith.extui %sign3A_92 : i1 to i32
      %sign3A_94 = arith.subi %sign3A_90, %sign3A_93 : i32
      %ne3A = arith.cmpi ne, %sign3A_87, %sign3A_94 : i32
      %rem3A = arith.remsi %scan3A_81, %jit3A : i32
      %ne3A_95 = arith.constant 0 : i32
      %ne3A_96 = arith.cmpi ne, %rem3A, %ne3A_95 : i32
      %and3A = arith.andi %ne3A, %ne3A_96 : i1
      %sub3A = arith.constant 1 : i32
      %sub3A_97 = arith.subi %div3A, %sub3A : i32
      %select_n3A = arith.select %and3A, %sub3A_97, %div3A : i32
      %jit3A_98 = arith.constant 8 : i32
      %eq3A = arith.constant 0 : i32
      %eq3A_99 = arith.cmpi eq, %jit3A_98, %eq3A : i32
      %jit3A_100 = arith.constant 1 : i32
      %select_n3A_101 = arith.select %eq3A_99, %jit3A_100, %jit3A_98 : i32
      %rem3A_102 = arith.remsi %scan3A_81, %select_n3A_101 : i32
      %ne3A_103 = arith.constant 0 : i32
      %ne3A_104 = arith.cmpi ne, %rem3A_102, %ne3A_103 : i32
      %lt3A = arith.constant 0 : i32
      %lt3A_105 = arith.cmpi slt, %rem3A_102, %lt3A : i32
      %lt3A_106 = arith.constant 0 : i32
      %lt3A_107 = arith.cmpi slt, %select_n3A_101, %lt3A_106 : i32
      %ne3A_108 = arith.xori %lt3A_105, %lt3A_107 : i1
      %and3A_109 = arith.andi %ne3A_108, %ne3A_104 : i1
      %add3A_110 = arith.addi %rem3A_102, %select_n3A_101 : i32
      %select_n3A_111 = arith.select %and3A_109, %add3A_110, %rem3A_102 : i32
      %mul3A_112 = arith.constant 16 : i32
      %mul3A_113 = arith.muli %select_n3A_111, %mul3A_112 : i32
      %swap3A = arith.index_cast %select_n3A : i32 to index
      %swap3A_114 = arith.index_cast %mul3A_113 : i32 to index
      %swap3A_115 = tpu.vector_load %arg8[%swap3A, %swap3A_114] {strides = array<i32>} : memref<80x128xf32, #tpu.memory_space<vmem>>, vector<1x16xf32>,
      %swap3A_116 = vector.shape_cast %swap3A_115 : vector<1x16xf32> to vector<16xf32>
      %swap3A_117 = vector.shape_cast %broadcast_in_dim3A_1 : vector<16xf32> to vector<1x16xf32>
      tpu.vector_store %arg8[%swap3A, %swap3A_114], %swap3A_117 {strides = array<i32>} : memref<80x128xf32, #tpu.memory_space<vmem>>, vector<1x16xf32>,
    }
    %scan3A_5 = arith.constant 640 : i32
    %mul3A_6 = arith.constant 640 : i32
    %mul3A_7 = arith.muli %arg1, %mul3A_6 : i32
    %add3A_8 = arith.constant 0 : i32
    %add3A_9 = arith.addi %mul3A_7, %add3A_8 : i32
    "tpu.region"() ({
      %run_scoped3A_81 = tpu.sem_alloc : memref<!tpu.dma_semaphore, #tpu.memory_space<semaphore_mem>>
      %dma_start3A_82 = arith.constant 0 : i32
      %dma_start3A_83 = tpu.memref_slice %arg10[%add3A_9, %dma_start3A_82] : memref<10240x128xf32, #tpu.memory_space<vmem_shared>> -> memref<80x128xf32, #tpu.memory_space<vmem_shared>>
      %dma_start3A_84 = arith.constant 0 : i32
      %dma_start3A_85 = tpu.memref_slice %arg10[%add3A_9, %dma_start3A_84] : memref<10240x128xf32, #tpu.memory_space<vmem_shared>> -> memref<80x128xf32, #tpu.memory_space<vmem_shared>>
      tpu.enqueue_dma source(%arg8 : memref<80x128xf32, #tpu.memory_space<vmem>>) target(%dma_start3A_85 : memref<80x128xf32, #tpu.memory_space<vmem_shared>>) target_semaphore(%run_scoped3A_81 : memref<!tpu.dma_semaphore, #tpu.memory_space<semaphore_mem>>)
      %dma_wait3A_86 = arith.constant 0 : i32
      %dma_wait3A_87 = tpu.memref_slice %arg10[%add3A_9, %dma_wait3A_86] : memref<10240x128xf32, #tpu.memory_space<vmem_shared>> -> memref<80x128xf32, #tpu.memory_space<vmem_shared>>
      %dma_wait3A_88 = arith.constant 0 : i32
      %dma_wait3A_89 = tpu.memref_slice %arg10[%add3A_9, %dma_wait3A_88] : memref<10240x128xf32, #tpu.memory_space<vmem_shared>> -> memref<80x128xf32, #tpu.memory_space<vmem_shared>>
      tpu.wait_dma2 semaphore(%run_scoped3A_81 : memref<!tpu.dma_semaphore, #tpu.memory_space<semaphore_mem>>) src(%arg8 : memref<80x128xf32, #tpu.memory_space<vmem>>) dst(%dma_wait3A_89 : memref<80x128xf32, #tpu.memory_space<vmem_shared>>)
      tpu.yield
    }) : () -> ()
    %mul3A_10 = arith.constant 640 : i32
    %mul3A_11 = arith.muli %arg1, %mul3A_10 : i32
    %add3A_12 = arith.constant 80 : i32
    %add3A_13 = arith.addi %mul3A_11, %add3A_12 : i32
    "tpu.region"() ({
      %run_scoped3A_81 = tpu.sem_alloc : memref<!tpu.dma_semaphore, #tpu.memory_space<semaphore_mem>>
      %dma_start3A_82 = arith.constant 0 : i32
      %dma_start3A_83 = tpu.memref_slice %arg10[%add3A_13, %dma_start3A_82] : memref<10240x128xf32, #tpu.memory_space<vmem_shared>> -> memref<80x128xf32, #tpu.memory_space<vmem_shared>>
      %dma_start3A_84 = arith.constant 0 : i32
      %dma_start3A_85 = tpu.memref_slice %arg10[%add3A_13, %dma_start3A_84] : memref<10240x128xf32, #tpu.memory_space<vmem_shared>> -> memref<80x128xf32, #tpu.memory_space<vmem_shared>>
      tpu.enqueue_dma source(%arg8 : memref<80x128xf32, #tpu.memory_space<vmem>>) target(%dma_start3A_85 : memref<80x128xf32, #tpu.memory_space<vmem_shared>>) target_semaphore(%run_scoped3A_81 : memref<!tpu.dma_semaphore, #tpu.memory_space<semaphore_mem>>)
      %dma_wait3A_86 = arith.constant 0 : i32
      %dma_wait3A_87 = tpu.memref_slice %arg10[%add3A_13, %dma_wait3A_86] : memref<10240x128xf32, #tpu.memory_space<vmem_shared>> -> memref<80x128xf32, #tpu.memory_space<vmem_shared>>
      %dma_wait3A_88 = arith.constant 0 : i32
      %dma_wait3A_89 = tpu.memref_slice %arg10[%add3A_13, %dma_wait3A_88] : memref<10240x128xf32, #tpu.memory_space<vmem_shared>> -> memref<80x128xf32, #tpu.memory_space<vmem_shared>>
      tpu.wait_dma2 semaphore(%run_scoped3A_81 : memref<!tpu.dma_semaphore, #tpu.memory_space<semaphore_mem>>) src(%arg8 : memref<80x128xf32, #tpu.memory_space<vmem>>) dst(%dma_wait3A_89 : memref<80x128xf32, #tpu.memory_space<vmem_shared>>)
      tpu.yield
    }) : () -> ()
    %mul3A_14 = arith.constant 640 : i32
    %mul3A_15 = arith.muli %arg1, %mul3A_14 : i32
    %add3A_16 = arith.constant 160 : i32
    %add3A_17 = arith.addi %mul3A_15, %add3A_16 : i32
    "tpu.region"() ({
      %run_scoped3A_81 = tpu.sem_alloc : memref<!tpu.dma_semaphore, #tpu.memory_space<semaphore_mem>>
      %dma_start3A_82 = arith.constant 0 : i32
      %dma_start3A_83 = tpu.memref_slice %arg10[%add3A_17, %dma_start3A_82] : memref<10240x128xf32, #tpu.memory_space<vmem_shared>> -> memref<80x128xf32, #tpu.memory_space<vmem_shared>>
      %dma_start3A_84 = arith.constant 0 : i32
      %dma_start3A_85 = tpu.memref_slice %arg10[%add3A_17, %dma_start3A_84] : memref<10240x128xf32, #tpu.memory_space<vmem_shared>> -> memref<80x128xf32, #tpu.memory_space<vmem_shared>>
      tpu.enqueue_dma source(%arg8 : memref<80x128xf32, #tpu.memory_space<vmem>>) target(%dma_start3A_85 : memref<80x128xf32, #tpu.memory_space<vmem_shared>>) target_semaphore(%run_scoped3A_81 : memref<!tpu.dma_semaphore, #tpu.memory_space<semaphore_mem>>)
      %dma_wait3A_86 = arith.constant 0 : i32
      %dma_wait3A_87 = tpu.memref_slice %arg10[%add3A_17, %dma_wait3A_86] : memref<10240x128xf32, #tpu.memory_space<vmem_shared>> -> memref<80x128xf32, #tpu.memory_space<vmem_shared>>
      %dma_wait3A_88 = arith.constant 0 : i32
      %dma_wait3A_89 = tpu.memref_slice %arg10[%add3A_17, %dma_wait3A_88] : memref<10240x128xf32, #tpu.memory_space<vmem_shared>> -> memref<80x128xf32, #tpu.memory_space<vmem_shared>>
      tpu.wait_dma2 semaphore(%run_scoped3A_81 : memref<!tpu.dma_semaphore, #tpu.memory_space<semaphore_mem>>) src(%arg8 : memref<80x128xf32, #tpu.memory_space<vmem>>) dst(%dma_wait3A_89 : memref<80x128xf32, #tpu.memory_space<vmem_shared>>)
      tpu.yield
    }) : () -> ()
    %mul3A_18 = arith.constant 640 : i32
    %mul3A_19 = arith.muli %arg1, %mul3A_18 : i32
    %add3A_20 = arith.constant 240 : i32
    %add3A_21 = arith.addi %mul3A_19, %add3A_20 : i32
    "tpu.region"() ({
      %run_scoped3A_81 = tpu.sem_alloc : memref<!tpu.dma_semaphore, #tpu.memory_space<semaphore_mem>>
      %dma_start3A_82 = arith.constant 0 : i32
      %dma_start3A_83 = tpu.memref_slice %arg10[%add3A_21, %dma_start3A_82] : memref<10240x128xf32, #tpu.memory_space<vmem_shared>> -> memref<80x128xf32, #tpu.memory_space<vmem_shared>>
      %dma_start3A_84 = arith.constant 0 : i32
      %dma_start3A_85 = tpu.memref_slice %arg10[%add3A_21, %dma_start3A_84] : memref<10240x128xf32, #tpu.memory_space<vmem_shared>> -> memref<80x128xf32, #tpu.memory_space<vmem_shared>>
      tpu.enqueue_dma source(%arg8 : memref<80x128xf32, #tpu.memory_space<vmem>>) target(%dma_start3A_85 : memref<80x128xf32, #tpu.memory_space<vmem_shared>>) target_semaphore(%run_scoped3A_81 : memref<!tpu.dma_semaphore, #tpu.memory_space<semaphore_mem>>)
      %dma_wait3A_86 = arith.constant 0 : i32
      %dma_wait3A_87 = tpu.memref_slice %arg10[%add3A_21, %dma_wait3A_86] : memref<10240x128xf32, #tpu.memory_space<vmem_shared>> -> memref<80x128xf32, #tpu.memory_space<vmem_shared>>
      %dma_wait3A_88 = arith.constant 0 : i32
      %dma_wait3A_89 = tpu.memref_slice %arg10[%add3A_21, %dma_wait3A_88] : memref<10240x128xf32, #tpu.memory_space<vmem_shared>> -> memref<80x128xf32, #tpu.memory_space<vmem_shared>>
      tpu.wait_dma2 semaphore(%run_scoped3A_81 : memref<!tpu.dma_semaphore, #tpu.memory_space<semaphore_mem>>) src(%arg8 : memref<80x128xf32, #tpu.memory_space<vmem>>) dst(%dma_wait3A_89 : memref<80x128xf32, #tpu.memory_space<vmem_shared>>)
      tpu.yield
    }) : () -> ()
    %mul3A_22 = arith.constant 640 : i32
    %mul3A_23 = arith.muli %arg1, %mul3A_22 : i32
    %add3A_24 = arith.constant 320 : i32
    %add3A_25 = arith.addi %mul3A_23, %add3A_24 : i32
    "tpu.region"() ({
      %run_scoped3A_81 = tpu.sem_alloc : memref<!tpu.dma_semaphore, #tpu.memory_space<semaphore_mem>>
      %dma_start3A_82 = arith.constant 0 : i32
      %dma_start3A_83 = tpu.memref_slice %arg10[%add3A_25, %dma_start3A_82] : memref<10240x128xf32, #tpu.memory_space<vmem_shared>> -> memref<80x128xf32, #tpu.memory_space<vmem_shared>>
      %dma_start3A_84 = arith.constant 0 : i32
      %dma_start3A_85 = tpu.memref_slice %arg10[%add3A_25, %dma_start3A_84] : memref<10240x128xf32, #tpu.memory_space<vmem_shared>> -> memref<80x128xf32, #tpu.memory_space<vmem_shared>>
      tpu.enqueue_dma source(%arg8 : memref<80x128xf32, #tpu.memory_space<vmem>>) target(%dma_start3A_85 : memref<80x128xf32, #tpu.memory_space<vmem_shared>>) target_semaphore(%run_scoped3A_81 : memref<!tpu.dma_semaphore, #tpu.memory_space<semaphore_mem>>)
      %dma_wait3A_86 = arith.constant 0 : i32
      %dma_wait3A_87 = tpu.memref_slice %arg10[%add3A_25, %dma_wait3A_86] : memref<10240x128xf32, #tpu.memory_space<vmem_shared>> -> memref<80x128xf32, #tpu.memory_space<vmem_shared>>
      %dma_wait3A_88 = arith.constant 0 : i32
      %dma_wait3A_89 = tpu.memref_slice %arg10[%add3A_25, %dma_wait3A_88] : memref<10240x128xf32, #tpu.memory_space<vmem_shared>> -> memref<80x128xf32, #tpu.memory_space<vmem_shared>>
      tpu.wait_dma2 semaphore(%run_scoped3A_81 : memref<!tpu.dma_semaphore, #tpu.memory_space<semaphore_mem>>) src(%arg8 : memref<80x128xf32, #tpu.memory_space<vmem>>) dst(%dma_wait3A_89 : memref<80x128xf32, #tpu.memory_space<vmem_shared>>)
      tpu.yield
    }) : () -> ()
    %mul3A_26 = arith.constant 640 : i32
    %mul3A_27 = arith.muli %arg1, %mul3A_26 : i32
    %add3A_28 = arith.constant 400 : i32
    %add3A_29 = arith.addi %mul3A_27, %add3A_28 : i32
    "tpu.region"() ({
      %run_scoped3A_81 = tpu.sem_alloc : memref<!tpu.dma_semaphore, #tpu.memory_space<semaphore_mem>>
      %dma_start3A_82 = arith.constant 0 : i32
      %dma_start3A_83 = tpu.memref_slice %arg10[%add3A_29, %dma_start3A_82] : memref<10240x128xf32, #tpu.memory_space<vmem_shared>> -> memref<80x128xf32, #tpu.memory_space<vmem_shared>>
      %dma_start3A_84 = arith.constant 0 : i32
      %dma_start3A_85 = tpu.memref_slice %arg10[%add3A_29, %dma_start3A_84] : memref<10240x128xf32, #tpu.memory_space<vmem_shared>> -> memref<80x128xf32, #tpu.memory_space<vmem_shared>>
      tpu.enqueue_dma source(%arg8 : memref<80x128xf32, #tpu.memory_space<vmem>>) target(%dma_start3A_85 : memref<80x128xf32, #tpu.memory_space<vmem_shared>>) target_semaphore(%run_scoped3A_81 : memref<!tpu.dma_semaphore, #tpu.memory_space<semaphore_mem>>)
      %dma_wait3A_86 = arith.constant 0 : i32
      %dma_wait3A_87 = tpu.memref_slice %arg10[%add3A_29, %dma_wait3A_86] : memref<10240x128xf32, #tpu.memory_space<vmem_shared>> -> memref<80x128xf32, #tpu.memory_space<vmem_shared>>
      %dma_wait3A_88 = arith.constant 0 : i32
      %dma_wait3A_89 = tpu.memref_slice %arg10[%add3A_29, %dma_wait3A_88] : memref<10240x128xf32, #tpu.memory_space<vmem_shared>> -> memref<80x128xf32, #tpu.memory_space<vmem_shared>>
      tpu.wait_dma2 semaphore(%run_scoped3A_81 : memref<!tpu.dma_semaphore, #tpu.memory_space<semaphore_mem>>) src(%arg8 : memref<80x128xf32, #tpu.memory_space<vmem>>) dst(%dma_wait3A_89 : memref<80x128xf32, #tpu.memory_space<vmem_shared>>)
      tpu.yield
    }) : () -> ()
    %mul3A_30 = arith.constant 640 : i32
    %mul3A_31 = arith.muli %arg1, %mul3A_30 : i32
    %add3A_32 = arith.constant 480 : i32
    %add3A_33 = arith.addi %mul3A_31, %add3A_32 : i32
    "tpu.region"() ({
      %run_scoped3A_81 = tpu.sem_alloc : memref<!tpu.dma_semaphore, #tpu.memory_space<semaphore_mem>>
      %dma_start3A_82 = arith.constant 0 : i32
      %dma_start3A_83 = tpu.memref_slice %arg10[%add3A_33, %dma_start3A_82] : memref<10240x128xf32, #tpu.memory_space<vmem_shared>> -> memref<80x128xf32, #tpu.memory_space<vmem_shared>>
      %dma_start3A_84 = arith.constant 0 : i32
      %dma_start3A_85 = tpu.memref_slice %arg10[%add3A_33, %dma_start3A_84] : memref<10240x128xf32, #tpu.memory_space<vmem_shared>> -> memref<80x128xf32, #tpu.memory_space<vmem_shared>>
      tpu.enqueue_dma source(%arg8 : memref<80x128xf32, #tpu.memory_space<vmem>>) target(%dma_start3A_85 : memref<80x128xf32, #tpu.memory_space<vmem_shared>>) target_semaphore(%run_scoped3A_81 : memref<!tpu.dma_semaphore, #tpu.memory_space<semaphore_mem>>)
      %dma_wait3A_86 = arith.constant 0 : i32
      %dma_wait3A_87 = tpu.memref_slice %arg10[%add3A_33, %dma_wait3A_86] : memref<10240x128xf32, #tpu.memory_space<vmem_shared>> -> memref<80x128xf32, #tpu.memory_space<vmem_shared>>
      %dma_wait3A_88 = arith.constant 0 : i32
      %dma_wait3A_89 = tpu.memref_slice %arg10[%add3A_33, %dma_wait3A_88] : memref<10240x128xf32, #tpu.memory_space<vmem_shared>> -> memref<80x128xf32, #tpu.memory_space<vmem_shared>>
      tpu.wait_dma2 semaphore(%run_scoped3A_81 : memref<!tpu.dma_semaphore, #tpu.memory_space<semaphore_mem>>) src(%arg8 : memref<80x128xf32, #tpu.memory_space<vmem>>) dst(%dma_wait3A_89 : memref<80x128xf32, #tpu.memory_space<vmem_shared>>)
      tpu.yield
    }) : () -> ()
    %mul3A_34 = arith.constant 640 : i32
    %mul3A_35 = arith.muli %arg1, %mul3A_34 : i32
    %add3A_36 = arith.constant 560 : i32
    %add3A_37 = arith.addi %mul3A_35, %add3A_36 : i32
    "tpu.region"() ({
      %run_scoped3A_81 = tpu.sem_alloc : memref<!tpu.dma_semaphore, #tpu.memory_space<semaphore_mem>>
      %dma_start3A_82 = arith.constant 0 : i32
      %dma_start3A_83 = tpu.memref_slice %arg10[%add3A_37, %dma_start3A_82] : memref<10240x128xf32, #tpu.memory_space<vmem_shared>> -> memref<80x128xf32, #tpu.memory_space<vmem_shared>>
      %dma_start3A_84 = arith.constant 0 : i32
      %dma_start3A_85 = tpu.memref_slice %arg10[%add3A_37, %dma_start3A_84] : memref<10240x128xf32, #tpu.memory_space<vmem_shared>> -> memref<80x128xf32, #tpu.memory_space<vmem_shared>>
      tpu.enqueue_dma source(%arg8 : memref<80x128xf32, #tpu.memory_space<vmem>>) target(%dma_start3A_85 : memref<80x128xf32, #tpu.memory_space<vmem_shared>>) target_semaphore(%run_scoped3A_81 : memref<!tpu.dma_semaphore, #tpu.memory_space<semaphore_mem>>)
      %dma_wait3A_86 = arith.constant 0 : i32
      %dma_wait3A_87 = tpu.memref_slice %arg10[%add3A_37, %dma_wait3A_86] : memref<10240x128xf32, #tpu.memory_space<vmem_shared>> -> memref<80x128xf32, #tpu.memory_space<vmem_shared>>
      %dma_wait3A_88 = arith.constant 0 : i32
      %dma_wait3A_89 = tpu.memref_slice %arg10[%add3A_37, %dma_wait3A_88] : memref<10240x128xf32, #tpu.memory_space<vmem_shared>> -> memref<80x128xf32, #tpu.memory_space<vmem_shared>>
      tpu.wait_dma2 semaphore(%run_scoped3A_81 : memref<!tpu.dma_semaphore, #tpu.memory_space<semaphore_mem>>) src(%arg8 : memref<80x128xf32, #tpu.memory_space<vmem>>) dst(%dma_wait3A_89 : memref<80x128xf32, #tpu.memory_space<vmem_shared>>)
      tpu.yield
    }) : () -> ()
    %barrier3A = arith.constant 0 : index
    tpu.barrier barrier_id(%barrier3A)
    %dma_start3A = arith.constant 0 : i32
    %dma_start3A_38 = tpu.memref_slice %arg6[%dma_start3A] : memref<10000xi32, #tpu.memory_space<vmem>> -> memref<80xi32, #tpu.memory_space<vmem>>
    %dma_start3A_39 = arith.constant 0 : i32
    %dma_start3A_40 = arith.constant 0 : i32
    %dma_start3A_41 = tpu.memref_slice %arg2[%dma_start3A_39, %dma_start3A_40] : memref<10000x128xf32, #tpu.memory_space<hbm>> -> memref<10000x128xf32, #tpu.memory_space<hbm>>
    tpu.enqueue_indirect_dma source(%dma_start3A_41 : memref<10000x128xf32, #tpu.memory_space<hbm>>) target(%arg8 : memref<80x128xf32, #tpu.memory_space<vmem>>) offsets(%dma_start3A_38 : memref<80xi32, #tpu.memory_space<vmem>>) semaphore(%arg11 : memref<!tpu.dma_semaphore, #tpu.memory_space<semaphore_mem>>)
    %dma_start3A_42 = arith.constant 80 : i32
    %dma_start3A_43 = tpu.memref_slice %arg6[%dma_start3A_42] : memref<10000xi32, #tpu.memory_space<vmem>> -> memref<80xi32, #tpu.memory_space<vmem>>
    %dma_start3A_44 = arith.constant 0 : i32
    %dma_start3A_45 = arith.constant 0 : i32
    %dma_start3A_46 = tpu.memref_slice %arg2[%dma_start3A_44, %dma_start3A_45] : memref<10000x128xf32, #tpu.memory_space<hbm>> -> memref<10000x128xf32, #tpu.memory_space<hbm>>
    tpu.enqueue_indirect_dma source(%dma_start3A_46 : memref<10000x128xf32, #tpu.memory_space<hbm>>) target(%arg9 : memref<80x128xf32, #tpu.memory_space<vmem>>) offsets(%dma_start3A_43 : memref<80xi32, #tpu.memory_space<vmem>>) semaphore(%arg12 : memref<!tpu.dma_semaphore, #tpu.memory_space<semaphore_mem>>)
    %scan3A_47 = arith.constant 0 : i32
    %scan3A_48 = arith.constant 61 : i32
    %scan3A_49 = arith.addi %scan3A_47, %scan3A_48 : i32
    %scan3A_50 = arith.constant 1 : i32
    scf.for %scan3A_81 = %scan3A_47 to %scan3A_49 step %scan3A_50  : i32 {
      %mul3A_82 = arith.constant 2 : i32
      %mul3A_83 = arith.muli %mul3A_82, %scan3A_81 : i32
      %dma_wait3A_84 = arith.constant 0 : i32
      %dma_wait3A_85 = arith.constant 0 : i32
      %dma_wait3A_86 = tpu.memref_slice %arg2[%dma_wait3A_84, %dma_wait3A_85] : memref<10000x128xf32, #tpu.memory_space<hbm>> -> memref<80x128xf32, #tpu.memory_space<hbm>>
      %dma_wait3A_87 = arith.constant 0 : i32
      %dma_wait3A_88 = arith.constant 0 : i32
      %dma_wait3A_89 = tpu.memref_slice %arg2[%dma_wait3A_87, %dma_wait3A_88] : memref<10000x128xf32, #tpu.memory_space<hbm>> -> memref<80x128xf32, #tpu.memory_space<hbm>>
      tpu.wait_dma2 semaphore(%arg11 : memref<!tpu.dma_semaphore, #tpu.memory_space<semaphore_mem>>) src(%dma_wait3A_89 : memref<80x128xf32, #tpu.memory_space<hbm>>) dst(%arg8 : memref<80x128xf32, #tpu.memory_space<vmem>>)
      "tpu.region"() ({
        %run_scoped3A_114 = tpu.sem_alloc : memref<!tpu.dma_semaphore, #tpu.memory_space<semaphore_mem>>
        %dma_start3A_115 = arith.constant 0 : i32
        %dma_start3A_116 = tpu.memref_slice %arg7[%mul3A_83, %dma_start3A_115] : memref<125x80xi32, #tpu.memory_space<vmem>> -> memref<1x80xi32, #tpu.memory_space<vmem>>
        %dma_start3A_117 = tpu.memref_squeeze %dma_start3A_116 : memref<1x80xi32, #tpu.memory_space<vmem>> -> memref<80xi32, #tpu.memory_space<vmem>>
        %dma_start3A_118 = arith.constant 0 : i32
        %dma_start3A_119 = arith.constant 0 : i32
        %dma_start3A_120 = tpu.memref_slice %arg10[%dma_start3A_118, %dma_start3A_119] : memref<10240x128xf32, #tpu.memory_space<vmem_shared>> -> memref<10240x128xf32, #tpu.memory_space<vmem_shared>>
        tpu.enqueue_indirect_dma source(%arg8 : memref<80x128xf32, #tpu.memory_space<vmem>>) target(%dma_start3A_120 : memref<10240x128xf32, #tpu.memory_space<vmem_shared>>) offsets(%dma_start3A_117 : memref<80xi32, #tpu.memory_space<vmem>>) semaphore(%run_scoped3A_114 : memref<!tpu.dma_semaphore, #tpu.memory_space<semaphore_mem>>) {add = true}
        %dma_wait3A_121 = arith.constant 0 : i32
        %dma_wait3A_122 = tpu.memref_slice %arg7[%mul3A_83, %dma_wait3A_121] : memref<125x80xi32, #tpu.memory_space<vmem>> -> memref<1x80xi32, #tpu.memory_space<vmem>>
        %dma_wait3A_123 = tpu.memref_squeeze %dma_wait3A_122 : memref<1x80xi32, #tpu.memory_space<vmem>> -> memref<80xi32, #tpu.memory_space<vmem>>
        %dma_wait3A_124 = arith.constant 0 : i32
        %dma_wait3A_125 = arith.constant 0 : i32
        %dma_wait3A_126 = tpu.memref_slice %arg10[%dma_wait3A_124, %dma_wait3A_125] : memref<10240x128xf32, #tpu.memory_space<vmem_shared>> -> memref<10240x128xf32, #tpu.memory_space<vmem_shared>>
        tpu.wait_indirect_dma semaphore(%run_scoped3A_114 : memref<!tpu.dma_semaphore, #tpu.memory_space<semaphore_mem>>) src(%arg8 : memref<80x128xf32, #tpu.memory_space<vmem>>) dst(%dma_wait3A_126 : memref<10240x128xf32, #tpu.memory_space<vmem_shared>>)
        tpu.yield
      }) : () -> ()
      %add3A_90 = arith.constant 2 : i32
      %add3A_91 = arith.addi %mul3A_83, %add3A_90 : i32
      %mul3A_92 = arith.constant 80 : i32
      %mul3A_93 = arith.muli %add3A_91, %mul3A_92 : i32
      %dma_start3A_94 = tpu.memref_slice %arg6[%mul3A_93] : memref<10000xi32, #tpu.memory_space<vmem>> -> memref<80xi32, #tpu.memory_space<vmem>>
      %dma_start3A_95 = arith.constant 0 : i32
      %dma_start3A_96 = arith.constant 0 : i32
      %dma_start3A_97 = tpu.memref_slice %arg2[%dma_start3A_95, %dma_start3A_96] : memref<10000x128xf32, #tpu.memory_space<hbm>> -> memref<10000x128xf32, #tpu.memory_space<hbm>>
      tpu.enqueue_indirect_dma source(%dma_start3A_97 : memref<10000x128xf32, #tpu.memory_space<hbm>>) target(%arg8 : memref<80x128xf32, #tpu.memory_space<vmem>>) offsets(%dma_start3A_94 : memref<80xi32, #tpu.memory_space<vmem>>) semaphore(%arg11 : memref<!tpu.dma_semaphore, #tpu.memory_space<semaphore_mem>>)
      %dma_wait3A_98 = arith.constant 0 : i32
      %dma_wait3A_99 = arith.constant 0 : i32
      %dma_wait3A_100 = tpu.memref_slice %arg2[%dma_wait3A_98, %dma_wait3A_99] : memref<10000x128xf32, #tpu.memory_space<hbm>> -> memref<80x128xf32, #tpu.memory_space<hbm>>
      %dma_wait3A_101 = arith.constant 0 : i32
      %dma_wait3A_102 = arith.constant 0 : i32
      %dma_wait3A_103 = tpu.memref_slice %arg2[%dma_wait3A_101, %dma_wait3A_102] : memref<10000x128xf32, #tpu.memory_space<hbm>> -> memref<80x128xf32, #tpu.memory_space<hbm>>
      tpu.wait_dma2 semaphore(%arg12 : memref<!tpu.dma_semaphore, #tpu.memory_space<semaphore_mem>>) src(%dma_wait3A_103 : memref<80x128xf32, #tpu.memory_space<hbm>>) dst(%arg9 : memref<80x128xf32, #tpu.memory_space<vmem>>)
      %add3A_104 = arith.constant 1 : i32
      %add3A_105 = arith.addi %mul3A_83, %add3A_104 : i32
      "tpu.region"() ({
        %run_scoped3A_114 = tpu.sem_alloc : memref<!tpu.dma_semaphore, #tpu.memory_space<semaphore_mem>>
        %dma_start3A_115 = arith.constant 0 : i32
        %dma_start3A_116 = tpu.memref_slice %arg7[%add3A_105, %dma_start3A_115] : memref<125x80xi32, #tpu.memory_space<vmem>> -> memref<1x80xi32, #tpu.memory_space<vmem>>
        %dma_start3A_117 = tpu.memref_squeeze %dma_start3A_116 : memref<1x80xi32, #tpu.memory_space<vmem>> -> memref<80xi32, #tpu.memory_space<vmem>>
        %dma_start3A_118 = arith.constant 0 : i32
        %dma_start3A_119 = arith.constant 0 : i32
        %dma_start3A_120 = tpu.memref_slice %arg10[%dma_start3A_118, %dma_start3A_119] : memref<10240x128xf32, #tpu.memory_space<vmem_shared>> -> memref<10240x128xf32, #tpu.memory_space<vmem_shared>>
        tpu.enqueue_indirect_dma source(%arg9 : memref<80x128xf32, #tpu.memory_space<vmem>>) target(%dma_start3A_120 : memref<10240x128xf32, #tpu.memory_space<vmem_shared>>) offsets(%dma_start3A_117 : memref<80xi32, #tpu.memory_space<vmem>>) semaphore(%run_scoped3A_114 : memref<!tpu.dma_semaphore, #tpu.memory_space<semaphore_mem>>) {add = true}
        %dma_wait3A_121 = arith.constant 0 : i32
        %dma_wait3A_122 = tpu.memref_slice %arg7[%add3A_105, %dma_wait3A_121] : memref<125x80xi32, #tpu.memory_space<vmem>> -> memref<1x80xi32, #tpu.memory_space<vmem>>
        %dma_wait3A_123 = tpu.memref_squeeze %dma_wait3A_122 : memref<1x80xi32, #tpu.memory_space<vmem>> -> memref<80xi32, #tpu.memory_space<vmem>>
        %dma_wait3A_124 = arith.constant 0 : i32
        %dma_wait3A_125 = arith.constant 0 : i32
        %dma_wait3A_126 = tpu.memref_slice %arg10[%dma_wait3A_124, %dma_wait3A_125] : memref<10240x128xf32, #tpu.memory_space<vmem_shared>> -> memref<10240x128xf32, #tpu.memory_space<vmem_shared>>
        tpu.wait_indirect_dma semaphore(%run_scoped3A_114 : memref<!tpu.dma_semaphore, #tpu.memory_space<semaphore_mem>>) src(%arg9 : memref<80x128xf32, #tpu.memory_space<vmem>>) dst(%dma_wait3A_126 : memref<10240x128xf32, #tpu.memory_space<vmem_shared>>)
        tpu.yield
      }) : () -> ()
      %add3A_106 = arith.constant 3 : i32
      %add3A_107 = arith.addi %mul3A_83, %add3A_106 : i32
      %mul3A_108 = arith.constant 80 : i32
      %mul3A_109 = arith.muli %add3A_107, %mul3A_108 : i32
      %dma_start3A_110 = tpu.memref_slice %arg6[%mul3A_109] : memref<10000xi32, #tpu.memory_space<vmem>> -> memref<80xi32, #tpu.memory_space<vmem>>
      %dma_start3A_111 = arith.constant 0 : i32
      %dma_start3A_112 = arith.constant 0 : i32
      %dma_start3A_113 = tpu.memref_slice %arg2[%dma_start3A_111, %dma_start3A_112] : memref<10000x128xf32, #tpu.memory_space<hbm>> -> memref<10000x128xf32, #tpu.memory_space<hbm>>
      tpu.enqueue_indirect_dma source(%dma_start3A_113 : memref<10000x128xf32, #tpu.memory_space<hbm>>) target(%arg9 : memref<80x128xf32, #tpu.memory_space<vmem>>) offsets(%dma_start3A_110 : memref<80xi32, #tpu.memory_space<vmem>>) semaphore(%arg12 : memref<!tpu.dma_semaphore, #tpu.memory_space<semaphore_mem>>)
    }
    %scan3A_51 = arith.constant 61 : i32
    %dma_wait3A = arith.constant 0 : i32
    %dma_wait3A_52 = arith.constant 0 : i32
    %dma_wait3A_53 = tpu.memref_slice %arg2[%dma_wait3A, %dma_wait3A_52] : memref<10000x128xf32, #tpu.memory_space<hbm>> -> memref<80x128xf32, #tpu.memory_space<hbm>>
    %dma_wait3A_54 = arith.constant 0 : i32
    %dma_wait3A_55 = arith.constant 0 : i32
    %dma_wait3A_56 = tpu.memref_slice %arg2[%dma_wait3A_54, %dma_wait3A_55] : memref<10000x128xf32, #tpu.memory_space<hbm>> -> memref<80x128xf32, #tpu.memory_space<hbm>>
    tpu.wait_dma2 semaphore(%arg11 : memref<!tpu.dma_semaphore, #tpu.memory_space<semaphore_mem>>) src(%dma_wait3A_56 : memref<80x128xf32, #tpu.memory_space<hbm>>) dst(%arg8 : memref<80x128xf32, #tpu.memory_space<vmem>>)
    %run_scoped3A = arith.constant 122 : i32
    "tpu.region"() ({
      %run_scoped3A_81 = tpu.sem_alloc : memref<!tpu.dma_semaphore, #tpu.memory_space<semaphore_mem>>
      %dma_start3A_82 = arith.constant 0 : i32
      %dma_start3A_83 = tpu.memref_slice %arg7[%run_scoped3A, %dma_start3A_82] : memref<125x80xi32, #tpu.memory_space<vmem>> -> memref<1x80xi32, #tpu.memory_space<vmem>>
      %dma_start3A_84 = tpu.memref_squeeze %dma_start3A_83 : memref<1x80xi32, #tpu.memory_space<vmem>> -> memref<80xi32, #tpu.memory_space<vmem>>
      %dma_start3A_85 = arith.constant 0 : i32
      %dma_start3A_86 = arith.constant 0 : i32
      %dma_start3A_87 = tpu.memref_slice %arg10[%dma_start3A_85, %dma_start3A_86] : memref<10240x128xf32, #tpu.memory_space<vmem_shared>> -> memref<10240x128xf32, #tpu.memory_space<vmem_shared>>
      tpu.enqueue_indirect_dma source(%arg8 : memref<80x128xf32, #tpu.memory_space<vmem>>) target(%dma_start3A_87 : memref<10240x128xf32, #tpu.memory_space<vmem_shared>>) offsets(%dma_start3A_84 : memref<80xi32, #tpu.memory_space<vmem>>) semaphore(%run_scoped3A_81 : memref<!tpu.dma_semaphore, #tpu.memory_space<semaphore_mem>>) {add = true}
      %dma_wait3A_88 = arith.constant 0 : i32
      %dma_wait3A_89 = tpu.memref_slice %arg7[%run_scoped3A, %dma_wait3A_88] : memref<125x80xi32, #tpu.memory_space<vmem>> -> memref<1x80xi32, #tpu.memory_space<vmem>>
      %dma_wait3A_90 = tpu.memref_squeeze %dma_wait3A_89 : memref<1x80xi32, #tpu.memory_space<vmem>> -> memref<80xi32, #tpu.memory_space<vmem>>
      %dma_wait3A_91 = arith.constant 0 : i32
      %dma_wait3A_92 = arith.constant 0 : i32
      %dma_wait3A_93 = tpu.memref_slice %arg10[%dma_wait3A_91, %dma_wait3A_92] : memref<10240x128xf32, #tpu.memory_space<vmem_shared>> -> memref<10240x128xf32, #tpu.memory_space<vmem_shared>>
      tpu.wait_indirect_dma semaphore(%run_scoped3A_81 : memref<!tpu.dma_semaphore, #tpu.memory_space<semaphore_mem>>) src(%arg8 : memref<80x128xf32, #tpu.memory_space<vmem>>) dst(%dma_wait3A_93 : memref<10240x128xf32, #tpu.memory_space<vmem_shared>>)
      tpu.yield
    }) : () -> ()
    %dma_start3A_57 = arith.constant 9920 : i32
    %dma_start3A_58 = tpu.memref_slice %arg6[%dma_start3A_57] : memref<10000xi32, #tpu.memory_space<vmem>> -> memref<80xi32, #tpu.memory_space<vmem>>
    %dma_start3A_59 = arith.constant 0 : i32
    %dma_start3A_60 = arith.constant 0 : i32
    %dma_start3A_61 = tpu.memref_slice %arg2[%dma_start3A_59, %dma_start3A_60] : memref<10000x128xf32, #tpu.memory_space<hbm>> -> memref<10000x128xf32, #tpu.memory_space<hbm>>
    tpu.enqueue_indirect_dma source(%dma_start3A_61 : memref<10000x128xf32, #tpu.memory_space<hbm>>) target(%arg8 : memref<80x128xf32, #tpu.memory_space<vmem>>) offsets(%dma_start3A_58 : memref<80xi32, #tpu.memory_space<vmem>>) semaphore(%arg11 : memref<!tpu.dma_semaphore, #tpu.memory_space<semaphore_mem>>)
    %dma_wait3A_62 = arith.constant 0 : i32
    %dma_wait3A_63 = arith.constant 0 : i32
    %dma_wait3A_64 = tpu.memref_slice %arg2[%dma_wait3A_62, %dma_wait3A_63] : memref<10000x128xf32, #tpu.memory_space<hbm>> -> memref<80x128xf32, #tpu.memory_space<hbm>>
    %dma_wait3A_65 = arith.constant 0 : i32
    %dma_wait3A_66 = arith.constant 0 : i32
    %dma_wait3A_67 = tpu.memref_slice %arg2[%dma_wait3A_65, %dma_wait3A_66] : memref<10000x128xf32, #tpu.memory_space<hbm>> -> memref<80x128xf32, #tpu.memory_space<hbm>>
    tpu.wait_dma2 semaphore(%arg12 : memref<!tpu.dma_semaphore, #tpu.memory_space<semaphore_mem>>) src(%dma_wait3A_67 : memref<80x128xf32, #tpu.memory_space<hbm>>) dst(%arg9 : memref<80x128xf32, #tpu.memory_space<vmem>>)
    %run_scoped3A_68 = arith.constant 123 : i32
    "tpu.region"() ({
      %run_scoped3A_81 = tpu.sem_alloc : memref<!tpu.dma_semaphore, #tpu.memory_space<semaphore_mem>>
      %dma_start3A_82 = arith.constant 0 : i32
      %dma_start3A_83 = tpu.memref_slice %arg7[%run_scoped3A_68, %dma_start3A_82] : memref<125x80xi32, #tpu.memory_space<vmem>> -> memref<1x80xi32, #tpu.memory_space<vmem>>
      %dma_start3A_84 = tpu.memref_squeeze %dma_start3A_83 : memref<1x80xi32, #tpu.memory_space<vmem>> -> memref<80xi32, #tpu.memory_space<vmem>>
      %dma_start3A_85 = arith.constant 0 : i32
      %dma_start3A_86 = arith.constant 0 : i32
      %dma_start3A_87 = tpu.memref_slice %arg10[%dma_start3A_85, %dma_start3A_86] : memref<10240x128xf32, #tpu.memory_space<vmem_shared>> -> memref<10240x128xf32, #tpu.memory_space<vmem_shared>>
      tpu.enqueue_indirect_dma source(%arg9 : memref<80x128xf32, #tpu.memory_space<vmem>>) target(%dma_start3A_87 : memref<10240x128xf32, #tpu.memory_space<vmem_shared>>) offsets(%dma_start3A_84 : memref<80xi32, #tpu.memory_space<vmem>>) semaphore(%run_scoped3A_81 : memref<!tpu.dma_semaphore, #tpu.memory_space<semaphore_mem>>) {add = true}
      %dma_wait3A_88 = arith.constant 0 : i32
      %dma_wait3A_89 = tpu.memref_slice %arg7[%run_scoped3A_68, %dma_wait3A_88] : memref<125x80xi32, #tpu.memory_space<vmem>> -> memref<1x80xi32, #tpu.memory_space<vmem>>
      %dma_wait3A_90 = tpu.memref_squeeze %dma_wait3A_89 : memref<1x80xi32, #tpu.memory_space<vmem>> -> memref<80xi32, #tpu.memory_space<vmem>>
      %dma_wait3A_91 = arith.constant 0 : i32
      %dma_wait3A_92 = arith.constant 0 : i32
      %dma_wait3A_93 = tpu.memref_slice %arg10[%dma_wait3A_91, %dma_wait3A_92] : memref<10240x128xf32, #tpu.memory_space<vmem_shared>> -> memref<10240x128xf32, #tpu.memory_space<vmem_shared>>
      tpu.wait_indirect_dma semaphore(%run_scoped3A_81 : memref<!tpu.dma_semaphore, #tpu.memory_space<semaphore_mem>>) src(%arg9 : memref<80x128xf32, #tpu.memory_space<vmem>>) dst(%dma_wait3A_93 : memref<10240x128xf32, #tpu.memory_space<vmem_shared>>)
      tpu.yield
    }) : () -> ()
    %dma_wait3A_69 = arith.constant 0 : i32
    %dma_wait3A_70 = arith.constant 0 : i32
    %dma_wait3A_71 = tpu.memref_slice %arg2[%dma_wait3A_69, %dma_wait3A_70] : memref<10000x128xf32, #tpu.memory_space<hbm>> -> memref<80x128xf32, #tpu.memory_space<hbm>>
    %dma_wait3A_72 = arith.constant 0 : i32
    %dma_wait3A_73 = arith.constant 0 : i32
    %dma_wait3A_74 = tpu.memref_slice %arg2[%dma_wait3A_72, %dma_wait3A_73] : memref<10000x128xf32, #tpu.memory_space<hbm>> -> memref<80x128xf32, #tpu.memory_space<hbm>>
    tpu.wait_dma2 semaphore(%arg11 : memref<!tpu.dma_semaphore, #tpu.memory_space<semaphore_mem>>) src(%dma_wait3A_74 : memref<80x128xf32, #tpu.memory_space<hbm>>) dst(%arg8 : memref<80x128xf32, #tpu.memory_space<vmem>>)
    %run_scoped3A_75 = arith.constant 124 : i32
    "tpu.region"() ({
      %run_scoped3A_81 = tpu.sem_alloc : memref<!tpu.dma_semaphore, #tpu.memory_space<semaphore_mem>>
      %dma_start3A_82 = arith.constant 0 : i32
      %dma_start3A_83 = tpu.memref_slice %arg7[%run_scoped3A_75, %dma_start3A_82] : memref<125x80xi32, #tpu.memory_space<vmem>> -> memref<1x80xi32, #tpu.memory_space<vmem>>
      %dma_start3A_84 = tpu.memref_squeeze %dma_start3A_83 : memref<1x80xi32, #tpu.memory_space<vmem>> -> memref<80xi32, #tpu.memory_space<vmem>>
      %dma_start3A_85 = arith.constant 0 : i32
      %dma_start3A_86 = arith.constant 0 : i32
      %dma_start3A_87 = tpu.memref_slice %arg10[%dma_start3A_85, %dma_start3A_86] : memref<10240x128xf32, #tpu.memory_space<vmem_shared>> -> memref<10240x128xf32, #tpu.memory_space<vmem_shared>>
      tpu.enqueue_indirect_dma source(%arg8 : memref<80x128xf32, #tpu.memory_space<vmem>>) target(%dma_start3A_87 : memref<10240x128xf32, #tpu.memory_space<vmem_shared>>) offsets(%dma_start3A_84 : memref<80xi32, #tpu.memory_space<vmem>>) semaphore(%run_scoped3A_81 : memref<!tpu.dma_semaphore, #tpu.memory_space<semaphore_mem>>) {add = true}
      %dma_wait3A_88 = arith.constant 0 : i32
      %dma_wait3A_89 = tpu.memref_slice %arg7[%run_scoped3A_75, %dma_wait3A_88] : memref<125x80xi32, #tpu.memory_space<vmem>> -> memref<1x80xi32, #tpu.memory_space<vmem>>
      %dma_wait3A_90 = tpu.memref_squeeze %dma_wait3A_89 : memref<1x80xi32, #tpu.memory_space<vmem>> -> memref<80xi32, #tpu.memory_space<vmem>>
      %dma_wait3A_91 = arith.constant 0 : i32
      %dma_wait3A_92 = arith.constant 0 : i32
      %dma_wait3A_93 = tpu.memref_slice %arg10[%dma_wait3A_91, %dma_wait3A_92] : memref<10240x128xf32, #tpu.memory_space<vmem_shared>> -> memref<10240x128xf32, #tpu.memory_space<vmem_shared>>
      tpu.wait_indirect_dma semaphore(%run_scoped3A_81 : memref<!tpu.dma_semaphore, #tpu.memory_space<semaphore_mem>>) src(%arg8 : memref<80x128xf32, #tpu.memory_space<vmem>>) dst(%dma_wait3A_93 : memref<10240x128xf32, #tpu.memory_space<vmem_shared>>)
      tpu.yield
    }) : () -> ()
    %barrier3A_76 = arith.constant 0 : index
    tpu.barrier barrier_id(%barrier3A_76)
    %mul3A_77 = arith.constant 640 : i32
    %mul3A_78 = arith.muli %arg1, %mul3A_77 : i32
    %mul3A_79 = arith.constant 640 : i32
    %mul3A_80 = arith.muli %arg1, %mul3A_79 : i32
    "tpu.region"() ({
      %run_scoped3A_81 = tpu.sem_alloc : memref<!tpu.dma_semaphore, #tpu.memory_space<semaphore_mem>>
      %dma_start3A_82 = arith.constant 0 : i32
      %dma_start3A_83 = tpu.memref_slice %arg5[%arg0, %mul3A_80, %dma_start3A_82] : memref<2x10240x128xf32, #tpu.memory_space<hbm>> -> memref<1x640x128xf32, #tpu.memory_space<hbm>>
      %dma_start3A_84 = tpu.memref_squeeze %dma_start3A_83 : memref<1x640x128xf32, #tpu.memory_space<hbm>> -> memref<640x128xf32, #tpu.memory_space<hbm>>
      %dma_start3A_85 = arith.constant 0 : i32
      %dma_start3A_86 = tpu.memref_slice %arg10[%mul3A_78, %dma_start3A_85] : memref<10240x128xf32, #tpu.memory_space<vmem_shared>> -> memref<640x128xf32, #tpu.memory_space<vmem_shared>>
      tpu.enqueue_dma source(%dma_start3A_86 : memref<640x128xf32, #tpu.memory_space<vmem_shared>>) target(%dma_start3A_84 : memref<640x128xf32, #tpu.memory_space<hbm>>) target_semaphore(%run_scoped3A_81 : memref<!tpu.dma_semaphore, #tpu.memory_space<semaphore_mem>>)
      %dma_wait3A_87 = arith.constant 0 : i32
      %dma_wait3A_88 = tpu.memref_slice %arg5[%arg0, %mul3A_80, %dma_wait3A_87] : memref<2x10240x128xf32, #tpu.memory_space<hbm>> -> memref<1x640x128xf32, #tpu.memory_space<hbm>>
      %dma_wait3A_89 = tpu.memref_squeeze %dma_wait3A_88 : memref<1x640x128xf32, #tpu.memory_space<hbm>> -> memref<640x128xf32, #tpu.memory_space<hbm>>
      %dma_wait3A_90 = arith.constant 0 : i32
      %dma_wait3A_91 = tpu.memref_slice %arg10[%mul3A_78, %dma_wait3A_90] : memref<10240x128xf32, #tpu.memory_space<vmem_shared>> -> memref<640x128xf32, #tpu.memory_space<vmem_shared>>
      tpu.wait_dma2 semaphore(%run_scoped3A_81 : memref<!tpu.dma_semaphore, #tpu.memory_space<semaphore_mem>>) src(%dma_wait3A_91 : memref<640x128xf32, #tpu.memory_space<vmem_shared>>) dst(%dma_wait3A_89 : memref<640x128xf32, #tpu.memory_space<hbm>>)
      tpu.yield
    }) : () -> ()
    return
  }
}

#map = affine_map<(d0, d1) -> (0, 0)>
#map1 = affine_map<(d0, d1) -> (0, 0, 0)>
module attributes {stable_mosaic.version = 14 : i64} {
  func.func @_agg_body(%arg0: i32, %arg1: i32, %arg2: memref<10000x128xf32, #tpu.memory_space<hbm>>, %arg3: memref<32x10000xi32, #tpu.memory_space<hbm>>, %arg4: memref<32x125x80xi32, #tpu.memory_space<hbm>>, %arg5: memref<2x10240x128xf32, #tpu.memory_space<hbm>>, %arg6: memref<10000xi32, #tpu.memory_space<vmem>>, %arg7: memref<125x80xi32, #tpu.memory_space<vmem>>, %arg8: memref<80x128xf32, #tpu.memory_space<vmem>>, %arg9: memref<80x128xf32, #tpu.memory_space<vmem>>, %arg10: memref<10240x128xf32, #tpu.memory_space<vmem_shared>>, %arg11: memref<!tpu.dma_semaphore, #tpu.memory_space<semaphore_mem>>, %arg12: memref<!tpu.dma_semaphore, #tpu.memory_space<semaphore_mem>>) attributes {dimension_semantics = [#tpu.dimension_semantics<core_parallel>, #tpu.dimension_semantics<subcore_parallel>], iteration_bounds = array<i64: 2, 16>, scalar_prefetch = 0 : i64, scratch_operands = 7 : i64, tpu.core_type = #tpu.core_type<sc_vector_subcore>, window_params = [{transform_indices = #map}, {transform_indices = #map}, {transform_indices = #map1}, {transform_indices = #map1}]} {
    %mul3A = arith.constant 16 : i32
    %mul3A_0 = arith.muli %arg0, %mul3A : i32
    %add3A = arith.addi %mul3A_0, %arg1 : i32
    "tpu.region"() ({
      %run_scoped3A_81 = tpu.sem_alloc : memref<!tpu.dma_semaphore, #tpu.memory_space<semaphore_mem>>
      %dma_start3A_82 = arith.constant 0 : i32
      %dma_start3A_83 = tpu.memref_slice %arg3[%add3A, %dma_start3A_82] : memref<32x10000xi32, #tpu.memory_space<hbm>> -> memref<1x10000xi32, #tpu.memory_space<hbm>>
      %dma_start3A_84 = tpu.memref_squeeze %dma_start3A_83 : memref<1x10000xi32, #tpu.memory_space<hbm>> -> memref<10000xi32, #tpu.memory_space<hbm>>
      %dma_start3A_85 = arith.constant 0 : i32
      %dma_start3A_86 = tpu.memref_slice %arg3[%add3A, %dma_start3A_85] : memref<32x10000xi32, #tpu.memory_space<hbm>> -> memref<1x10000xi32, #tpu.memory_space<hbm>>
      %dma_start3A_87 = tpu.memref_squeeze %dma_start3A_86 : memref<1x10000xi32, #tpu.memory_space<hbm>> -> memref<10000xi32, #tpu.memory_space<hbm>>
      tpu.enqueue_dma source(%dma_start3A_87 : memref<10000xi32, #tpu.memory_space<hbm>>) target(%arg6 : memref<10000xi32, #tpu.memory_space<vmem>>) target_semaphore(%run_scoped3A_81 : memref<!tpu.dma_semaphore, #tpu.memory_space<semaphore_mem>>)
      %dma_wait3A_88 = arith.constant 0 : i32
      %dma_wait3A_89 = tpu.memref_slice %arg3[%add3A, %dma_wait3A_88] : memref<32x10000xi32, #tpu.memory_space<hbm>> -> memref<1x10000xi32, #tpu.memory_space<hbm>>
      %dma_wait3A_90 = tpu.memref_squeeze %dma_wait3A_89 : memref<1x10000xi32, #tpu.memory_space<hbm>> -> memref<10000xi32, #tpu.memory_space<hbm>>
      %dma_wait3A_91 = arith.constant 0 : i32
      %dma_wait3A_92 = tpu.memref_slice %arg3[%add3A, %dma_wait3A_91] : memref<32x10000xi32, #tpu.memory_space<hbm>> -> memref<1x10000xi32, #tpu.memory_space<hbm>>
      %dma_wait3A_93 = tpu.memref_squeeze %dma_wait3A_92 : memref<1x10000xi32, #tpu.memory_space<hbm>> -> memref<10000xi32, #tpu.memory_space<hbm>>
      tpu.wait_dma2 semaphore(%run_scoped3A_81 : memref<!tpu.dma_semaphore, #tpu.memory_space<semaphore_mem>>) src(%dma_wait3A_93 : memref<10000xi32, #tpu.memory_space<hbm>>) dst(%arg6 : memref<10000xi32, #tpu.memory_space<vmem>>)
      tpu.yield
    }) : () -> ()
    "tpu.region"() ({
      %run_scoped3A_81 = tpu.sem_alloc : memref<!tpu.dma_semaphore, #tpu.memory_space<semaphore_mem>>
      %dma_start3A_82 = arith.constant 0 : i32
      %dma_start3A_83 = arith.constant 0 : i32
      %dma_start3A_84 = tpu.memref_slice %arg4[%add3A, %dma_start3A_82, %dma_start3A_83] : memref<32x125x80xi32, #tpu.memory_space<hbm>> -> memref<1x125x80xi32, #tpu.memory_space<hbm>>
      %dma_start3A_85 = tpu.memref_squeeze %dma_start3A_84 : memref<1x125x80xi32, #tpu.memory_space<hbm>> -> memref<125x80xi32, #tpu.memory_space<hbm>>
      %dma_start3A_86 = arith.constant 0 : i32
      %dma_start3A_87 = arith.constant 0 : i32
      %dma_start3A_88 = tpu.memref_slice %arg4[%add3A, %dma_start3A_86, %dma_start3A_87] : memref<32x125x80xi32, #tpu.memory_space<hbm>> -> memref<1x125x80xi32, #tpu.memory_space<hbm>>
      %dma_start3A_89 = tpu.memref_squeeze %dma_start3A_88 : memref<1x125x80xi32, #tpu.memory_space<hbm>> -> memref<125x80xi32, #tpu.memory_space<hbm>>
      tpu.enqueue_dma source(%dma_start3A_89 : memref<125x80xi32, #tpu.memory_space<hbm>>) target(%arg7 : memref<125x80xi32, #tpu.memory_space<vmem>>) target_semaphore(%run_scoped3A_81 : memref<!tpu.dma_semaphore, #tpu.memory_space<semaphore_mem>>)
      %dma_wait3A_90 = arith.constant 0 : i32
      %dma_wait3A_91 = arith.constant 0 : i32
      %dma_wait3A_92 = tpu.memref_slice %arg4[%add3A, %dma_wait3A_90, %dma_wait3A_91] : memref<32x125x80xi32, #tpu.memory_space<hbm>> -> memref<1x125x80xi32, #tpu.memory_space<hbm>>
      %dma_wait3A_93 = tpu.memref_squeeze %dma_wait3A_92 : memref<1x125x80xi32, #tpu.memory_space<hbm>> -> memref<125x80xi32, #tpu.memory_space<hbm>>
      %dma_wait3A_94 = arith.constant 0 : i32
      %dma_wait3A_95 = arith.constant 0 : i32
      %dma_wait3A_96 = tpu.memref_slice %arg4[%add3A, %dma_wait3A_94, %dma_wait3A_95] : memref<32x125x80xi32, #tpu.memory_space<hbm>> -> memref<1x125x80xi32, #tpu.memory_space<hbm>>
      %dma_wait3A_97 = tpu.memref_squeeze %dma_wait3A_96 : memref<1x125x80xi32, #tpu.memory_space<hbm>> -> memref<125x80xi32, #tpu.memory_space<hbm>>
      tpu.wait_dma2 semaphore(%run_scoped3A_81 : memref<!tpu.dma_semaphore, #tpu.memory_space<semaphore_mem>>) src(%dma_wait3A_97 : memref<125x80xi32, #tpu.memory_space<hbm>>) dst(%arg7 : memref<125x80xi32, #tpu.memory_space<vmem>>)
      tpu.yield
    }) : () -> ()
    %broadcast_in_dim3A = arith.constant 0.000000e+00 : f32
    %broadcast_in_dim3A_1 = vector.broadcast %broadcast_in_dim3A : f32 to vector<16xf32>
    %scan3A = arith.constant 0 : i32
    %scan3A_2 = arith.constant 640 : i32
    %scan3A_3 = arith.addi %scan3A, %scan3A_2 : i32
    %scan3A_4 = arith.constant 1 : i32
    scf.for %scan3A_81 = %scan3A to %scan3A_3 step %scan3A_4  : i32 {
      %jit3A = arith.constant 8 : i32
      %div3A = arith.divsi %scan3A_81, %jit3A : i32
      %sign3A = arith.constant 0 : i32
      %sign3A_82 = arith.cmpi sgt, %scan3A_81, %sign3A : i32
      %sign3A_83 = arith.extui %sign3A_82 : i1 to i32
      %sign3A_84 = arith.constant 0 : i32
      %sign3A_85 = arith.cmpi slt, %scan3A_81, %sign3A_84 : i32
      %sign3A_86 = arith.extui %sign3A_85 : i1 to i32
      %sign3A_87 = arith.subi %sign3A_83, %sign3A_86 : i32
      %sign3A_88 = arith.constant 0 : i32
      %sign3A_89 = arith.cmpi sgt, %jit3A, %sign3A_88 : i32
      %sign3A_90 = arith.extui %sign3A_89 : i1 to i32
      %sign3A_91 = arith.constant 0 : i32
      %sign3A_92 = arith.cmpi slt, %jit3A, %sign3A_91 : i32
      %sign3A_93 = arith.extui %sign3A_92 : i1 to i32
      %sign3A_94 = arith.subi %sign3A_90, %sign3A_93 : i32
      %ne3A = arith.cmpi ne, %sign3A_87, %sign3A_94 : i32
      %rem3A = arith.remsi %scan3A_81, %jit3A : i32
      %ne3A_95 = arith.constant 0 : i32
      %ne3A_96 = arith.cmpi ne, %rem3A, %ne3A_95 : i32
      %and3A = arith.andi %ne3A, %ne3A_96 : i1
      %sub3A = arith.constant 1 : i32
      %sub3A_97 = arith.subi %div3A, %sub3A : i32
      %select_n3A = arith.select %and3A, %sub3A_97, %div3A : i32
      %jit3A_98 = arith.constant 8 : i32
      %eq3A = arith.constant 0 : i32
      %eq3A_99 = arith.cmpi eq, %jit3A_98, %eq3A : i32
      %jit3A_100 = arith.constant 1 : i32
      %select_n3A_101 = arith.select %eq3A_99, %jit3A_100, %jit3A_98 : i32
      %rem3A_102 = arith.remsi %scan3A_81, %select_n3A_101 : i32
      %ne3A_103 = arith.constant 0 : i32
      %ne3A_104 = arith.cmpi ne, %rem3A_102, %ne3A_103 : i32
      %lt3A = arith.constant 0 : i32
      %lt3A_105 = arith.cmpi slt, %rem3A_102, %lt3A : i32
      %lt3A_106 = arith.constant 0 : i32
      %lt3A_107 = arith.cmpi slt, %select_n3A_101, %lt3A_106 : i32
      %ne3A_108 = arith.xori %lt3A_105, %lt3A_107 : i1
      %and3A_109 = arith.andi %ne3A_108, %ne3A_104 : i1
      %add3A_110 = arith.addi %rem3A_102, %select_n3A_101 : i32
      %select_n3A_111 = arith.select %and3A_109, %add3A_110, %rem3A_102 : i32
      %mul3A_112 = arith.constant 16 : i32
      %mul3A_113 = arith.muli %select_n3A_111, %mul3A_112 : i32
      %swap3A = arith.index_cast %select_n3A : i32 to index
      %swap3A_114 = arith.index_cast %mul3A_113 : i32 to index
      %swap3A_115 = tpu.vector_load %arg8[%swap3A, %swap3A_114] {strides = array<i32>} : memref<80x128xf32, #tpu.memory_space<vmem>>, vector<1x16xf32>,
      %swap3A_116 = vector.shape_cast %swap3A_115 : vector<1x16xf32> to vector<16xf32>
      %swap3A_117 = vector.shape_cast %broadcast_in_dim3A_1 : vector<16xf32> to vector<1x16xf32>
      tpu.vector_store %arg8[%swap3A, %swap3A_114], %swap3A_117 {strides = array<i32>} : memref<80x128xf32, #tpu.memory_space<vmem>>, vector<1x16xf32>,
    }
    %scan3A_5 = arith.constant 640 : i32
    %mul3A_6 = arith.constant 640 : i32
    %mul3A_7 = arith.muli %arg1, %mul3A_6 : i32
    %add3A_8 = arith.constant 0 : i32
    %add3A_9 = arith.addi %mul3A_7, %add3A_8 : i32
    "tpu.region"() ({
      %run_scoped3A_81 = tpu.sem_alloc : memref<!tpu.dma_semaphore, #tpu.memory_space<semaphore_mem>>
      %dma_start3A_82 = arith.constant 0 : i32
      %dma_start3A_83 = tpu.memref_slice %arg10[%add3A_9, %dma_start3A_82] : memref<10240x128xf32, #tpu.memory_space<vmem_shared>> -> memref<80x128xf32, #tpu.memory_space<vmem_shared>>
      %dma_start3A_84 = arith.constant 0 : i32
      %dma_start3A_85 = tpu.memref_slice %arg10[%add3A_9, %dma_start3A_84] : memref<10240x128xf32, #tpu.memory_space<vmem_shared>> -> memref<80x128xf32, #tpu.memory_space<vmem_shared>>
      tpu.enqueue_dma source(%arg8 : memref<80x128xf32, #tpu.memory_space<vmem>>) target(%dma_start3A_85 : memref<80x128xf32, #tpu.memory_space<vmem_shared>>) target_semaphore(%run_scoped3A_81 : memref<!tpu.dma_semaphore, #tpu.memory_space<semaphore_mem>>)
      %dma_wait3A_86 = arith.constant 0 : i32
      %dma_wait3A_87 = tpu.memref_slice %arg10[%add3A_9, %dma_wait3A_86] : memref<10240x128xf32, #tpu.memory_space<vmem_shared>> -> memref<80x128xf32, #tpu.memory_space<vmem_shared>>
      %dma_wait3A_88 = arith.constant 0 : i32
      %dma_wait3A_89 = tpu.memref_slice %arg10[%add3A_9, %dma_wait3A_88] : memref<10240x128xf32, #tpu.memory_space<vmem_shared>> -> memref<80x128xf32, #tpu.memory_space<vmem_shared>>
      tpu.wait_dma2 semaphore(%run_scoped3A_81 : memref<!tpu.dma_semaphore, #tpu.memory_space<semaphore_mem>>) src(%arg8 : memref<80x128xf32, #tpu.memory_space<vmem>>) dst(%dma_wait3A_89 : memref<80x128xf32, #tpu.memory_space<vmem_shared>>)
      tpu.yield
    }) : () -> ()
    %mul3A_10 = arith.constant 640 : i32
    %mul3A_11 = arith.muli %arg1, %mul3A_10 : i32
    %add3A_12 = arith.constant 80 : i32
    %add3A_13 = arith.addi %mul3A_11, %add3A_12 : i32
    "tpu.region"() ({
      %run_scoped3A_81 = tpu.sem_alloc : memref<!tpu.dma_semaphore, #tpu.memory_space<semaphore_mem>>
      %dma_start3A_82 = arith.constant 0 : i32
      %dma_start3A_83 = tpu.memref_slice %arg10[%add3A_13, %dma_start3A_82] : memref<10240x128xf32, #tpu.memory_space<vmem_shared>> -> memref<80x128xf32, #tpu.memory_space<vmem_shared>>
      %dma_start3A_84 = arith.constant 0 : i32
      %dma_start3A_85 = tpu.memref_slice %arg10[%add3A_13, %dma_start3A_84] : memref<10240x128xf32, #tpu.memory_space<vmem_shared>> -> memref<80x128xf32, #tpu.memory_space<vmem_shared>>
      tpu.enqueue_dma source(%arg8 : memref<80x128xf32, #tpu.memory_space<vmem>>) target(%dma_start3A_85 : memref<80x128xf32, #tpu.memory_space<vmem_shared>>) target_semaphore(%run_scoped3A_81 : memref<!tpu.dma_semaphore, #tpu.memory_space<semaphore_mem>>)
      %dma_wait3A_86 = arith.constant 0 : i32
      %dma_wait3A_87 = tpu.memref_slice %arg10[%add3A_13, %dma_wait3A_86] : memref<10240x128xf32, #tpu.memory_space<vmem_shared>> -> memref<80x128xf32, #tpu.memory_space<vmem_shared>>
      %dma_wait3A_88 = arith.constant 0 : i32
      %dma_wait3A_89 = tpu.memref_slice %arg10[%add3A_13, %dma_wait3A_88] : memref<10240x128xf32, #tpu.memory_space<vmem_shared>> -> memref<80x128xf32, #tpu.memory_space<vmem_shared>>
      tpu.wait_dma2 semaphore(%run_scoped3A_81 : memref<!tpu.dma_semaphore, #tpu.memory_space<semaphore_mem>>) src(%arg8 : memref<80x128xf32, #tpu.memory_space<vmem>>) dst(%dma_wait3A_89 : memref<80x128xf32, #tpu.memory_space<vmem_shared>>)
      tpu.yield
    }) : () -> ()
    %mul3A_14 = arith.constant 640 : i32
    %mul3A_15 = arith.muli %arg1, %mul3A_14 : i32
    %add3A_16 = arith.constant 160 : i32
    %add3A_17 = arith.addi %mul3A_15, %add3A_16 : i32
    "tpu.region"() ({
      %run_scoped3A_81 = tpu.sem_alloc : memref<!tpu.dma_semaphore, #tpu.memory_space<semaphore_mem>>
      %dma_start3A_82 = arith.constant 0 : i32
      %dma_start3A_83 = tpu.memref_slice %arg10[%add3A_17, %dma_start3A_82] : memref<10240x128xf32, #tpu.memory_space<vmem_shared>> -> memref<80x128xf32, #tpu.memory_space<vmem_shared>>
      %dma_start3A_84 = arith.constant 0 : i32
      %dma_start3A_85 = tpu.memref_slice %arg10[%add3A_17, %dma_start3A_84] : memref<10240x128xf32, #tpu.memory_space<vmem_shared>> -> memref<80x128xf32, #tpu.memory_space<vmem_shared>>
      tpu.enqueue_dma source(%arg8 : memref<80x128xf32, #tpu.memory_space<vmem>>) target(%dma_start3A_85 : memref<80x128xf32, #tpu.memory_space<vmem_shared>>) target_semaphore(%run_scoped3A_81 : memref<!tpu.dma_semaphore, #tpu.memory_space<semaphore_mem>>)
      %dma_wait3A_86 = arith.constant 0 : i32
      %dma_wait3A_87 = tpu.memref_slice %arg10[%add3A_17, %dma_wait3A_86] : memref<10240x128xf32, #tpu.memory_space<vmem_shared>> -> memref<80x128xf32, #tpu.memory_space<vmem_shared>>
      %dma_wait3A_88 = arith.constant 0 : i32
      %dma_wait3A_89 = tpu.memref_slice %arg10[%add3A_17, %dma_wait3A_88] : memref<10240x128xf32, #tpu.memory_space<vmem_shared>> -> memref<80x128xf32, #tpu.memory_space<vmem_shared>>
      tpu.wait_dma2 semaphore(%run_scoped3A_81 : memref<!tpu.dma_semaphore, #tpu.memory_space<semaphore_mem>>) src(%arg8 : memref<80x128xf32, #tpu.memory_space<vmem>>) dst(%dma_wait3A_89 : memref<80x128xf32, #tpu.memory_space<vmem_shared>>)
      tpu.yield
    }) : () -> ()
    %mul3A_18 = arith.constant 640 : i32
    %mul3A_19 = arith.muli %arg1, %mul3A_18 : i32
    %add3A_20 = arith.constant 240 : i32
    %add3A_21 = arith.addi %mul3A_19, %add3A_20 : i32
    "tpu.region"() ({
      %run_scoped3A_81 = tpu.sem_alloc : memref<!tpu.dma_semaphore, #tpu.memory_space<semaphore_mem>>
      %dma_start3A_82 = arith.constant 0 : i32
      %dma_start3A_83 = tpu.memref_slice %arg10[%add3A_21, %dma_start3A_82] : memref<10240x128xf32, #tpu.memory_space<vmem_shared>> -> memref<80x128xf32, #tpu.memory_space<vmem_shared>>
      %dma_start3A_84 = arith.constant 0 : i32
      %dma_start3A_85 = tpu.memref_slice %arg10[%add3A_21, %dma_start3A_84] : memref<10240x128xf32, #tpu.memory_space<vmem_shared>> -> memref<80x128xf32, #tpu.memory_space<vmem_shared>>
      tpu.enqueue_dma source(%arg8 : memref<80x128xf32, #tpu.memory_space<vmem>>) target(%dma_start3A_85 : memref<80x128xf32, #tpu.memory_space<vmem_shared>>) target_semaphore(%run_scoped3A_81 : memref<!tpu.dma_semaphore, #tpu.memory_space<semaphore_mem>>)
      %dma_wait3A_86 = arith.constant 0 : i32
      %dma_wait3A_87 = tpu.memref_slice %arg10[%add3A_21, %dma_wait3A_86] : memref<10240x128xf32, #tpu.memory_space<vmem_shared>> -> memref<80x128xf32, #tpu.memory_space<vmem_shared>>
      %dma_wait3A_88 = arith.constant 0 : i32
      %dma_wait3A_89 = tpu.memref_slice %arg10[%add3A_21, %dma_wait3A_88] : memref<10240x128xf32, #tpu.memory_space<vmem_shared>> -> memref<80x128xf32, #tpu.memory_space<vmem_shared>>
      tpu.wait_dma2 semaphore(%run_scoped3A_81 : memref<!tpu.dma_semaphore, #tpu.memory_space<semaphore_mem>>) src(%arg8 : memref<80x128xf32, #tpu.memory_space<vmem>>) dst(%dma_wait3A_89 : memref<80x128xf32, #tpu.memory_space<vmem_shared>>)
      tpu.yield
    }) : () -> ()
    %mul3A_22 = arith.constant 640 : i32
    %mul3A_23 = arith.muli %arg1, %mul3A_22 : i32
    %add3A_24 = arith.constant 320 : i32
    %add3A_25 = arith.addi %mul3A_23, %add3A_24 : i32
    "tpu.region"() ({
      %run_scoped3A_81 = tpu.sem_alloc : memref<!tpu.dma_semaphore, #tpu.memory_space<semaphore_mem>>
      %dma_start3A_82 = arith.constant 0 : i32
      %dma_start3A_83 = tpu.memref_slice %arg10[%add3A_25, %dma_start3A_82] : memref<10240x128xf32, #tpu.memory_space<vmem_shared>> -> memref<80x128xf32, #tpu.memory_space<vmem_shared>>
      %dma_start3A_84 = arith.constant 0 : i32
      %dma_start3A_85 = tpu.memref_slice %arg10[%add3A_25, %dma_start3A_84] : memref<10240x128xf32, #tpu.memory_space<vmem_shared>> -> memref<80x128xf32, #tpu.memory_space<vmem_shared>>
      tpu.enqueue_dma source(%arg8 : memref<80x128xf32, #tpu.memory_space<vmem>>) target(%dma_start3A_85 : memref<80x128xf32, #tpu.memory_space<vmem_shared>>) target_semaphore(%run_scoped3A_81 : memref<!tpu.dma_semaphore, #tpu.memory_space<semaphore_mem>>)
      %dma_wait3A_86 = arith.constant 0 : i32
      %dma_wait3A_87 = tpu.memref_slice %arg10[%add3A_25, %dma_wait3A_86] : memref<10240x128xf32, #tpu.memory_space<vmem_shared>> -> memref<80x128xf32, #tpu.memory_space<vmem_shared>>
      %dma_wait3A_88 = arith.constant 0 : i32
      %dma_wait3A_89 = tpu.memref_slice %arg10[%add3A_25, %dma_wait3A_88] : memref<10240x128xf32, #tpu.memory_space<vmem_shared>> -> memref<80x128xf32, #tpu.memory_space<vmem_shared>>
      tpu.wait_dma2 semaphore(%run_scoped3A_81 : memref<!tpu.dma_semaphore, #tpu.memory_space<semaphore_mem>>) src(%arg8 : memref<80x128xf32, #tpu.memory_space<vmem>>) dst(%dma_wait3A_89 : memref<80x128xf32, #tpu.memory_space<vmem_shared>>)
      tpu.yield
    }) : () -> ()
    %mul3A_26 = arith.constant 640 : i32
    %mul3A_27 = arith.muli %arg1, %mul3A_26 : i32
    %add3A_28 = arith.constant 400 : i32
    %add3A_29 = arith.addi %mul3A_27, %add3A_28 : i32
    "tpu.region"() ({
      %run_scoped3A_81 = tpu.sem_alloc : memref<!tpu.dma_semaphore, #tpu.memory_space<semaphore_mem>>
      %dma_start3A_82 = arith.constant 0 : i32
      %dma_start3A_83 = tpu.memref_slice %arg10[%add3A_29, %dma_start3A_82] : memref<10240x128xf32, #tpu.memory_space<vmem_shared>> -> memref<80x128xf32, #tpu.memory_space<vmem_shared>>
      %dma_start3A_84 = arith.constant 0 : i32
      %dma_start3A_85 = tpu.memref_slice %arg10[%add3A_29, %dma_start3A_84] : memref<10240x128xf32, #tpu.memory_space<vmem_shared>> -> memref<80x128xf32, #tpu.memory_space<vmem_shared>>
      tpu.enqueue_dma source(%arg8 : memref<80x128xf32, #tpu.memory_space<vmem>>) target(%dma_start3A_85 : memref<80x128xf32, #tpu.memory_space<vmem_shared>>) target_semaphore(%run_scoped3A_81 : memref<!tpu.dma_semaphore, #tpu.memory_space<semaphore_mem>>)
      %dma_wait3A_86 = arith.constant 0 : i32
      %dma_wait3A_87 = tpu.memref_slice %arg10[%add3A_29, %dma_wait3A_86] : memref<10240x128xf32, #tpu.memory_space<vmem_shared>> -> memref<80x128xf32, #tpu.memory_space<vmem_shared>>
      %dma_wait3A_88 = arith.constant 0 : i32
      %dma_wait3A_89 = tpu.memref_slice %arg10[%add3A_29, %dma_wait3A_88] : memref<10240x128xf32, #tpu.memory_space<vmem_shared>> -> memref<80x128xf32, #tpu.memory_space<vmem_shared>>
      tpu.wait_dma2 semaphore(%run_scoped3A_81 : memref<!tpu.dma_semaphore, #tpu.memory_space<semaphore_mem>>) src(%arg8 : memref<80x128xf32, #tpu.memory_space<vmem>>) dst(%dma_wait3A_89 : memref<80x128xf32, #tpu.memory_space<vmem_shared>>)
      tpu.yield
    }) : () -> ()
    %mul3A_30 = arith.constant 640 : i32
    %mul3A_31 = arith.muli %arg1, %mul3A_30 : i32
    %add3A_32 = arith.constant 480 : i32
    %add3A_33 = arith.addi %mul3A_31, %add3A_32 : i32
    "tpu.region"() ({
      %run_scoped3A_81 = tpu.sem_alloc : memref<!tpu.dma_semaphore, #tpu.memory_space<semaphore_mem>>
      %dma_start3A_82 = arith.constant 0 : i32
      %dma_start3A_83 = tpu.memref_slice %arg10[%add3A_33, %dma_start3A_82] : memref<10240x128xf32, #tpu.memory_space<vmem_shared>> -> memref<80x128xf32, #tpu.memory_space<vmem_shared>>
      %dma_start3A_84 = arith.constant 0 : i32
      %dma_start3A_85 = tpu.memref_slice %arg10[%add3A_33, %dma_start3A_84] : memref<10240x128xf32, #tpu.memory_space<vmem_shared>> -> memref<80x128xf32, #tpu.memory_space<vmem_shared>>
      tpu.enqueue_dma source(%arg8 : memref<80x128xf32, #tpu.memory_space<vmem>>) target(%dma_start3A_85 : memref<80x128xf32, #tpu.memory_space<vmem_shared>>) target_semaphore(%run_scoped3A_81 : memref<!tpu.dma_semaphore, #tpu.memory_space<semaphore_mem>>)
      %dma_wait3A_86 = arith.constant 0 : i32
      %dma_wait3A_87 = tpu.memref_slice %arg10[%add3A_33, %dma_wait3A_86] : memref<10240x128xf32, #tpu.memory_space<vmem_shared>> -> memref<80x128xf32, #tpu.memory_space<vmem_shared>>
      %dma_wait3A_88 = arith.constant 0 : i32
      %dma_wait3A_89 = tpu.memref_slice %arg10[%add3A_33, %dma_wait3A_88] : memref<10240x128xf32, #tpu.memory_space<vmem_shared>> -> memref<80x128xf32, #tpu.memory_space<vmem_shared>>
      tpu.wait_dma2 semaphore(%run_scoped3A_81 : memref<!tpu.dma_semaphore, #tpu.memory_space<semaphore_mem>>) src(%arg8 : memref<80x128xf32, #tpu.memory_space<vmem>>) dst(%dma_wait3A_89 : memref<80x128xf32, #tpu.memory_space<vmem_shared>>)
      tpu.yield
    }) : () -> ()
    %mul3A_34 = arith.constant 640 : i32
    %mul3A_35 = arith.muli %arg1, %mul3A_34 : i32
    %add3A_36 = arith.constant 560 : i32
    %add3A_37 = arith.addi %mul3A_35, %add3A_36 : i32
    "tpu.region"() ({
      %run_scoped3A_81 = tpu.sem_alloc : memref<!tpu.dma_semaphore, #tpu.memory_space<semaphore_mem>>
      %dma_start3A_82 = arith.constant 0 : i32
      %dma_start3A_83 = tpu.memref_slice %arg10[%add3A_37, %dma_start3A_82] : memref<10240x128xf32, #tpu.memory_space<vmem_shared>> -> memref<80x128xf32, #tpu.memory_space<vmem_shared>>
      %dma_start3A_84 = arith.constant 0 : i32
      %dma_start3A_85 = tpu.memref_slice %arg10[%add3A_37, %dma_start3A_84] : memref<10240x128xf32, #tpu.memory_space<vmem_shared>> -> memref<80x128xf32, #tpu.memory_space<vmem_shared>>
      tpu.enqueue_dma source(%arg8 : memref<80x128xf32, #tpu.memory_space<vmem>>) target(%dma_start3A_85 : memref<80x128xf32, #tpu.memory_space<vmem_shared>>) target_semaphore(%run_scoped3A_81 : memref<!tpu.dma_semaphore, #tpu.memory_space<semaphore_mem>>)
      %dma_wait3A_86 = arith.constant 0 : i32
      %dma_wait3A_87 = tpu.memref_slice %arg10[%add3A_37, %dma_wait3A_86] : memref<10240x128xf32, #tpu.memory_space<vmem_shared>> -> memref<80x128xf32, #tpu.memory_space<vmem_shared>>
      %dma_wait3A_88 = arith.constant 0 : i32
      %dma_wait3A_89 = tpu.memref_slice %arg10[%add3A_37, %dma_wait3A_88] : memref<10240x128xf32, #tpu.memory_space<vmem_shared>> -> memref<80x128xf32, #tpu.memory_space<vmem_shared>>
      tpu.wait_dma2 semaphore(%run_scoped3A_81 : memref<!tpu.dma_semaphore, #tpu.memory_space<semaphore_mem>>) src(%arg8 : memref<80x128xf32, #tpu.memory_space<vmem>>) dst(%dma_wait3A_89 : memref<80x128xf32, #tpu.memory_space<vmem_shared>>)
      tpu.yield
    }) : () -> ()
    %barrier3A = arith.constant 0 : index
    tpu.barrier barrier_id(%barrier3A)
    %dma_start3A = arith.constant 0 : i32
    %dma_start3A_38 = tpu.memref_slice %arg6[%dma_start3A] : memref<10000xi32, #tpu.memory_space<vmem>> -> memref<80xi32, #tpu.memory_space<vmem>>
    %dma_start3A_39 = arith.constant 0 : i32
    %dma_start3A_40 = arith.constant 0 : i32
    %dma_start3A_41 = tpu.memref_slice %arg2[%dma_start3A_39, %dma_start3A_40] : memref<10000x128xf32, #tpu.memory_space<hbm>> -> memref<10000x128xf32, #tpu.memory_space<hbm>>
    tpu.enqueue_indirect_dma source(%dma_start3A_41 : memref<10000x128xf32, #tpu.memory_space<hbm>>) target(%arg8 : memref<80x128xf32, #tpu.memory_space<vmem>>) offsets(%dma_start3A_38 : memref<80xi32, #tpu.memory_space<vmem>>) semaphore(%arg11 : memref<!tpu.dma_semaphore, #tpu.memory_space<semaphore_mem>>)
    %dma_start3A_42 = arith.constant 80 : i32
    %dma_start3A_43 = tpu.memref_slice %arg6[%dma_start3A_42] : memref<10000xi32, #tpu.memory_space<vmem>> -> memref<80xi32, #tpu.memory_space<vmem>>
    %dma_start3A_44 = arith.constant 0 : i32
    %dma_start3A_45 = arith.constant 0 : i32
    %dma_start3A_46 = tpu.memref_slice %arg2[%dma_start3A_44, %dma_start3A_45] : memref<10000x128xf32, #tpu.memory_space<hbm>> -> memref<10000x128xf32, #tpu.memory_space<hbm>>
    tpu.enqueue_indirect_dma source(%dma_start3A_46 : memref<10000x128xf32, #tpu.memory_space<hbm>>) target(%arg9 : memref<80x128xf32, #tpu.memory_space<vmem>>) offsets(%dma_start3A_43 : memref<80xi32, #tpu.memory_space<vmem>>) semaphore(%arg12 : memref<!tpu.dma_semaphore, #tpu.memory_space<semaphore_mem>>)
    %scan3A_47 = arith.constant 0 : i32
    %scan3A_48 = arith.constant 61 : i32
    %scan3A_49 = arith.addi %scan3A_47, %scan3A_48 : i32
    %scan3A_50 = arith.constant 1 : i32
    scf.for %scan3A_81 = %scan3A_47 to %scan3A_49 step %scan3A_50  : i32 {
      %mul3A_82 = arith.constant 2 : i32
      %mul3A_83 = arith.muli %mul3A_82, %scan3A_81 : i32
      %dma_wait3A_84 = arith.constant 0 : i32
      %dma_wait3A_85 = arith.constant 0 : i32
      %dma_wait3A_86 = tpu.memref_slice %arg2[%dma_wait3A_84, %dma_wait3A_85] : memref<10000x128xf32, #tpu.memory_space<hbm>> -> memref<80x128xf32, #tpu.memory_space<hbm>>
      %dma_wait3A_87 = arith.constant 0 : i32
      %dma_wait3A_88 = arith.constant 0 : i32
      %dma_wait3A_89 = tpu.memref_slice %arg2[%dma_wait3A_87, %dma_wait3A_88] : memref<10000x128xf32, #tpu.memory_space<hbm>> -> memref<80x128xf32, #tpu.memory_space<hbm>>
      tpu.wait_dma2 semaphore(%arg11 : memref<!tpu.dma_semaphore, #tpu.memory_space<semaphore_mem>>) src(%dma_wait3A_89 : memref<80x128xf32, #tpu.memory_space<hbm>>) dst(%arg8 : memref<80x128xf32, #tpu.memory_space<vmem>>)
      "tpu.region"() ({
        %run_scoped3A_114 = tpu.sem_alloc : memref<!tpu.dma_semaphore, #tpu.memory_space<semaphore_mem>>
        %dma_start3A_115 = arith.constant 0 : i32
        %dma_start3A_116 = tpu.memref_slice %arg7[%mul3A_83, %dma_start3A_115] : memref<125x80xi32, #tpu.memory_space<vmem>> -> memref<1x80xi32, #tpu.memory_space<vmem>>
        %dma_start3A_117 = tpu.memref_squeeze %dma_start3A_116 : memref<1x80xi32, #tpu.memory_space<vmem>> -> memref<80xi32, #tpu.memory_space<vmem>>
        %dma_start3A_118 = arith.constant 0 : i32
        %dma_start3A_119 = arith.constant 0 : i32
        %dma_start3A_120 = tpu.memref_slice %arg10[%dma_start3A_118, %dma_start3A_119] : memref<10240x128xf32, #tpu.memory_space<vmem_shared>> -> memref<10240x128xf32, #tpu.memory_space<vmem_shared>>
        tpu.enqueue_indirect_dma source(%arg8 : memref<80x128xf32, #tpu.memory_space<vmem>>) target(%dma_start3A_120 : memref<10240x128xf32, #tpu.memory_space<vmem_shared>>) offsets(%dma_start3A_117 : memref<80xi32, #tpu.memory_space<vmem>>) semaphore(%run_scoped3A_114 : memref<!tpu.dma_semaphore, #tpu.memory_space<semaphore_mem>>) {add = true}
        %dma_wait3A_121 = arith.constant 0 : i32
        %dma_wait3A_122 = tpu.memref_slice %arg7[%mul3A_83, %dma_wait3A_121] : memref<125x80xi32, #tpu.memory_space<vmem>> -> memref<1x80xi32, #tpu.memory_space<vmem>>
        %dma_wait3A_123 = tpu.memref_squeeze %dma_wait3A_122 : memref<1x80xi32, #tpu.memory_space<vmem>> -> memref<80xi32, #tpu.memory_space<vmem>>
        %dma_wait3A_124 = arith.constant 0 : i32
        %dma_wait3A_125 = arith.constant 0 : i32
        %dma_wait3A_126 = tpu.memref_slice %arg10[%dma_wait3A_124, %dma_wait3A_125] : memref<10240x128xf32, #tpu.memory_space<vmem_shared>> -> memref<10240x128xf32, #tpu.memory_space<vmem_shared>>
        tpu.wait_indirect_dma semaphore(%run_scoped3A_114 : memref<!tpu.dma_semaphore, #tpu.memory_space<semaphore_mem>>) src(%arg8 : memref<80x128xf32, #tpu.memory_space<vmem>>) dst(%dma_wait3A_126 : memref<10240x128xf32, #tpu.memory_space<vmem_shared>>)
        tpu.yield
      }) : () -> ()
      %add3A_90 = arith.constant 2 : i32
      %add3A_91 = arith.addi %mul3A_83, %add3A_90 : i32
      %mul3A_92 = arith.constant 80 : i32
      %mul3A_93 = arith.muli %add3A_91, %mul3A_92 : i32
      %dma_start3A_94 = tpu.memref_slice %arg6[%mul3A_93] : memref<10000xi32, #tpu.memory_space<vmem>> -> memref<80xi32, #tpu.memory_space<vmem>>
      %dma_start3A_95 = arith.constant 0 : i32
      %dma_start3A_96 = arith.constant 0 : i32
      %dma_start3A_97 = tpu.memref_slice %arg2[%dma_start3A_95, %dma_start3A_96] : memref<10000x128xf32, #tpu.memory_space<hbm>> -> memref<10000x128xf32, #tpu.memory_space<hbm>>
      tpu.enqueue_indirect_dma source(%dma_start3A_97 : memref<10000x128xf32, #tpu.memory_space<hbm>>) target(%arg8 : memref<80x128xf32, #tpu.memory_space<vmem>>) offsets(%dma_start3A_94 : memref<80xi32, #tpu.memory_space<vmem>>) semaphore(%arg11 : memref<!tpu.dma_semaphore, #tpu.memory_space<semaphore_mem>>)
      %dma_wait3A_98 = arith.constant 0 : i32
      %dma_wait3A_99 = arith.constant 0 : i32
      %dma_wait3A_100 = tpu.memref_slice %arg2[%dma_wait3A_98, %dma_wait3A_99] : memref<10000x128xf32, #tpu.memory_space<hbm>> -> memref<80x128xf32, #tpu.memory_space<hbm>>
      %dma_wait3A_101 = arith.constant 0 : i32
      %dma_wait3A_102 = arith.constant 0 : i32
      %dma_wait3A_103 = tpu.memref_slice %arg2[%dma_wait3A_101, %dma_wait3A_102] : memref<10000x128xf32, #tpu.memory_space<hbm>> -> memref<80x128xf32, #tpu.memory_space<hbm>>
      tpu.wait_dma2 semaphore(%arg12 : memref<!tpu.dma_semaphore, #tpu.memory_space<semaphore_mem>>) src(%dma_wait3A_103 : memref<80x128xf32, #tpu.memory_space<hbm>>) dst(%arg9 : memref<80x128xf32, #tpu.memory_space<vmem>>)
      %add3A_104 = arith.constant 1 : i32
      %add3A_105 = arith.addi %mul3A_83, %add3A_104 : i32
      "tpu.region"() ({
        %run_scoped3A_114 = tpu.sem_alloc : memref<!tpu.dma_semaphore, #tpu.memory_space<semaphore_mem>>
        %dma_start3A_115 = arith.constant 0 : i32
        %dma_start3A_116 = tpu.memref_slice %arg7[%add3A_105, %dma_start3A_115] : memref<125x80xi32, #tpu.memory_space<vmem>> -> memref<1x80xi32, #tpu.memory_space<vmem>>
        %dma_start3A_117 = tpu.memref_squeeze %dma_start3A_116 : memref<1x80xi32, #tpu.memory_space<vmem>> -> memref<80xi32, #tpu.memory_space<vmem>>
        %dma_start3A_118 = arith.constant 0 : i32
        %dma_start3A_119 = arith.constant 0 : i32
        %dma_start3A_120 = tpu.memref_slice %arg10[%dma_start3A_118, %dma_start3A_119] : memref<10240x128xf32, #tpu.memory_space<vmem_shared>> -> memref<10240x128xf32, #tpu.memory_space<vmem_shared>>
        tpu.enqueue_indirect_dma source(%arg9 : memref<80x128xf32, #tpu.memory_space<vmem>>) target(%dma_start3A_120 : memref<10240x128xf32, #tpu.memory_space<vmem_shared>>) offsets(%dma_start3A_117 : memref<80xi32, #tpu.memory_space<vmem>>) semaphore(%run_scoped3A_114 : memref<!tpu.dma_semaphore, #tpu.memory_space<semaphore_mem>>) {add = true}
        %dma_wait3A_121 = arith.constant 0 : i32
        %dma_wait3A_122 = tpu.memref_slice %arg7[%add3A_105, %dma_wait3A_121] : memref<125x80xi32, #tpu.memory_space<vmem>> -> memref<1x80xi32, #tpu.memory_space<vmem>>
        %dma_wait3A_123 = tpu.memref_squeeze %dma_wait3A_122 : memref<1x80xi32, #tpu.memory_space<vmem>> -> memref<80xi32, #tpu.memory_space<vmem>>
        %dma_wait3A_124 = arith.constant 0 : i32
        %dma_wait3A_125 = arith.constant 0 : i32
        %dma_wait3A_126 = tpu.memref_slice %arg10[%dma_wait3A_124, %dma_wait3A_125] : memref<10240x128xf32, #tpu.memory_space<vmem_shared>> -> memref<10240x128xf32, #tpu.memory_space<vmem_shared>>
        tpu.wait_indirect_dma semaphore(%run_scoped3A_114 : memref<!tpu.dma_semaphore, #tpu.memory_space<semaphore_mem>>) src(%arg9 : memref<80x128xf32, #tpu.memory_space<vmem>>) dst(%dma_wait3A_126 : memref<10240x128xf32, #tpu.memory_space<vmem_shared>>)
        tpu.yield
      }) : () -> ()
      %add3A_106 = arith.constant 3 : i32
      %add3A_107 = arith.addi %mul3A_83, %add3A_106 : i32
      %mul3A_108 = arith.constant 80 : i32
      %mul3A_109 = arith.muli %add3A_107, %mul3A_108 : i32
      %dma_start3A_110 = tpu.memref_slice %arg6[%mul3A_109] : memref<10000xi32, #tpu.memory_space<vmem>> -> memref<80xi32, #tpu.memory_space<vmem>>
      %dma_start3A_111 = arith.constant 0 : i32
      %dma_start3A_112 = arith.constant 0 : i32
      %dma_start3A_113 = tpu.memref_slice %arg2[%dma_start3A_111, %dma_start3A_112] : memref<10000x128xf32, #tpu.memory_space<hbm>> -> memref<10000x128xf32, #tpu.memory_space<hbm>>
      tpu.enqueue_indirect_dma source(%dma_start3A_113 : memref<10000x128xf32, #tpu.memory_space<hbm>>) target(%arg9 : memref<80x128xf32, #tpu.memory_space<vmem>>) offsets(%dma_start3A_110 : memref<80xi32, #tpu.memory_space<vmem>>) semaphore(%arg12 : memref<!tpu.dma_semaphore, #tpu.memory_space<semaphore_mem>>)
    }
    %scan3A_51 = arith.constant 61 : i32
    %dma_wait3A = arith.constant 0 : i32
    %dma_wait3A_52 = arith.constant 0 : i32
    %dma_wait3A_53 = tpu.memref_slice %arg2[%dma_wait3A, %dma_wait3A_52] : memref<10000x128xf32, #tpu.memory_space<hbm>> -> memref<80x128xf32, #tpu.memory_space<hbm>>
    %dma_wait3A_54 = arith.constant 0 : i32
    %dma_wait3A_55 = arith.constant 0 : i32
    %dma_wait3A_56 = tpu.memref_slice %arg2[%dma_wait3A_54, %dma_wait3A_55] : memref<10000x128xf32, #tpu.memory_space<hbm>> -> memref<80x128xf32, #tpu.memory_space<hbm>>
    tpu.wait_dma2 semaphore(%arg11 : memref<!tpu.dma_semaphore, #tpu.memory_space<semaphore_mem>>) src(%dma_wait3A_56 : memref<80x128xf32, #tpu.memory_space<hbm>>) dst(%arg8 : memref<80x128xf32, #tpu.memory_space<vmem>>)
    %run_scoped3A = arith.constant 122 : i32
    "tpu.region"() ({
      %run_scoped3A_81 = tpu.sem_alloc : memref<!tpu.dma_semaphore, #tpu.memory_space<semaphore_mem>>
      %dma_start3A_82 = arith.constant 0 : i32
      %dma_start3A_83 = tpu.memref_slice %arg7[%run_scoped3A, %dma_start3A_82] : memref<125x80xi32, #tpu.memory_space<vmem>> -> memref<1x80xi32, #tpu.memory_space<vmem>>
      %dma_start3A_84 = tpu.memref_squeeze %dma_start3A_83 : memref<1x80xi32, #tpu.memory_space<vmem>> -> memref<80xi32, #tpu.memory_space<vmem>>
      %dma_start3A_85 = arith.constant 0 : i32
      %dma_start3A_86 = arith.constant 0 : i32
      %dma_start3A_87 = tpu.memref_slice %arg10[%dma_start3A_85, %dma_start3A_86] : memref<10240x128xf32, #tpu.memory_space<vmem_shared>> -> memref<10240x128xf32, #tpu.memory_space<vmem_shared>>
      tpu.enqueue_indirect_dma source(%arg8 : memref<80x128xf32, #tpu.memory_space<vmem>>) target(%dma_start3A_87 : memref<10240x128xf32, #tpu.memory_space<vmem_shared>>) offsets(%dma_start3A_84 : memref<80xi32, #tpu.memory_space<vmem>>) semaphore(%run_scoped3A_81 : memref<!tpu.dma_semaphore, #tpu.memory_space<semaphore_mem>>) {add = true}
      %dma_wait3A_88 = arith.constant 0 : i32
      %dma_wait3A_89 = tpu.memref_slice %arg7[%run_scoped3A, %dma_wait3A_88] : memref<125x80xi32, #tpu.memory_space<vmem>> -> memref<1x80xi32, #tpu.memory_space<vmem>>
      %dma_wait3A_90 = tpu.memref_squeeze %dma_wait3A_89 : memref<1x80xi32, #tpu.memory_space<vmem>> -> memref<80xi32, #tpu.memory_space<vmem>>
      %dma_wait3A_91 = arith.constant 0 : i32
      %dma_wait3A_92 = arith.constant 0 : i32
      %dma_wait3A_93 = tpu.memref_slice %arg10[%dma_wait3A_91, %dma_wait3A_92] : memref<10240x128xf32, #tpu.memory_space<vmem_shared>> -> memref<10240x128xf32, #tpu.memory_space<vmem_shared>>
      tpu.wait_indirect_dma semaphore(%run_scoped3A_81 : memref<!tpu.dma_semaphore, #tpu.memory_space<semaphore_mem>>) src(%arg8 : memref<80x128xf32, #tpu.memory_space<vmem>>) dst(%dma_wait3A_93 : memref<10240x128xf32, #tpu.memory_space<vmem_shared>>)
      tpu.yield
    }) : () -> ()
    %dma_start3A_57 = arith.constant 9920 : i32
    %dma_start3A_58 = tpu.memref_slice %arg6[%dma_start3A_57] : memref<10000xi32, #tpu.memory_space<vmem>> -> memref<80xi32, #tpu.memory_space<vmem>>
    %dma_start3A_59 = arith.constant 0 : i32
    %dma_start3A_60 = arith.constant 0 : i32
    %dma_start3A_61 = tpu.memref_slice %arg2[%dma_start3A_59, %dma_start3A_60] : memref<10000x128xf32, #tpu.memory_space<hbm>> -> memref<10000x128xf32, #tpu.memory_space<hbm>>
    tpu.enqueue_indirect_dma source(%dma_start3A_61 : memref<10000x128xf32, #tpu.memory_space<hbm>>) target(%arg8 : memref<80x128xf32, #tpu.memory_space<vmem>>) offsets(%dma_start3A_58 : memref<80xi32, #tpu.memory_space<vmem>>) semaphore(%arg11 : memref<!tpu.dma_semaphore, #tpu.memory_space<semaphore_mem>>)
    %dma_wait3A_62 = arith.constant 0 : i32
    %dma_wait3A_63 = arith.constant 0 : i32
    %dma_wait3A_64 = tpu.memref_slice %arg2[%dma_wait3A_62, %dma_wait3A_63] : memref<10000x128xf32, #tpu.memory_space<hbm>> -> memref<80x128xf32, #tpu.memory_space<hbm>>
    %dma_wait3A_65 = arith.constant 0 : i32
    %dma_wait3A_66 = arith.constant 0 : i32
    %dma_wait3A_67 = tpu.memref_slice %arg2[%dma_wait3A_65, %dma_wait3A_66] : memref<10000x128xf32, #tpu.memory_space<hbm>> -> memref<80x128xf32, #tpu.memory_space<hbm>>
    tpu.wait_dma2 semaphore(%arg12 : memref<!tpu.dma_semaphore, #tpu.memory_space<semaphore_mem>>) src(%dma_wait3A_67 : memref<80x128xf32, #tpu.memory_space<hbm>>) dst(%arg9 : memref<80x128xf32, #tpu.memory_space<vmem>>)
    %run_scoped3A_68 = arith.constant 123 : i32
    "tpu.region"() ({
      %run_scoped3A_81 = tpu.sem_alloc : memref<!tpu.dma_semaphore, #tpu.memory_space<semaphore_mem>>
      %dma_start3A_82 = arith.constant 0 : i32
      %dma_start3A_83 = tpu.memref_slice %arg7[%run_scoped3A_68, %dma_start3A_82] : memref<125x80xi32, #tpu.memory_space<vmem>> -> memref<1x80xi32, #tpu.memory_space<vmem>>
      %dma_start3A_84 = tpu.memref_squeeze %dma_start3A_83 : memref<1x80xi32, #tpu.memory_space<vmem>> -> memref<80xi32, #tpu.memory_space<vmem>>
      %dma_start3A_85 = arith.constant 0 : i32
      %dma_start3A_86 = arith.constant 0 : i32
      %dma_start3A_87 = tpu.memref_slice %arg10[%dma_start3A_85, %dma_start3A_86] : memref<10240x128xf32, #tpu.memory_space<vmem_shared>> -> memref<10240x128xf32, #tpu.memory_space<vmem_shared>>
      tpu.enqueue_indirect_dma source(%arg9 : memref<80x128xf32, #tpu.memory_space<vmem>>) target(%dma_start3A_87 : memref<10240x128xf32, #tpu.memory_space<vmem_shared>>) offsets(%dma_start3A_84 : memref<80xi32, #tpu.memory_space<vmem>>) semaphore(%run_scoped3A_81 : memref<!tpu.dma_semaphore, #tpu.memory_space<semaphore_mem>>) {add = true}
      %dma_wait3A_88 = arith.constant 0 : i32
      %dma_wait3A_89 = tpu.memref_slice %arg7[%run_scoped3A_68, %dma_wait3A_88] : memref<125x80xi32, #tpu.memory_space<vmem>> -> memref<1x80xi32, #tpu.memory_space<vmem>>
      %dma_wait3A_90 = tpu.memref_squeeze %dma_wait3A_89 : memref<1x80xi32, #tpu.memory_space<vmem>> -> memref<80xi32, #tpu.memory_space<vmem>>
      %dma_wait3A_91 = arith.constant 0 : i32
      %dma_wait3A_92 = arith.constant 0 : i32
      %dma_wait3A_93 = tpu.memref_slice %arg10[%dma_wait3A_91, %dma_wait3A_92] : memref<10240x128xf32, #tpu.memory_space<vmem_shared>> -> memref<10240x128xf32, #tpu.memory_space<vmem_shared>>
      tpu.wait_indirect_dma semaphore(%run_scoped3A_81 : memref<!tpu.dma_semaphore, #tpu.memory_space<semaphore_mem>>) src(%arg9 : memref<80x128xf32, #tpu.memory_space<vmem>>) dst(%dma_wait3A_93 : memref<10240x128xf32, #tpu.memory_space<vmem_shared>>)
      tpu.yield
    }) : () -> ()
    %dma_wait3A_69 = arith.constant 0 : i32
    %dma_wait3A_70 = arith.constant 0 : i32
    %dma_wait3A_71 = tpu.memref_slice %arg2[%dma_wait3A_69, %dma_wait3A_70] : memref<10000x128xf32, #tpu.memory_space<hbm>> -> memref<80x128xf32, #tpu.memory_space<hbm>>
    %dma_wait3A_72 = arith.constant 0 : i32
    %dma_wait3A_73 = arith.constant 0 : i32
    %dma_wait3A_74 = tpu.memref_slice %arg2[%dma_wait3A_72, %dma_wait3A_73] : memref<10000x128xf32, #tpu.memory_space<hbm>> -> memref<80x128xf32, #tpu.memory_space<hbm>>
    tpu.wait_dma2 semaphore(%arg11 : memref<!tpu.dma_semaphore, #tpu.memory_space<semaphore_mem>>) src(%dma_wait3A_74 : memref<80x128xf32, #tpu.memory_space<hbm>>) dst(%arg8 : memref<80x128xf32, #tpu.memory_space<vmem>>)
    %run_scoped3A_75 = arith.constant 124 : i32
    "tpu.region"() ({
      %run_scoped3A_81 = tpu.sem_alloc : memref<!tpu.dma_semaphore, #tpu.memory_space<semaphore_mem>>
      %dma_start3A_82 = arith.constant 0 : i32
      %dma_start3A_83 = tpu.memref_slice %arg7[%run_scoped3A_75, %dma_start3A_82] : memref<125x80xi32, #tpu.memory_space<vmem>> -> memref<1x80xi32, #tpu.memory_space<vmem>>
      %dma_start3A_84 = tpu.memref_squeeze %dma_start3A_83 : memref<1x80xi32, #tpu.memory_space<vmem>> -> memref<80xi32, #tpu.memory_space<vmem>>
      %dma_start3A_85 = arith.constant 0 : i32
      %dma_start3A_86 = arith.constant 0 : i32
      %dma_start3A_87 = tpu.memref_slice %arg10[%dma_start3A_85, %dma_start3A_86] : memref<10240x128xf32, #tpu.memory_space<vmem_shared>> -> memref<10240x128xf32, #tpu.memory_space<vmem_shared>>
      tpu.enqueue_indirect_dma source(%arg8 : memref<80x128xf32, #tpu.memory_space<vmem>>) target(%dma_start3A_87 : memref<10240x128xf32, #tpu.memory_space<vmem_shared>>) offsets(%dma_start3A_84 : memref<80xi32, #tpu.memory_space<vmem>>) semaphore(%run_scoped3A_81 : memref<!tpu.dma_semaphore, #tpu.memory_space<semaphore_mem>>) {add = true}
      %dma_wait3A_88 = arith.constant 0 : i32
      %dma_wait3A_89 = tpu.memref_slice %arg7[%run_scoped3A_75, %dma_wait3A_88] : memref<125x80xi32, #tpu.memory_space<vmem>> -> memref<1x80xi32, #tpu.memory_space<vmem>>
      %dma_wait3A_90 = tpu.memref_squeeze %dma_wait3A_89 : memref<1x80xi32, #tpu.memory_space<vmem>> -> memref<80xi32, #tpu.memory_space<vmem>>
      %dma_wait3A_91 = arith.constant 0 : i32
      %dma_wait3A_92 = arith.constant 0 : i32
      %dma_wait3A_93 = tpu.memref_slice %arg10[%dma_wait3A_91, %dma_wait3A_92] : memref<10240x128xf32, #tpu.memory_space<vmem_shared>> -> memref<10240x128xf32, #tpu.memory_space<vmem_shared>>
      tpu.wait_indirect_dma semaphore(%run_scoped3A_81 : memref<!tpu.dma_semaphore, #tpu.memory_space<semaphore_mem>>) src(%arg8 : memref<80x128xf32, #tpu.memory_space<vmem>>) dst(%dma_wait3A_93 : memref<10240x128xf32, #tpu.memory_space<vmem_shared>>)
      tpu.yield
    }) : () -> ()
    %barrier3A_76 = arith.constant 0 : index
    tpu.barrier barrier_id(%barrier3A_76)
    %mul3A_77 = arith.constant 640 : i32
    %mul3A_78 = arith.muli %arg1, %mul3A_77 : i32
    %mul3A_79 = arith.constant 640 : i32
    %mul3A_80 = arith.muli %arg1, %mul3A_79 : i32
    "tpu.region"() ({
      %run_scoped3A_81 = tpu.sem_alloc : memref<!tpu.dma_semaphore, #tpu.memory_space<semaphore_mem>>
      %dma_start3A_82 = arith.constant 0 : i32
      %dma_start3A_83 = tpu.memref_slice %arg5[%arg0, %mul3A_80, %dma_start3A_82] : memref<2x10240x128xf32, #tpu.memory_space<hbm>> -> memref<1x640x128xf32, #tpu.memory_space<hbm>>
      %dma_start3A_84 = tpu.memref_squeeze %dma_start3A_83 : memref<1x640x128xf32, #tpu.memory_space<hbm>> -> memref<640x128xf32, #tpu.memory_space<hbm>>
      %dma_start3A_85 = arith.constant 0 : i32
      %dma_start3A_86 = tpu.memref_slice %arg10[%mul3A_78, %dma_start3A_85] : memref<10240x128xf32, #tpu.memory_space<vmem_shared>> -> memref<640x128xf32, #tpu.memory_space<vmem_shared>>
      tpu.enqueue_dma source(%dma_start3A_86 : memref<640x128xf32, #tpu.memory_space<vmem_shared>>) target(%dma_start3A_84 : memref<640x128xf32, #tpu.memory_space<hbm>>) target_semaphore(%run_scoped3A_81 : memref<!tpu.dma_semaphore, #tpu.memory_space<semaphore_mem>>)
      %dma_wait3A_87 = arith.constant 0 : i32
      %dma_wait3A_88 = tpu.memref_slice %arg5[%arg0, %mul3A_80, %dma_wait3A_87] : memref<2x10240x128xf32, #tpu.memory_space<hbm>> -> memref<1x640x128xf32, #tpu.memory_space<hbm>>
      %dma_wait3A_89 = tpu.memref_squeeze %dma_wait3A_88 : memref<1x640x128xf32, #tpu.memory_space<hbm>> -> memref<640x128xf32, #tpu.memory_space<hbm>>
      %dma_wait3A_90 = arith.constant 0 : i32
      %dma_wait3A_91 = tpu.memref_slice %arg10[%mul3A_78, %dma_wait3A_90] : memref<10240x128xf32, #tpu.memory_space<vmem_shared>> -> memref<640x128xf32, #tpu.memory_space<vmem_shared>>
      tpu.wait_dma2 semaphore(%run_scoped3A_81 : memref<!tpu.dma_semaphore, #tpu.memory_space<semaphore_mem>>) src(%dma_wait3A_91 : memref<640x128xf32, #tpu.memory_space<vmem_shared>>) dst(%dma_wait3A_89 : memref<640x128xf32, #tpu.memory_space<hbm>>)
      tpu.yield
    }) : () -> ()
    return
  }
}

#map = affine_map<(d0, d1) -> (0, 0)>
#map1 = affine_map<(d0, d1) -> (0, 0, 0)>
module attributes {stable_mosaic.version = 14 : i64} {
  func.func @_agg_body(%arg0: i32, %arg1: i32, %arg2: memref<10000x128xf32, #tpu.memory_space<hbm>>, %arg3: memref<32x10000xi32, #tpu.memory_space<hbm>>, %arg4: memref<32x125x80xi32, #tpu.memory_space<hbm>>, %arg5: memref<2x10240x128xf32, #tpu.memory_space<hbm>>, %arg6: memref<10000xi32, #tpu.memory_space<vmem>>, %arg7: memref<125x80xi32, #tpu.memory_space<vmem>>, %arg8: memref<80x128xf32, #tpu.memory_space<vmem>>, %arg9: memref<80x128xf32, #tpu.memory_space<vmem>>, %arg10: memref<10240x128xf32, #tpu.memory_space<vmem_shared>>, %arg11: memref<!tpu.dma_semaphore, #tpu.memory_space<semaphore_mem>>, %arg12: memref<!tpu.dma_semaphore, #tpu.memory_space<semaphore_mem>>) attributes {dimension_semantics = [#tpu.dimension_semantics<core_parallel>, #tpu.dimension_semantics<subcore_parallel>], iteration_bounds = array<i64: 2, 16>, scalar_prefetch = 0 : i64, scratch_operands = 7 : i64, tpu.core_type = #tpu.core_type<sc_vector_subcore>, window_params = [{transform_indices = #map}, {transform_indices = #map}, {transform_indices = #map1}, {transform_indices = #map1}]} {
    %mul3A = arith.constant 16 : i32
    %mul3A_0 = arith.muli %arg0, %mul3A : i32
    %add3A = arith.addi %mul3A_0, %arg1 : i32
    "tpu.region"() ({
      %run_scoped3A_81 = tpu.sem_alloc : memref<!tpu.dma_semaphore, #tpu.memory_space<semaphore_mem>>
      %dma_start3A_82 = arith.constant 0 : i32
      %dma_start3A_83 = tpu.memref_slice %arg3[%add3A, %dma_start3A_82] : memref<32x10000xi32, #tpu.memory_space<hbm>> -> memref<1x10000xi32, #tpu.memory_space<hbm>>
      %dma_start3A_84 = tpu.memref_squeeze %dma_start3A_83 : memref<1x10000xi32, #tpu.memory_space<hbm>> -> memref<10000xi32, #tpu.memory_space<hbm>>
      %dma_start3A_85 = arith.constant 0 : i32
      %dma_start3A_86 = tpu.memref_slice %arg3[%add3A, %dma_start3A_85] : memref<32x10000xi32, #tpu.memory_space<hbm>> -> memref<1x10000xi32, #tpu.memory_space<hbm>>
      %dma_start3A_87 = tpu.memref_squeeze %dma_start3A_86 : memref<1x10000xi32, #tpu.memory_space<hbm>> -> memref<10000xi32, #tpu.memory_space<hbm>>
      tpu.enqueue_dma source(%dma_start3A_87 : memref<10000xi32, #tpu.memory_space<hbm>>) target(%arg6 : memref<10000xi32, #tpu.memory_space<vmem>>) target_semaphore(%run_scoped3A_81 : memref<!tpu.dma_semaphore, #tpu.memory_space<semaphore_mem>>)
      %dma_wait3A_88 = arith.constant 0 : i32
      %dma_wait3A_89 = tpu.memref_slice %arg3[%add3A, %dma_wait3A_88] : memref<32x10000xi32, #tpu.memory_space<hbm>> -> memref<1x10000xi32, #tpu.memory_space<hbm>>
      %dma_wait3A_90 = tpu.memref_squeeze %dma_wait3A_89 : memref<1x10000xi32, #tpu.memory_space<hbm>> -> memref<10000xi32, #tpu.memory_space<hbm>>
      %dma_wait3A_91 = arith.constant 0 : i32
      %dma_wait3A_92 = tpu.memref_slice %arg3[%add3A, %dma_wait3A_91] : memref<32x10000xi32, #tpu.memory_space<hbm>> -> memref<1x10000xi32, #tpu.memory_space<hbm>>
      %dma_wait3A_93 = tpu.memref_squeeze %dma_wait3A_92 : memref<1x10000xi32, #tpu.memory_space<hbm>> -> memref<10000xi32, #tpu.memory_space<hbm>>
      tpu.wait_dma2 semaphore(%run_scoped3A_81 : memref<!tpu.dma_semaphore, #tpu.memory_space<semaphore_mem>>) src(%dma_wait3A_93 : memref<10000xi32, #tpu.memory_space<hbm>>) dst(%arg6 : memref<10000xi32, #tpu.memory_space<vmem>>)
      tpu.yield
    }) : () -> ()
    "tpu.region"() ({
      %run_scoped3A_81 = tpu.sem_alloc : memref<!tpu.dma_semaphore, #tpu.memory_space<semaphore_mem>>
      %dma_start3A_82 = arith.constant 0 : i32
      %dma_start3A_83 = arith.constant 0 : i32
      %dma_start3A_84 = tpu.memref_slice %arg4[%add3A, %dma_start3A_82, %dma_start3A_83] : memref<32x125x80xi32, #tpu.memory_space<hbm>> -> memref<1x125x80xi32, #tpu.memory_space<hbm>>
      %dma_start3A_85 = tpu.memref_squeeze %dma_start3A_84 : memref<1x125x80xi32, #tpu.memory_space<hbm>> -> memref<125x80xi32, #tpu.memory_space<hbm>>
      %dma_start3A_86 = arith.constant 0 : i32
      %dma_start3A_87 = arith.constant 0 : i32
      %dma_start3A_88 = tpu.memref_slice %arg4[%add3A, %dma_start3A_86, %dma_start3A_87] : memref<32x125x80xi32, #tpu.memory_space<hbm>> -> memref<1x125x80xi32, #tpu.memory_space<hbm>>
      %dma_start3A_89 = tpu.memref_squeeze %dma_start3A_88 : memref<1x125x80xi32, #tpu.memory_space<hbm>> -> memref<125x80xi32, #tpu.memory_space<hbm>>
      tpu.enqueue_dma source(%dma_start3A_89 : memref<125x80xi32, #tpu.memory_space<hbm>>) target(%arg7 : memref<125x80xi32, #tpu.memory_space<vmem>>) target_semaphore(%run_scoped3A_81 : memref<!tpu.dma_semaphore, #tpu.memory_space<semaphore_mem>>)
      %dma_wait3A_90 = arith.constant 0 : i32
      %dma_wait3A_91 = arith.constant 0 : i32
      %dma_wait3A_92 = tpu.memref_slice %arg4[%add3A, %dma_wait3A_90, %dma_wait3A_91] : memref<32x125x80xi32, #tpu.memory_space<hbm>> -> memref<1x125x80xi32, #tpu.memory_space<hbm>>
      %dma_wait3A_93 = tpu.memref_squeeze %dma_wait3A_92 : memref<1x125x80xi32, #tpu.memory_space<hbm>> -> memref<125x80xi32, #tpu.memory_space<hbm>>
      %dma_wait3A_94 = arith.constant 0 : i32
      %dma_wait3A_95 = arith.constant 0 : i32
      %dma_wait3A_96 = tpu.memref_slice %arg4[%add3A, %dma_wait3A_94, %dma_wait3A_95] : memref<32x125x80xi32, #tpu.memory_space<hbm>> -> memref<1x125x80xi32, #tpu.memory_space<hbm>>
      %dma_wait3A_97 = tpu.memref_squeeze %dma_wait3A_96 : memref<1x125x80xi32, #tpu.memory_space<hbm>> -> memref<125x80xi32, #tpu.memory_space<hbm>>
      tpu.wait_dma2 semaphore(%run_scoped3A_81 : memref<!tpu.dma_semaphore, #tpu.memory_space<semaphore_mem>>) src(%dma_wait3A_97 : memref<125x80xi32, #tpu.memory_space<hbm>>) dst(%arg7 : memref<125x80xi32, #tpu.memory_space<vmem>>)
      tpu.yield
    }) : () -> ()
    %broadcast_in_dim3A = arith.constant 0.000000e+00 : f32
    %broadcast_in_dim3A_1 = vector.broadcast %broadcast_in_dim3A : f32 to vector<16xf32>
    %scan3A = arith.constant 0 : i32
    %scan3A_2 = arith.constant 640 : i32
    %scan3A_3 = arith.addi %scan3A, %scan3A_2 : i32
    %scan3A_4 = arith.constant 1 : i32
    scf.for %scan3A_81 = %scan3A to %scan3A_3 step %scan3A_4  : i32 {
      %jit3A = arith.constant 8 : i32
      %div3A = arith.divsi %scan3A_81, %jit3A : i32
      %sign3A = arith.constant 0 : i32
      %sign3A_82 = arith.cmpi sgt, %scan3A_81, %sign3A : i32
      %sign3A_83 = arith.extui %sign3A_82 : i1 to i32
      %sign3A_84 = arith.constant 0 : i32
      %sign3A_85 = arith.cmpi slt, %scan3A_81, %sign3A_84 : i32
      %sign3A_86 = arith.extui %sign3A_85 : i1 to i32
      %sign3A_87 = arith.subi %sign3A_83, %sign3A_86 : i32
      %sign3A_88 = arith.constant 0 : i32
      %sign3A_89 = arith.cmpi sgt, %jit3A, %sign3A_88 : i32
      %sign3A_90 = arith.extui %sign3A_89 : i1 to i32
      %sign3A_91 = arith.constant 0 : i32
      %sign3A_92 = arith.cmpi slt, %jit3A, %sign3A_91 : i32
      %sign3A_93 = arith.extui %sign3A_92 : i1 to i32
      %sign3A_94 = arith.subi %sign3A_90, %sign3A_93 : i32
      %ne3A = arith.cmpi ne, %sign3A_87, %sign3A_94 : i32
      %rem3A = arith.remsi %scan3A_81, %jit3A : i32
      %ne3A_95 = arith.constant 0 : i32
      %ne3A_96 = arith.cmpi ne, %rem3A, %ne3A_95 : i32
      %and3A = arith.andi %ne3A, %ne3A_96 : i1
      %sub3A = arith.constant 1 : i32
      %sub3A_97 = arith.subi %div3A, %sub3A : i32
      %select_n3A = arith.select %and3A, %sub3A_97, %div3A : i32
      %jit3A_98 = arith.constant 8 : i32
      %eq3A = arith.constant 0 : i32
      %eq3A_99 = arith.cmpi eq, %jit3A_98, %eq3A : i32
      %jit3A_100 = arith.constant 1 : i32
      %select_n3A_101 = arith.select %eq3A_99, %jit3A_100, %jit3A_98 : i32
      %rem3A_102 = arith.remsi %scan3A_81, %select_n3A_101 : i32
      %ne3A_103 = arith.constant 0 : i32
      %ne3A_104 = arith.cmpi ne, %rem3A_102, %ne3A_103 : i32
      %lt3A = arith.constant 0 : i32
      %lt3A_105 = arith.cmpi slt, %rem3A_102, %lt3A : i32
      %lt3A_106 = arith.constant 0 : i32
      %lt3A_107 = arith.cmpi slt, %select_n3A_101, %lt3A_106 : i32
      %ne3A_108 = arith.xori %lt3A_105, %lt3A_107 : i1
      %and3A_109 = arith.andi %ne3A_108, %ne3A_104 : i1
      %add3A_110 = arith.addi %rem3A_102, %select_n3A_101 : i32
      %select_n3A_111 = arith.select %and3A_109, %add3A_110, %rem3A_102 : i32
      %mul3A_112 = arith.constant 16 : i32
      %mul3A_113 = arith.muli %select_n3A_111, %mul3A_112 : i32
      %swap3A = arith.index_cast %select_n3A : i32 to index
      %swap3A_114 = arith.index_cast %mul3A_113 : i32 to index
      %swap3A_115 = tpu.vector_load %arg8[%swap3A, %swap3A_114] {strides = array<i32>} : memref<80x128xf32, #tpu.memory_space<vmem>>, vector<1x16xf32>,
      %swap3A_116 = vector.shape_cast %swap3A_115 : vector<1x16xf32> to vector<16xf32>
      %swap3A_117 = vector.shape_cast %broadcast_in_dim3A_1 : vector<16xf32> to vector<1x16xf32>
      tpu.vector_store %arg8[%swap3A, %swap3A_114], %swap3A_117 {strides = array<i32>} : memref<80x128xf32, #tpu.memory_space<vmem>>, vector<1x16xf32>,
    }
    %scan3A_5 = arith.constant 640 : i32
    %mul3A_6 = arith.constant 640 : i32
    %mul3A_7 = arith.muli %arg1, %mul3A_6 : i32
    %add3A_8 = arith.constant 0 : i32
    %add3A_9 = arith.addi %mul3A_7, %add3A_8 : i32
    "tpu.region"() ({
      %run_scoped3A_81 = tpu.sem_alloc : memref<!tpu.dma_semaphore, #tpu.memory_space<semaphore_mem>>
      %dma_start3A_82 = arith.constant 0 : i32
      %dma_start3A_83 = tpu.memref_slice %arg10[%add3A_9, %dma_start3A_82] : memref<10240x128xf32, #tpu.memory_space<vmem_shared>> -> memref<80x128xf32, #tpu.memory_space<vmem_shared>>
      %dma_start3A_84 = arith.constant 0 : i32
      %dma_start3A_85 = tpu.memref_slice %arg10[%add3A_9, %dma_start3A_84] : memref<10240x128xf32, #tpu.memory_space<vmem_shared>> -> memref<80x128xf32, #tpu.memory_space<vmem_shared>>
      tpu.enqueue_dma source(%arg8 : memref<80x128xf32, #tpu.memory_space<vmem>>) target(%dma_start3A_85 : memref<80x128xf32, #tpu.memory_space<vmem_shared>>) target_semaphore(%run_scoped3A_81 : memref<!tpu.dma_semaphore, #tpu.memory_space<semaphore_mem>>)
      %dma_wait3A_86 = arith.constant 0 : i32
      %dma_wait3A_87 = tpu.memref_slice %arg10[%add3A_9, %dma_wait3A_86] : memref<10240x128xf32, #tpu.memory_space<vmem_shared>> -> memref<80x128xf32, #tpu.memory_space<vmem_shared>>
      %dma_wait3A_88 = arith.constant 0 : i32
      %dma_wait3A_89 = tpu.memref_slice %arg10[%add3A_9, %dma_wait3A_88] : memref<10240x128xf32, #tpu.memory_space<vmem_shared>> -> memref<80x128xf32, #tpu.memory_space<vmem_shared>>
      tpu.wait_dma2 semaphore(%run_scoped3A_81 : memref<!tpu.dma_semaphore, #tpu.memory_space<semaphore_mem>>) src(%arg8 : memref<80x128xf32, #tpu.memory_space<vmem>>) dst(%dma_wait3A_89 : memref<80x128xf32, #tpu.memory_space<vmem_shared>>)
      tpu.yield
    }) : () -> ()
    %mul3A_10 = arith.constant 640 : i32
    %mul3A_11 = arith.muli %arg1, %mul3A_10 : i32
    %add3A_12 = arith.constant 80 : i32
    %add3A_13 = arith.addi %mul3A_11, %add3A_12 : i32
    "tpu.region"() ({
      %run_scoped3A_81 = tpu.sem_alloc : memref<!tpu.dma_semaphore, #tpu.memory_space<semaphore_mem>>
      %dma_start3A_82 = arith.constant 0 : i32
      %dma_start3A_83 = tpu.memref_slice %arg10[%add3A_13, %dma_start3A_82] : memref<10240x128xf32, #tpu.memory_space<vmem_shared>> -> memref<80x128xf32, #tpu.memory_space<vmem_shared>>
      %dma_start3A_84 = arith.constant 0 : i32
      %dma_start3A_85 = tpu.memref_slice %arg10[%add3A_13, %dma_start3A_84] : memref<10240x128xf32, #tpu.memory_space<vmem_shared>> -> memref<80x128xf32, #tpu.memory_space<vmem_shared>>
      tpu.enqueue_dma source(%arg8 : memref<80x128xf32, #tpu.memory_space<vmem>>) target(%dma_start3A_85 : memref<80x128xf32, #tpu.memory_space<vmem_shared>>) target_semaphore(%run_scoped3A_81 : memref<!tpu.dma_semaphore, #tpu.memory_space<semaphore_mem>>)
      %dma_wait3A_86 = arith.constant 0 : i32
      %dma_wait3A_87 = tpu.memref_slice %arg10[%add3A_13, %dma_wait3A_86] : memref<10240x128xf32, #tpu.memory_space<vmem_shared>> -> memref<80x128xf32, #tpu.memory_space<vmem_shared>>
      %dma_wait3A_88 = arith.constant 0 : i32
      %dma_wait3A_89 = tpu.memref_slice %arg10[%add3A_13, %dma_wait3A_88] : memref<10240x128xf32, #tpu.memory_space<vmem_shared>> -> memref<80x128xf32, #tpu.memory_space<vmem_shared>>
      tpu.wait_dma2 semaphore(%run_scoped3A_81 : memref<!tpu.dma_semaphore, #tpu.memory_space<semaphore_mem>>) src(%arg8 : memref<80x128xf32, #tpu.memory_space<vmem>>) dst(%dma_wait3A_89 : memref<80x128xf32, #tpu.memory_space<vmem_shared>>)
      tpu.yield
    }) : () -> ()
    %mul3A_14 = arith.constant 640 : i32
    %mul3A_15 = arith.muli %arg1, %mul3A_14 : i32
    %add3A_16 = arith.constant 160 : i32
    %add3A_17 = arith.addi %mul3A_15, %add3A_16 : i32
    "tpu.region"() ({
      %run_scoped3A_81 = tpu.sem_alloc : memref<!tpu.dma_semaphore, #tpu.memory_space<semaphore_mem>>
      %dma_start3A_82 = arith.constant 0 : i32
      %dma_start3A_83 = tpu.memref_slice %arg10[%add3A_17, %dma_start3A_82] : memref<10240x128xf32, #tpu.memory_space<vmem_shared>> -> memref<80x128xf32, #tpu.memory_space<vmem_shared>>
      %dma_start3A_84 = arith.constant 0 : i32
      %dma_start3A_85 = tpu.memref_slice %arg10[%add3A_17, %dma_start3A_84] : memref<10240x128xf32, #tpu.memory_space<vmem_shared>> -> memref<80x128xf32, #tpu.memory_space<vmem_shared>>
      tpu.enqueue_dma source(%arg8 : memref<80x128xf32, #tpu.memory_space<vmem>>) target(%dma_start3A_85 : memref<80x128xf32, #tpu.memory_space<vmem_shared>>) target_semaphore(%run_scoped3A_81 : memref<!tpu.dma_semaphore, #tpu.memory_space<semaphore_mem>>)
      %dma_wait3A_86 = arith.constant 0 : i32
      %dma_wait3A_87 = tpu.memref_slice %arg10[%add3A_17, %dma_wait3A_86] : memref<10240x128xf32, #tpu.memory_space<vmem_shared>> -> memref<80x128xf32, #tpu.memory_space<vmem_shared>>
      %dma_wait3A_88 = arith.constant 0 : i32
      %dma_wait3A_89 = tpu.memref_slice %arg10[%add3A_17, %dma_wait3A_88] : memref<10240x128xf32, #tpu.memory_space<vmem_shared>> -> memref<80x128xf32, #tpu.memory_space<vmem_shared>>
      tpu.wait_dma2 semaphore(%run_scoped3A_81 : memref<!tpu.dma_semaphore, #tpu.memory_space<semaphore_mem>>) src(%arg8 : memref<80x128xf32, #tpu.memory_space<vmem>>) dst(%dma_wait3A_89 : memref<80x128xf32, #tpu.memory_space<vmem_shared>>)
      tpu.yield
    }) : () -> ()
    %mul3A_18 = arith.constant 640 : i32
    %mul3A_19 = arith.muli %arg1, %mul3A_18 : i32
    %add3A_20 = arith.constant 240 : i32
    %add3A_21 = arith.addi %mul3A_19, %add3A_20 : i32
    "tpu.region"() ({
      %run_scoped3A_81 = tpu.sem_alloc : memref<!tpu.dma_semaphore, #tpu.memory_space<semaphore_mem>>
      %dma_start3A_82 = arith.constant 0 : i32
      %dma_start3A_83 = tpu.memref_slice %arg10[%add3A_21, %dma_start3A_82] : memref<10240x128xf32, #tpu.memory_space<vmem_shared>> -> memref<80x128xf32, #tpu.memory_space<vmem_shared>>
      %dma_start3A_84 = arith.constant 0 : i32
      %dma_start3A_85 = tpu.memref_slice %arg10[%add3A_21, %dma_start3A_84] : memref<10240x128xf32, #tpu.memory_space<vmem_shared>> -> memref<80x128xf32, #tpu.memory_space<vmem_shared>>
      tpu.enqueue_dma source(%arg8 : memref<80x128xf32, #tpu.memory_space<vmem>>) target(%dma_start3A_85 : memref<80x128xf32, #tpu.memory_space<vmem_shared>>) target_semaphore(%run_scoped3A_81 : memref<!tpu.dma_semaphore, #tpu.memory_space<semaphore_mem>>)
      %dma_wait3A_86 = arith.constant 0 : i32
      %dma_wait3A_87 = tpu.memref_slice %arg10[%add3A_21, %dma_wait3A_86] : memref<10240x128xf32, #tpu.memory_space<vmem_shared>> -> memref<80x128xf32, #tpu.memory_space<vmem_shared>>
      %dma_wait3A_88 = arith.constant 0 : i32
      %dma_wait3A_89 = tpu.memref_slice %arg10[%add3A_21, %dma_wait3A_88] : memref<10240x128xf32, #tpu.memory_space<vmem_shared>> -> memref<80x128xf32, #tpu.memory_space<vmem_shared>>
      tpu.wait_dma2 semaphore(%run_scoped3A_81 : memref<!tpu.dma_semaphore, #tpu.memory_space<semaphore_mem>>) src(%arg8 : memref<80x128xf32, #tpu.memory_space<vmem>>) dst(%dma_wait3A_89 : memref<80x128xf32, #tpu.memory_space<vmem_shared>>)
      tpu.yield
    }) : () -> ()
    %mul3A_22 = arith.constant 640 : i32
    %mul3A_23 = arith.muli %arg1, %mul3A_22 : i32
    %add3A_24 = arith.constant 320 : i32
    %add3A_25 = arith.addi %mul3A_23, %add3A_24 : i32
    "tpu.region"() ({
      %run_scoped3A_81 = tpu.sem_alloc : memref<!tpu.dma_semaphore, #tpu.memory_space<semaphore_mem>>
      %dma_start3A_82 = arith.constant 0 : i32
      %dma_start3A_83 = tpu.memref_slice %arg10[%add3A_25, %dma_start3A_82] : memref<10240x128xf32, #tpu.memory_space<vmem_shared>> -> memref<80x128xf32, #tpu.memory_space<vmem_shared>>
      %dma_start3A_84 = arith.constant 0 : i32
      %dma_start3A_85 = tpu.memref_slice %arg10[%add3A_25, %dma_start3A_84] : memref<10240x128xf32, #tpu.memory_space<vmem_shared>> -> memref<80x128xf32, #tpu.memory_space<vmem_shared>>
      tpu.enqueue_dma source(%arg8 : memref<80x128xf32, #tpu.memory_space<vmem>>) target(%dma_start3A_85 : memref<80x128xf32, #tpu.memory_space<vmem_shared>>) target_semaphore(%run_scoped3A_81 : memref<!tpu.dma_semaphore, #tpu.memory_space<semaphore_mem>>)
      %dma_wait3A_86 = arith.constant 0 : i32
      %dma_wait3A_87 = tpu.memref_slice %arg10[%add3A_25, %dma_wait3A_86] : memref<10240x128xf32, #tpu.memory_space<vmem_shared>> -> memref<80x128xf32, #tpu.memory_space<vmem_shared>>
      %dma_wait3A_88 = arith.constant 0 : i32
      %dma_wait3A_89 = tpu.memref_slice %arg10[%add3A_25, %dma_wait3A_88] : memref<10240x128xf32, #tpu.memory_space<vmem_shared>> -> memref<80x128xf32, #tpu.memory_space<vmem_shared>>
      tpu.wait_dma2 semaphore(%run_scoped3A_81 : memref<!tpu.dma_semaphore, #tpu.memory_space<semaphore_mem>>) src(%arg8 : memref<80x128xf32, #tpu.memory_space<vmem>>) dst(%dma_wait3A_89 : memref<80x128xf32, #tpu.memory_space<vmem_shared>>)
      tpu.yield
    }) : () -> ()
    %mul3A_26 = arith.constant 640 : i32
    %mul3A_27 = arith.muli %arg1, %mul3A_26 : i32
    %add3A_28 = arith.constant 400 : i32
    %add3A_29 = arith.addi %mul3A_27, %add3A_28 : i32
    "tpu.region"() ({
      %run_scoped3A_81 = tpu.sem_alloc : memref<!tpu.dma_semaphore, #tpu.memory_space<semaphore_mem>>
      %dma_start3A_82 = arith.constant 0 : i32
      %dma_start3A_83 = tpu.memref_slice %arg10[%add3A_29, %dma_start3A_82] : memref<10240x128xf32, #tpu.memory_space<vmem_shared>> -> memref<80x128xf32, #tpu.memory_space<vmem_shared>>
      %dma_start3A_84 = arith.constant 0 : i32
      %dma_start3A_85 = tpu.memref_slice %arg10[%add3A_29, %dma_start3A_84] : memref<10240x128xf32, #tpu.memory_space<vmem_shared>> -> memref<80x128xf32, #tpu.memory_space<vmem_shared>>
      tpu.enqueue_dma source(%arg8 : memref<80x128xf32, #tpu.memory_space<vmem>>) target(%dma_start3A_85 : memref<80x128xf32, #tpu.memory_space<vmem_shared>>) target_semaphore(%run_scoped3A_81 : memref<!tpu.dma_semaphore, #tpu.memory_space<semaphore_mem>>)
      %dma_wait3A_86 = arith.constant 0 : i32
      %dma_wait3A_87 = tpu.memref_slice %arg10[%add3A_29, %dma_wait3A_86] : memref<10240x128xf32, #tpu.memory_space<vmem_shared>> -> memref<80x128xf32, #tpu.memory_space<vmem_shared>>
      %dma_wait3A_88 = arith.constant 0 : i32
      %dma_wait3A_89 = tpu.memref_slice %arg10[%add3A_29, %dma_wait3A_88] : memref<10240x128xf32, #tpu.memory_space<vmem_shared>> -> memref<80x128xf32, #tpu.memory_space<vmem_shared>>
      tpu.wait_dma2 semaphore(%run_scoped3A_81 : memref<!tpu.dma_semaphore, #tpu.memory_space<semaphore_mem>>) src(%arg8 : memref<80x128xf32, #tpu.memory_space<vmem>>) dst(%dma_wait3A_89 : memref<80x128xf32, #tpu.memory_space<vmem_shared>>)
      tpu.yield
    }) : () -> ()
    %mul3A_30 = arith.constant 640 : i32
    %mul3A_31 = arith.muli %arg1, %mul3A_30 : i32
    %add3A_32 = arith.constant 480 : i32
    %add3A_33 = arith.addi %mul3A_31, %add3A_32 : i32
    "tpu.region"() ({
      %run_scoped3A_81 = tpu.sem_alloc : memref<!tpu.dma_semaphore, #tpu.memory_space<semaphore_mem>>
      %dma_start3A_82 = arith.constant 0 : i32
      %dma_start3A_83 = tpu.memref_slice %arg10[%add3A_33, %dma_start3A_82] : memref<10240x128xf32, #tpu.memory_space<vmem_shared>> -> memref<80x128xf32, #tpu.memory_space<vmem_shared>>
      %dma_start3A_84 = arith.constant 0 : i32
      %dma_start3A_85 = tpu.memref_slice %arg10[%add3A_33, %dma_start3A_84] : memref<10240x128xf32, #tpu.memory_space<vmem_shared>> -> memref<80x128xf32, #tpu.memory_space<vmem_shared>>
      tpu.enqueue_dma source(%arg8 : memref<80x128xf32, #tpu.memory_space<vmem>>) target(%dma_start3A_85 : memref<80x128xf32, #tpu.memory_space<vmem_shared>>) target_semaphore(%run_scoped3A_81 : memref<!tpu.dma_semaphore, #tpu.memory_space<semaphore_mem>>)
      %dma_wait3A_86 = arith.constant 0 : i32
      %dma_wait3A_87 = tpu.memref_slice %arg10[%add3A_33, %dma_wait3A_86] : memref<10240x128xf32, #tpu.memory_space<vmem_shared>> -> memref<80x128xf32, #tpu.memory_space<vmem_shared>>
      %dma_wait3A_88 = arith.constant 0 : i32
      %dma_wait3A_89 = tpu.memref_slice %arg10[%add3A_33, %dma_wait3A_88] : memref<10240x128xf32, #tpu.memory_space<vmem_shared>> -> memref<80x128xf32, #tpu.memory_space<vmem_shared>>
      tpu.wait_dma2 semaphore(%run_scoped3A_81 : memref<!tpu.dma_semaphore, #tpu.memory_space<semaphore_mem>>) src(%arg8 : memref<80x128xf32, #tpu.memory_space<vmem>>) dst(%dma_wait3A_89 : memref<80x128xf32, #tpu.memory_space<vmem_shared>>)
      tpu.yield
    }) : () -> ()
    %mul3A_34 = arith.constant 640 : i32
    %mul3A_35 = arith.muli %arg1, %mul3A_34 : i32
    %add3A_36 = arith.constant 560 : i32
    %add3A_37 = arith.addi %mul3A_35, %add3A_36 : i32
    "tpu.region"() ({
      %run_scoped3A_81 = tpu.sem_alloc : memref<!tpu.dma_semaphore, #tpu.memory_space<semaphore_mem>>
      %dma_start3A_82 = arith.constant 0 : i32
      %dma_start3A_83 = tpu.memref_slice %arg10[%add3A_37, %dma_start3A_82] : memref<10240x128xf32, #tpu.memory_space<vmem_shared>> -> memref<80x128xf32, #tpu.memory_space<vmem_shared>>
      %dma_start3A_84 = arith.constant 0 : i32
      %dma_start3A_85 = tpu.memref_slice %arg10[%add3A_37, %dma_start3A_84] : memref<10240x128xf32, #tpu.memory_space<vmem_shared>> -> memref<80x128xf32, #tpu.memory_space<vmem_shared>>
      tpu.enqueue_dma source(%arg8 : memref<80x128xf32, #tpu.memory_space<vmem>>) target(%dma_start3A_85 : memref<80x128xf32, #tpu.memory_space<vmem_shared>>) target_semaphore(%run_scoped3A_81 : memref<!tpu.dma_semaphore, #tpu.memory_space<semaphore_mem>>)
      %dma_wait3A_86 = arith.constant 0 : i32
      %dma_wait3A_87 = tpu.memref_slice %arg10[%add3A_37, %dma_wait3A_86] : memref<10240x128xf32, #tpu.memory_space<vmem_shared>> -> memref<80x128xf32, #tpu.memory_space<vmem_shared>>
      %dma_wait3A_88 = arith.constant 0 : i32
      %dma_wait3A_89 = tpu.memref_slice %arg10[%add3A_37, %dma_wait3A_88] : memref<10240x128xf32, #tpu.memory_space<vmem_shared>> -> memref<80x128xf32, #tpu.memory_space<vmem_shared>>
      tpu.wait_dma2 semaphore(%run_scoped3A_81 : memref<!tpu.dma_semaphore, #tpu.memory_space<semaphore_mem>>) src(%arg8 : memref<80x128xf32, #tpu.memory_space<vmem>>) dst(%dma_wait3A_89 : memref<80x128xf32, #tpu.memory_space<vmem_shared>>)
      tpu.yield
    }) : () -> ()
    %barrier3A = arith.constant 0 : index
    tpu.barrier barrier_id(%barrier3A)
    %dma_start3A = arith.constant 0 : i32
    %dma_start3A_38 = tpu.memref_slice %arg6[%dma_start3A] : memref<10000xi32, #tpu.memory_space<vmem>> -> memref<80xi32, #tpu.memory_space<vmem>>
    %dma_start3A_39 = arith.constant 0 : i32
    %dma_start3A_40 = arith.constant 0 : i32
    %dma_start3A_41 = tpu.memref_slice %arg2[%dma_start3A_39, %dma_start3A_40] : memref<10000x128xf32, #tpu.memory_space<hbm>> -> memref<10000x128xf32, #tpu.memory_space<hbm>>
    tpu.enqueue_indirect_dma source(%dma_start3A_41 : memref<10000x128xf32, #tpu.memory_space<hbm>>) target(%arg8 : memref<80x128xf32, #tpu.memory_space<vmem>>) offsets(%dma_start3A_38 : memref<80xi32, #tpu.memory_space<vmem>>) semaphore(%arg11 : memref<!tpu.dma_semaphore, #tpu.memory_space<semaphore_mem>>)
    %dma_start3A_42 = arith.constant 80 : i32
    %dma_start3A_43 = tpu.memref_slice %arg6[%dma_start3A_42] : memref<10000xi32, #tpu.memory_space<vmem>> -> memref<80xi32, #tpu.memory_space<vmem>>
    %dma_start3A_44 = arith.constant 0 : i32
    %dma_start3A_45 = arith.constant 0 : i32
    %dma_start3A_46 = tpu.memref_slice %arg2[%dma_start3A_44, %dma_start3A_45] : memref<10000x128xf32, #tpu.memory_space<hbm>> -> memref<10000x128xf32, #tpu.memory_space<hbm>>
    tpu.enqueue_indirect_dma source(%dma_start3A_46 : memref<10000x128xf32, #tpu.memory_space<hbm>>) target(%arg9 : memref<80x128xf32, #tpu.memory_space<vmem>>) offsets(%dma_start3A_43 : memref<80xi32, #tpu.memory_space<vmem>>) semaphore(%arg12 : memref<!tpu.dma_semaphore, #tpu.memory_space<semaphore_mem>>)
    %scan3A_47 = arith.constant 0 : i32
    %scan3A_48 = arith.constant 61 : i32
    %scan3A_49 = arith.addi %scan3A_47, %scan3A_48 : i32
    %scan3A_50 = arith.constant 1 : i32
    scf.for %scan3A_81 = %scan3A_47 to %scan3A_49 step %scan3A_50  : i32 {
      %mul3A_82 = arith.constant 2 : i32
      %mul3A_83 = arith.muli %mul3A_82, %scan3A_81 : i32
      %dma_wait3A_84 = arith.constant 0 : i32
      %dma_wait3A_85 = arith.constant 0 : i32
      %dma_wait3A_86 = tpu.memref_slice %arg2[%dma_wait3A_84, %dma_wait3A_85] : memref<10000x128xf32, #tpu.memory_space<hbm>> -> memref<80x128xf32, #tpu.memory_space<hbm>>
      %dma_wait3A_87 = arith.constant 0 : i32
      %dma_wait3A_88 = arith.constant 0 : i32
      %dma_wait3A_89 = tpu.memref_slice %arg2[%dma_wait3A_87, %dma_wait3A_88] : memref<10000x128xf32, #tpu.memory_space<hbm>> -> memref<80x128xf32, #tpu.memory_space<hbm>>
      tpu.wait_dma2 semaphore(%arg11 : memref<!tpu.dma_semaphore, #tpu.memory_space<semaphore_mem>>) src(%dma_wait3A_89 : memref<80x128xf32, #tpu.memory_space<hbm>>) dst(%arg8 : memref<80x128xf32, #tpu.memory_space<vmem>>)
      "tpu.region"() ({
        %run_scoped3A_114 = tpu.sem_alloc : memref<!tpu.dma_semaphore, #tpu.memory_space<semaphore_mem>>
        %dma_start3A_115 = arith.constant 0 : i32
        %dma_start3A_116 = tpu.memref_slice %arg7[%mul3A_83, %dma_start3A_115] : memref<125x80xi32, #tpu.memory_space<vmem>> -> memref<1x80xi32, #tpu.memory_space<vmem>>
        %dma_start3A_117 = tpu.memref_squeeze %dma_start3A_116 : memref<1x80xi32, #tpu.memory_space<vmem>> -> memref<80xi32, #tpu.memory_space<vmem>>
        %dma_start3A_118 = arith.constant 0 : i32
        %dma_start3A_119 = arith.constant 0 : i32
        %dma_start3A_120 = tpu.memref_slice %arg10[%dma_start3A_118, %dma_start3A_119] : memref<10240x128xf32, #tpu.memory_space<vmem_shared>> -> memref<10240x128xf32, #tpu.memory_space<vmem_shared>>
        tpu.enqueue_indirect_dma source(%arg8 : memref<80x128xf32, #tpu.memory_space<vmem>>) target(%dma_start3A_120 : memref<10240x128xf32, #tpu.memory_space<vmem_shared>>) offsets(%dma_start3A_117 : memref<80xi32, #tpu.memory_space<vmem>>) semaphore(%run_scoped3A_114 : memref<!tpu.dma_semaphore, #tpu.memory_space<semaphore_mem>>) {add = true}
        %dma_wait3A_121 = arith.constant 0 : i32
        %dma_wait3A_122 = tpu.memref_slice %arg7[%mul3A_83, %dma_wait3A_121] : memref<125x80xi32, #tpu.memory_space<vmem>> -> memref<1x80xi32, #tpu.memory_space<vmem>>
        %dma_wait3A_123 = tpu.memref_squeeze %dma_wait3A_122 : memref<1x80xi32, #tpu.memory_space<vmem>> -> memref<80xi32, #tpu.memory_space<vmem>>
        %dma_wait3A_124 = arith.constant 0 : i32
        %dma_wait3A_125 = arith.constant 0 : i32
        %dma_wait3A_126 = tpu.memref_slice %arg10[%dma_wait3A_124, %dma_wait3A_125] : memref<10240x128xf32, #tpu.memory_space<vmem_shared>> -> memref<10240x128xf32, #tpu.memory_space<vmem_shared>>
        tpu.wait_indirect_dma semaphore(%run_scoped3A_114 : memref<!tpu.dma_semaphore, #tpu.memory_space<semaphore_mem>>) src(%arg8 : memref<80x128xf32, #tpu.memory_space<vmem>>) dst(%dma_wait3A_126 : memref<10240x128xf32, #tpu.memory_space<vmem_shared>>)
        tpu.yield
      }) : () -> ()
      %add3A_90 = arith.constant 2 : i32
      %add3A_91 = arith.addi %mul3A_83, %add3A_90 : i32
      %mul3A_92 = arith.constant 80 : i32
      %mul3A_93 = arith.muli %add3A_91, %mul3A_92 : i32
      %dma_start3A_94 = tpu.memref_slice %arg6[%mul3A_93] : memref<10000xi32, #tpu.memory_space<vmem>> -> memref<80xi32, #tpu.memory_space<vmem>>
      %dma_start3A_95 = arith.constant 0 : i32
      %dma_start3A_96 = arith.constant 0 : i32
      %dma_start3A_97 = tpu.memref_slice %arg2[%dma_start3A_95, %dma_start3A_96] : memref<10000x128xf32, #tpu.memory_space<hbm>> -> memref<10000x128xf32, #tpu.memory_space<hbm>>
      tpu.enqueue_indirect_dma source(%dma_start3A_97 : memref<10000x128xf32, #tpu.memory_space<hbm>>) target(%arg8 : memref<80x128xf32, #tpu.memory_space<vmem>>) offsets(%dma_start3A_94 : memref<80xi32, #tpu.memory_space<vmem>>) semaphore(%arg11 : memref<!tpu.dma_semaphore, #tpu.memory_space<semaphore_mem>>)
      %dma_wait3A_98 = arith.constant 0 : i32
      %dma_wait3A_99 = arith.constant 0 : i32
      %dma_wait3A_100 = tpu.memref_slice %arg2[%dma_wait3A_98, %dma_wait3A_99] : memref<10000x128xf32, #tpu.memory_space<hbm>> -> memref<80x128xf32, #tpu.memory_space<hbm>>
      %dma_wait3A_101 = arith.constant 0 : i32
      %dma_wait3A_102 = arith.constant 0 : i32
      %dma_wait3A_103 = tpu.memref_slice %arg2[%dma_wait3A_101, %dma_wait3A_102] : memref<10000x128xf32, #tpu.memory_space<hbm>> -> memref<80x128xf32, #tpu.memory_space<hbm>>
      tpu.wait_dma2 semaphore(%arg12 : memref<!tpu.dma_semaphore, #tpu.memory_space<semaphore_mem>>) src(%dma_wait3A_103 : memref<80x128xf32, #tpu.memory_space<hbm>>) dst(%arg9 : memref<80x128xf32, #tpu.memory_space<vmem>>)
      %add3A_104 = arith.constant 1 : i32
      %add3A_105 = arith.addi %mul3A_83, %add3A_104 : i32
      "tpu.region"() ({
        %run_scoped3A_114 = tpu.sem_alloc : memref<!tpu.dma_semaphore, #tpu.memory_space<semaphore_mem>>
        %dma_start3A_115 = arith.constant 0 : i32
        %dma_start3A_116 = tpu.memref_slice %arg7[%add3A_105, %dma_start3A_115] : memref<125x80xi32, #tpu.memory_space<vmem>> -> memref<1x80xi32, #tpu.memory_space<vmem>>
        %dma_start3A_117 = tpu.memref_squeeze %dma_start3A_116 : memref<1x80xi32, #tpu.memory_space<vmem>> -> memref<80xi32, #tpu.memory_space<vmem>>
        %dma_start3A_118 = arith.constant 0 : i32
        %dma_start3A_119 = arith.constant 0 : i32
        %dma_start3A_120 = tpu.memref_slice %arg10[%dma_start3A_118, %dma_start3A_119] : memref<10240x128xf32, #tpu.memory_space<vmem_shared>> -> memref<10240x128xf32, #tpu.memory_space<vmem_shared>>
        tpu.enqueue_indirect_dma source(%arg9 : memref<80x128xf32, #tpu.memory_space<vmem>>) target(%dma_start3A_120 : memref<10240x128xf32, #tpu.memory_space<vmem_shared>>) offsets(%dma_start3A_117 : memref<80xi32, #tpu.memory_space<vmem>>) semaphore(%run_scoped3A_114 : memref<!tpu.dma_semaphore, #tpu.memory_space<semaphore_mem>>) {add = true}
        %dma_wait3A_121 = arith.constant 0 : i32
        %dma_wait3A_122 = tpu.memref_slice %arg7[%add3A_105, %dma_wait3A_121] : memref<125x80xi32, #tpu.memory_space<vmem>> -> memref<1x80xi32, #tpu.memory_space<vmem>>
        %dma_wait3A_123 = tpu.memref_squeeze %dma_wait3A_122 : memref<1x80xi32, #tpu.memory_space<vmem>> -> memref<80xi32, #tpu.memory_space<vmem>>
        %dma_wait3A_124 = arith.constant 0 : i32
        %dma_wait3A_125 = arith.constant 0 : i32
        %dma_wait3A_126 = tpu.memref_slice %arg10[%dma_wait3A_124, %dma_wait3A_125] : memref<10240x128xf32, #tpu.memory_space<vmem_shared>> -> memref<10240x128xf32, #tpu.memory_space<vmem_shared>>
        tpu.wait_indirect_dma semaphore(%run_scoped3A_114 : memref<!tpu.dma_semaphore, #tpu.memory_space<semaphore_mem>>) src(%arg9 : memref<80x128xf32, #tpu.memory_space<vmem>>) dst(%dma_wait3A_126 : memref<10240x128xf32, #tpu.memory_space<vmem_shared>>)
        tpu.yield
      }) : () -> ()
      %add3A_106 = arith.constant 3 : i32
      %add3A_107 = arith.addi %mul3A_83, %add3A_106 : i32
      %mul3A_108 = arith.constant 80 : i32
      %mul3A_109 = arith.muli %add3A_107, %mul3A_108 : i32
      %dma_start3A_110 = tpu.memref_slice %arg6[%mul3A_109] : memref<10000xi32, #tpu.memory_space<vmem>> -> memref<80xi32, #tpu.memory_space<vmem>>
      %dma_start3A_111 = arith.constant 0 : i32
      %dma_start3A_112 = arith.constant 0 : i32
      %dma_start3A_113 = tpu.memref_slice %arg2[%dma_start3A_111, %dma_start3A_112] : memref<10000x128xf32, #tpu.memory_space<hbm>> -> memref<10000x128xf32, #tpu.memory_space<hbm>>
      tpu.enqueue_indirect_dma source(%dma_start3A_113 : memref<10000x128xf32, #tpu.memory_space<hbm>>) target(%arg9 : memref<80x128xf32, #tpu.memory_space<vmem>>) offsets(%dma_start3A_110 : memref<80xi32, #tpu.memory_space<vmem>>) semaphore(%arg12 : memref<!tpu.dma_semaphore, #tpu.memory_space<semaphore_mem>>)
    }
    %scan3A_51 = arith.constant 61 : i32
    %dma_wait3A = arith.constant 0 : i32
    %dma_wait3A_52 = arith.constant 0 : i32
    %dma_wait3A_53 = tpu.memref_slice %arg2[%dma_wait3A, %dma_wait3A_52] : memref<10000x128xf32, #tpu.memory_space<hbm>> -> memref<80x128xf32, #tpu.memory_space<hbm>>
    %dma_wait3A_54 = arith.constant 0 : i32
    %dma_wait3A_55 = arith.constant 0 : i32
    %dma_wait3A_56 = tpu.memref_slice %arg2[%dma_wait3A_54, %dma_wait3A_55] : memref<10000x128xf32, #tpu.memory_space<hbm>> -> memref<80x128xf32, #tpu.memory_space<hbm>>
    tpu.wait_dma2 semaphore(%arg11 : memref<!tpu.dma_semaphore, #tpu.memory_space<semaphore_mem>>) src(%dma_wait3A_56 : memref<80x128xf32, #tpu.memory_space<hbm>>) dst(%arg8 : memref<80x128xf32, #tpu.memory_space<vmem>>)
    %run_scoped3A = arith.constant 122 : i32
    "tpu.region"() ({
      %run_scoped3A_81 = tpu.sem_alloc : memref<!tpu.dma_semaphore, #tpu.memory_space<semaphore_mem>>
      %dma_start3A_82 = arith.constant 0 : i32
      %dma_start3A_83 = tpu.memref_slice %arg7[%run_scoped3A, %dma_start3A_82] : memref<125x80xi32, #tpu.memory_space<vmem>> -> memref<1x80xi32, #tpu.memory_space<vmem>>
      %dma_start3A_84 = tpu.memref_squeeze %dma_start3A_83 : memref<1x80xi32, #tpu.memory_space<vmem>> -> memref<80xi32, #tpu.memory_space<vmem>>
      %dma_start3A_85 = arith.constant 0 : i32
      %dma_start3A_86 = arith.constant 0 : i32
      %dma_start3A_87 = tpu.memref_slice %arg10[%dma_start3A_85, %dma_start3A_86] : memref<10240x128xf32, #tpu.memory_space<vmem_shared>> -> memref<10240x128xf32, #tpu.memory_space<vmem_shared>>
      tpu.enqueue_indirect_dma source(%arg8 : memref<80x128xf32, #tpu.memory_space<vmem>>) target(%dma_start3A_87 : memref<10240x128xf32, #tpu.memory_space<vmem_shared>>) offsets(%dma_start3A_84 : memref<80xi32, #tpu.memory_space<vmem>>) semaphore(%run_scoped3A_81 : memref<!tpu.dma_semaphore, #tpu.memory_space<semaphore_mem>>) {add = true}
      %dma_wait3A_88 = arith.constant 0 : i32
      %dma_wait3A_89 = tpu.memref_slice %arg7[%run_scoped3A, %dma_wait3A_88] : memref<125x80xi32, #tpu.memory_space<vmem>> -> memref<1x80xi32, #tpu.memory_space<vmem>>
      %dma_wait3A_90 = tpu.memref_squeeze %dma_wait3A_89 : memref<1x80xi32, #tpu.memory_space<vmem>> -> memref<80xi32, #tpu.memory_space<vmem>>
      %dma_wait3A_91 = arith.constant 0 : i32
      %dma_wait3A_92 = arith.constant 0 : i32
      %dma_wait3A_93 = tpu.memref_slice %arg10[%dma_wait3A_91, %dma_wait3A_92] : memref<10240x128xf32, #tpu.memory_space<vmem_shared>> -> memref<10240x128xf32, #tpu.memory_space<vmem_shared>>
      tpu.wait_indirect_dma semaphore(%run_scoped3A_81 : memref<!tpu.dma_semaphore, #tpu.memory_space<semaphore_mem>>) src(%arg8 : memref<80x128xf32, #tpu.memory_space<vmem>>) dst(%dma_wait3A_93 : memref<10240x128xf32, #tpu.memory_space<vmem_shared>>)
      tpu.yield
    }) : () -> ()
    %dma_start3A_57 = arith.constant 9920 : i32
    %dma_start3A_58 = tpu.memref_slice %arg6[%dma_start3A_57] : memref<10000xi32, #tpu.memory_space<vmem>> -> memref<80xi32, #tpu.memory_space<vmem>>
    %dma_start3A_59 = arith.constant 0 : i32
    %dma_start3A_60 = arith.constant 0 : i32
    %dma_start3A_61 = tpu.memref_slice %arg2[%dma_start3A_59, %dma_start3A_60] : memref<10000x128xf32, #tpu.memory_space<hbm>> -> memref<10000x128xf32, #tpu.memory_space<hbm>>
    tpu.enqueue_indirect_dma source(%dma_start3A_61 : memref<10000x128xf32, #tpu.memory_space<hbm>>) target(%arg8 : memref<80x128xf32, #tpu.memory_space<vmem>>) offsets(%dma_start3A_58 : memref<80xi32, #tpu.memory_space<vmem>>) semaphore(%arg11 : memref<!tpu.dma_semaphore, #tpu.memory_space<semaphore_mem>>)
    %dma_wait3A_62 = arith.constant 0 : i32
    %dma_wait3A_63 = arith.constant 0 : i32
    %dma_wait3A_64 = tpu.memref_slice %arg2[%dma_wait3A_62, %dma_wait3A_63] : memref<10000x128xf32, #tpu.memory_space<hbm>> -> memref<80x128xf32, #tpu.memory_space<hbm>>
    %dma_wait3A_65 = arith.constant 0 : i32
    %dma_wait3A_66 = arith.constant 0 : i32
    %dma_wait3A_67 = tpu.memref_slice %arg2[%dma_wait3A_65, %dma_wait3A_66] : memref<10000x128xf32, #tpu.memory_space<hbm>> -> memref<80x128xf32, #tpu.memory_space<hbm>>
    tpu.wait_dma2 semaphore(%arg12 : memref<!tpu.dma_semaphore, #tpu.memory_space<semaphore_mem>>) src(%dma_wait3A_67 : memref<80x128xf32, #tpu.memory_space<hbm>>) dst(%arg9 : memref<80x128xf32, #tpu.memory_space<vmem>>)
    %run_scoped3A_68 = arith.constant 123 : i32
    "tpu.region"() ({
      %run_scoped3A_81 = tpu.sem_alloc : memref<!tpu.dma_semaphore, #tpu.memory_space<semaphore_mem>>
      %dma_start3A_82 = arith.constant 0 : i32
      %dma_start3A_83 = tpu.memref_slice %arg7[%run_scoped3A_68, %dma_start3A_82] : memref<125x80xi32, #tpu.memory_space<vmem>> -> memref<1x80xi32, #tpu.memory_space<vmem>>
      %dma_start3A_84 = tpu.memref_squeeze %dma_start3A_83 : memref<1x80xi32, #tpu.memory_space<vmem>> -> memref<80xi32, #tpu.memory_space<vmem>>
      %dma_start3A_85 = arith.constant 0 : i32
      %dma_start3A_86 = arith.constant 0 : i32
      %dma_start3A_87 = tpu.memref_slice %arg10[%dma_start3A_85, %dma_start3A_86] : memref<10240x128xf32, #tpu.memory_space<vmem_shared>> -> memref<10240x128xf32, #tpu.memory_space<vmem_shared>>
      tpu.enqueue_indirect_dma source(%arg9 : memref<80x128xf32, #tpu.memory_space<vmem>>) target(%dma_start3A_87 : memref<10240x128xf32, #tpu.memory_space<vmem_shared>>) offsets(%dma_start3A_84 : memref<80xi32, #tpu.memory_space<vmem>>) semaphore(%run_scoped3A_81 : memref<!tpu.dma_semaphore, #tpu.memory_space<semaphore_mem>>) {add = true}
      %dma_wait3A_88 = arith.constant 0 : i32
      %dma_wait3A_89 = tpu.memref_slice %arg7[%run_scoped3A_68, %dma_wait3A_88] : memref<125x80xi32, #tpu.memory_space<vmem>> -> memref<1x80xi32, #tpu.memory_space<vmem>>
      %dma_wait3A_90 = tpu.memref_squeeze %dma_wait3A_89 : memref<1x80xi32, #tpu.memory_space<vmem>> -> memref<80xi32, #tpu.memory_space<vmem>>
      %dma_wait3A_91 = arith.constant 0 : i32
      %dma_wait3A_92 = arith.constant 0 : i32
      %dma_wait3A_93 = tpu.memref_slice %arg10[%dma_wait3A_91, %dma_wait3A_92] : memref<10240x128xf32, #tpu.memory_space<vmem_shared>> -> memref<10240x128xf32, #tpu.memory_space<vmem_shared>>
      tpu.wait_indirect_dma semaphore(%run_scoped3A_81 : memref<!tpu.dma_semaphore, #tpu.memory_space<semaphore_mem>>) src(%arg9 : memref<80x128xf32, #tpu.memory_space<vmem>>) dst(%dma_wait3A_93 : memref<10240x128xf32, #tpu.memory_space<vmem_shared>>)
      tpu.yield
    }) : () -> ()
    %dma_wait3A_69 = arith.constant 0 : i32
    %dma_wait3A_70 = arith.constant 0 : i32
    %dma_wait3A_71 = tpu.memref_slice %arg2[%dma_wait3A_69, %dma_wait3A_70] : memref<10000x128xf32, #tpu.memory_space<hbm>> -> memref<80x128xf32, #tpu.memory_space<hbm>>
    %dma_wait3A_72 = arith.constant 0 : i32
    %dma_wait3A_73 = arith.constant 0 : i32
    %dma_wait3A_74 = tpu.memref_slice %arg2[%dma_wait3A_72, %dma_wait3A_73] : memref<10000x128xf32, #tpu.memory_space<hbm>> -> memref<80x128xf32, #tpu.memory_space<hbm>>
    tpu.wait_dma2 semaphore(%arg11 : memref<!tpu.dma_semaphore, #tpu.memory_space<semaphore_mem>>) src(%dma_wait3A_74 : memref<80x128xf32, #tpu.memory_space<hbm>>) dst(%arg8 : memref<80x128xf32, #tpu.memory_space<vmem>>)
    %run_scoped3A_75 = arith.constant 124 : i32
    "tpu.region"() ({
      %run_scoped3A_81 = tpu.sem_alloc : memref<!tpu.dma_semaphore, #tpu.memory_space<semaphore_mem>>
      %dma_start3A_82 = arith.constant 0 : i32
      %dma_start3A_83 = tpu.memref_slice %arg7[%run_scoped3A_75, %dma_start3A_82] : memref<125x80xi32, #tpu.memory_space<vmem>> -> memref<1x80xi32, #tpu.memory_space<vmem>>
      %dma_start3A_84 = tpu.memref_squeeze %dma_start3A_83 : memref<1x80xi32, #tpu.memory_space<vmem>> -> memref<80xi32, #tpu.memory_space<vmem>>
      %dma_start3A_85 = arith.constant 0 : i32
      %dma_start3A_86 = arith.constant 0 : i32
      %dma_start3A_87 = tpu.memref_slice %arg10[%dma_start3A_85, %dma_start3A_86] : memref<10240x128xf32, #tpu.memory_space<vmem_shared>> -> memref<10240x128xf32, #tpu.memory_space<vmem_shared>>
      tpu.enqueue_indirect_dma source(%arg8 : memref<80x128xf32, #tpu.memory_space<vmem>>) target(%dma_start3A_87 : memref<10240x128xf32, #tpu.memory_space<vmem_shared>>) offsets(%dma_start3A_84 : memref<80xi32, #tpu.memory_space<vmem>>) semaphore(%run_scoped3A_81 : memref<!tpu.dma_semaphore, #tpu.memory_space<semaphore_mem>>) {add = true}
      %dma_wait3A_88 = arith.constant 0 : i32
      %dma_wait3A_89 = tpu.memref_slice %arg7[%run_scoped3A_75, %dma_wait3A_88] : memref<125x80xi32, #tpu.memory_space<vmem>> -> memref<1x80xi32, #tpu.memory_space<vmem>>
      %dma_wait3A_90 = tpu.memref_squeeze %dma_wait3A_89 : memref<1x80xi32, #tpu.memory_space<vmem>> -> memref<80xi32, #tpu.memory_space<vmem>>
      %dma_wait3A_91 = arith.constant 0 : i32
      %dma_wait3A_92 = arith.constant 0 : i32
      %dma_wait3A_93 = tpu.memref_slice %arg10[%dma_wait3A_91, %dma_wait3A_92] : memref<10240x128xf32, #tpu.memory_space<vmem_shared>> -> memref<10240x128xf32, #tpu.memory_space<vmem_shared>>
      tpu.wait_indirect_dma semaphore(%run_scoped3A_81 : memref<!tpu.dma_semaphore, #tpu.memory_space<semaphore_mem>>) src(%arg8 : memref<80x128xf32, #tpu.memory_space<vmem>>) dst(%dma_wait3A_93 : memref<10240x128xf32, #tpu.memory_space<vmem_shared>>)
      tpu.yield
    }) : () -> ()
    %barrier3A_76 = arith.constant 0 : index
    tpu.barrier barrier_id(%barrier3A_76)
    %mul3A_77 = arith.constant 640 : i32
    %mul3A_78 = arith.muli %arg1, %mul3A_77 : i32
    %mul3A_79 = arith.constant 640 : i32
    %mul3A_80 = arith.muli %arg1, %mul3A_79 : i32
    "tpu.region"() ({
      %run_scoped3A_81 = tpu.sem_alloc : memref<!tpu.dma_semaphore, #tpu.memory_space<semaphore_mem>>
      %dma_start3A_82 = arith.constant 0 : i32
      %dma_start3A_83 = tpu.memref_slice %arg5[%arg0, %mul3A_80, %dma_start3A_82] : memref<2x10240x128xf32, #tpu.memory_space<hbm>> -> memref<1x640x128xf32, #tpu.memory_space<hbm>>
      %dma_start3A_84 = tpu.memref_squeeze %dma_start3A_83 : memref<1x640x128xf32, #tpu.memory_space<hbm>> -> memref<640x128xf32, #tpu.memory_space<hbm>>
      %dma_start3A_85 = arith.constant 0 : i32
      %dma_start3A_86 = tpu.memref_slice %arg10[%mul3A_78, %dma_start3A_85] : memref<10240x128xf32, #tpu.memory_space<vmem_shared>> -> memref<640x128xf32, #tpu.memory_space<vmem_shared>>
      tpu.enqueue_dma source(%dma_start3A_86 : memref<640x128xf32, #tpu.memory_space<vmem_shared>>) target(%dma_start3A_84 : memref<640x128xf32, #tpu.memory_space<hbm>>) target_semaphore(%run_scoped3A_81 : memref<!tpu.dma_semaphore, #tpu.memory_space<semaphore_mem>>)
      %dma_wait3A_87 = arith.constant 0 : i32
      %dma_wait3A_88 = tpu.memref_slice %arg5[%arg0, %mul3A_80, %dma_wait3A_87] : memref<2x10240x128xf32, #tpu.memory_space<hbm>> -> memref<1x640x128xf32, #tpu.memory_space<hbm>>
      %dma_wait3A_89 = tpu.memref_squeeze %dma_wait3A_88 : memref<1x640x128xf32, #tpu.memory_space<hbm>> -> memref<640x128xf32, #tpu.memory_space<hbm>>
      %dma_wait3A_90 = arith.constant 0 : i32
      %dma_wait3A_91 = tpu.memref_slice %arg10[%mul3A_78, %dma_wait3A_90] : memref<10240x128xf32, #tpu.memory_space<vmem_shared>> -> memref<640x128xf32, #tpu.memory_space<vmem_shared>>
      tpu.wait_dma2 semaphore(%run_scoped3A_81 : memref<!tpu.dma_semaphore, #tpu.memory_space<semaphore_mem>>) src(%dma_wait3A_91 : memref<640x128xf32, #tpu.memory_space<vmem_shared>>) dst(%dma_wait3A_89 : memref<640x128xf32, #tpu.memory_space<hbm>>)
      tpu.yield
    }) : () -> ()
    return
  }
}

#map = affine_map<(d0, d1) -> (0, 0)>
#map1 = affine_map<(d0, d1) -> (0, 0, 0)>
module attributes {stable_mosaic.version = 14 : i64} {
  func.func @_agg_body(%arg0: i32, %arg1: i32, %arg2: memref<10000x128xf32, #tpu.memory_space<hbm>>, %arg3: memref<32x10000xi32, #tpu.memory_space<hbm>>, %arg4: memref<32x125x80xi32, #tpu.memory_space<hbm>>, %arg5: memref<2x10240x128xf32, #tpu.memory_space<hbm>>, %arg6: memref<10000xi32, #tpu.memory_space<vmem>>, %arg7: memref<125x80xi32, #tpu.memory_space<vmem>>, %arg8: memref<80x128xf32, #tpu.memory_space<vmem>>, %arg9: memref<80x128xf32, #tpu.memory_space<vmem>>, %arg10: memref<10240x128xf32, #tpu.memory_space<vmem_shared>>, %arg11: memref<!tpu.dma_semaphore, #tpu.memory_space<semaphore_mem>>, %arg12: memref<!tpu.dma_semaphore, #tpu.memory_space<semaphore_mem>>) attributes {dimension_semantics = [#tpu.dimension_semantics<core_parallel>, #tpu.dimension_semantics<subcore_parallel>], iteration_bounds = array<i64: 2, 16>, scalar_prefetch = 0 : i64, scratch_operands = 7 : i64, tpu.core_type = #tpu.core_type<sc_vector_subcore>, window_params = [{transform_indices = #map}, {transform_indices = #map}, {transform_indices = #map1}, {transform_indices = #map1}]} {
    %mul3A = arith.constant 16 : i32
    %mul3A_0 = arith.muli %arg0, %mul3A : i32
    %add3A = arith.addi %mul3A_0, %arg1 : i32
    "tpu.region"() ({
      %run_scoped3A_81 = tpu.sem_alloc : memref<!tpu.dma_semaphore, #tpu.memory_space<semaphore_mem>>
      %dma_start3A_82 = arith.constant 0 : i32
      %dma_start3A_83 = tpu.memref_slice %arg3[%add3A, %dma_start3A_82] : memref<32x10000xi32, #tpu.memory_space<hbm>> -> memref<1x10000xi32, #tpu.memory_space<hbm>>
      %dma_start3A_84 = tpu.memref_squeeze %dma_start3A_83 : memref<1x10000xi32, #tpu.memory_space<hbm>> -> memref<10000xi32, #tpu.memory_space<hbm>>
      %dma_start3A_85 = arith.constant 0 : i32
      %dma_start3A_86 = tpu.memref_slice %arg3[%add3A, %dma_start3A_85] : memref<32x10000xi32, #tpu.memory_space<hbm>> -> memref<1x10000xi32, #tpu.memory_space<hbm>>
      %dma_start3A_87 = tpu.memref_squeeze %dma_start3A_86 : memref<1x10000xi32, #tpu.memory_space<hbm>> -> memref<10000xi32, #tpu.memory_space<hbm>>
      tpu.enqueue_dma source(%dma_start3A_87 : memref<10000xi32, #tpu.memory_space<hbm>>) target(%arg6 : memref<10000xi32, #tpu.memory_space<vmem>>) target_semaphore(%run_scoped3A_81 : memref<!tpu.dma_semaphore, #tpu.memory_space<semaphore_mem>>)
      %dma_wait3A_88 = arith.constant 0 : i32
      %dma_wait3A_89 = tpu.memref_slice %arg3[%add3A, %dma_wait3A_88] : memref<32x10000xi32, #tpu.memory_space<hbm>> -> memref<1x10000xi32, #tpu.memory_space<hbm>>
      %dma_wait3A_90 = tpu.memref_squeeze %dma_wait3A_89 : memref<1x10000xi32, #tpu.memory_space<hbm>> -> memref<10000xi32, #tpu.memory_space<hbm>>
      %dma_wait3A_91 = arith.constant 0 : i32
      %dma_wait3A_92 = tpu.memref_slice %arg3[%add3A, %dma_wait3A_91] : memref<32x10000xi32, #tpu.memory_space<hbm>> -> memref<1x10000xi32, #tpu.memory_space<hbm>>
      %dma_wait3A_93 = tpu.memref_squeeze %dma_wait3A_92 : memref<1x10000xi32, #tpu.memory_space<hbm>> -> memref<10000xi32, #tpu.memory_space<hbm>>
      tpu.wait_dma2 semaphore(%run_scoped3A_81 : memref<!tpu.dma_semaphore, #tpu.memory_space<semaphore_mem>>) src(%dma_wait3A_93 : memref<10000xi32, #tpu.memory_space<hbm>>) dst(%arg6 : memref<10000xi32, #tpu.memory_space<vmem>>)
      tpu.yield
    }) : () -> ()
    "tpu.region"() ({
      %run_scoped3A_81 = tpu.sem_alloc : memref<!tpu.dma_semaphore, #tpu.memory_space<semaphore_mem>>
      %dma_start3A_82 = arith.constant 0 : i32
      %dma_start3A_83 = arith.constant 0 : i32
      %dma_start3A_84 = tpu.memref_slice %arg4[%add3A, %dma_start3A_82, %dma_start3A_83] : memref<32x125x80xi32, #tpu.memory_space<hbm>> -> memref<1x125x80xi32, #tpu.memory_space<hbm>>
      %dma_start3A_85 = tpu.memref_squeeze %dma_start3A_84 : memref<1x125x80xi32, #tpu.memory_space<hbm>> -> memref<125x80xi32, #tpu.memory_space<hbm>>
      %dma_start3A_86 = arith.constant 0 : i32
      %dma_start3A_87 = arith.constant 0 : i32
      %dma_start3A_88 = tpu.memref_slice %arg4[%add3A, %dma_start3A_86, %dma_start3A_87] : memref<32x125x80xi32, #tpu.memory_space<hbm>> -> memref<1x125x80xi32, #tpu.memory_space<hbm>>
      %dma_start3A_89 = tpu.memref_squeeze %dma_start3A_88 : memref<1x125x80xi32, #tpu.memory_space<hbm>> -> memref<125x80xi32, #tpu.memory_space<hbm>>
      tpu.enqueue_dma source(%dma_start3A_89 : memref<125x80xi32, #tpu.memory_space<hbm>>) target(%arg7 : memref<125x80xi32, #tpu.memory_space<vmem>>) target_semaphore(%run_scoped3A_81 : memref<!tpu.dma_semaphore, #tpu.memory_space<semaphore_mem>>)
      %dma_wait3A_90 = arith.constant 0 : i32
      %dma_wait3A_91 = arith.constant 0 : i32
      %dma_wait3A_92 = tpu.memref_slice %arg4[%add3A, %dma_wait3A_90, %dma_wait3A_91] : memref<32x125x80xi32, #tpu.memory_space<hbm>> -> memref<1x125x80xi32, #tpu.memory_space<hbm>>
      %dma_wait3A_93 = tpu.memref_squeeze %dma_wait3A_92 : memref<1x125x80xi32, #tpu.memory_space<hbm>> -> memref<125x80xi32, #tpu.memory_space<hbm>>
      %dma_wait3A_94 = arith.constant 0 : i32
      %dma_wait3A_95 = arith.constant 0 : i32
      %dma_wait3A_96 = tpu.memref_slice %arg4[%add3A, %dma_wait3A_94, %dma_wait3A_95] : memref<32x125x80xi32, #tpu.memory_space<hbm>> -> memref<1x125x80xi32, #tpu.memory_space<hbm>>
      %dma_wait3A_97 = tpu.memref_squeeze %dma_wait3A_96 : memref<1x125x80xi32, #tpu.memory_space<hbm>> -> memref<125x80xi32, #tpu.memory_space<hbm>>
      tpu.wait_dma2 semaphore(%run_scoped3A_81 : memref<!tpu.dma_semaphore, #tpu.memory_space<semaphore_mem>>) src(%dma_wait3A_97 : memref<125x80xi32, #tpu.memory_space<hbm>>) dst(%arg7 : memref<125x80xi32, #tpu.memory_space<vmem>>)
      tpu.yield
    }) : () -> ()
    %broadcast_in_dim3A = arith.constant 0.000000e+00 : f32
    %broadcast_in_dim3A_1 = vector.broadcast %broadcast_in_dim3A : f32 to vector<16xf32>
    %scan3A = arith.constant 0 : i32
    %scan3A_2 = arith.constant 640 : i32
    %scan3A_3 = arith.addi %scan3A, %scan3A_2 : i32
    %scan3A_4 = arith.constant 1 : i32
    scf.for %scan3A_81 = %scan3A to %scan3A_3 step %scan3A_4  : i32 {
      %jit3A = arith.constant 8 : i32
      %div3A = arith.divsi %scan3A_81, %jit3A : i32
      %sign3A = arith.constant 0 : i32
      %sign3A_82 = arith.cmpi sgt, %scan3A_81, %sign3A : i32
      %sign3A_83 = arith.extui %sign3A_82 : i1 to i32
      %sign3A_84 = arith.constant 0 : i32
      %sign3A_85 = arith.cmpi slt, %scan3A_81, %sign3A_84 : i32
      %sign3A_86 = arith.extui %sign3A_85 : i1 to i32
      %sign3A_87 = arith.subi %sign3A_83, %sign3A_86 : i32
      %sign3A_88 = arith.constant 0 : i32
      %sign3A_89 = arith.cmpi sgt, %jit3A, %sign3A_88 : i32
      %sign3A_90 = arith.extui %sign3A_89 : i1 to i32
      %sign3A_91 = arith.constant 0 : i32
      %sign3A_92 = arith.cmpi slt, %jit3A, %sign3A_91 : i32
      %sign3A_93 = arith.extui %sign3A_92 : i1 to i32
      %sign3A_94 = arith.subi %sign3A_90, %sign3A_93 : i32
      %ne3A = arith.cmpi ne, %sign3A_87, %sign3A_94 : i32
      %rem3A = arith.remsi %scan3A_81, %jit3A : i32
      %ne3A_95 = arith.constant 0 : i32
      %ne3A_96 = arith.cmpi ne, %rem3A, %ne3A_95 : i32
      %and3A = arith.andi %ne3A, %ne3A_96 : i1
      %sub3A = arith.constant 1 : i32
      %sub3A_97 = arith.subi %div3A, %sub3A : i32
      %select_n3A = arith.select %and3A, %sub3A_97, %div3A : i32
      %jit3A_98 = arith.constant 8 : i32
      %eq3A = arith.constant 0 : i32
      %eq3A_99 = arith.cmpi eq, %jit3A_98, %eq3A : i32
      %jit3A_100 = arith.constant 1 : i32
      %select_n3A_101 = arith.select %eq3A_99, %jit3A_100, %jit3A_98 : i32
      %rem3A_102 = arith.remsi %scan3A_81, %select_n3A_101 : i32
      %ne3A_103 = arith.constant 0 : i32
      %ne3A_104 = arith.cmpi ne, %rem3A_102, %ne3A_103 : i32
      %lt3A = arith.constant 0 : i32
      %lt3A_105 = arith.cmpi slt, %rem3A_102, %lt3A : i32
      %lt3A_106 = arith.constant 0 : i32
      %lt3A_107 = arith.cmpi slt, %select_n3A_101, %lt3A_106 : i32
      %ne3A_108 = arith.xori %lt3A_105, %lt3A_107 : i1
      %and3A_109 = arith.andi %ne3A_108, %ne3A_104 : i1
      %add3A_110 = arith.addi %rem3A_102, %select_n3A_101 : i32
      %select_n3A_111 = arith.select %and3A_109, %add3A_110, %rem3A_102 : i32
      %mul3A_112 = arith.constant 16 : i32
      %mul3A_113 = arith.muli %select_n3A_111, %mul3A_112 : i32
      %swap3A = arith.index_cast %select_n3A : i32 to index
      %swap3A_114 = arith.index_cast %mul3A_113 : i32 to index
      %swap3A_115 = tpu.vector_load %arg8[%swap3A, %swap3A_114] {strides = array<i32>} : memref<80x128xf32, #tpu.memory_space<vmem>>, vector<1x16xf32>,
      %swap3A_116 = vector.shape_cast %swap3A_115 : vector<1x16xf32> to vector<16xf32>
      %swap3A_117 = vector.shape_cast %broadcast_in_dim3A_1 : vector<16xf32> to vector<1x16xf32>
      tpu.vector_store %arg8[%swap3A, %swap3A_114], %swap3A_117 {strides = array<i32>} : memref<80x128xf32, #tpu.memory_space<vmem>>, vector<1x16xf32>,
    }
    %scan3A_5 = arith.constant 640 : i32
    %mul3A_6 = arith.constant 640 : i32
    %mul3A_7 = arith.muli %arg1, %mul3A_6 : i32
    %add3A_8 = arith.constant 0 : i32
    %add3A_9 = arith.addi %mul3A_7, %add3A_8 : i32
    "tpu.region"() ({
      %run_scoped3A_81 = tpu.sem_alloc : memref<!tpu.dma_semaphore, #tpu.memory_space<semaphore_mem>>
      %dma_start3A_82 = arith.constant 0 : i32
      %dma_start3A_83 = tpu.memref_slice %arg10[%add3A_9, %dma_start3A_82] : memref<10240x128xf32, #tpu.memory_space<vmem_shared>> -> memref<80x128xf32, #tpu.memory_space<vmem_shared>>
      %dma_start3A_84 = arith.constant 0 : i32
      %dma_start3A_85 = tpu.memref_slice %arg10[%add3A_9, %dma_start3A_84] : memref<10240x128xf32, #tpu.memory_space<vmem_shared>> -> memref<80x128xf32, #tpu.memory_space<vmem_shared>>
      tpu.enqueue_dma source(%arg8 : memref<80x128xf32, #tpu.memory_space<vmem>>) target(%dma_start3A_85 : memref<80x128xf32, #tpu.memory_space<vmem_shared>>) target_semaphore(%run_scoped3A_81 : memref<!tpu.dma_semaphore, #tpu.memory_space<semaphore_mem>>)
      %dma_wait3A_86 = arith.constant 0 : i32
      %dma_wait3A_87 = tpu.memref_slice %arg10[%add3A_9, %dma_wait3A_86] : memref<10240x128xf32, #tpu.memory_space<vmem_shared>> -> memref<80x128xf32, #tpu.memory_space<vmem_shared>>
      %dma_wait3A_88 = arith.constant 0 : i32
      %dma_wait3A_89 = tpu.memref_slice %arg10[%add3A_9, %dma_wait3A_88] : memref<10240x128xf32, #tpu.memory_space<vmem_shared>> -> memref<80x128xf32, #tpu.memory_space<vmem_shared>>
      tpu.wait_dma2 semaphore(%run_scoped3A_81 : memref<!tpu.dma_semaphore, #tpu.memory_space<semaphore_mem>>) src(%arg8 : memref<80x128xf32, #tpu.memory_space<vmem>>) dst(%dma_wait3A_89 : memref<80x128xf32, #tpu.memory_space<vmem_shared>>)
      tpu.yield
    }) : () -> ()
    %mul3A_10 = arith.constant 640 : i32
    %mul3A_11 = arith.muli %arg1, %mul3A_10 : i32
    %add3A_12 = arith.constant 80 : i32
    %add3A_13 = arith.addi %mul3A_11, %add3A_12 : i32
    "tpu.region"() ({
      %run_scoped3A_81 = tpu.sem_alloc : memref<!tpu.dma_semaphore, #tpu.memory_space<semaphore_mem>>
      %dma_start3A_82 = arith.constant 0 : i32
      %dma_start3A_83 = tpu.memref_slice %arg10[%add3A_13, %dma_start3A_82] : memref<10240x128xf32, #tpu.memory_space<vmem_shared>> -> memref<80x128xf32, #tpu.memory_space<vmem_shared>>
      %dma_start3A_84 = arith.constant 0 : i32
      %dma_start3A_85 = tpu.memref_slice %arg10[%add3A_13, %dma_start3A_84] : memref<10240x128xf32, #tpu.memory_space<vmem_shared>> -> memref<80x128xf32, #tpu.memory_space<vmem_shared>>
      tpu.enqueue_dma source(%arg8 : memref<80x128xf32, #tpu.memory_space<vmem>>) target(%dma_start3A_85 : memref<80x128xf32, #tpu.memory_space<vmem_shared>>) target_semaphore(%run_scoped3A_81 : memref<!tpu.dma_semaphore, #tpu.memory_space<semaphore_mem>>)
      %dma_wait3A_86 = arith.constant 0 : i32
      %dma_wait3A_87 = tpu.memref_slice %arg10[%add3A_13, %dma_wait3A_86] : memref<10240x128xf32, #tpu.memory_space<vmem_shared>> -> memref<80x128xf32, #tpu.memory_space<vmem_shared>>
      %dma_wait3A_88 = arith.constant 0 : i32
      %dma_wait3A_89 = tpu.memref_slice %arg10[%add3A_13, %dma_wait3A_88] : memref<10240x128xf32, #tpu.memory_space<vmem_shared>> -> memref<80x128xf32, #tpu.memory_space<vmem_shared>>
      tpu.wait_dma2 semaphore(%run_scoped3A_81 : memref<!tpu.dma_semaphore, #tpu.memory_space<semaphore_mem>>) src(%arg8 : memref<80x128xf32, #tpu.memory_space<vmem>>) dst(%dma_wait3A_89 : memref<80x128xf32, #tpu.memory_space<vmem_shared>>)
      tpu.yield
    }) : () -> ()
    %mul3A_14 = arith.constant 640 : i32
    %mul3A_15 = arith.muli %arg1, %mul3A_14 : i32
    %add3A_16 = arith.constant 160 : i32
    %add3A_17 = arith.addi %mul3A_15, %add3A_16 : i32
    "tpu.region"() ({
      %run_scoped3A_81 = tpu.sem_alloc : memref<!tpu.dma_semaphore, #tpu.memory_space<semaphore_mem>>
      %dma_start3A_82 = arith.constant 0 : i32
      %dma_start3A_83 = tpu.memref_slice %arg10[%add3A_17, %dma_start3A_82] : memref<10240x128xf32, #tpu.memory_space<vmem_shared>> -> memref<80x128xf32, #tpu.memory_space<vmem_shared>>
      %dma_start3A_84 = arith.constant 0 : i32
      %dma_start3A_85 = tpu.memref_slice %arg10[%add3A_17, %dma_start3A_84] : memref<10240x128xf32, #tpu.memory_space<vmem_shared>> -> memref<80x128xf32, #tpu.memory_space<vmem_shared>>
      tpu.enqueue_dma source(%arg8 : memref<80x128xf32, #tpu.memory_space<vmem>>) target(%dma_start3A_85 : memref<80x128xf32, #tpu.memory_space<vmem_shared>>) target_semaphore(%run_scoped3A_81 : memref<!tpu.dma_semaphore, #tpu.memory_space<semaphore_mem>>)
      %dma_wait3A_86 = arith.constant 0 : i32
      %dma_wait3A_87 = tpu.memref_slice %arg10[%add3A_17, %dma_wait3A_86] : memref<10240x128xf32, #tpu.memory_space<vmem_shared>> -> memref<80x128xf32, #tpu.memory_space<vmem_shared>>
      %dma_wait3A_88 = arith.constant 0 : i32
      %dma_wait3A_89 = tpu.memref_slice %arg10[%add3A_17, %dma_wait3A_88] : memref<10240x128xf32, #tpu.memory_space<vmem_shared>> -> memref<80x128xf32, #tpu.memory_space<vmem_shared>>
      tpu.wait_dma2 semaphore(%run_scoped3A_81 : memref<!tpu.dma_semaphore, #tpu.memory_space<semaphore_mem>>) src(%arg8 : memref<80x128xf32, #tpu.memory_space<vmem>>) dst(%dma_wait3A_89 : memref<80x128xf32, #tpu.memory_space<vmem_shared>>)
      tpu.yield
    }) : () -> ()
    %mul3A_18 = arith.constant 640 : i32
    %mul3A_19 = arith.muli %arg1, %mul3A_18 : i32
    %add3A_20 = arith.constant 240 : i32
    %add3A_21 = arith.addi %mul3A_19, %add3A_20 : i32
    "tpu.region"() ({
      %run_scoped3A_81 = tpu.sem_alloc : memref<!tpu.dma_semaphore, #tpu.memory_space<semaphore_mem>>
      %dma_start3A_82 = arith.constant 0 : i32
      %dma_start3A_83 = tpu.memref_slice %arg10[%add3A_21, %dma_start3A_82] : memref<10240x128xf32, #tpu.memory_space<vmem_shared>> -> memref<80x128xf32, #tpu.memory_space<vmem_shared>>
      %dma_start3A_84 = arith.constant 0 : i32
      %dma_start3A_85 = tpu.memref_slice %arg10[%add3A_21, %dma_start3A_84] : memref<10240x128xf32, #tpu.memory_space<vmem_shared>> -> memref<80x128xf32, #tpu.memory_space<vmem_shared>>
      tpu.enqueue_dma source(%arg8 : memref<80x128xf32, #tpu.memory_space<vmem>>) target(%dma_start3A_85 : memref<80x128xf32, #tpu.memory_space<vmem_shared>>) target_semaphore(%run_scoped3A_81 : memref<!tpu.dma_semaphore, #tpu.memory_space<semaphore_mem>>)
      %dma_wait3A_86 = arith.constant 0 : i32
      %dma_wait3A_87 = tpu.memref_slice %arg10[%add3A_21, %dma_wait3A_86] : memref<10240x128xf32, #tpu.memory_space<vmem_shared>> -> memref<80x128xf32, #tpu.memory_space<vmem_shared>>
      %dma_wait3A_88 = arith.constant 0 : i32
      %dma_wait3A_89 = tpu.memref_slice %arg10[%add3A_21, %dma_wait3A_88] : memref<10240x128xf32, #tpu.memory_space<vmem_shared>> -> memref<80x128xf32, #tpu.memory_space<vmem_shared>>
      tpu.wait_dma2 semaphore(%run_scoped3A_81 : memref<!tpu.dma_semaphore, #tpu.memory_space<semaphore_mem>>) src(%arg8 : memref<80x128xf32, #tpu.memory_space<vmem>>) dst(%dma_wait3A_89 : memref<80x128xf32, #tpu.memory_space<vmem_shared>>)
      tpu.yield
    }) : () -> ()
    %mul3A_22 = arith.constant 640 : i32
    %mul3A_23 = arith.muli %arg1, %mul3A_22 : i32
    %add3A_24 = arith.constant 320 : i32
    %add3A_25 = arith.addi %mul3A_23, %add3A_24 : i32
    "tpu.region"() ({
      %run_scoped3A_81 = tpu.sem_alloc : memref<!tpu.dma_semaphore, #tpu.memory_space<semaphore_mem>>
      %dma_start3A_82 = arith.constant 0 : i32
      %dma_start3A_83 = tpu.memref_slice %arg10[%add3A_25, %dma_start3A_82] : memref<10240x128xf32, #tpu.memory_space<vmem_shared>> -> memref<80x128xf32, #tpu.memory_space<vmem_shared>>
      %dma_start3A_84 = arith.constant 0 : i32
      %dma_start3A_85 = tpu.memref_slice %arg10[%add3A_25, %dma_start3A_84] : memref<10240x128xf32, #tpu.memory_space<vmem_shared>> -> memref<80x128xf32, #tpu.memory_space<vmem_shared>>
      tpu.enqueue_dma source(%arg8 : memref<80x128xf32, #tpu.memory_space<vmem>>) target(%dma_start3A_85 : memref<80x128xf32, #tpu.memory_space<vmem_shared>>) target_semaphore(%run_scoped3A_81 : memref<!tpu.dma_semaphore, #tpu.memory_space<semaphore_mem>>)
      %dma_wait3A_86 = arith.constant 0 : i32
      %dma_wait3A_87 = tpu.memref_slice %arg10[%add3A_25, %dma_wait3A_86] : memref<10240x128xf32, #tpu.memory_space<vmem_shared>> -> memref<80x128xf32, #tpu.memory_space<vmem_shared>>
      %dma_wait3A_88 = arith.constant 0 : i32
      %dma_wait3A_89 = tpu.memref_slice %arg10[%add3A_25, %dma_wait3A_88] : memref<10240x128xf32, #tpu.memory_space<vmem_shared>> -> memref<80x128xf32, #tpu.memory_space<vmem_shared>>
      tpu.wait_dma2 semaphore(%run_scoped3A_81 : memref<!tpu.dma_semaphore, #tpu.memory_space<semaphore_mem>>) src(%arg8 : memref<80x128xf32, #tpu.memory_space<vmem>>) dst(%dma_wait3A_89 : memref<80x128xf32, #tpu.memory_space<vmem_shared>>)
      tpu.yield
    }) : () -> ()
    %mul3A_26 = arith.constant 640 : i32
    %mul3A_27 = arith.muli %arg1, %mul3A_26 : i32
    %add3A_28 = arith.constant 400 : i32
    %add3A_29 = arith.addi %mul3A_27, %add3A_28 : i32
    "tpu.region"() ({
      %run_scoped3A_81 = tpu.sem_alloc : memref<!tpu.dma_semaphore, #tpu.memory_space<semaphore_mem>>
      %dma_start3A_82 = arith.constant 0 : i32
      %dma_start3A_83 = tpu.memref_slice %arg10[%add3A_29, %dma_start3A_82] : memref<10240x128xf32, #tpu.memory_space<vmem_shared>> -> memref<80x128xf32, #tpu.memory_space<vmem_shared>>
      %dma_start3A_84 = arith.constant 0 : i32
      %dma_start3A_85 = tpu.memref_slice %arg10[%add3A_29, %dma_start3A_84] : memref<10240x128xf32, #tpu.memory_space<vmem_shared>> -> memref<80x128xf32, #tpu.memory_space<vmem_shared>>
      tpu.enqueue_dma source(%arg8 : memref<80x128xf32, #tpu.memory_space<vmem>>) target(%dma_start3A_85 : memref<80x128xf32, #tpu.memory_space<vmem_shared>>) target_semaphore(%run_scoped3A_81 : memref<!tpu.dma_semaphore, #tpu.memory_space<semaphore_mem>>)
      %dma_wait3A_86 = arith.constant 0 : i32
      %dma_wait3A_87 = tpu.memref_slice %arg10[%add3A_29, %dma_wait3A_86] : memref<10240x128xf32, #tpu.memory_space<vmem_shared>> -> memref<80x128xf32, #tpu.memory_space<vmem_shared>>
      %dma_wait3A_88 = arith.constant 0 : i32
      %dma_wait3A_89 = tpu.memref_slice %arg10[%add3A_29, %dma_wait3A_88] : memref<10240x128xf32, #tpu.memory_space<vmem_shared>> -> memref<80x128xf32, #tpu.memory_space<vmem_shared>>
      tpu.wait_dma2 semaphore(%run_scoped3A_81 : memref<!tpu.dma_semaphore, #tpu.memory_space<semaphore_mem>>) src(%arg8 : memref<80x128xf32, #tpu.memory_space<vmem>>) dst(%dma_wait3A_89 : memref<80x128xf32, #tpu.memory_space<vmem_shared>>)
      tpu.yield
    }) : () -> ()
    %mul3A_30 = arith.constant 640 : i32
    %mul3A_31 = arith.muli %arg1, %mul3A_30 : i32
    %add3A_32 = arith.constant 480 : i32
    %add3A_33 = arith.addi %mul3A_31, %add3A_32 : i32
    "tpu.region"() ({
      %run_scoped3A_81 = tpu.sem_alloc : memref<!tpu.dma_semaphore, #tpu.memory_space<semaphore_mem>>
      %dma_start3A_82 = arith.constant 0 : i32
      %dma_start3A_83 = tpu.memref_slice %arg10[%add3A_33, %dma_start3A_82] : memref<10240x128xf32, #tpu.memory_space<vmem_shared>> -> memref<80x128xf32, #tpu.memory_space<vmem_shared>>
      %dma_start3A_84 = arith.constant 0 : i32
      %dma_start3A_85 = tpu.memref_slice %arg10[%add3A_33, %dma_start3A_84] : memref<10240x128xf32, #tpu.memory_space<vmem_shared>> -> memref<80x128xf32, #tpu.memory_space<vmem_shared>>
      tpu.enqueue_dma source(%arg8 : memref<80x128xf32, #tpu.memory_space<vmem>>) target(%dma_start3A_85 : memref<80x128xf32, #tpu.memory_space<vmem_shared>>) target_semaphore(%run_scoped3A_81 : memref<!tpu.dma_semaphore, #tpu.memory_space<semaphore_mem>>)
      %dma_wait3A_86 = arith.constant 0 : i32
      %dma_wait3A_87 = tpu.memref_slice %arg10[%add3A_33, %dma_wait3A_86] : memref<10240x128xf32, #tpu.memory_space<vmem_shared>> -> memref<80x128xf32, #tpu.memory_space<vmem_shared>>
      %dma_wait3A_88 = arith.constant 0 : i32
      %dma_wait3A_89 = tpu.memref_slice %arg10[%add3A_33, %dma_wait3A_88] : memref<10240x128xf32, #tpu.memory_space<vmem_shared>> -> memref<80x128xf32, #tpu.memory_space<vmem_shared>>
      tpu.wait_dma2 semaphore(%run_scoped3A_81 : memref<!tpu.dma_semaphore, #tpu.memory_space<semaphore_mem>>) src(%arg8 : memref<80x128xf32, #tpu.memory_space<vmem>>) dst(%dma_wait3A_89 : memref<80x128xf32, #tpu.memory_space<vmem_shared>>)
      tpu.yield
    }) : () -> ()
    %mul3A_34 = arith.constant 640 : i32
    %mul3A_35 = arith.muli %arg1, %mul3A_34 : i32
    %add3A_36 = arith.constant 560 : i32
    %add3A_37 = arith.addi %mul3A_35, %add3A_36 : i32
    "tpu.region"() ({
      %run_scoped3A_81 = tpu.sem_alloc : memref<!tpu.dma_semaphore, #tpu.memory_space<semaphore_mem>>
      %dma_start3A_82 = arith.constant 0 : i32
      %dma_start3A_83 = tpu.memref_slice %arg10[%add3A_37, %dma_start3A_82] : memref<10240x128xf32, #tpu.memory_space<vmem_shared>> -> memref<80x128xf32, #tpu.memory_space<vmem_shared>>
      %dma_start3A_84 = arith.constant 0 : i32
      %dma_start3A_85 = tpu.memref_slice %arg10[%add3A_37, %dma_start3A_84] : memref<10240x128xf32, #tpu.memory_space<vmem_shared>> -> memref<80x128xf32, #tpu.memory_space<vmem_shared>>
      tpu.enqueue_dma source(%arg8 : memref<80x128xf32, #tpu.memory_space<vmem>>) target(%dma_start3A_85 : memref<80x128xf32, #tpu.memory_space<vmem_shared>>) target_semaphore(%run_scoped3A_81 : memref<!tpu.dma_semaphore, #tpu.memory_space<semaphore_mem>>)
      %dma_wait3A_86 = arith.constant 0 : i32
      %dma_wait3A_87 = tpu.memref_slice %arg10[%add3A_37, %dma_wait3A_86] : memref<10240x128xf32, #tpu.memory_space<vmem_shared>> -> memref<80x128xf32, #tpu.memory_space<vmem_shared>>
      %dma_wait3A_88 = arith.constant 0 : i32
      %dma_wait3A_89 = tpu.memref_slice %arg10[%add3A_37, %dma_wait3A_88] : memref<10240x128xf32, #tpu.memory_space<vmem_shared>> -> memref<80x128xf32, #tpu.memory_space<vmem_shared>>
      tpu.wait_dma2 semaphore(%run_scoped3A_81 : memref<!tpu.dma_semaphore, #tpu.memory_space<semaphore_mem>>) src(%arg8 : memref<80x128xf32, #tpu.memory_space<vmem>>) dst(%dma_wait3A_89 : memref<80x128xf32, #tpu.memory_space<vmem_shared>>)
      tpu.yield
    }) : () -> ()
    %barrier3A = arith.constant 0 : index
    tpu.barrier barrier_id(%barrier3A)
    %dma_start3A = arith.constant 0 : i32
    %dma_start3A_38 = tpu.memref_slice %arg6[%dma_start3A] : memref<10000xi32, #tpu.memory_space<vmem>> -> memref<80xi32, #tpu.memory_space<vmem>>
    %dma_start3A_39 = arith.constant 0 : i32
    %dma_start3A_40 = arith.constant 0 : i32
    %dma_start3A_41 = tpu.memref_slice %arg2[%dma_start3A_39, %dma_start3A_40] : memref<10000x128xf32, #tpu.memory_space<hbm>> -> memref<10000x128xf32, #tpu.memory_space<hbm>>
    tpu.enqueue_indirect_dma source(%dma_start3A_41 : memref<10000x128xf32, #tpu.memory_space<hbm>>) target(%arg8 : memref<80x128xf32, #tpu.memory_space<vmem>>) offsets(%dma_start3A_38 : memref<80xi32, #tpu.memory_space<vmem>>) semaphore(%arg11 : memref<!tpu.dma_semaphore, #tpu.memory_space<semaphore_mem>>)
    %dma_start3A_42 = arith.constant 80 : i32
    %dma_start3A_43 = tpu.memref_slice %arg6[%dma_start3A_42] : memref<10000xi32, #tpu.memory_space<vmem>> -> memref<80xi32, #tpu.memory_space<vmem>>
    %dma_start3A_44 = arith.constant 0 : i32
    %dma_start3A_45 = arith.constant 0 : i32
    %dma_start3A_46 = tpu.memref_slice %arg2[%dma_start3A_44, %dma_start3A_45] : memref<10000x128xf32, #tpu.memory_space<hbm>> -> memref<10000x128xf32, #tpu.memory_space<hbm>>
    tpu.enqueue_indirect_dma source(%dma_start3A_46 : memref<10000x128xf32, #tpu.memory_space<hbm>>) target(%arg9 : memref<80x128xf32, #tpu.memory_space<vmem>>) offsets(%dma_start3A_43 : memref<80xi32, #tpu.memory_space<vmem>>) semaphore(%arg12 : memref<!tpu.dma_semaphore, #tpu.memory_space<semaphore_mem>>)
    %scan3A_47 = arith.constant 0 : i32
    %scan3A_48 = arith.constant 61 : i32
    %scan3A_49 = arith.addi %scan3A_47, %scan3A_48 : i32
    %scan3A_50 = arith.constant 1 : i32
    scf.for %scan3A_81 = %scan3A_47 to %scan3A_49 step %scan3A_50  : i32 {
      %mul3A_82 = arith.constant 2 : i32
      %mul3A_83 = arith.muli %mul3A_82, %scan3A_81 : i32
      %dma_wait3A_84 = arith.constant 0 : i32
      %dma_wait3A_85 = arith.constant 0 : i32
      %dma_wait3A_86 = tpu.memref_slice %arg2[%dma_wait3A_84, %dma_wait3A_85] : memref<10000x128xf32, #tpu.memory_space<hbm>> -> memref<80x128xf32, #tpu.memory_space<hbm>>
      %dma_wait3A_87 = arith.constant 0 : i32
      %dma_wait3A_88 = arith.constant 0 : i32
      %dma_wait3A_89 = tpu.memref_slice %arg2[%dma_wait3A_87, %dma_wait3A_88] : memref<10000x128xf32, #tpu.memory_space<hbm>> -> memref<80x128xf32, #tpu.memory_space<hbm>>
      tpu.wait_dma2 semaphore(%arg11 : memref<!tpu.dma_semaphore, #tpu.memory_space<semaphore_mem>>) src(%dma_wait3A_89 : memref<80x128xf32, #tpu.memory_space<hbm>>) dst(%arg8 : memref<80x128xf32, #tpu.memory_space<vmem>>)
      "tpu.region"() ({
        %run_scoped3A_114 = tpu.sem_alloc : memref<!tpu.dma_semaphore, #tpu.memory_space<semaphore_mem>>
        %dma_start3A_115 = arith.constant 0 : i32
        %dma_start3A_116 = tpu.memref_slice %arg7[%mul3A_83, %dma_start3A_115] : memref<125x80xi32, #tpu.memory_space<vmem>> -> memref<1x80xi32, #tpu.memory_space<vmem>>
        %dma_start3A_117 = tpu.memref_squeeze %dma_start3A_116 : memref<1x80xi32, #tpu.memory_space<vmem>> -> memref<80xi32, #tpu.memory_space<vmem>>
        %dma_start3A_118 = arith.constant 0 : i32
        %dma_start3A_119 = arith.constant 0 : i32
        %dma_start3A_120 = tpu.memref_slice %arg10[%dma_start3A_118, %dma_start3A_119] : memref<10240x128xf32, #tpu.memory_space<vmem_shared>> -> memref<10240x128xf32, #tpu.memory_space<vmem_shared>>
        tpu.enqueue_indirect_dma source(%arg8 : memref<80x128xf32, #tpu.memory_space<vmem>>) target(%dma_start3A_120 : memref<10240x128xf32, #tpu.memory_space<vmem_shared>>) offsets(%dma_start3A_117 : memref<80xi32, #tpu.memory_space<vmem>>) semaphore(%run_scoped3A_114 : memref<!tpu.dma_semaphore, #tpu.memory_space<semaphore_mem>>) {add = true}
        %dma_wait3A_121 = arith.constant 0 : i32
        %dma_wait3A_122 = tpu.memref_slice %arg7[%mul3A_83, %dma_wait3A_121] : memref<125x80xi32, #tpu.memory_space<vmem>> -> memref<1x80xi32, #tpu.memory_space<vmem>>
        %dma_wait3A_123 = tpu.memref_squeeze %dma_wait3A_122 : memref<1x80xi32, #tpu.memory_space<vmem>> -> memref<80xi32, #tpu.memory_space<vmem>>
        %dma_wait3A_124 = arith.constant 0 : i32
        %dma_wait3A_125 = arith.constant 0 : i32
        %dma_wait3A_126 = tpu.memref_slice %arg10[%dma_wait3A_124, %dma_wait3A_125] : memref<10240x128xf32, #tpu.memory_space<vmem_shared>> -> memref<10240x128xf32, #tpu.memory_space<vmem_shared>>
        tpu.wait_indirect_dma semaphore(%run_scoped3A_114 : memref<!tpu.dma_semaphore, #tpu.memory_space<semaphore_mem>>) src(%arg8 : memref<80x128xf32, #tpu.memory_space<vmem>>) dst(%dma_wait3A_126 : memref<10240x128xf32, #tpu.memory_space<vmem_shared>>)
        tpu.yield
      }) : () -> ()
      %add3A_90 = arith.constant 2 : i32
      %add3A_91 = arith.addi %mul3A_83, %add3A_90 : i32
      %mul3A_92 = arith.constant 80 : i32
      %mul3A_93 = arith.muli %add3A_91, %mul3A_92 : i32
      %dma_start3A_94 = tpu.memref_slice %arg6[%mul3A_93] : memref<10000xi32, #tpu.memory_space<vmem>> -> memref<80xi32, #tpu.memory_space<vmem>>
      %dma_start3A_95 = arith.constant 0 : i32
      %dma_start3A_96 = arith.constant 0 : i32
      %dma_start3A_97 = tpu.memref_slice %arg2[%dma_start3A_95, %dma_start3A_96] : memref<10000x128xf32, #tpu.memory_space<hbm>> -> memref<10000x128xf32, #tpu.memory_space<hbm>>
      tpu.enqueue_indirect_dma source(%dma_start3A_97 : memref<10000x128xf32, #tpu.memory_space<hbm>>) target(%arg8 : memref<80x128xf32, #tpu.memory_space<vmem>>) offsets(%dma_start3A_94 : memref<80xi32, #tpu.memory_space<vmem>>) semaphore(%arg11 : memref<!tpu.dma_semaphore, #tpu.memory_space<semaphore_mem>>)
      %dma_wait3A_98 = arith.constant 0 : i32
      %dma_wait3A_99 = arith.constant 0 : i32
      %dma_wait3A_100 = tpu.memref_slice %arg2[%dma_wait3A_98, %dma_wait3A_99] : memref<10000x128xf32, #tpu.memory_space<hbm>> -> memref<80x128xf32, #tpu.memory_space<hbm>>
      %dma_wait3A_101 = arith.constant 0 : i32
      %dma_wait3A_102 = arith.constant 0 : i32
      %dma_wait3A_103 = tpu.memref_slice %arg2[%dma_wait3A_101, %dma_wait3A_102] : memref<10000x128xf32, #tpu.memory_space<hbm>> -> memref<80x128xf32, #tpu.memory_space<hbm>>
      tpu.wait_dma2 semaphore(%arg12 : memref<!tpu.dma_semaphore, #tpu.memory_space<semaphore_mem>>) src(%dma_wait3A_103 : memref<80x128xf32, #tpu.memory_space<hbm>>) dst(%arg9 : memref<80x128xf32, #tpu.memory_space<vmem>>)
      %add3A_104 = arith.constant 1 : i32
      %add3A_105 = arith.addi %mul3A_83, %add3A_104 : i32
      "tpu.region"() ({
        %run_scoped3A_114 = tpu.sem_alloc : memref<!tpu.dma_semaphore, #tpu.memory_space<semaphore_mem>>
        %dma_start3A_115 = arith.constant 0 : i32
        %dma_start3A_116 = tpu.memref_slice %arg7[%add3A_105, %dma_start3A_115] : memref<125x80xi32, #tpu.memory_space<vmem>> -> memref<1x80xi32, #tpu.memory_space<vmem>>
        %dma_start3A_117 = tpu.memref_squeeze %dma_start3A_116 : memref<1x80xi32, #tpu.memory_space<vmem>> -> memref<80xi32, #tpu.memory_space<vmem>>
        %dma_start3A_118 = arith.constant 0 : i32
        %dma_start3A_119 = arith.constant 0 : i32
        %dma_start3A_120 = tpu.memref_slice %arg10[%dma_start3A_118, %dma_start3A_119] : memref<10240x128xf32, #tpu.memory_space<vmem_shared>> -> memref<10240x128xf32, #tpu.memory_space<vmem_shared>>
        tpu.enqueue_indirect_dma source(%arg9 : memref<80x128xf32, #tpu.memory_space<vmem>>) target(%dma_start3A_120 : memref<10240x128xf32, #tpu.memory_space<vmem_shared>>) offsets(%dma_start3A_117 : memref<80xi32, #tpu.memory_space<vmem>>) semaphore(%run_scoped3A_114 : memref<!tpu.dma_semaphore, #tpu.memory_space<semaphore_mem>>) {add = true}
        %dma_wait3A_121 = arith.constant 0 : i32
        %dma_wait3A_122 = tpu.memref_slice %arg7[%add3A_105, %dma_wait3A_121] : memref<125x80xi32, #tpu.memory_space<vmem>> -> memref<1x80xi32, #tpu.memory_space<vmem>>
        %dma_wait3A_123 = tpu.memref_squeeze %dma_wait3A_122 : memref<1x80xi32, #tpu.memory_space<vmem>> -> memref<80xi32, #tpu.memory_space<vmem>>
        %dma_wait3A_124 = arith.constant 0 : i32
        %dma_wait3A_125 = arith.constant 0 : i32
        %dma_wait3A_126 = tpu.memref_slice %arg10[%dma_wait3A_124, %dma_wait3A_125] : memref<10240x128xf32, #tpu.memory_space<vmem_shared>> -> memref<10240x128xf32, #tpu.memory_space<vmem_shared>>
        tpu.wait_indirect_dma semaphore(%run_scoped3A_114 : memref<!tpu.dma_semaphore, #tpu.memory_space<semaphore_mem>>) src(%arg9 : memref<80x128xf32, #tpu.memory_space<vmem>>) dst(%dma_wait3A_126 : memref<10240x128xf32, #tpu.memory_space<vmem_shared>>)
        tpu.yield
      }) : () -> ()
      %add3A_106 = arith.constant 3 : i32
      %add3A_107 = arith.addi %mul3A_83, %add3A_106 : i32
      %mul3A_108 = arith.constant 80 : i32
      %mul3A_109 = arith.muli %add3A_107, %mul3A_108 : i32
      %dma_start3A_110 = tpu.memref_slice %arg6[%mul3A_109] : memref<10000xi32, #tpu.memory_space<vmem>> -> memref<80xi32, #tpu.memory_space<vmem>>
      %dma_start3A_111 = arith.constant 0 : i32
      %dma_start3A_112 = arith.constant 0 : i32
      %dma_start3A_113 = tpu.memref_slice %arg2[%dma_start3A_111, %dma_start3A_112] : memref<10000x128xf32, #tpu.memory_space<hbm>> -> memref<10000x128xf32, #tpu.memory_space<hbm>>
      tpu.enqueue_indirect_dma source(%dma_start3A_113 : memref<10000x128xf32, #tpu.memory_space<hbm>>) target(%arg9 : memref<80x128xf32, #tpu.memory_space<vmem>>) offsets(%dma_start3A_110 : memref<80xi32, #tpu.memory_space<vmem>>) semaphore(%arg12 : memref<!tpu.dma_semaphore, #tpu.memory_space<semaphore_mem>>)
    }
    %scan3A_51 = arith.constant 61 : i32
    %dma_wait3A = arith.constant 0 : i32
    %dma_wait3A_52 = arith.constant 0 : i32
    %dma_wait3A_53 = tpu.memref_slice %arg2[%dma_wait3A, %dma_wait3A_52] : memref<10000x128xf32, #tpu.memory_space<hbm>> -> memref<80x128xf32, #tpu.memory_space<hbm>>
    %dma_wait3A_54 = arith.constant 0 : i32
    %dma_wait3A_55 = arith.constant 0 : i32
    %dma_wait3A_56 = tpu.memref_slice %arg2[%dma_wait3A_54, %dma_wait3A_55] : memref<10000x128xf32, #tpu.memory_space<hbm>> -> memref<80x128xf32, #tpu.memory_space<hbm>>
    tpu.wait_dma2 semaphore(%arg11 : memref<!tpu.dma_semaphore, #tpu.memory_space<semaphore_mem>>) src(%dma_wait3A_56 : memref<80x128xf32, #tpu.memory_space<hbm>>) dst(%arg8 : memref<80x128xf32, #tpu.memory_space<vmem>>)
    %run_scoped3A = arith.constant 122 : i32
    "tpu.region"() ({
      %run_scoped3A_81 = tpu.sem_alloc : memref<!tpu.dma_semaphore, #tpu.memory_space<semaphore_mem>>
      %dma_start3A_82 = arith.constant 0 : i32
      %dma_start3A_83 = tpu.memref_slice %arg7[%run_scoped3A, %dma_start3A_82] : memref<125x80xi32, #tpu.memory_space<vmem>> -> memref<1x80xi32, #tpu.memory_space<vmem>>
      %dma_start3A_84 = tpu.memref_squeeze %dma_start3A_83 : memref<1x80xi32, #tpu.memory_space<vmem>> -> memref<80xi32, #tpu.memory_space<vmem>>
      %dma_start3A_85 = arith.constant 0 : i32
      %dma_start3A_86 = arith.constant 0 : i32
      %dma_start3A_87 = tpu.memref_slice %arg10[%dma_start3A_85, %dma_start3A_86] : memref<10240x128xf32, #tpu.memory_space<vmem_shared>> -> memref<10240x128xf32, #tpu.memory_space<vmem_shared>>
      tpu.enqueue_indirect_dma source(%arg8 : memref<80x128xf32, #tpu.memory_space<vmem>>) target(%dma_start3A_87 : memref<10240x128xf32, #tpu.memory_space<vmem_shared>>) offsets(%dma_start3A_84 : memref<80xi32, #tpu.memory_space<vmem>>) semaphore(%run_scoped3A_81 : memref<!tpu.dma_semaphore, #tpu.memory_space<semaphore_mem>>) {add = true}
      %dma_wait3A_88 = arith.constant 0 : i32
      %dma_wait3A_89 = tpu.memref_slice %arg7[%run_scoped3A, %dma_wait3A_88] : memref<125x80xi32, #tpu.memory_space<vmem>> -> memref<1x80xi32, #tpu.memory_space<vmem>>
      %dma_wait3A_90 = tpu.memref_squeeze %dma_wait3A_89 : memref<1x80xi32, #tpu.memory_space<vmem>> -> memref<80xi32, #tpu.memory_space<vmem>>
      %dma_wait3A_91 = arith.constant 0 : i32
      %dma_wait3A_92 = arith.constant 0 : i32
      %dma_wait3A_93 = tpu.memref_slice %arg10[%dma_wait3A_91, %dma_wait3A_92] : memref<10240x128xf32, #tpu.memory_space<vmem_shared>> -> memref<10240x128xf32, #tpu.memory_space<vmem_shared>>
      tpu.wait_indirect_dma semaphore(%run_scoped3A_81 : memref<!tpu.dma_semaphore, #tpu.memory_space<semaphore_mem>>) src(%arg8 : memref<80x128xf32, #tpu.memory_space<vmem>>) dst(%dma_wait3A_93 : memref<10240x128xf32, #tpu.memory_space<vmem_shared>>)
      tpu.yield
    }) : () -> ()
    %dma_start3A_57 = arith.constant 9920 : i32
    %dma_start3A_58 = tpu.memref_slice %arg6[%dma_start3A_57] : memref<10000xi32, #tpu.memory_space<vmem>> -> memref<80xi32, #tpu.memory_space<vmem>>
    %dma_start3A_59 = arith.constant 0 : i32
    %dma_start3A_60 = arith.constant 0 : i32
    %dma_start3A_61 = tpu.memref_slice %arg2[%dma_start3A_59, %dma_start3A_60] : memref<10000x128xf32, #tpu.memory_space<hbm>> -> memref<10000x128xf32, #tpu.memory_space<hbm>>
    tpu.enqueue_indirect_dma source(%dma_start3A_61 : memref<10000x128xf32, #tpu.memory_space<hbm>>) target(%arg8 : memref<80x128xf32, #tpu.memory_space<vmem>>) offsets(%dma_start3A_58 : memref<80xi32, #tpu.memory_space<vmem>>) semaphore(%arg11 : memref<!tpu.dma_semaphore, #tpu.memory_space<semaphore_mem>>)
    %dma_wait3A_62 = arith.constant 0 : i32
    %dma_wait3A_63 = arith.constant 0 : i32
    %dma_wait3A_64 = tpu.memref_slice %arg2[%dma_wait3A_62, %dma_wait3A_63] : memref<10000x128xf32, #tpu.memory_space<hbm>> -> memref<80x128xf32, #tpu.memory_space<hbm>>
    %dma_wait3A_65 = arith.constant 0 : i32
    %dma_wait3A_66 = arith.constant 0 : i32
    %dma_wait3A_67 = tpu.memref_slice %arg2[%dma_wait3A_65, %dma_wait3A_66] : memref<10000x128xf32, #tpu.memory_space<hbm>> -> memref<80x128xf32, #tpu.memory_space<hbm>>
    tpu.wait_dma2 semaphore(%arg12 : memref<!tpu.dma_semaphore, #tpu.memory_space<semaphore_mem>>) src(%dma_wait3A_67 : memref<80x128xf32, #tpu.memory_space<hbm>>) dst(%arg9 : memref<80x128xf32, #tpu.memory_space<vmem>>)
    %run_scoped3A_68 = arith.constant 123 : i32
    "tpu.region"() ({
      %run_scoped3A_81 = tpu.sem_alloc : memref<!tpu.dma_semaphore, #tpu.memory_space<semaphore_mem>>
      %dma_start3A_82 = arith.constant 0 : i32
      %dma_start3A_83 = tpu.memref_slice %arg7[%run_scoped3A_68, %dma_start3A_82] : memref<125x80xi32, #tpu.memory_space<vmem>> -> memref<1x80xi32, #tpu.memory_space<vmem>>
      %dma_start3A_84 = tpu.memref_squeeze %dma_start3A_83 : memref<1x80xi32, #tpu.memory_space<vmem>> -> memref<80xi32, #tpu.memory_space<vmem>>
      %dma_start3A_85 = arith.constant 0 : i32
      %dma_start3A_86 = arith.constant 0 : i32
      %dma_start3A_87 = tpu.memref_slice %arg10[%dma_start3A_85, %dma_start3A_86] : memref<10240x128xf32, #tpu.memory_space<vmem_shared>> -> memref<10240x128xf32, #tpu.memory_space<vmem_shared>>
      tpu.enqueue_indirect_dma source(%arg9 : memref<80x128xf32, #tpu.memory_space<vmem>>) target(%dma_start3A_87 : memref<10240x128xf32, #tpu.memory_space<vmem_shared>>) offsets(%dma_start3A_84 : memref<80xi32, #tpu.memory_space<vmem>>) semaphore(%run_scoped3A_81 : memref<!tpu.dma_semaphore, #tpu.memory_space<semaphore_mem>>) {add = true}
      %dma_wait3A_88 = arith.constant 0 : i32
      %dma_wait3A_89 = tpu.memref_slice %arg7[%run_scoped3A_68, %dma_wait3A_88] : memref<125x80xi32, #tpu.memory_space<vmem>> -> memref<1x80xi32, #tpu.memory_space<vmem>>
      %dma_wait3A_90 = tpu.memref_squeeze %dma_wait3A_89 : memref<1x80xi32, #tpu.memory_space<vmem>> -> memref<80xi32, #tpu.memory_space<vmem>>
      %dma_wait3A_91 = arith.constant 0 : i32
      %dma_wait3A_92 = arith.constant 0 : i32
      %dma_wait3A_93 = tpu.memref_slice %arg10[%dma_wait3A_91, %dma_wait3A_92] : memref<10240x128xf32, #tpu.memory_space<vmem_shared>> -> memref<10240x128xf32, #tpu.memory_space<vmem_shared>>
      tpu.wait_indirect_dma semaphore(%run_scoped3A_81 : memref<!tpu.dma_semaphore, #tpu.memory_space<semaphore_mem>>) src(%arg9 : memref<80x128xf32, #tpu.memory_space<vmem>>) dst(%dma_wait3A_93 : memref<10240x128xf32, #tpu.memory_space<vmem_shared>>)
      tpu.yield
    }) : () -> ()
    %dma_wait3A_69 = arith.constant 0 : i32
    %dma_wait3A_70 = arith.constant 0 : i32
    %dma_wait3A_71 = tpu.memref_slice %arg2[%dma_wait3A_69, %dma_wait3A_70] : memref<10000x128xf32, #tpu.memory_space<hbm>> -> memref<80x128xf32, #tpu.memory_space<hbm>>
    %dma_wait3A_72 = arith.constant 0 : i32
    %dma_wait3A_73 = arith.constant 0 : i32
    %dma_wait3A_74 = tpu.memref_slice %arg2[%dma_wait3A_72, %dma_wait3A_73] : memref<10000x128xf32, #tpu.memory_space<hbm>> -> memref<80x128xf32, #tpu.memory_space<hbm>>
    tpu.wait_dma2 semaphore(%arg11 : memref<!tpu.dma_semaphore, #tpu.memory_space<semaphore_mem>>) src(%dma_wait3A_74 : memref<80x128xf32, #tpu.memory_space<hbm>>) dst(%arg8 : memref<80x128xf32, #tpu.memory_space<vmem>>)
    %run_scoped3A_75 = arith.constant 124 : i32
    "tpu.region"() ({
      %run_scoped3A_81 = tpu.sem_alloc : memref<!tpu.dma_semaphore, #tpu.memory_space<semaphore_mem>>
      %dma_start3A_82 = arith.constant 0 : i32
      %dma_start3A_83 = tpu.memref_slice %arg7[%run_scoped3A_75, %dma_start3A_82] : memref<125x80xi32, #tpu.memory_space<vmem>> -> memref<1x80xi32, #tpu.memory_space<vmem>>
      %dma_start3A_84 = tpu.memref_squeeze %dma_start3A_83 : memref<1x80xi32, #tpu.memory_space<vmem>> -> memref<80xi32, #tpu.memory_space<vmem>>
      %dma_start3A_85 = arith.constant 0 : i32
      %dma_start3A_86 = arith.constant 0 : i32
      %dma_start3A_87 = tpu.memref_slice %arg10[%dma_start3A_85, %dma_start3A_86] : memref<10240x128xf32, #tpu.memory_space<vmem_shared>> -> memref<10240x128xf32, #tpu.memory_space<vmem_shared>>
      tpu.enqueue_indirect_dma source(%arg8 : memref<80x128xf32, #tpu.memory_space<vmem>>) target(%dma_start3A_87 : memref<10240x128xf32, #tpu.memory_space<vmem_shared>>) offsets(%dma_start3A_84 : memref<80xi32, #tpu.memory_space<vmem>>) semaphore(%run_scoped3A_81 : memref<!tpu.dma_semaphore, #tpu.memory_space<semaphore_mem>>) {add = true}
      %dma_wait3A_88 = arith.constant 0 : i32
      %dma_wait3A_89 = tpu.memref_slice %arg7[%run_scoped3A_75, %dma_wait3A_88] : memref<125x80xi32, #tpu.memory_space<vmem>> -> memref<1x80xi32, #tpu.memory_space<vmem>>
      %dma_wait3A_90 = tpu.memref_squeeze %dma_wait3A_89 : memref<1x80xi32, #tpu.memory_space<vmem>> -> memref<80xi32, #tpu.memory_space<vmem>>
      %dma_wait3A_91 = arith.constant 0 : i32
      %dma_wait3A_92 = arith.constant 0 : i32
      %dma_wait3A_93 = tpu.memref_slice %arg10[%dma_wait3A_91, %dma_wait3A_92] : memref<10240x128xf32, #tpu.memory_space<vmem_shared>> -> memref<10240x128xf32, #tpu.memory_space<vmem_shared>>
      tpu.wait_indirect_dma semaphore(%run_scoped3A_81 : memref<!tpu.dma_semaphore, #tpu.memory_space<semaphore_mem>>) src(%arg8 : memref<80x128xf32, #tpu.memory_space<vmem>>) dst(%dma_wait3A_93 : memref<10240x128xf32, #tpu.memory_space<vmem_shared>>)
      tpu.yield
    }) : () -> ()
    %barrier3A_76 = arith.constant 0 : index
    tpu.barrier barrier_id(%barrier3A_76)
    %mul3A_77 = arith.constant 640 : i32
    %mul3A_78 = arith.muli %arg1, %mul3A_77 : i32
    %mul3A_79 = arith.constant 640 : i32
    %mul3A_80 = arith.muli %arg1, %mul3A_79 : i32
    "tpu.region"() ({
      %run_scoped3A_81 = tpu.sem_alloc : memref<!tpu.dma_semaphore, #tpu.memory_space<semaphore_mem>>
      %dma_start3A_82 = arith.constant 0 : i32
      %dma_start3A_83 = tpu.memref_slice %arg5[%arg0, %mul3A_80, %dma_start3A_82] : memref<2x10240x128xf32, #tpu.memory_space<hbm>> -> memref<1x640x128xf32, #tpu.memory_space<hbm>>
      %dma_start3A_84 = tpu.memref_squeeze %dma_start3A_83 : memref<1x640x128xf32, #tpu.memory_space<hbm>> -> memref<640x128xf32, #tpu.memory_space<hbm>>
      %dma_start3A_85 = arith.constant 0 : i32
      %dma_start3A_86 = tpu.memref_slice %arg10[%mul3A_78, %dma_start3A_85] : memref<10240x128xf32, #tpu.memory_space<vmem_shared>> -> memref<640x128xf32, #tpu.memory_space<vmem_shared>>
      tpu.enqueue_dma source(%dma_start3A_86 : memref<640x128xf32, #tpu.memory_space<vmem_shared>>) target(%dma_start3A_84 : memref<640x128xf32, #tpu.memory_space<hbm>>) target_semaphore(%run_scoped3A_81 : memref<!tpu.dma_semaphore, #tpu.memory_space<semaphore_mem>>)
      %dma_wait3A_87 = arith.constant 0 : i32
      %dma_wait3A_88 = tpu.memref_slice %arg5[%arg0, %mul3A_80, %dma_wait3A_87] : memref<2x10240x128xf32, #tpu.memory_space<hbm>> -> memref<1x640x128xf32, #tpu.memory_space<hbm>>
      %dma_wait3A_89 = tpu.memref_squeeze %dma_wait3A_88 : memref<1x640x128xf32, #tpu.memory_space<hbm>> -> memref<640x128xf32, #tpu.memory_space<hbm>>
      %dma_wait3A_90 = arith.constant 0 : i32
      %dma_wait3A_91 = tpu.memref_slice %arg10[%mul3A_78, %dma_wait3A_90] : memref<10240x128xf32, #tpu.memory_space<vmem_shared>> -> memref<640x128xf32, #tpu.memory_space<vmem_shared>>
      tpu.wait_dma2 semaphore(%run_scoped3A_81 : memref<!tpu.dma_semaphore, #tpu.memory_space<semaphore_mem>>) src(%dma_wait3A_91 : memref<640x128xf32, #tpu.memory_space<vmem_shared>>) dst(%dma_wait3A_89 : memref<640x128xf32, #tpu.memory_space<hbm>>)
      tpu.yield
    }) : () -> ()
    return
  }
}

module attributes {stable_mosaic.version = 14 : i64} {
  func.func @_emb_body(%arg0: memref<10000x128xf32, #tpu.memory_space<vmem>>, %arg1: memref<128x128xf32, #tpu.memory_space<vmem>>, %arg2: memref<1x128xf32, #tpu.memory_space<vmem>>, %arg3: memref<2x10240x128xf32, #tpu.memory_space<vmem>>, %arg4: memref<10000x128xf32, #tpu.memory_space<vmem>>, %arg5: memref<10000x1xf32, #tpu.memory_space<vmem>>) attributes {dimension_semantics = [], scalar_prefetch = 0 : i64, scratch_operands = 0 : i64, tpu.core_type = #tpu.core_type<tc>} {
    %get3A = arith.constant 0 : index
    %get3A_0 = arith.constant 0 : index
    %get3A_1 = vector.load %arg0[%get3A, %get3A_0] : memref<10000x128xf32, #tpu.memory_space<vmem>>, vector<10000x128xf32>
    %get3A_2 = arith.constant 0 : index
    %get3A_3 = arith.constant 0 : index
    %get3A_4 = vector.load %arg1[%get3A_2, %get3A_3] : memref<128x128xf32, #tpu.memory_space<vmem>>, vector<128x128xf32>
    %dot_general3A = arith.constant dense<0.000000e+00> : vector<10000x128xf32>
    %dot_general3A_5 = tpu.matmul %get3A_1, %get3A_4, %dot_general3A {dimension_numbers = #tpu.dot_dimension_numbers<[1], [0], [0], [1], [0, 0, 1, 1], [], []>, transpose_lhs_hint = false} : vector<10000x128xf32>, vector<128x128xf32>, vector<10000x128xf32> -> vector<10000x128xf32>
    %get3A_6 = arith.constant 0 : index
    %get3A_7 = arith.constant 0 : index
    %get3A_8 = vector.load %arg2[%get3A_6, %get3A_7] : memref<1x128xf32, #tpu.memory_space<vmem>>, vector<1x128xf32>
    %add3A = vector.broadcast %get3A_8 : vector<1x128xf32> to vector<10000x128xf32>
    %add3A_9 = arith.addf %dot_general3A_5, %add3A : vector<10000x128xf32>
    %swap3A = arith.constant 0 : index
    %swap3A_10 = arith.constant 0 : index
    %swap3A_11 = vector.load %arg4[%swap3A, %swap3A_10] : memref<10000x128xf32, #tpu.memory_space<vmem>>, vector<10000x128xf32>
    tpu.vector_store %arg4[%swap3A, %swap3A_10], %add3A_9 {strides = array<i32>} : memref<10000x128xf32, #tpu.memory_space<vmem>>, vector<10000x128xf32>,
    %get3A_12 = arith.constant 0 : index
    %get3A_13 = arith.constant 0 : index
    %get3A_14 = arith.constant 0 : index
    %get3A_15 = vector.load %arg3[%get3A_12, %get3A_13, %get3A_14] : memref<2x10240x128xf32, #tpu.memory_space<vmem>>, vector<2x10240x128xf32>
    %slice3A = vector.extract_strided_slice %get3A_15 {offsets = [0, 0, 0], sizes = [1, 10000, 1], strides = [1, 1, 1]} : vector<2x10240x128xf32> to vector<1x10000x1xf32>
    %squeeze3A = vector.shape_cast %slice3A : vector<1x10000x1xf32> to vector<10000x1xf32>
    %slice3A_16 = vector.extract_strided_slice %get3A_15 {offsets = [1, 0, 0], sizes = [1, 10000, 1], strides = [1, 1, 1]} : vector<2x10240x128xf32> to vector<1x10000x1xf32>
    %squeeze3A_17 = vector.shape_cast %slice3A_16 : vector<1x10000x1xf32> to vector<10000x1xf32>
    %add3A_18 = arith.addf %squeeze3A, %squeeze3A_17 : vector<10000x1xf32>
    %max3A = arith.constant 1.000000e+00 : f32
    %max3A_19 = vector.broadcast %max3A : f32 to vector<10000x1xf32>
    %max3A_20 = arith.maximumf %add3A_18, %max3A_19 : vector<10000x1xf32>
    %div3A = arith.constant 1.000000e+00 : f32
    %div3A_21 = vector.broadcast %div3A : f32 to vector<10000x1xf32>
    %div3A_22 = arith.divf %div3A_21, %max3A_20 : vector<10000x1xf32>
    %swap3A_23 = arith.constant 0 : index
    %swap3A_24 = arith.constant 0 : index
    %swap3A_25 = vector.load %arg5[%swap3A_23, %swap3A_24] : memref<10000x1xf32, #tpu.memory_space<vmem>>, vector<10000x1xf32>
    tpu.vector_store %arg5[%swap3A_23, %swap3A_24], %div3A_22 {strides = array<i32>} : memref<10000x1xf32, #tpu.memory_space<vmem>>, vector<10000x1xf32>,
    return
  }
}

module attributes {stable_mosaic.version = 14 : i64} {
  func.func @_layer_body(%arg0: memref<10000x128xf32, #tpu.memory_space<vmem>>, %arg1: memref<2x10240x128xf32, #tpu.memory_space<vmem>>, %arg2: memref<10000x1xf32, #tpu.memory_space<vmem>>, %arg3: memref<128x128xf32, #tpu.memory_space<vmem>>, %arg4: memref<128x128xf32, #tpu.memory_space<vmem>>, %arg5: memref<1x128xf32, #tpu.memory_space<vmem>>, %arg6: memref<1x128xf32, #tpu.memory_space<vmem>>, %arg7: memref<1x128xf32, #tpu.memory_space<vmem>>, %arg8: memref<10000x128xf32, #tpu.memory_space<vmem>>) attributes {dimension_semantics = [], scalar_prefetch = 0 : i64, scratch_operands = 0 : i64, tpu.core_type = #tpu.core_type<tc>} {
    %get3A = arith.constant 0 : index
    %get3A_0 = arith.constant 0 : index
    %get3A_1 = vector.load %arg0[%get3A, %get3A_0] : memref<10000x128xf32, #tpu.memory_space<vmem>>, vector<10000x128xf32>
    %get3A_2 = arith.constant 0 : index
    %get3A_3 = arith.constant 0 : index
    %get3A_4 = arith.constant 0 : index
    %get3A_5 = vector.load %arg1[%get3A_2, %get3A_3, %get3A_4] : memref<2x10240x128xf32, #tpu.memory_space<vmem>>, vector<1x10000x128xf32>
    %get3A_6 = vector.shape_cast %get3A_5 : vector<1x10000x128xf32> to vector<10000x128xf32>
    %get3A_7 = arith.constant 1 : index
    %get3A_8 = arith.constant 0 : index
    %get3A_9 = arith.constant 0 : index
    %get3A_10 = vector.load %arg1[%get3A_7, %get3A_8, %get3A_9] : memref<2x10240x128xf32, #tpu.memory_space<vmem>>, vector<1x10000x128xf32>
    %get3A_11 = vector.shape_cast %get3A_10 : vector<1x10000x128xf32> to vector<10000x128xf32>
    %add3A = arith.addf %get3A_6, %get3A_11 : vector<10000x128xf32>
    %get3A_12 = arith.constant 0 : index
    %get3A_13 = arith.constant 0 : index
    %get3A_14 = vector.load %arg2[%get3A_12, %get3A_13] : memref<10000x1xf32, #tpu.memory_space<vmem>>, vector<10000x1xf32>
    %mul3A = vector.broadcast %get3A_14 : vector<10000x1xf32> to vector<10000x128xf32>
    %mul3A_15 = arith.mulf %add3A, %mul3A : vector<10000x128xf32>
    %get3A_16 = arith.constant 0 : index
    %get3A_17 = arith.constant 0 : index
    %get3A_18 = vector.load %arg3[%get3A_16, %get3A_17] : memref<128x128xf32, #tpu.memory_space<vmem>>, vector<128x128xf32>
    %dot_general3A = arith.constant dense<0.000000e+00> : vector<10000x128xf32>
    %dot_general3A_19 = tpu.matmul %get3A_1, %get3A_18, %dot_general3A {dimension_numbers = #tpu.dot_dimension_numbers<[1], [0], [0], [1], [0, 0, 1, 1], [], []>, transpose_lhs_hint = false} : vector<10000x128xf32>, vector<128x128xf32>, vector<10000x128xf32> -> vector<10000x128xf32>
    %get3A_20 = arith.constant 0 : index
    %get3A_21 = arith.constant 0 : index
    %get3A_22 = vector.load %arg4[%get3A_20, %get3A_21] : memref<128x128xf32, #tpu.memory_space<vmem>>, vector<128x128xf32>
    %dot_general3A_23 = arith.constant dense<0.000000e+00> : vector<10000x128xf32>
    %dot_general3A_24 = tpu.matmul %mul3A_15, %get3A_22, %dot_general3A_23 {dimension_numbers = #tpu.dot_dimension_numbers<[1], [0], [0], [1], [0, 0, 1, 1], [], []>, transpose_lhs_hint = false} : vector<10000x128xf32>, vector<128x128xf32>, vector<10000x128xf32> -> vector<10000x128xf32>
    %add3A_25 = arith.addf %dot_general3A_19, %dot_general3A_24 : vector<10000x128xf32>
    %get3A_26 = arith.constant 0 : index
    %get3A_27 = arith.constant 0 : index
    %get3A_28 = vector.load %arg5[%get3A_26, %get3A_27] : memref<1x128xf32, #tpu.memory_space<vmem>>, vector<1x128xf32>
    %add3A_29 = vector.broadcast %get3A_28 : vector<1x128xf32> to vector<10000x128xf32>
    %add3A_30 = arith.addf %add3A_25, %add3A_29 : vector<10000x128xf32>
    %mul3A_31 = arith.mulf %add3A_30, %add3A_30 : vector<10000x128xf32>
    %reduce_sum3A = arith.constant dense<0.000000e+00> : vector<10000xf32>
    %reduce_sum3A_32 = vector.multi_reduction <add>, %mul3A_31, %reduce_sum3A [1] : vector<10000x128xf32> to vector<10000xf32>
    %broadcast_in_dim3A = vector.shape_cast %reduce_sum3A_32 : vector<10000xf32> to vector<10000x1xf32>
    %sqrt3A = math.sqrt %broadcast_in_dim3A : vector<10000x1xf32>
    %max3A = arith.constant 9.99999996E-13 : f32
    %max3A_33 = vector.broadcast %max3A : f32 to vector<10000x1xf32>
    %max3A_34 = arith.maximumf %sqrt3A, %max3A_33 : vector<10000x1xf32>
    %div3A = vector.broadcast %max3A_34 : vector<10000x1xf32> to vector<10000x128xf32>
    %div3A_35 = arith.divf %add3A_30, %div3A : vector<10000x128xf32>
    %max3A_36 = arith.constant 0.000000e+00 : f32
    %max3A_37 = vector.broadcast %max3A_36 : f32 to vector<10000x128xf32>
    %max3A_38 = arith.maximumf %div3A_35, %max3A_37 : vector<10000x128xf32>
    %reduce_sum3A_39 = arith.constant dense<0.000000e+00> : vector<128xf32>
    %reduce_sum3A_40 = vector.multi_reduction <add>, %max3A_38, %reduce_sum3A_39 [0] : vector<10000x128xf32> to vector<128xf32>
    %broadcast_in_dim3A_41 = vector.shape_cast %reduce_sum3A_40 : vector<128xf32> to vector<1x128xf32>
    %div3A_42 = arith.constant 1.000000e+04 : f32
    %div3A_43 = vector.broadcast %div3A_42 : f32 to vector<1x128xf32>
    %div3A_44 = arith.divf %broadcast_in_dim3A_41, %div3A_43 : vector<1x128xf32>
    %sub3A = vector.broadcast %div3A_44 : vector<1x128xf32> to vector<10000x128xf32>
    %sub3A_45 = arith.subf %max3A_38, %sub3A : vector<10000x128xf32>
    %mul3A_46 = arith.mulf %sub3A_45, %sub3A_45 : vector<10000x128xf32>
    %reduce_sum3A_47 = arith.constant dense<0.000000e+00> : vector<128xf32>
    %reduce_sum3A_48 = vector.multi_reduction <add>, %mul3A_46, %reduce_sum3A_47 [0] : vector<10000x128xf32> to vector<128xf32>
    %broadcast_in_dim3A_49 = vector.shape_cast %reduce_sum3A_48 : vector<128xf32> to vector<1x128xf32>
    %div3A_50 = arith.constant 1.000000e+04 : f32
    %div3A_51 = vector.broadcast %div3A_50 : f32 to vector<1x128xf32>
    %div3A_52 = arith.divf %broadcast_in_dim3A_49, %div3A_51 : vector<1x128xf32>
    %get3A_53 = arith.constant 0 : index
    %get3A_54 = arith.constant 0 : index
    %get3A_55 = vector.load %arg6[%get3A_53, %get3A_54] : memref<1x128xf32, #tpu.memory_space<vmem>>, vector<1x128xf32>
    %add3A_56 = arith.constant 9.99999974E-6 : f32
    %add3A_57 = vector.broadcast %add3A_56 : f32 to vector<1x128xf32>
    %add3A_58 = arith.addf %div3A_52, %add3A_57 : vector<1x128xf32>
    %sqrt3A_59 = math.sqrt %add3A_58 : vector<1x128xf32>
    %div3A_60 = arith.divf %get3A_55, %sqrt3A_59 : vector<1x128xf32>
    %mul3A_61 = vector.broadcast %div3A_60 : vector<1x128xf32> to vector<10000x128xf32>
    %mul3A_62 = arith.mulf %sub3A_45, %mul3A_61 : vector<10000x128xf32>
    %get3A_63 = arith.constant 0 : index
    %get3A_64 = arith.constant 0 : index
    %get3A_65 = vector.load %arg7[%get3A_63, %get3A_64] : memref<1x128xf32, #tpu.memory_space<vmem>>, vector<1x128xf32>
    %add3A_66 = vector.broadcast %get3A_65 : vector<1x128xf32> to vector<10000x128xf32>
    %add3A_67 = arith.addf %mul3A_62, %add3A_66 : vector<10000x128xf32>
    %add3A_68 = arith.addf %get3A_1, %add3A_67 : vector<10000x128xf32>
    %swap3A = arith.constant 0 : index
    %swap3A_69 = arith.constant 0 : index
    %swap3A_70 = vector.load %arg8[%swap3A, %swap3A_69] : memref<10000x128xf32, #tpu.memory_space<vmem>>, vector<10000x128xf32>
    tpu.vector_store %arg8[%swap3A, %swap3A_69], %add3A_68 {strides = array<i32>} : memref<10000x128xf32, #tpu.memory_space<vmem>>, vector<10000x128xf32>,
    return
  }
}

module attributes {stable_mosaic.version = 14 : i64} {
  func.func @_readout_body(%arg0: memref<10000x128xf32, #tpu.memory_space<vmem>>, %arg1: memref<128x64xf32, #tpu.memory_space<vmem>>, %arg2: memref<1x64xf32, #tpu.memory_space<vmem>>, %arg3: memref<64x32xf32, #tpu.memory_space<vmem>>, %arg4: memref<1x32xf32, #tpu.memory_space<vmem>>, %arg5: memref<32x40xf32, #tpu.memory_space<vmem>>, %arg6: memref<1x40xf32, #tpu.memory_space<vmem>>, %arg7: memref<10000x40xf32, #tpu.memory_space<vmem>>) attributes {dimension_semantics = [], scalar_prefetch = 0 : i64, scratch_operands = 0 : i64, tpu.core_type = #tpu.core_type<tc>} {
    %get3A = arith.constant 0 : index
    %get3A_0 = arith.constant 0 : index
    %get3A_1 = vector.load %arg0[%get3A, %get3A_0] : memref<10000x128xf32, #tpu.memory_space<vmem>>, vector<10000x128xf32>
    %get3A_2 = arith.constant 0 : index
    %get3A_3 = arith.constant 0 : index
    %get3A_4 = vector.load %arg1[%get3A_2, %get3A_3] : memref<128x64xf32, #tpu.memory_space<vmem>>, vector<128x64xf32>
    %dot_general3A = arith.constant dense<0.000000e+00> : vector<10000x64xf32>
    %dot_general3A_5 = tpu.matmul %get3A_1, %get3A_4, %dot_general3A {dimension_numbers = #tpu.dot_dimension_numbers<[1], [0], [0], [1], [0, 0, 1, 1], [], []>, transpose_lhs_hint = false} : vector<10000x128xf32>, vector<128x64xf32>, vector<10000x64xf32> -> vector<10000x64xf32>
    %get3A_6 = arith.constant 0 : index
    %get3A_7 = arith.constant 0 : index
    %get3A_8 = vector.load %arg2[%get3A_6, %get3A_7] : memref<1x64xf32, #tpu.memory_space<vmem>>, vector<1x64xf32>
    %add3A = vector.broadcast %get3A_8 : vector<1x64xf32> to vector<10000x64xf32>
    %add3A_9 = arith.addf %dot_general3A_5, %add3A : vector<10000x64xf32>
    %max3A = arith.constant 0.000000e+00 : f32
    %max3A_10 = vector.broadcast %max3A : f32 to vector<10000x64xf32>
    %max3A_11 = arith.maximumf %add3A_9, %max3A_10 : vector<10000x64xf32>
    %get3A_12 = arith.constant 0 : index
    %get3A_13 = arith.constant 0 : index
    %get3A_14 = vector.load %arg3[%get3A_12, %get3A_13] : memref<64x32xf32, #tpu.memory_space<vmem>>, vector<64x32xf32>
    %dot_general3A_15 = arith.constant dense<0.000000e+00> : vector<10000x32xf32>
    %dot_general3A_16 = tpu.matmul %max3A_11, %get3A_14, %dot_general3A_15 {dimension_numbers = #tpu.dot_dimension_numbers<[1], [0], [0], [1], [0, 0, 1, 1], [], []>, transpose_lhs_hint = false} : vector<10000x64xf32>, vector<64x32xf32>, vector<10000x32xf32> -> vector<10000x32xf32>
    %get3A_17 = arith.constant 0 : index
    %get3A_18 = arith.constant 0 : index
    %get3A_19 = vector.load %arg4[%get3A_17, %get3A_18] : memref<1x32xf32, #tpu.memory_space<vmem>>, vector<1x32xf32>
    %add3A_20 = vector.broadcast %get3A_19 : vector<1x32xf32> to vector<10000x32xf32>
    %add3A_21 = arith.addf %dot_general3A_16, %add3A_20 : vector<10000x32xf32>
    %max3A_22 = arith.constant 0.000000e+00 : f32
    %max3A_23 = vector.broadcast %max3A_22 : f32 to vector<10000x32xf32>
    %max3A_24 = arith.maximumf %add3A_21, %max3A_23 : vector<10000x32xf32>
    %get3A_25 = arith.constant 0 : index
    %get3A_26 = arith.constant 0 : index
    %get3A_27 = vector.load %arg5[%get3A_25, %get3A_26] : memref<32x40xf32, #tpu.memory_space<vmem>>, vector<32x40xf32>
    %dot_general3A_28 = arith.constant dense<0.000000e+00> : vector<10000x40xf32>
    %dot_general3A_29 = tpu.matmul %max3A_24, %get3A_27, %dot_general3A_28 {dimension_numbers = #tpu.dot_dimension_numbers<[1], [0], [0], [1], [0, 0, 1, 1], [], []>, transpose_lhs_hint = false} : vector<10000x32xf32>, vector<32x40xf32>, vector<10000x40xf32> -> vector<10000x40xf32>
    %get3A_30 = arith.constant 0 : index
    %get3A_31 = arith.constant 0 : index
    %get3A_32 = vector.load %arg6[%get3A_30, %get3A_31] : memref<1x40xf32, #tpu.memory_space<vmem>>, vector<1x40xf32>
    %add3A_33 = vector.broadcast %get3A_32 : vector<1x40xf32> to vector<10000x40xf32>
    %add3A_34 = arith.addf %dot_general3A_29, %add3A_33 : vector<10000x40xf32>
    %swap3A = arith.constant 0 : index
    %swap3A_35 = arith.constant 0 : index
    %swap3A_36 = vector.load %arg7[%swap3A, %swap3A_35] : memref<10000x40xf32, #tpu.memory_space<vmem>>, vector<10000x40xf32>
    tpu.vector_store %arg7[%swap3A, %swap3A_35], %add3A_34 {strides = array<i32>} : memref<10000x40xf32, #tpu.memory_space<vmem>>, vector<10000x40xf32>,
    return
  }
}

</mosaic_0001>

<sc_bundles>
// kernel: kernel.13.cloned.1.call-start
scs
__scs_entry_jumppad:
0x0: {  	(pc) =	sbr.rel $0x88, $3  }
0x1: {  	(tag) =	ssettag $0x0;
	lr =	simm.s32 $0x1  }
0x2: {  	[smem:$0x3F93] =	sst lr;
	_ =	strace $0xD0000000  }
0x3: {  	_ = 	snop  }
0x4: {  	_ = 	snop  }
0x5: {  	_ = 	snop  }
0x6: {  	_ = 	snop  }
0x7: {  	_ = 	snop  }
__scs_overlays_trampoline_lowered:
0x8: {  	[smem:$0x3FA2] =	sst s0  }
0x9: {  	[smem:$0x3FA3] =	sst s1  }
0xa: {  	[smem:$0x3FA4] =	sst s2  }
0xb: {  	[smem:$0x3FA5] =	sst s3  }
0xc: {  	[smem:$0x3FA6] =	sst s4  }
0xd: {  	[smem:$0x3FA7] =	sst s5  }
0xe: {  	[smem:$0x3FA8] =	sst s6  }
0xf: {  	[smem:$0x3FA9] =	sst s7  }
0x10: {  	[smem:$0x3FAA] =	sst s8  }
0x11: {  	[smem:$0x3FAB] =	sst s9;
	s0 =	simm.s32 @!p0 $0x0  }
0x12: {  	s1 =	sld [smem:$0x3F91];
	s0 =	simm.s32 @p0 $0x1  }
0x13: {  	[smem:$0x3FAC] =	sst s0;
	s0 =	simm.s32 @!p1 $0x0  }
0x14: {  	s2 =	sld [smem:$0x3F90];
	s0 =	simm.s32 @p1 $0x1  }
0x15: {  	[smem:$0x3FAD] =	sst s0;
	s0 =	simm.s32 @!p2 $0x0  }
0x16: {  	s3 =	sld [smem:$0x3FDB];
	s0 =	simm.s32 @p2 $0x1  }
0x17: {  	s4 =	simm.s32 $0x1BF5;
	[smem:$0x3FAF] =	sst s0  }
0x18: {  	s0 =	sld [smem:$0x3F92];
	_ =	swait.ge [sflag:s4], $0x0  }
0x19: {  	s7 =	sld [smem:$0x3F93]  }
0x1a: {  	s8 =	sadd.s32 $0xFFFFE003, lr  }
0x1b: {  	s9 =	sadd.s32 $0xFFFFFEF7, lr;
	s5 =	simm.s32 $0xFFFFFFFF;
	p2 =	slt.u32 s8, $0xFFFFF086  }
0x1c: {  	p1 =	slt.u32 s9, $0xF7A;
	s5 =	simm.s32 @!p2 $0x0  }
0x1d: {  	s5 =	simm.s32 @p1 $0x1;
	p0 =	seq.s32 s7, s2  }
0x1e: {  	s7 =	smul.u32 @!p0 $0xF7A, s2;
	p2 =	seq.s32 @!p0 s5, $0x0  }
0x1f: {  	s9 =	smul.u32 $0xF7A, s1;
	s8 =	simm.s32 @!p0 $0x1BF5;
	p2 =	por !p2, p0  }
0x20: {  	[sflag:s8] =	ssyncset.s32 @!p0 $0xFFFFF086;
	s6 =	sadd.s32 @!p0 s3, s7;
	s7 =	simm.s32 @!p0 $0x108  }
0x21: {  	s3 =	sadd.s32 s3, s9;
	s6 =	sadd.s32 @!p0 $0x88, s6;
	s7 =	simm.s32 @p2 $0x1082  }
0x22: {  	[simem:s7], [sflag:s8] =	dma.local @!p0 [hbm:s6], $0xF7A  }
0x23: {  	s9 =	sor.u32 $0xD0000000, s2;
	s6 =	simm.s32 $0x108;
	_ =	swait.ge @!p0 [sflag:s8], $0x0  }
0x24: {  	s3 =	sadd.s32 $0x88, s3;
	s6 =	simm.s32 @!p1 $0x1082;
	[sflag:s4] =	ssyncset.s32 $0xFFFFF086  }
0x25: {  	[simem:s6], [sflag:s4] =	dma.local [hbm:s3], $0xF7A  }
0x26: {  	[smem:$0x3F93] =	sst s1;
	(tag) =	ssettag s2;
	_ =	strace s9  }
0x27: {  	s1 =	sld [smem:$0x3FA3]  }
0x28: {  	s2 =	sld [smem:$0x3FA4]  }
0x29: {  	s4 =	sld [smem:$0x3FA6]  }
0x2a: {  	p0 =	seq.s32 s5, $0x0;
	s5 =	sld [smem:$0x3FA7]  }
0x2b: {  	s6 =	sld [smem:$0x3FA8]  }
0x2c: {  	s7 =	sld [smem:$0x3FA9]  }
0x2d: {  	s3 =	simm.s32 $0x108;
	s8 =	sld [smem:$0x3FAA]  }
0x2e: {  	s3 =	simm.s32 @!p0 $0x1082;
	s9 =	sld [smem:$0x3FAB]  }
0x2f: {  	lr =	sadd.s32 s0, s3;
	s0 =	sld [smem:$0x3FA2]  }
0x30: {  	s3 =	sld [smem:$0x3FA5]  }
0x31: {  	[smem:$0x3FAE] =	sst s10  }
0x32: {  	s10 =	sld [smem:$0x3FAC];
	_ =	sdelay $0x3  }
0x33: {  	p0 =	seq.s32 s10, $0x1;
	s10 =	sld [smem:$0x3FAE];
	_ =	sdelay $0x3  }
0x34: {  	[smem:$0x3FAE] =	sst s10  }
0x35: {  	s10 =	sld [smem:$0x3FAD];
	_ =	sdelay $0x3  }
0x36: {  	p1 =	seq.s32 s10, $0x1;
	s10 =	sld [smem:$0x3FAE];
	_ =	sdelay $0x3  }
0x37: {  	[smem:$0x3FAE] =	sst s10  }
0x38: {  	s10 =	sld [smem:$0x3FAF]  }
0x39: {  	_ = 	snop;
	(pc) =	sbr.ind lr, $3  }
0x3a: {  	_ = 	snop  }
0x3b: {  	_ = 	snop  }
0x3c: {  	p2 =	seq.s32 s10, $0x1;
	s10 =	sld [smem:$0x3FAE]  }
0x3d: {  	_ =	shalt  }
0x3e: {  	_ =	shalt  }
0x3f: {  	_ =	shalt  }
0x40: {  	_ =	shalt  }
0x41: {  	_ =	shalt  }
0x42: {  	_ =	shalt  }
0x43: {  	_ =	shalt  }
0x44: {  	_ =	shalt  }
0x45: {  	_ =	shalt  }
0x46: {  	_ =	shalt  }
0x47: {  	_ =	shalt  }
0x48: {  	_ =	shalt  }
0x49: {  	_ =	shalt  }
0x4a: {  	_ =	shalt  }
0x4b: {  	_ =	shalt  }
0x4c: {  	_ =	shalt  }
0x4d: {  	_ =	shalt  }
0x4e: {  	_ =	shalt  }
0x4f: {  	_ =	shalt  }
0x50: {  	_ =	shalt  }
0x51: {  	_ =	shalt  }
0x52: {  	_ =	shalt  }
0x53: {  	_ =	shalt  }
0x54: {  	_ =	shalt  }
0x55: {  	_ =	shalt  }
0x56: {  	_ =	shalt  }
0x57: {  	_ =	shalt  }
0x58: {  	_ =	shalt  }
0x59: {  	_ =	shalt  }
0x5a: {  	_ =	shalt  }
0x5b: {  	_ =	shalt  }
0x5c: {  	_ =	shalt  }
0x5d: {  	_ =	shalt  }
0x5e: {  	_ =	shalt  }
0x5f: {  	_ =	shalt  }
0x60: {  	_ =	shalt  }
0x61: {  	_ =	shalt  }
0x62: {  	_ =	shalt  }
0x63: {  	_ =	shalt  }
0x64: {  	_ =	shalt  }
0x65: {  	_ =	shalt  }
0x66: {  	_ =	shalt  }
0x67: {  	_ =	shalt  }
0x68: {  	_ =	shalt  }
0x69: {  	_ =	shalt  }
0x6a: {  	_ =	shalt  }
0x6b: {  	_ =	shalt  }
0x6c: {  	_ =	shalt  }
0x6d: {  	_ =	shalt  }
0x6e: {  	_ =	shalt  }
0x6f: {  	_ =	shalt  }
0x70: {  	_ =	shalt  }
0x71: {  	_ =	shalt  }
0x72: {  	_ =	shalt  }
0x73: {  	_ =	shalt  }
0x74: {  	_ =	shalt  }
0x75: {  	_ =	shalt  }
0x76: {  	_ =	shalt  }
0x77: {  	_ =	shalt  }
0x78: {  	_ =	shalt  }
0x79: {  	_ =	shalt  }
0x7a: {  	_ =	shalt  }
0x7b: {  	_ =	shalt  }
0x7c: {  	_ =	shalt  }
0x7d: {  	_ =	shalt  }
0x7e: {  	_ =	shalt  }
0x7f: {  	_ =	shalt  }
0x80: {  	_ =	shalt  }
0x81: {  	_ =	shalt  }
0x82: {  	_ =	shalt  }
0x83: {  	_ =	shalt  }
0x84: {  	_ =	shalt  }
0x85: {  	_ =	shalt  }
0x86: {  	_ =	shalt  }
0x87: {  	_ =	shalt  }
.Lfunc_end0:
.L_simem_size_0:
called_computation_lowered:
.L_overlay_start_0:
0x88: {  	s2 =	sld [smem:$0x3FD9]  }
0x89: {  	s3 =	sld [smem:$0x3FFE];
	_ =	sdelay $0x1  }
0x8a: {  	s1 =	srdreg.scid  }
0x8b: {  	s0 =	sand.u32 $0x1, s1  }
0x8c: {  	s16 =	sshll.u32 s0, $0xA;
	s2 =	sadd.s32 s3, s2  }
0x8d: {  	s2 =	sadd.s32 s2, s16  }
0x8e: {  	[smem:$0x3FBA] =	sst s2  }
0x8f: {  	_ = 	snop  }
0x90: {  	(tm) =	ssettm $0x1  }
0x91: {  	s17 =	sld [smem:$0x3FFB];
	_ =	sdelay $0x3  }
0x92: {  	_ =	strace s17  }
0x93: {  	s2 =	sld [smem:$0x3FFC];
	_ =	sdelay $0x3  }
0x94: {  	_ =	strace s2  }
0x95: {  	s2 =	sld [smem:$0x3FFD];
	_ =	sdelay $0x3  }
0x96: {  	_ =	strace s2  }
0x97: {  	_ =	strace $0x8FFFFFFF  }
0x98: {  	s18 =	sld [smem:$0x3FDB];
	_ =	sdelay $0x1  }
0x99: {  	s19 =	simm.s32 $_scs_section_size  }
0x9a: {  	s4 =	simm.s32 $_size__tile_overlayer_lowered;
	s5 =	simm.s32 $_tile_overlayer_lowered  }
0x9b: {  	s22 =	simm.s32 $0x1BFF;
	s21 =	sshll.u32 s5, $0x1;
	s2 =	sadd.s32 s19, s18  }
0x9c: {  	s6 =	simm.s32 $0x0;
	s20 =	sshll.u32 s4, $0x1;
	s4 =	sadd.s32 s21, s2  }
0x9d: {  	[timem:s6], [sflag:s22] =	dma.local [hbm:s4], s20  }
0x9e: {  	_ =	swait.ge [sflag:s22], s20  }
0x9f: {  	s3 =	ssub.s32 $0x0, s20;
	[sflag:s22] =	ssyncset.done $0x0  }
0xa0: {  	[sflag:s22] =	ssyncadd.s32 s3;
	_ =	sdelay $0x1  }
0xa1: {  	s23 =	simm.s32 $0x1B8B  }
0xa2: {  	_ =	swait.ge [sflag:s23], $0x1  }
0xa3: {  	[sflag:s23] =	ssyncset.done $0x0  }
0xa4: {  	s25 =	simm.s32 $0x1B8E;
	s24 =	sld [smem:$0x3FFE];
	[sflag:s23] =	ssyncadd.s32 $0xFFFFFFFF  }
0xa5: {  	s26 =	simm.s32 $execute0_lowered;
	[smem:$0x3FD2] =	sst s25  }
0xa6: {  	s4 =	sshll.u32 s26, $0x1;
	_ =	strace $0x80000046;
	[dreg:$0x1] =	wrdreg $0xFFFFFFFF  }
0xa7: {  	s28 =	simm.s32 $_size_execute0_lowered;
	s2 =	sadd.s32 s2, s4;
	[dreg:$0x0] =	wrdreg $0x0  }
0xa8: {  	s4 =	sshll.u32 s28, $0x1;
	[dreg:$0x2] =	wrdreg s2  }
0xa9: {  	[dreg:$0x3] =	wrdreg s4  }
0xaa: {  	[dreg:$0x4] =	wrdreg $0xC0  }
0xab: {  	_ =	task [dreg:s6], $0x5FFFF  }
0xac: {  	[dreg:$0x1] =	wrdreg $0xFFFFFFFF  }
0xad: {  	[dreg:$0x0] =	wrdreg $0x60  }
0xae: {  	[dreg:$0x2] =	wrdreg s24  }
0xaf: {  	[dreg:$0x3] =	wrdreg $0x68000  }
0xb0: {  	[dreg:$0x4] =	wrdreg $0x9  }
0xb1: {  	_ =	task.clear_ibuf [dreg:s6], $0x5FFFF;
	_ =	strace $0x90000046  }
0xb2: {  	s29 =	simm.s32 $0x9;
	_ =	strace $0x80000048  }
0xb3: {  	_ =	swait.ge [sflag:s29], $0x1  }
0xb4: {  	[sflag:s29] =	ssyncadd.s32 $0xFFFFFFFF  }
0xb5: {  	_ =	strace $0x90000048  }
0xb6: {  	_ =	sfence  }
0xb7: {  	s30 =	sld [smem:$0x0];
	_ =	sdelay $0x2  }
0xb8: {  	s31 =	sshll.u32 s1, $0xD;
	s1 =	sshrl.u32 s1, $0x2  }
0xb9: {  	s3 =	sand.u32 $0x4000, s31;
	s1 =	sadd.s32 s1, s30  }
0xba: {  	s0 =	sor.u32 s3, s0;
	s1 =	sshll.u32 s1, $0x11  }
0xbb: {  	s0 =	sor.u32 s1, s0  }
0xbc: {  	s0 =	sadd.s32 $0x8F2B, s0  }
0xbd: {  	[sflag:s0] =	ssyncadd.remote.s32 $0x1  }
0xbe: {  	_ =	sfence.sel $0xFFFF  }
0xbf: {  	[dreg:$0x0] =	wrdreg $0xFFFFFFFF;
	(pc) =	sbr.abs _section_cstart, $3  }
0xc0: {  	[dreg:$0x1] =	wrdreg $0xFFFFFFFF  }
0xc1: {  	_ =	task.clear_ibuf [dreg:s6], $0x2FFFF;
	_ =	strace $0x9FFFFFFF  }
0xc2: {  	(tm) =	ssettm $0x7FFFFFFF  }
0xc3: {  	_ =	shalt  }
tec
execute0_lowered:
.L_overlay_start_1:
0x0: {  	(tag) =	ssettag $0x1  }
0x1: {  	s4 =	rddreg [dreg:$0x0]  }
0x2: {  	s2 =	rddreg [dreg:$0x1]  }
0x3: {  	s0 =	srdreg.scid;
	s1 =	rddreg [dreg:$0x2];
	s3 =	simm.s32 $0x0  }
0x4: {  	s15 =	simm.s32 $0x1;
	s16 =	simm.s32 $0x4000;
	s5 =	sand.u32 $0x1, s0  }
0x5: {  	s17 =	simm.s32 $0x50;
	s0 =	stileid.u32;
	s6 =	smul.u32 $0x140000, s5  }
0x6: {  	s20 =	simm.s32 $0x0;
	[smem:$0x7FF] =	sst s3;
	s7 =	smul.u32 $0x14000, s0  }
0x7: {  	s26 =	sshll.u32 s0, $0xB;
	s8 =	smul.u32 $0x50000, s0;
	_ =	strace $0x80000047  }
0x8: {  	s28 =	ssub.s32 $0x2, s5;
	s29 =	sshll.u32 s5, $0xF;
	s18 =	sshll.u32 s0, $0x6  }
0x9: {  	s31 =	sshrl.u32 s28, $0x1;
	s18 =	sor.u32 $0x1C01, s18;
	s6 =	sadd.s32 s7, s6  }
0xa: {  	s7 =	sadd.s32 s26, s4;
	s30 =	sshrl.u32 s8, $0x2;
	s14 =	ssub.s32 s28, s31  }
0xb: {  	s6 =	sshrl.u32 s6, $0x3;
	s7 =	sadd.s32 s29, s7;
	s14 =	smax.u32 s14, $0x1  }
0xc: {  	s13 =	sadd.s32 s6, s4;
	s4 =	sadd.s32 s30, s2;
	s5 =	sadd.s32 $0x4400, s7  }
0xd: {  	s6 =	sadd.s32 $0x2800, s4;
	s7 =	sadd.s32 $0x5000, s4;
	s8 =	sadd.s32 $0x7800, s4  }
0xe: {  	s9 =	sadd.s32 $0xA000, s4;
	s10 =	sadd.s32 $0xC800, s4;
	s11 =	sadd.s32 $0xF000, s4  }
0xf: {  	v0 =	vimm.f32 $0.0e+00;
	v1 =	vimm.f32 $1.000000000e+00;
	s12 =	sadd.s32 $0x11800, s4;
	s13 =	sadd.s32 $0x14400, s13;
	s19 =	sshrl.u32 s4, $0x3  }
.LBB2_1:
0x10: {  	[tilespmem:s3], [sflag:$0x1] =	stream.linear.gather [hbm4b:s5+s3], $0x3E80, $0x38;
	[tilespmem:$0x1A800] =	vst v63  }
0x11: {  	s21 =	sand.u32 $0xFE00, s3;
	s22 =	sand.u32 $0x70, s3;
	_ =	swait.ge [sflag:s15], $0x3E80  }
0x12: {  	s23 =	sshrl.u32 s21, $0x2;
	s21 =	simm.s32 $0x40;
	[sflag:s15] =	ssyncset.done $0x0  }
0x13: {  	s23 =	sor.u32 s22, s23;
	s22 =	simm.s32 $0x0;
	[sflag:s15] =	ssyncadd.s32 $0xFFFFC180  }
.LBB2_2:
0x14: {  	p0 =	sne.s32 s21, $0x9FC0  }
0x15: {  	[tilespmem:s23+$0x4000] =	vst v0;
	s22 =	sadd.s32 $0x10, s22;
	s23 =	smov.u32 s21;
	s21 =	sadd.s32 $0x40, s21  }
.Ltmp0:
0x16: {  	(pc) =	sbr.rel @p0 .LBB2_2-.Ltmp0, $4  }
0x17: {  	_ = 	snop  }
0x18: {  	s23 =	sand.u32 $0xFE00, s23  }
0x19: {  	s24 =	sand.u32 $0x70, s22;
	s23 =	sshrl.u32 s23, $0x2  }
0x1a: {  	s23 =	sor.u32 s24, s23  }
0x1b: {  	[tilespmem:s23+$0x4000] =	vst v0  }
0x1c: {  	[spmem:s4] =	stream.linear.scatter [tilespmem:s16], [sflag:$0x1], $0x2800, $0x38;
	[tilespmem:$0x1A800] =	vst v63  }
0x1d: {  	_ =	swait.ge [sflag:s15], $0x2800  }
0x1e: {  	[sflag:s15] =	ssyncset.done $0x0  }
0x1f: {  	[sflag:s15] =	ssyncadd.s32 $0xFFFFD800  }
0x20: {  	[spmem:s6] =	stream.linear.scatter [tilespmem:s16], [sflag:$0x1], $0x2800, $0x38;
	[tilespmem:$0x1A800] =	vst v63  }
0x21: {  	_ =	swait.ge [sflag:s15], $0x2800  }
0x22: {  	[sflag:s15] =	ssyncset.done $0x0  }
0x23: {  	[sflag:s15] =	ssyncadd.s32 $0xFFFFD800  }
0x24: {  	[spmem:s7] =	stream.linear.scatter [tilespmem:s16], [sflag:$0x1], $0x2800, $0x38;
	[tilespmem:$0x1A800] =	vst v63  }
0x25: {  	_ =	swait.ge [sflag:s15], $0x2800  }
0x26: {  	[sflag:s15] =	ssyncset.done $0x0  }
0x27: {  	[sflag:s15] =	ssyncadd.s32 $0xFFFFD800  }
0x28: {  	[spmem:s8] =	stream.linear.scatter [tilespmem:s16], [sflag:$0x1], $0x2800, $0x38;
	[tilespmem:$0x1A800] =	vst v63  }
0x29: {  	_ =	swait.ge [sflag:s15], $0x2800  }
0x2a: {  	[sflag:s15] =	ssyncset.done $0x0  }
0x2b: {  	[sflag:s15] =	ssyncadd.s32 $0xFFFFD800  }
0x2c: {  	[spmem:s9] =	stream.linear.scatter [tilespmem:s16], [sflag:$0x1], $0x2800, $0x38;
	[tilespmem:$0x1A800] =	vst v63  }
0x2d: {  	_ =	swait.ge [sflag:s15], $0x2800  }
0x2e: {  	[sflag:s15] =	ssyncset.done $0x0  }
0x2f: {  	[sflag:s15] =	ssyncadd.s32 $0xFFFFD800  }
0x30: {  	[spmem:s10] =	stream.linear.scatter [tilespmem:s16], [sflag:$0x1], $0x2800, $0x38;
	[tilespmem:$0x1A800] =	vst v63  }
0x31: {  	_ =	swait.ge [sflag:s15], $0x2800  }
0x32: {  	[sflag:s15] =	ssyncset.done $0x0  }
0x33: {  	[sflag:s15] =	ssyncadd.s32 $0xFFFFD800  }
0x34: {  	[spmem:s11] =	stream.linear.scatter [tilespmem:s16], [sflag:$0x1], $0x2800, $0x38;
	[tilespmem:$0x1A800] =	vst v63  }
0x35: {  	_ =	swait.ge [sflag:s15], $0x2800  }
0x36: {  	[sflag:s15] =	ssyncset.done $0x0  }
0x37: {  	s21 =	simm.s32 $0x0;
	[sflag:s15] =	ssyncadd.s32 $0xFFFFD800  }
0x38: {  	[spmem:s12] =	stream.linear.scatter [tilespmem:s16], [sflag:$0x1], $0x2800, $0x38;
	[tilespmem:$0x1A800] =	vst v63  }
0x39: {  	s22 =	sand.u32 $0xFE00, s21;
	_ =	swait.ge [sflag:s15], $0x2800  }
0x3a: {  	s31 =	sand.u32 $0x70, s21;
	s24 =	sshrl.u32 s22, $0x2;
	[sflag:s15] =	ssyncset.done $0x0  }
0x3b: {  	s22 =	simm.s32 $0x40;
	s23 =	sor.u32 s31, s24;
	[sflag:s15] =	ssyncadd.s32 $0xFFFFD800  }
.LBB2_4:
0x3c: {  	p0 =	sne.s32 s22, $0x9FC0  }
0x3d: {  	[tilespmem:s23+$0x4000] =	vst v1;
	s21 =	sadd.s32 $0x10, s21;
	s23 =	smov.u32 s22;
	s22 =	sadd.s32 $0x40, s22  }
.Ltmp1:
0x3e: {  	(pc) =	sbr.rel @p0 .LBB2_4-.Ltmp1, $4  }
0x3f: {  	_ = 	snop  }
0x40: {  	s23 =	sand.u32 $0xFE00, s23  }
0x41: {  	s24 =	sand.u32 $0x70, s21;
	s23 =	sshrl.u32 s23, $0x2  }
0x42: {  	s23 =	sor.u32 s24, s23  }
0x43: {  	[tilespmem:s23+$0x4000] =	vst v1  }
0x44: {  	s21 =	simm.s32 $0x0;
	[bflag:$0x0] =	sbarrier.arrive $0xFFFF  }
0x45: {  	[spmem:s2] =	stream.indirect.scatter.add.f32 [tilespmem:s16], [sflag:$0x1], $0x80, s21, s17, $0xb8;
	[tilespmem:$0x1A800] =	vst v63  }
0x46: {  	_ =	swait.ge [sflag:s15], $0x2800  }
0x47: {  	s21 =	simm.s32 $0x200;
	[sflag:s15] =	ssyncset.done $0x0  }
.LBB2_6:
0x48: {  	s22 =	sshra.s32 s21, $0x2;
	[sflag:s15] =	ssyncadd.s32 $0xFFFFD800;
	p0 =	sne.s32 s21, $0xF800  }
0x49: {  	[spmem:s2] =	stream.indirect.scatter.add.f32 [tilespmem:s16], [sflag:$0x1], $0x80, s22, s17, $0xb8;
	[tilespmem:$0x1A800] =	vst v63  }
.Ltmp2:
0x4a: {  	_ = 	snop;
	(pc) =	sbr.rel @p0 .LBB2_6-.Ltmp2, $4  }
0x4b: {  	_ = 	snop  }
0x4c: {  	s21 =	sadd.s32 $0x200, s21  }
0x4d: {  	_ =	swait.ge [sflag:s15], $0x2800  }
0x4e: {  	[sflag:s15] =	ssyncset.done $0x0  }
0x4f: {  	s20 =	sadd.s32 $0x1, s20  }
0x50: {  	[sflag:s15] =	ssyncadd.s32 $0xFFFFD800;
	p0 =	sne.s32 s20, s14  }
.Ltmp3:
0x51: {  	[bflag:$0x0] =	sbarrier.arrive $0xFFFF;
	(pc) =	sbr.rel @p0 .LBB2_1-.Ltmp3, $4  }
0x52: {  	[hbm:s13], [sflag:s18] =	dma.local [spmem:s19], $0x2800  }
0x53: {  	_ =	swait.ge [sflag:s15], $0x2800  }
0x54: {  	[sflag:s15] =	ssyncset.done $0x0  }
0x55: {  	[sflag:s15] =	ssyncadd.s32 $0xFFFFD800  }
0x56: {  	_ =	sfence.sel $0x180000  }
0x57: {  	[bflag:$0x0] =	sbarrier.arrive $0xFFFF  }
0x58: {  	p0 =	sne.s32 s0, $0x0;
	_ =	strace $0x90000047  }
0x59: {  	s0 =	sadd.s32 @!p0 $0x100000, s1;
	[bflag:$0x2] =	sbarrier.arrive $0xFFFF  }
0x5a: {  	[sflag:s0] =	ssyncadd.tile.s32 @!p0 $0x1;
	_ =	shalt  }
.Lfunc_end2:
_tile_overlayer_lowered:
.L_overlay_start_2:
0x5b: {  	(tag) =	ssettag $0x2  }
0x5c: {  	s0 =	rddreg [dreg:$0x0];
	s2 =	stileid.u32  }
0x5d: {  	s1 =	rddreg [dreg:$0x1];
	p0 =	sne.s32 s2, $0x0  }
0x5e: {  	s3 =	rddreg [dreg:$0x2];
	[bflag:$0x3] =	sbarrier.arrive $0xFFFF;
	s2 =	simm.s32 @!p0 $0x1C01  }
0x5f: {  	[timem:s3], [sflag:s2] =	dma.local @!p0 [hbm:s0], s1  }
0x60: {  	s0 =	simm.s32 @!p0 $0x1  }
0x61: {  	_ =	swait.ge @!p0 [sflag:s0], s1  }
0x62: {  	s1 =	ssub.s32 @!p0 $0x0, s1;
	[sflag:s0] =	ssyncset.done @!p0 $0x0  }
0x63: {  	[sflag:s0] =	ssyncadd.s32 @!p0 s1  }
0x64: {  	[bflag:$0x3] =	sbarrier.arrive $0xFFFF  }
0x65: {  	_ =	shalt  }

// kernel: kernel.16.cloned.1.call-start
scs
__scs_entry_jumppad:
0x0: {  	(pc) =	sbr.rel $0x88, $3  }
0x1: {  	(tag) =	ssettag $0x0;
	lr =	simm.s32 $0x1  }
0x2: {  	[smem:$0x3F93] =	sst lr;
	_ =	strace $0xD0000000  }
0x3: {  	_ = 	snop  }
0x4: {  	_ = 	snop  }
0x5: {  	_ = 	snop  }
0x6: {  	_ = 	snop  }
0x7: {  	_ = 	snop  }
__scs_overlays_trampoline_lowered:
0x8: {  	[smem:$0x3FA2] =	sst s0  }
0x9: {  	[smem:$0x3FA3] =	sst s1  }
0xa: {  	[smem:$0x3FA4] =	sst s2  }
0xb: {  	[smem:$0x3FA5] =	sst s3  }
0xc: {  	[smem:$0x3FA6] =	sst s4  }
0xd: {  	[smem:$0x3FA7] =	sst s5  }
0xe: {  	[smem:$0x3FA8] =	sst s6  }
0xf: {  	[smem:$0x3FA9] =	sst s7  }
0x10: {  	[smem:$0x3FAA] =	sst s8  }
0x11: {  	[smem:$0x3FAB] =	sst s9;
	s0 =	simm.s32 @!p0 $0x0  }
0x12: {  	s1 =	sld [smem:$0x3F91];
	s0 =	simm.s32 @p0 $0x1  }
0x13: {  	[smem:$0x3FAC] =	sst s0;
	s0 =	simm.s32 @!p1 $0x0  }
0x14: {  	s2 =	sld [smem:$0x3F90];
	s0 =	simm.s32 @p1 $0x1  }
0x15: {  	[smem:$0x3FAD] =	sst s0;
	s0 =	simm.s32 @!p2 $0x0  }
0x16: {  	s3 =	sld [smem:$0x3FDB];
	s0 =	simm.s32 @p2 $0x1  }
0x17: {  	s4 =	simm.s32 $0x1BF5;
	[smem:$0x3FAF] =	sst s0  }
0x18: {  	s0 =	sld [smem:$0x3F92];
	_ =	swait.ge [sflag:s4], $0x0  }
0x19: {  	s7 =	sld [smem:$0x3F93]  }
0x1a: {  	s8 =	sadd.s32 $0xFFFFE003, lr  }
0x1b: {  	s9 =	sadd.s32 $0xFFFFFEF7, lr;
	s5 =	simm.s32 $0xFFFFFFFF;
	p2 =	slt.u32 s8, $0xFFFFF086  }
0x1c: {  	p1 =	slt.u32 s9, $0xF7A;
	s5 =	simm.s32 @!p2 $0x0  }
0x1d: {  	s5 =	simm.s32 @p1 $0x1;
	p0 =	seq.s32 s7, s2  }
0x1e: {  	s7 =	smul.u32 @!p0 $0xF7A, s2;
	p2 =	seq.s32 @!p0 s5, $0x0  }
0x1f: {  	s9 =	smul.u32 $0xF7A, s1;
	s8 =	simm.s32 @!p0 $0x1BF5;
	p2 =	por !p2, p0  }
0x20: {  	[sflag:s8] =	ssyncset.s32 @!p0 $0xFFFFF086;
	s6 =	sadd.s32 @!p0 s3, s7;
	s7 =	simm.s32 @!p0 $0x108  }
0x21: {  	s3 =	sadd.s32 s3, s9;
	s6 =	sadd.s32 @!p0 $0x88, s6;
	s7 =	simm.s32 @p2 $0x1082  }
0x22: {  	[simem:s7], [sflag:s8] =	dma.local @!p0 [hbm:s6], $0xF7A  }
0x23: {  	s9 =	sor.u32 $0xD0000000, s2;
	s6 =	simm.s32 $0x108;
	_ =	swait.ge @!p0 [sflag:s8], $0x0  }
0x24: {  	s3 =	sadd.s32 $0x88, s3;
	s6 =	simm.s32 @!p1 $0x1082;
	[sflag:s4] =	ssyncset.s32 $0xFFFFF086  }
0x25: {  	[simem:s6], [sflag:s4] =	dma.local [hbm:s3], $0xF7A  }
0x26: {  	[smem:$0x3F93] =	sst s1;
	(tag) =	ssettag s2;
	_ =	strace s9  }
0x27: {  	s1 =	sld [smem:$0x3FA3]  }
0x28: {  	s2 =	sld [smem:$0x3FA4]  }
0x29: {  	s4 =	sld [smem:$0x3FA6]  }
0x2a: {  	p0 =	seq.s32 s5, $0x0;
	s5 =	sld [smem:$0x3FA7]  }
0x2b: {  	s6 =	sld [smem:$0x3FA8]  }
0x2c: {  	s7 =	sld [smem:$0x3FA9]  }
0x2d: {  	s3 =	simm.s32 $0x108;
	s8 =	sld [smem:$0x3FAA]  }
0x2e: {  	s3 =	simm.s32 @!p0 $0x1082;
	s9 =	sld [smem:$0x3FAB]  }
0x2f: {  	lr =	sadd.s32 s0, s3;
	s0 =	sld [smem:$0x3FA2]  }
0x30: {  	s3 =	sld [smem:$0x3FA5]  }
0x31: {  	[smem:$0x3FAE] =	sst s10  }
0x32: {  	s10 =	sld [smem:$0x3FAC];
	_ =	sdelay $0x3  }
0x33: {  	p0 =	seq.s32 s10, $0x1;
	s10 =	sld [smem:$0x3FAE];
	_ =	sdelay $0x3  }
0x34: {  	[smem:$0x3FAE] =	sst s10  }
0x35: {  	s10 =	sld [smem:$0x3FAD];
	_ =	sdelay $0x3  }
0x36: {  	p1 =	seq.s32 s10, $0x1;
	s10 =	sld [smem:$0x3FAE];
	_ =	sdelay $0x3  }
0x37: {  	[smem:$0x3FAE] =	sst s10  }
0x38: {  	s10 =	sld [smem:$0x3FAF]  }
0x39: {  	_ = 	snop;
	(pc) =	sbr.ind lr, $3  }
0x3a: {  	_ = 	snop  }
0x3b: {  	_ = 	snop  }
0x3c: {  	p2 =	seq.s32 s10, $0x1;
	s10 =	sld [smem:$0x3FAE]  }
0x3d: {  	_ =	shalt  }
0x3e: {  	_ =	shalt  }
0x3f: {  	_ =	shalt  }
0x40: {  	_ =	shalt  }
0x41: {  	_ =	shalt  }
0x42: {  	_ =	shalt  }
0x43: {  	_ =	shalt  }
0x44: {  	_ =	shalt  }
0x45: {  	_ =	shalt  }
0x46: {  	_ =	shalt  }
0x47: {  	_ =	shalt  }
0x48: {  	_ =	shalt  }
0x49: {  	_ =	shalt  }
0x4a: {  	_ =	shalt  }
0x4b: {  	_ =	shalt  }
0x4c: {  	_ =	shalt  }
0x4d: {  	_ =	shalt  }
0x4e: {  	_ =	shalt  }
0x4f: {  	_ =	shalt  }
0x50: {  	_ =	shalt  }
0x51: {  	_ =	shalt  }
0x52: {  	_ =	shalt  }
0x53: {  	_ =	shalt  }
0x54: {  	_ =	shalt  }
0x55: {  	_ =	shalt  }
0x56: {  	_ =	shalt  }
0x57: {  	_ =	shalt  }
0x58: {  	_ =	shalt  }
0x59: {  	_ =	shalt  }
0x5a: {  	_ =	shalt  }
0x5b: {  	_ =	shalt  }
0x5c: {  	_ =	shalt  }
0x5d: {  	_ =	shalt  }
0x5e: {  	_ =	shalt  }
0x5f: {  	_ =	shalt  }
0x60: {  	_ =	shalt  }
0x61: {  	_ =	shalt  }
0x62: {  	_ =	shalt  }
0x63: {  	_ =	shalt  }
0x64: {  	_ =	shalt  }
0x65: {  	_ =	shalt  }
0x66: {  	_ =	shalt  }
0x67: {  	_ =	shalt  }
0x68: {  	_ =	shalt  }
0x69: {  	_ =	shalt  }
0x6a: {  	_ =	shalt  }
0x6b: {  	_ =	shalt  }
0x6c: {  	_ =	shalt  }
0x6d: {  	_ =	shalt  }
0x6e: {  	_ =	shalt  }
0x6f: {  	_ =	shalt  }
0x70: {  	_ =	shalt  }
0x71: {  	_ =	shalt  }
0x72: {  	_ =	shalt  }
0x73: {  	_ =	shalt  }
0x74: {  	_ =	shalt  }
0x75: {  	_ =	shalt  }
0x76: {  	_ =	shalt  }
0x77: {  	_ =	shalt  }
0x78: {  	_ =	shalt  }
0x79: {  	_ =	shalt  }
0x7a: {  	_ =	shalt  }
0x7b: {  	_ =	shalt  }
0x7c: {  	_ =	shalt  }
0x7d: {  	_ =	shalt  }
0x7e: {  	_ =	shalt  }
0x7f: {  	_ =	shalt  }
0x80: {  	_ =	shalt  }
0x81: {  	_ =	shalt  }
0x82: {  	_ =	shalt  }
0x83: {  	_ =	shalt  }
0x84: {  	_ =	shalt  }
0x85: {  	_ =	shalt  }
0x86: {  	_ =	shalt  }
0x87: {  	_ =	shalt  }
.Lfunc_end0:
.L_simem_size_0:
called_computation.1_lowered:
.L_overlay_start_0:
0x88: {  	s2 =	sld [smem:$0x3FD9]  }
0x89: {  	s3 =	sld [smem:$0x3FFE];
	_ =	sdelay $0x1  }
0x8a: {  	s1 =	srdreg.scid  }
0x8b: {  	s0 =	sand.u32 $0x1, s1  }
0x8c: {  	s17 =	sshll.u32 s0, $0xA;
	s2 =	sadd.s32 s3, s2  }
0x8d: {  	s2 =	sadd.s32 s2, s17  }
0x8e: {  	[smem:$0x3FBA] =	sst s2  }
0x8f: {  	_ = 	snop  }
0x90: {  	s2 =	sld [smem:$0x3FD0];
	(tm) =	ssettm $0x1  }
0x91: {  	s18 =	sld [smem:$0x3FFB];
	_ =	sdelay $0x3  }
0x92: {  	_ =	strace s18  }
0x93: {  	s3 =	sld [smem:$0x3FFC];
	_ =	sdelay $0x3  }
0x94: {  	_ =	strace s3  }
0x95: {  	s3 =	sld [smem:$0x3FFD];
	_ =	sdelay $0x3  }
0x96: {  	_ =	strace s3  }
0x97: {  	_ =	strace $0x8FFFFFFF  }
0x98: {  	s19 =	sld [smem:$0x3FDB];
	_ =	sdelay $0x1  }
0x99: {  	s4 =	simm.s32 $_scs_section_size  }
0x9a: {  	s5 =	simm.s32 $_size__tile_overlayer_lowered;
	s6 =	simm.s32 $_tile_overlayer_lowered  }
0x9b: {  	s22 =	simm.s32 $0x1BFF;
	s21 =	sshll.u32 s6, $0x1;
	s3 =	sadd.s32 s4, s19  }
0x9c: {  	s7 =	simm.s32 $0x0;
	s20 =	sshll.u32 s5, $0x1;
	s5 =	sadd.s32 s21, s3  }
0x9d: {  	[timem:s7], [sflag:s22] =	dma.local [hbm:s5], s20  }
0x9e: {  	_ =	swait.ge [sflag:s22], s20  }
0x9f: {  	s4 =	ssub.s32 $0x0, s20;
	[sflag:s22] =	ssyncset.done $0x0  }
0xa0: {  	[sflag:s22] =	ssyncadd.s32 s4;
	_ =	sdelay $0x1  }
0xa1: {  	s23 =	simm.s32 $0x1B8B  }
0xa2: {  	_ =	swait.ge [sflag:s23], $0x1  }
0xa3: {  	[sflag:s23] =	ssyncset.done $0x0  }
0xa4: {  	s25 =	simm.s32 $0x1B8E;
	s24 =	sld [smem:$0x3FFE];
	[sflag:s23] =	ssyncadd.s32 $0xFFFFFFFF  }
0xa5: {  	s26 =	simm.s32 $execute0_lowered;
	[smem:$0x3FD2] =	sst s25  }
0xa6: {  	s5 =	sshll.u32 s26, $0x1;
	_ =	strace $0x80000049;
	[dreg:$0x1] =	wrdreg $0xFFFFFFFF  }
0xa7: {  	s28 =	simm.s32 $_size_execute0_lowered;
	s3 =	sadd.s32 s3, s5;
	[dreg:$0x0] =	wrdreg $0x0  }
0xa8: {  	s5 =	sshll.u32 s28, $0x1;
	[dreg:$0x2] =	wrdreg s3  }
0xa9: {  	[dreg:$0x3] =	wrdreg s5  }
0xaa: {  	[dreg:$0x4] =	wrdreg $0xC0  }
0xab: {  	_ =	task [dreg:s7], $0x5FFFF  }
0xac: {  	[dreg:$0x1] =	wrdreg $0xFFFFFFFF  }
0xad: {  	[dreg:$0x0] =	wrdreg $0x60  }
0xae: {  	[dreg:$0x2] =	wrdreg s24  }
0xaf: {  	[dreg:$0x3] =	wrdreg s2  }
0xb0: {  	[dreg:$0x4] =	wrdreg $0xB7800  }
0xb1: {  	[dreg:$0x5] =	wrdreg $0x9  }
0xb2: {  	_ =	task.clear_ibuf [dreg:s7], $0x6FFFF;
	_ =	strace $0x90000049  }
0xb3: {  	s29 =	simm.s32 $0x9;
	_ =	strace $0x8000004B  }
0xb4: {  	_ =	swait.ge [sflag:s29], $0x1  }
0xb5: {  	[sflag:s29] =	ssyncadd.s32 $0xFFFFFFFF  }
0xb6: {  	_ =	strace $0x9000004B  }
0xb7: {  	_ =	sfence  }
0xb8: {  	s30 =	sld [smem:$0x0];
	_ =	sdelay $0x2  }
0xb9: {  	s31 =	sshll.u32 s1, $0xD;
	s1 =	sshrl.u32 s1, $0x2  }
0xba: {  	s3 =	sand.u32 $0x4000, s31;
	s1 =	sadd.s32 s1, s30  }
0xbb: {  	s0 =	sor.u32 s3, s0;
	s1 =	sshll.u32 s1, $0x11  }
0xbc: {  	s0 =	sor.u32 s1, s0  }
0xbd: {  	s0 =	sadd.s32 $0x8F2B, s0  }
0xbe: {  	[sflag:s0] =	ssyncadd.remote.s32 $0x1  }
0xbf: {  	_ =	sfence.sel $0xFFFF  }
0xc0: {  	[dreg:$0x0] =	wrdreg $0xFFFFFFFF;
	(pc) =	sbr.abs _section_cstart, $3  }
0xc1: {  	[dreg:$0x1] =	wrdreg $0xFFFFFFFF  }
0xc2: {  	_ =	task.clear_ibuf [dreg:s7], $0x2FFFF;
	_ =	strace $0x9FFFFFFF  }
0xc3: {  	(tm) =	ssettm $0x7FFFFFFF  }
tec
execute0_lowered:
.L_overlay_start_1:
0x0: {  	(tag) =	ssettag $0x1  }
0x1: {  	s0 =	rddreg [dreg:$0x0]  }
0x2: {  	s2 =	rddreg [dreg:$0x1]  }
0x3: {  	s1 =	rddreg [dreg:$0x2]  }
0x4: {  	s3 =	srdreg.scid;
	s10 =	stileid.u32  }
0x5: {  	s19 =	simm.s32 $0x3;
	s21 =	simm.s32 $0x6780;
	s22 =	simm.s32 $0x50  }
0x6: {  	s23 =	simm.s32 $0x8F80;
	s28 =	simm.s32 $0x26C0;
	s29 =	simm.s32 $0x6500  }
0x7: {  	s30 =	simm.s32 $0x6580;
	s31 =	simm.s32 $0x0;
	s5 =	sand.u32 $0x1, s3  }
0x8: {  	s3 =	simm.s32 $0x0;
	s9 =	smul.u32 $0x14000, s10;
	s24 =	sshll.u32 s10, $0x7  }
0x9: {  	s4 =	sshll.u32 s5, $0x4;
	[smem:$0x7FF] =	sst s3;
	s7 =	smul.u32 $0x140000, s5  }
0xa: {  	s5 =	ssub.s32 $0x2, s5;
	s6 =	sor.u32 s10, s4;
	_ =	strace $0x8000004A  }
0xb: {  	s4 =	sadd.s32 $0x14400, s0;
	s10 =	smul.u32 $0x50000, s10;
	s25 =	sshrl.u32 s5, $0x1  }
0xc: {  	s8 =	sshll.u32 s6, $0xB;
	s6 =	sshrl.u32 s6, $0x3;
	s7 =	sadd.s32 s9, s7  }
0xd: {  	s9 =	sand.u32 $0x380, s24;
	s16 =	ssub.s32 s5, s25;
	s6 =	smul.u32 $0x13C00, s6  }
0xe: {  	s24 =	simm.s32 $0x1;
	s25 =	simm.s32 $0x2;
	s8 =	sadd.s32 s8, s0  }
0xf: {  	s7 =	sshrl.u32 s7, $0x3;
	s26 =	sshrl.u32 s10, $0x2;
	s6 =	sor.u32 s9, s6  }
0x10: {  	s16 =	smax.u32 s16, $0x1;
	s0 =	sadd.s32 s7, s0;
	s6 =	sshrl.u32 s6, $0x3  }
0x11: {  	s7 =	sadd.s32 $0x4400, s8;
	s5 =	sadd.s32 s2, s6;
	s6 =	sadd.s32 s26, s1  }
0x12: {  	s15 =	sadd.s32 $0x3B600, s0;
	s26 =	simm.s32 $0x6480;
	s8 =	sadd.s32 $0x2800, s6  }
0x13: {  	s9 =	sadd.s32 $0x5000, s6;
	s10 =	sadd.s32 $0x7800, s6;
	s11 =	sadd.s32 $0xA000, s6  }
0x14: {  	v0 =	vimm.f32 $0.0e+00;
	s12 =	sadd.s32 $0xC800, s6;
	s13 =	sadd.s32 $0xF000, s6;
	s14 =	sadd.s32 $0x11800, s6  }
.LBB2_1:
0x15: {  	s0 =	simm.s32 $0x80;
	s2 =	simm.s32 $0x400  }
0x16: {  	[tilespmem:s3], [sflag:$0x3] =	stream.strided.gather [hbm4b:s5+s0], $0x2780, s2, s0, $0x38;
	[tilespmem:$0x1F780] =	vst v63  }
0x17: {  	_ =	swait.ge [sflag:s19], $0x2780  }
0x18: {  	[sflag:s19] =	ssyncset.done $0x0  }
0x19: {  	s17 =	simm.s32 $0x2780;
	[sflag:s19] =	ssyncadd.s32 $0xFFFFD880  }
0x1a: {  	[tilespmem:s17], [sflag:$0x3] =	stream.linear.gather [hbm4b:s7+s3], $0x3E80, $0x38;
	[tilespmem:$0x1F780] =	vst v63  }
0x1b: {  	s18 =	sand.u32 $0xFE00, s3;
	s20 =	sand.u32 $0x70, s3;
	_ =	swait.ge [sflag:s19], $0x3E80  }
0x1c: {  	s0 =	simm.s32 $0x40;
	s17 =	sshrl.u32 s18, $0x2;
	[sflag:s19] =	ssyncset.done $0x0  }
0x1d: {  	s2 =	simm.s32 $0x0;
	s17 =	sor.u32 s20, s17;
	[sflag:s19] =	ssyncadd.s32 $0xFFFFC180  }
.LBB2_2:
0x1e: {  	p0 =	sne.s32 s0, $0x9FC0  }
0x1f: {  	[tilespmem:s17+$0x6780] =	vst v0;
	s2 =	sadd.s32 $0x10, s2;
	s17 =	smov.u32 s0;
	s0 =	sadd.s32 $0x40, s0  }
.Ltmp0:
0x20: {  	(pc) =	sbr.rel @p0 .LBB2_2-.Ltmp0, $4  }
0x21: {  	_ = 	snop  }
0x22: {  	s17 =	sand.u32 $0xFE00, s17  }
0x23: {  	s18 =	sand.u32 $0x70, s2;
	s17 =	sshrl.u32 s17, $0x2  }
0x24: {  	s17 =	sor.u32 s18, s17  }
0x25: {  	[tilespmem:s17+$0x6780] =	vst v0  }
0x26: {  	[spmem:s6] =	stream.linear.scatter [tilespmem:s21], [sflag:$0x3], $0x2800, $0x38;
	[tilespmem:$0x1F780] =	vst v63  }
0x27: {  	_ =	swait.ge [sflag:s19], $0x2800  }
0x28: {  	[sflag:s19] =	ssyncset.done $0x0  }
0x29: {  	[sflag:s19] =	ssyncadd.s32 $0xFFFFD800  }
0x2a: {  	[spmem:s8] =	stream.linear.scatter [tilespmem:s21], [sflag:$0x3], $0x2800, $0x38;
	[tilespmem:$0x1F780] =	vst v63  }
0x2b: {  	_ =	swait.ge [sflag:s19], $0x2800  }
0x2c: {  	[sflag:s19] =	ssyncset.done $0x0  }
0x2d: {  	[sflag:s19] =	ssyncadd.s32 $0xFFFFD800  }
0x2e: {  	[spmem:s9] =	stream.linear.scatter [tilespmem:s21], [sflag:$0x3], $0x2800, $0x38;
	[tilespmem:$0x1F780] =	vst v63  }
0x2f: {  	_ =	swait.ge [sflag:s19], $0x2800  }
0x30: {  	[sflag:s19] =	ssyncset.done $0x0  }
0x31: {  	[sflag:s19] =	ssyncadd.s32 $0xFFFFD800  }
0x32: {  	[spmem:s10] =	stream.linear.scatter [tilespmem:s21], [sflag:$0x3], $0x2800, $0x38;
	[tilespmem:$0x1F780] =	vst v63  }
0x33: {  	_ =	swait.ge [sflag:s19], $0x2800  }
0x34: {  	[sflag:s19] =	ssyncset.done $0x0  }
0x35: {  	[sflag:s19] =	ssyncadd.s32 $0xFFFFD800  }
0x36: {  	[spmem:s11] =	stream.linear.scatter [tilespmem:s21], [sflag:$0x3], $0x2800, $0x38;
	[tilespmem:$0x1F780] =	vst v63  }
0x37: {  	_ =	swait.ge [sflag:s19], $0x2800  }
0x38: {  	[sflag:s19] =	ssyncset.done $0x0  }
0x39: {  	[sflag:s19] =	ssyncadd.s32 $0xFFFFD800  }
0x3a: {  	[spmem:s12] =	stream.linear.scatter [tilespmem:s21], [sflag:$0x3], $0x2800, $0x38;
	[tilespmem:$0x1F780] =	vst v63  }
0x3b: {  	_ =	swait.ge [sflag:s19], $0x2800  }
0x3c: {  	[sflag:s19] =	ssyncset.done $0x0  }
0x3d: {  	[sflag:s19] =	ssyncadd.s32 $0xFFFFD800  }
0x3e: {  	[spmem:s13] =	stream.linear.scatter [tilespmem:s21], [sflag:$0x3], $0x2800, $0x38;
	[tilespmem:$0x1F780] =	vst v63  }
0x3f: {  	_ =	swait.ge [sflag:s19], $0x2800  }
0x40: {  	[sflag:s19] =	ssyncset.done $0x0  }
0x41: {  	[sflag:s19] =	ssyncadd.s32 $0xFFFFD800  }
0x42: {  	[spmem:s14] =	stream.linear.scatter [tilespmem:s21], [sflag:$0x3], $0x2800, $0x38;
	[tilespmem:$0x1F780] =	vst v63  }
0x43: {  	_ =	swait.ge [sflag:s19], $0x2800  }
0x44: {  	[sflag:s19] =	ssyncset.done $0x0  }
0x45: {  	[sflag:s19] =	ssyncadd.s32 $0xFFFFD800  }
0x46: {  	s0 =	simm.s32 $0x0;
	[bflag:$0x0] =	sbarrier.arrive $0xFFFF  }
0x47: {  	[tilespmem:s21], [sflag:$0x1] =	stream.indirect.gather [hbm4b:s4+s22], $0x80, s0, s22, $0xb8;
	[tilespmem:$0x1F780] =	vst v63  }
0x48: {  	_ = 	snop  }
0x49: {  	[tilespmem:s23], [sflag:$0x2] =	stream.indirect.gather [hbm4b:s4+s22], $0x80, s22, s22, $0xb8;
	[tilespmem:$0x1F780] =	vst v63  }
0x4a: {  	_ =	swait.ge [sflag:s24], $0x2800  }
0x4b: {  	[sflag:s24] =	ssyncset.done $0x0  }
0x4c: {  	s17 =	simm.s32 $0x2780;
	[sflag:s24] =	ssyncadd.s32 $0xFFFFD800  }
0x4d: {  	[spmem:s1] =	stream.indirect.scatter.add.f32 [tilespmem:s21], [sflag:$0x3], $0x80, s17, s22, $0xb8;
	[tilespmem:$0x1F780] =	vst v63  }
0x4e: {  	_ =	swait.ge [sflag:s19], $0x2800  }
0x4f: {  	[sflag:s19] =	ssyncset.done $0x0  }
0x50: {  	s18 =	simm.s32 $0xA0;
	[sflag:s19] =	ssyncadd.s32 $0xFFFFD800  }
0x51: {  	[tilespmem:s21], [sflag:$0x1] =	stream.indirect.gather [hbm4b:s4+s22], $0x80, s18, s22, $0xb8;
	[tilespmem:$0x1F780] =	vst v63  }
0x52: {  	_ =	swait.ge [sflag:s25], $0x2800  }
0x53: {  	[sflag:s25] =	ssyncset.done $0x0  }
0x54: {  	s20 =	simm.s32 $0x2800;
	[sflag:s25] =	ssyncadd.s32 $0xFFFFD800  }
0x55: {  	[spmem:s1] =	stream.indirect.scatter.add.f32 [tilespmem:s23], [sflag:$0x3], $0x80, s20, s22, $0xb8;
	[tilespmem:$0x1F780] =	vst v63  }
0x56: {  	_ =	swait.ge [sflag:s19], $0x2800  }
0x57: {  	s2 =	simm.s32 $0x400;
	[sflag:s19] =	ssyncset.done $0x0  }
0x58: {  	s0 =	simm.s32 $0xF0;
	s17 =	simm.s32 $0x190;
	[sflag:s19] =	ssyncadd.s32 $0xFFFFD800  }
.LBB2_4:
0x59: {  	[tilespmem:s23], [sflag:$0x2] =	stream.indirect.gather [hbm4b:s4+s22], $0x80, s0, s22, $0xb8;
	[tilespmem:$0x1F780] =	vst v63  }
0x5a: {  	s18 =	smov.u32 s2;
	s0 =	smov.u32 s17  }
0x5b: {  	p0 =	sne.s32 s2, $0xF000;
	s2 =	sadd.s32 $0x400, s2;
	_ =	swait.ge [sflag:s24], $0x2800  }
0x5c: {  	s18 =	sshra.s32 s18, $0x2;
	[sflag:s24] =	ssyncset.done $0x0  }
0x5d: {  	s20 =	sadd.s32 $0x2780, s18;
	[sflag:s24] =	ssyncadd.s32 $0xFFFFD800  }
0x5e: {  	[spmem:s1] =	stream.indirect.scatter.add.f32 [tilespmem:s21], [sflag:$0x3], $0x80, s20, s22, $0xb8;
	[tilespmem:$0x1F780] =	vst v63  }
0x5f: {  	_ =	swait.ge [sflag:s19], $0x2800  }
0x60: {  	[sflag:s19] =	ssyncset.done $0x0  }
0x61: {  	s20 =	sadd.s32 $0xFFFFFFB0, s17;
	[sflag:s19] =	ssyncadd.s32 $0xFFFFD800  }
0x62: {  	[tilespmem:s21], [sflag:$0x1] =	stream.indirect.gather [hbm4b:s4+s22], $0x80, s20, s22, $0xb8;
	[tilespmem:$0x1F780] =	vst v63  }
0x63: {  	_ =	swait.ge [sflag:s25], $0x2800  }
0x64: {  	[sflag:s25] =	ssyncset.done $0x0  }
.Ltmp1:
0x65: {  	s18 =	sadd.s32 $0x2800, s18;
	[sflag:s25] =	ssyncadd.s32 $0xFFFFD800;
	(pc) =	sbr.rel @p0 .LBB2_4-.Ltmp1, $4  }
0x66: {  	[spmem:s1] =	stream.indirect.scatter.add.f32 [tilespmem:s23], [sflag:$0x3], $0x80, s18, s22, $0xb8;
	[tilespmem:$0x1F780] =	vst v63  }
0x67: {  	_ =	swait.ge [sflag:s19], $0x2800  }
0x68: {  	[sflag:s19] =	ssyncset.done $0x0  }
0x69: {  	s17 =	sadd.s32 $0xA0, s17;
	[sflag:s19] =	ssyncadd.s32 $0xFFFFD800  }
0x6a: {  	[tilespmem:s23], [sflag:$0x2] =	stream.indirect.gather [hbm4b:s4+s22], $0x80, s0, s22, $0xb8;
	[tilespmem:$0x1F780] =	vst v63  }
0x6b: {  	_ =	swait.ge [sflag:s24], $0x2800  }
0x6c: {  	[sflag:s24] =	ssyncset.done $0x0  }
0x6d: {  	[sflag:s24] =	ssyncadd.s32 $0xFFFFD800  }
0x6e: {  	[spmem:s1] =	stream.indirect.scatter.add.f32 [tilespmem:s21], [sflag:$0x3], $0x80, s26, s22, $0xb8;
	[tilespmem:$0x1F780] =	vst v63  }
0x6f: {  	_ =	swait.ge [sflag:s19], $0x2800  }
0x70: {  	[sflag:s19] =	ssyncset.done $0x0  }
0x71: {  	[sflag:s19] =	ssyncadd.s32 $0xFFFFD800  }
0x72: {  	[tilespmem:s21], [sflag:$0x1] =	stream.indirect.gather [hbm4b:s4+s22], $0x80, s28, s22, $0xb8;
	[tilespmem:$0x1F780] =	vst v63  }
0x73: {  	_ =	swait.ge [sflag:s25], $0x2800  }
0x74: {  	[sflag:s25] =	ssyncset.done $0x0  }
0x75: {  	[sflag:s25] =	ssyncadd.s32 $0xFFFFD800  }
0x76: {  	[spmem:s1] =	stream.indirect.scatter.add.f32 [tilespmem:s23], [sflag:$0x3], $0x80, s29, s22, $0xb8;
	[tilespmem:$0x1F780] =	vst v63  }
0x77: {  	_ =	swait.ge [sflag:s19], $0x2800  }
0x78: {  	[sflag:s19] =	ssyncset.done $0x0  }
0x79: {  	[sflag:s19] =	ssyncadd.s32 $0xFFFFD800  }
0x7a: {  	_ =	swait.ge [sflag:s24], $0x2800  }
0x7b: {  	[sflag:s24] =	ssyncset.done $0x0  }
0x7c: {  	[sflag:s24] =	ssyncadd.s32 $0xFFFFD800  }
0x7d: {  	[spmem:s1] =	stream.indirect.scatter.add.f32 [tilespmem:s21], [sflag:$0x3], $0x80, s30, s22, $0xb8;
	[tilespmem:$0x1F780] =	vst v63  }
0x7e: {  	s20 =	stileid.u32;
	_ =	swait.ge [sflag:s19], $0x2800  }
0x7f: {  	s2 =	sshrl.u32 s6, $0x3;
	s31 =	sadd.s32 $0x1, s31;
	[sflag:s19] =	ssyncset.done $0x0  }
0x80: {  	s0 =	sshll.u32 s20, $0x6;
	p0 =	sne.s32 s31, s16;
	[sflag:s19] =	ssyncadd.s32 $0xFFFFD800  }
.Ltmp2:
0x81: {  	s0 =	sor.u32 $0x1C03, s0;
	[bflag:$0x0] =	sbarrier.arrive $0xFFFF;
	(pc) =	sbr.rel @p0 .LBB2_1-.Ltmp2, $4  }
0x82: {  	[hbm:s15], [sflag:s0] =	dma.local [spmem:s2], $0x2800  }
0x83: {  	_ =	swait.ge [sflag:s19], $0x2800  }
0x84: {  	[sflag:s19] =	ssyncset.done $0x0  }
0x85: {  	[sflag:s19] =	ssyncadd.s32 $0xFFFFD800  }
0x86: {  	_ =	sfence.sel $0x180000  }
0x87: {  	[bflag:$0x0] =	sbarrier.arrive $0xFFFF  }
0x88: {  	_ =	strace $0x9000004A  }
0x89: {  	s0 =	stileid.u32;
	[bflag:$0x2] =	sbarrier.arrive $0xFFFF  }
0x8a: {  	p0 =	sne.s32 s0, $0x0;
	s0 =	rddreg [dreg:$0x3]  }
0x8b: {  	s0 =	sadd.s32 @!p0 $0x100000, s0  }
0x8c: {  	[sflag:s0] =	ssyncadd.tile.s32 @!p0 $0x1;
	_ =	shalt  }
.Lfunc_end2:
_tile_overlayer_lowered:
.L_overlay_start_2:
0x8d: {  	(tag) =	ssettag $0x2  }
0x8e: {  	s0 =	rddreg [dreg:$0x0];
	s2 =	stileid.u32  }
0x8f: {  	s1 =	rddreg [dreg:$0x1];
	p0 =	sne.s32 s2, $0x0  }
0x90: {  	s3 =	rddreg [dreg:$0x2];
	[bflag:$0x3] =	sbarrier.arrive $0xFFFF;
	s2 =	simm.s32 @!p0 $0x1C03  }
0x91: {  	[timem:s3], [sflag:s2] =	dma.local @!p0 [hbm:s0], s1  }
0x92: {  	s0 =	simm.s32 @!p0 $0x3  }
0x93: {  	_ =	swait.ge @!p0 [sflag:s0], s1  }
0x94: {  	s1 =	ssub.s32 @!p0 $0x0, s1;
	[sflag:s0] =	ssyncset.done @!p0 $0x0  }
0x95: {  	[sflag:s0] =	ssyncadd.s32 @!p0 s1  }
0x96: {  	[bflag:$0x3] =	sbarrier.arrive $0xFFFF  }
0x97: {  	_ =	shalt  }

// kernel: kernel.19.cloned.1.call-start
scs
__scs_entry_jumppad:
0x0: {  	(pc) =	sbr.rel $0x88, $3  }
0x1: {  	(tag) =	ssettag $0x0;
	lr =	simm.s32 $0x1  }
0x2: {  	[smem:$0x3F93] =	sst lr;
	_ =	strace $0xD0000000  }
0x3: {  	_ = 	snop  }
0x4: {  	_ = 	snop  }
0x5: {  	_ = 	snop  }
0x6: {  	_ = 	snop  }
0x7: {  	_ = 	snop  }
__scs_overlays_trampoline_lowered:
0x8: {  	[smem:$0x3FA2] =	sst s0  }
0x9: {  	[smem:$0x3FA3] =	sst s1  }
0xa: {  	[smem:$0x3FA4] =	sst s2  }
0xb: {  	[smem:$0x3FA5] =	sst s3  }
0xc: {  	[smem:$0x3FA6] =	sst s4  }
0xd: {  	[smem:$0x3FA7] =	sst s5  }
0xe: {  	[smem:$0x3FA8] =	sst s6  }
0xf: {  	[smem:$0x3FA9] =	sst s7  }
0x10: {  	[smem:$0x3FAA] =	sst s8  }
0x11: {  	[smem:$0x3FAB] =	sst s9;
	s0 =	simm.s32 @!p0 $0x0  }
0x12: {  	s1 =	sld [smem:$0x3F91];
	s0 =	simm.s32 @p0 $0x1  }
0x13: {  	[smem:$0x3FAC] =	sst s0;
	s0 =	simm.s32 @!p1 $0x0  }
0x14: {  	s2 =	sld [smem:$0x3F90];
	s0 =	simm.s32 @p1 $0x1  }
0x15: {  	[smem:$0x3FAD] =	sst s0;
	s0 =	simm.s32 @!p2 $0x0  }
0x16: {  	s3 =	sld [smem:$0x3FDB];
	s0 =	simm.s32 @p2 $0x1  }
0x17: {  	s4 =	simm.s32 $0x1BF5;
	[smem:$0x3FAF] =	sst s0  }
0x18: {  	s0 =	sld [smem:$0x3F92];
	_ =	swait.ge [sflag:s4], $0x0  }
0x19: {  	s7 =	sld [smem:$0x3F93]  }
0x1a: {  	s8 =	sadd.s32 $0xFFFFE003, lr  }
0x1b: {  	s9 =	sadd.s32 $0xFFFFFEF7, lr;
	s5 =	simm.s32 $0xFFFFFFFF;
	p2 =	slt.u32 s8, $0xFFFFF086  }
0x1c: {  	p1 =	slt.u32 s9, $0xF7A;
	s5 =	simm.s32 @!p2 $0x0  }
0x1d: {  	s5 =	simm.s32 @p1 $0x1;
	p0 =	seq.s32 s7, s2  }
0x1e: {  	s7 =	smul.u32 @!p0 $0xF7A, s2;
	p2 =	seq.s32 @!p0 s5, $0x0  }
0x1f: {  	s9 =	smul.u32 $0xF7A, s1;
	s8 =	simm.s32 @!p0 $0x1BF5;
	p2 =	por !p2, p0  }
0x20: {  	[sflag:s8] =	ssyncset.s32 @!p0 $0xFFFFF086;
	s6 =	sadd.s32 @!p0 s3, s7;
	s7 =	simm.s32 @!p0 $0x108  }
0x21: {  	s3 =	sadd.s32 s3, s9;
	s6 =	sadd.s32 @!p0 $0x88, s6;
	s7 =	simm.s32 @p2 $0x1082  }
0x22: {  	[simem:s7], [sflag:s8] =	dma.local @!p0 [hbm:s6], $0xF7A  }
0x23: {  	s9 =	sor.u32 $0xD0000000, s2;
	s6 =	simm.s32 $0x108;
	_ =	swait.ge @!p0 [sflag:s8], $0x0  }
0x24: {  	s3 =	sadd.s32 $0x88, s3;
	s6 =	simm.s32 @!p1 $0x1082;
	[sflag:s4] =	ssyncset.s32 $0xFFFFF086  }
0x25: {  	[simem:s6], [sflag:s4] =	dma.local [hbm:s3], $0xF7A  }
0x26: {  	[smem:$0x3F93] =	sst s1;
	(tag) =	ssettag s2;
	_ =	strace s9  }
0x27: {  	s1 =	sld [smem:$0x3FA3]  }
0x28: {  	s2 =	sld [smem:$0x3FA4]  }
0x29: {  	s4 =	sld [smem:$0x3FA6]  }
0x2a: {  	p0 =	seq.s32 s5, $0x0;
	s5 =	sld [smem:$0x3FA7]  }
0x2b: {  	s6 =	sld [smem:$0x3FA8]  }
0x2c: {  	s7 =	sld [smem:$0x3FA9]  }
0x2d: {  	s3 =	simm.s32 $0x108;
	s8 =	sld [smem:$0x3FAA]  }
0x2e: {  	s3 =	simm.s32 @!p0 $0x1082;
	s9 =	sld [smem:$0x3FAB]  }
0x2f: {  	lr =	sadd.s32 s0, s3;
	s0 =	sld [smem:$0x3FA2]  }
0x30: {  	s3 =	sld [smem:$0x3FA5]  }
0x31: {  	[smem:$0x3FAE] =	sst s10  }
0x32: {  	s10 =	sld [smem:$0x3FAC];
	_ =	sdelay $0x3  }
0x33: {  	p0 =	seq.s32 s10, $0x1;
	s10 =	sld [smem:$0x3FAE];
	_ =	sdelay $0x3  }
0x34: {  	[smem:$0x3FAE] =	sst s10  }
0x35: {  	s10 =	sld [smem:$0x3FAD];
	_ =	sdelay $0x3  }
0x36: {  	p1 =	seq.s32 s10, $0x1;
	s10 =	sld [smem:$0x3FAE];
	_ =	sdelay $0x3  }
0x37: {  	[smem:$0x3FAE] =	sst s10  }
0x38: {  	s10 =	sld [smem:$0x3FAF]  }
0x39: {  	_ = 	snop;
	(pc) =	sbr.ind lr, $3  }
0x3a: {  	_ = 	snop  }
0x3b: {  	_ = 	snop  }
0x3c: {  	p2 =	seq.s32 s10, $0x1;
	s10 =	sld [smem:$0x3FAE]  }
0x3d: {  	_ =	shalt  }
0x3e: {  	_ =	shalt  }
0x3f: {  	_ =	shalt  }
0x40: {  	_ =	shalt  }
0x41: {  	_ =	shalt  }
0x42: {  	_ =	shalt  }
0x43: {  	_ =	shalt  }
0x44: {  	_ =	shalt  }
0x45: {  	_ =	shalt  }
0x46: {  	_ =	shalt  }
0x47: {  	_ =	shalt  }
0x48: {  	_ =	shalt  }
0x49: {  	_ =	shalt  }
0x4a: {  	_ =	shalt  }
0x4b: {  	_ =	shalt  }
0x4c: {  	_ =	shalt  }
0x4d: {  	_ =	shalt  }
0x4e: {  	_ =	shalt  }
0x4f: {  	_ =	shalt  }
0x50: {  	_ =	shalt  }
0x51: {  	_ =	shalt  }
0x52: {  	_ =	shalt  }
0x53: {  	_ =	shalt  }
0x54: {  	_ =	shalt  }
0x55: {  	_ =	shalt  }
0x56: {  	_ =	shalt  }
0x57: {  	_ =	shalt  }
0x58: {  	_ =	shalt  }
0x59: {  	_ =	shalt  }
0x5a: {  	_ =	shalt  }
0x5b: {  	_ =	shalt  }
0x5c: {  	_ =	shalt  }
0x5d: {  	_ =	shalt  }
0x5e: {  	_ =	shalt  }
0x5f: {  	_ =	shalt  }
0x60: {  	_ =	shalt  }
0x61: {  	_ =	shalt  }
0x62: {  	_ =	shalt  }
0x63: {  	_ =	shalt  }
0x64: {  	_ =	shalt  }
0x65: {  	_ =	shalt  }
0x66: {  	_ =	shalt  }
0x67: {  	_ =	shalt  }
0x68: {  	_ =	shalt  }
0x69: {  	_ =	shalt  }
0x6a: {  	_ =	shalt  }
0x6b: {  	_ =	shalt  }
0x6c: {  	_ =	shalt  }
0x6d: {  	_ =	shalt  }
0x6e: {  	_ =	shalt  }
0x6f: {  	_ =	shalt  }
0x70: {  	_ =	shalt  }
0x71: {  	_ =	shalt  }
0x72: {  	_ =	shalt  }
0x73: {  	_ =	shalt  }
0x74: {  	_ =	shalt  }
0x75: {  	_ =	shalt  }
0x76: {  	_ =	shalt  }
0x77: {  	_ =	shalt  }
0x78: {  	_ =	shalt  }
0x79: {  	_ =	shalt  }
0x7a: {  	_ =	shalt  }
0x7b: {  	_ =	shalt  }
0x7c: {  	_ =	shalt  }
0x7d: {  	_ =	shalt  }
0x7e: {  	_ =	shalt  }
0x7f: {  	_ =	shalt  }
0x80: {  	_ =	shalt  }
0x81: {  	_ =	shalt  }
0x82: {  	_ =	shalt  }
0x83: {  	_ =	shalt  }
0x84: {  	_ =	shalt  }
0x85: {  	_ =	shalt  }
0x86: {  	_ =	shalt  }
0x87: {  	_ =	shalt  }
.Lfunc_end0:
.L_simem_size_0:
called_computation.2_lowered:
.L_overlay_start_0:
0x88: {  	s2 =	sld [smem:$0x3FD9]  }
0x89: {  	s3 =	sld [smem:$0x3FFE];
	_ =	sdelay $0x1  }
0x8a: {  	s1 =	srdreg.scid  }
0x8b: {  	s0 =	sand.u32 $0x1, s1  }
0x8c: {  	s17 =	sshll.u32 s0, $0xA;
	s2 =	sadd.s32 s3, s2  }
0x8d: {  	s2 =	sadd.s32 s2, s17  }
0x8e: {  	[smem:$0x3FBA] =	sst s2  }
0x8f: {  	_ = 	snop  }
0x90: {  	s2 =	sld [smem:$0x3FD0];
	(tm) =	ssettm $0x1  }
0x91: {  	s18 =	sld [smem:$0x3FFB];
	_ =	sdelay $0x3  }
0x92: {  	_ =	strace s18  }
0x93: {  	s3 =	sld [smem:$0x3FFC];
	_ =	sdelay $0x3  }
0x94: {  	_ =	strace s3  }
0x95: {  	s3 =	sld [smem:$0x3FFD];
	_ =	sdelay $0x3  }
0x96: {  	_ =	strace s3  }
0x97: {  	_ =	strace $0x8FFFFFFF  }
0x98: {  	s19 =	sld [smem:$0x3FDB];
	_ =	sdelay $0x1  }
0x99: {  	s4 =	simm.s32 $_scs_section_size  }
0x9a: {  	s5 =	simm.s32 $_size__tile_overlayer_lowered;
	s6 =	simm.s32 $_tile_overlayer_lowered  }
0x9b: {  	s22 =	simm.s32 $0x1BFF;
	s21 =	sshll.u32 s6, $0x1;
	s3 =	sadd.s32 s4, s19  }
0x9c: {  	s7 =	simm.s32 $0x0;
	s20 =	sshll.u32 s5, $0x1;
	s5 =	sadd.s32 s21, s3  }
0x9d: {  	[timem:s7], [sflag:s22] =	dma.local [hbm:s5], s20  }
0x9e: {  	_ =	swait.ge [sflag:s22], s20  }
0x9f: {  	s4 =	ssub.s32 $0x0, s20;
	[sflag:s22] =	ssyncset.done $0x0  }
0xa0: {  	[sflag:s22] =	ssyncadd.s32 s4;
	_ =	sdelay $0x1  }
0xa1: {  	s23 =	simm.s32 $0x1B8B  }
0xa2: {  	_ =	swait.ge [sflag:s23], $0x1  }
0xa3: {  	[sflag:s23] =	ssyncset.done $0x0  }
0xa4: {  	s25 =	simm.s32 $0x1B8E;
	s24 =	sld [smem:$0x3FFE];
	[sflag:s23] =	ssyncadd.s32 $0xFFFFFFFF  }
0xa5: {  	s26 =	simm.s32 $execute0_lowered;
	[smem:$0x3FD2] =	sst s25  }
0xa6: {  	s5 =	sshll.u32 s26, $0x1;
	_ =	strace $0x8000004C;
	[dreg:$0x1] =	wrdreg $0xFFFFFFFF  }
0xa7: {  	s28 =	simm.s32 $_size_execute0_lowered;
	s3 =	sadd.s32 s3, s5;
	[dreg:$0x0] =	wrdreg $0x0  }
0xa8: {  	s5 =	sshll.u32 s28, $0x1;
	[dreg:$0x2] =	wrdreg s3  }
0xa9: {  	[dreg:$0x3] =	wrdreg s5  }
0xaa: {  	[dreg:$0x4] =	wrdreg $0xC0  }
0xab: {  	_ =	task [dreg:s7], $0x5FFFF  }
0xac: {  	[dreg:$0x1] =	wrdreg $0xFFFFFFFF  }
0xad: {  	[dreg:$0x0] =	wrdreg $0x60  }
0xae: {  	[dreg:$0x2] =	wrdreg s24  }
0xaf: {  	[dreg:$0x3] =	wrdreg s2  }
0xb0: {  	[dreg:$0x4] =	wrdreg $0xB7800  }
0xb1: {  	[dreg:$0x5] =	wrdreg $0x9  }
0xb2: {  	_ =	task.clear_ibuf [dreg:s7], $0x6FFFF;
	_ =	strace $0x9000004C  }
0xb3: {  	s29 =	simm.s32 $0x9;
	_ =	strace $0x8000004E  }
0xb4: {  	_ =	swait.ge [sflag:s29], $0x1  }
0xb5: {  	[sflag:s29] =	ssyncadd.s32 $0xFFFFFFFF  }
0xb6: {  	_ =	strace $0x9000004E  }
0xb7: {  	_ =	sfence  }
0xb8: {  	s30 =	sld [smem:$0x0];
	_ =	sdelay $0x2  }
0xb9: {  	s31 =	sshll.u32 s1, $0xD;
	s1 =	sshrl.u32 s1, $0x2  }
0xba: {  	s3 =	sand.u32 $0x4000, s31;
	s1 =	sadd.s32 s1, s30  }
0xbb: {  	s0 =	sor.u32 s3, s0;
	s1 =	sshll.u32 s1, $0x11  }
0xbc: {  	s0 =	sor.u32 s1, s0  }
0xbd: {  	s0 =	sadd.s32 $0x8F2B, s0  }
0xbe: {  	[sflag:s0] =	ssyncadd.remote.s32 $0x1  }
0xbf: {  	_ =	sfence.sel $0xFFFF  }
0xc0: {  	[dreg:$0x0] =	wrdreg $0xFFFFFFFF;
	(pc) =	sbr.abs _section_cstart, $3  }
0xc1: {  	[dreg:$0x1] =	wrdreg $0xFFFFFFFF  }
0xc2: {  	_ =	task.clear_ibuf [dreg:s7], $0x2FFFF;
	_ =	strace $0x9FFFFFFF  }
0xc3: {  	(tm) =	ssettm $0x7FFFFFFF  }
tec
execute0_lowered:
.L_overlay_start_1:
0x0: {  	(tag) =	ssettag $0x1  }
0x1: {  	s0 =	rddreg [dreg:$0x0]  }
0x2: {  	s2 =	rddreg [dreg:$0x1]  }
0x3: {  	s1 =	rddreg [dreg:$0x2]  }
0x4: {  	s3 =	srdreg.scid;
	s10 =	stileid.u32  }
0x5: {  	s19 =	simm.s32 $0x3;
	s21 =	simm.s32 $0x6780;
	s22 =	simm.s32 $0x50  }
0x6: {  	s23 =	simm.s32 $0x8F80;
	s28 =	simm.s32 $0x26C0;
	s29 =	simm.s32 $0x6500  }
0x7: {  	s30 =	simm.s32 $0x6580;
	s31 =	simm.s32 $0x0;
	s5 =	sand.u32 $0x1, s3  }
0x8: {  	s3 =	simm.s32 $0x0;
	s9 =	smul.u32 $0x14000, s10;
	s24 =	sshll.u32 s10, $0x7  }
0x9: {  	s4 =	sshll.u32 s5, $0x4;
	[smem:$0x7FF] =	sst s3;
	s7 =	smul.u32 $0x140000, s5  }
0xa: {  	s5 =	ssub.s32 $0x2, s5;
	s6 =	sor.u32 s10, s4;
	_ =	strace $0x8000004D  }
0xb: {  	s4 =	sadd.s32 $0x14400, s0;
	s10 =	smul.u32 $0x50000, s10;
	s25 =	sshrl.u32 s5, $0x1  }
0xc: {  	s8 =	sshll.u32 s6, $0xB;
	s6 =	sshrl.u32 s6, $0x3;
	s7 =	sadd.s32 s9, s7  }
0xd: {  	s9 =	sand.u32 $0x380, s24;
	s16 =	ssub.s32 s5, s25;
	s6 =	smul.u32 $0x13C00, s6  }
0xe: {  	s24 =	simm.s32 $0x1;
	s25 =	simm.s32 $0x2;
	s8 =	sadd.s32 s8, s0  }
0xf: {  	s7 =	sshrl.u32 s7, $0x3;
	s26 =	sshrl.u32 s10, $0x2;
	s6 =	sor.u32 s9, s6  }
0x10: {  	s16 =	smax.u32 s16, $0x1;
	s0 =	sadd.s32 s7, s0;
	s6 =	sshrl.u32 s6, $0x3  }
0x11: {  	s7 =	sadd.s32 $0x4400, s8;
	s5 =	sadd.s32 s2, s6;
	s6 =	sadd.s32 s26, s1  }
0x12: {  	s15 =	sadd.s32 $0x3B600, s0;
	s26 =	simm.s32 $0x6480;
	s8 =	sadd.s32 $0x2800, s6  }
0x13: {  	s9 =	sadd.s32 $0x5000, s6;
	s10 =	sadd.s32 $0x7800, s6;
	s11 =	sadd.s32 $0xA000, s6  }
0x14: {  	v0 =	vimm.f32 $0.0e+00;
	s12 =	sadd.s32 $0xC800, s6;
	s13 =	sadd.s32 $0xF000, s6;
	s14 =	sadd.s32 $0x11800, s6  }
.LBB2_1:
0x15: {  	s0 =	simm.s32 $0x80;
	s2 =	simm.s32 $0x400  }
0x16: {  	[tilespmem:s3], [sflag:$0x3] =	stream.strided.gather [hbm4b:s5+s0], $0x2780, s2, s0, $0x38;
	[tilespmem:$0x1F780] =	vst v63  }
0x17: {  	_ =	swait.ge [sflag:s19], $0x2780  }
0x18: {  	[sflag:s19] =	ssyncset.done $0x0  }
0x19: {  	s17 =	simm.s32 $0x2780;
	[sflag:s19] =	ssyncadd.s32 $0xFFFFD880  }
0x1a: {  	[tilespmem:s17], [sflag:$0x3] =	stream.linear.gather [hbm4b:s7+s3], $0x3E80, $0x38;
	[tilespmem:$0x1F780] =	vst v63  }
0x1b: {  	s18 =	sand.u32 $0xFE00, s3;
	s20 =	sand.u32 $0x70, s3;
	_ =	swait.ge [sflag:s19], $0x3E80  }
0x1c: {  	s0 =	simm.s32 $0x40;
	s17 =	sshrl.u32 s18, $0x2;
	[sflag:s19] =	ssyncset.done $0x0  }
0x1d: {  	s2 =	simm.s32 $0x0;
	s17 =	sor.u32 s20, s17;
	[sflag:s19] =	ssyncadd.s32 $0xFFFFC180  }
.LBB2_2:
0x1e: {  	p0 =	sne.s32 s0, $0x9FC0  }
0x1f: {  	[tilespmem:s17+$0x6780] =	vst v0;
	s2 =	sadd.s32 $0x10, s2;
	s17 =	smov.u32 s0;
	s0 =	sadd.s32 $0x40, s0  }
.Ltmp0:
0x20: {  	(pc) =	sbr.rel @p0 .LBB2_2-.Ltmp0, $4  }
0x21: {  	_ = 	snop  }
0x22: {  	s17 =	sand.u32 $0xFE00, s17  }
0x23: {  	s18 =	sand.u32 $0x70, s2;
	s17 =	sshrl.u32 s17, $0x2  }
0x24: {  	s17 =	sor.u32 s18, s17  }
0x25: {  	[tilespmem:s17+$0x6780] =	vst v0  }
0x26: {  	[spmem:s6] =	stream.linear.scatter [tilespmem:s21], [sflag:$0x3], $0x2800, $0x38;
	[tilespmem:$0x1F780] =	vst v63  }
0x27: {  	_ =	swait.ge [sflag:s19], $0x2800  }
0x28: {  	[sflag:s19] =	ssyncset.done $0x0  }
0x29: {  	[sflag:s19] =	ssyncadd.s32 $0xFFFFD800  }
0x2a: {  	[spmem:s8] =	stream.linear.scatter [tilespmem:s21], [sflag:$0x3], $0x2800, $0x38;
	[tilespmem:$0x1F780] =	vst v63  }
0x2b: {  	_ =	swait.ge [sflag:s19], $0x2800  }
0x2c: {  	[sflag:s19] =	ssyncset.done $0x0  }
0x2d: {  	[sflag:s19] =	ssyncadd.s32 $0xFFFFD800  }
0x2e: {  	[spmem:s9] =	stream.linear.scatter [tilespmem:s21], [sflag:$0x3], $0x2800, $0x38;
	[tilespmem:$0x1F780] =	vst v63  }
0x2f: {  	_ =	swait.ge [sflag:s19], $0x2800  }
0x30: {  	[sflag:s19] =	ssyncset.done $0x0  }
0x31: {  	[sflag:s19] =	ssyncadd.s32 $0xFFFFD800  }
0x32: {  	[spmem:s10] =	stream.linear.scatter [tilespmem:s21], [sflag:$0x3], $0x2800, $0x38;
	[tilespmem:$0x1F780] =	vst v63  }
0x33: {  	_ =	swait.ge [sflag:s19], $0x2800  }
0x34: {  	[sflag:s19] =	ssyncset.done $0x0  }
0x35: {  	[sflag:s19] =	ssyncadd.s32 $0xFFFFD800  }
0x36: {  	[spmem:s11] =	stream.linear.scatter [tilespmem:s21], [sflag:$0x3], $0x2800, $0x38;
	[tilespmem:$0x1F780] =	vst v63  }
0x37: {  	_ =	swait.ge [sflag:s19], $0x2800  }
0x38: {  	[sflag:s19] =	ssyncset.done $0x0  }
0x39: {  	[sflag:s19] =	ssyncadd.s32 $0xFFFFD800  }
0x3a: {  	[spmem:s12] =	stream.linear.scatter [tilespmem:s21], [sflag:$0x3], $0x2800, $0x38;
	[tilespmem:$0x1F780] =	vst v63  }
0x3b: {  	_ =	swait.ge [sflag:s19], $0x2800  }
0x3c: {  	[sflag:s19] =	ssyncset.done $0x0  }
0x3d: {  	[sflag:s19] =	ssyncadd.s32 $0xFFFFD800  }
0x3e: {  	[spmem:s13] =	stream.linear.scatter [tilespmem:s21], [sflag:$0x3], $0x2800, $0x38;
	[tilespmem:$0x1F780] =	vst v63  }
0x3f: {  	_ =	swait.ge [sflag:s19], $0x2800  }
0x40: {  	[sflag:s19] =	ssyncset.done $0x0  }
0x41: {  	[sflag:s19] =	ssyncadd.s32 $0xFFFFD800  }
0x42: {  	[spmem:s14] =	stream.linear.scatter [tilespmem:s21], [sflag:$0x3], $0x2800, $0x38;
	[tilespmem:$0x1F780] =	vst v63  }
0x43: {  	_ =	swait.ge [sflag:s19], $0x2800  }
0x44: {  	[sflag:s19] =	ssyncset.done $0x0  }
0x45: {  	[sflag:s19] =	ssyncadd.s32 $0xFFFFD800  }
0x46: {  	s0 =	simm.s32 $0x0;
	[bflag:$0x0] =	sbarrier.arrive $0xFFFF  }
0x47: {  	[tilespmem:s21], [sflag:$0x1] =	stream.indirect.gather [hbm4b:s4+s22], $0x80, s0, s22, $0xb8;
	[tilespmem:$0x1F780] =	vst v63  }
0x48: {  	_ = 	snop  }
0x49: {  	[tilespmem:s23], [sflag:$0x2] =	stream.indirect.gather [hbm4b:s4+s22], $0x80, s22, s22, $0xb8;
	[tilespmem:$0x1F780] =	vst v63  }
0x4a: {  	_ =	swait.ge [sflag:s24], $0x2800  }
0x4b: {  	[sflag:s24] =	ssyncset.done $0x0  }
0x4c: {  	s17 =	simm.s32 $0x2780;
	[sflag:s24] =	ssyncadd.s32 $0xFFFFD800  }
0x4d: {  	[spmem:s1] =	stream.indirect.scatter.add.f32 [tilespmem:s21], [sflag:$0x3], $0x80, s17, s22, $0xb8;
	[tilespmem:$0x1F780] =	vst v63  }
0x4e: {  	_ =	swait.ge [sflag:s19], $0x2800  }
0x4f: {  	[sflag:s19] =	ssyncset.done $0x0  }
0x50: {  	s18 =	simm.s32 $0xA0;
	[sflag:s19] =	ssyncadd.s32 $0xFFFFD800  }
0x51: {  	[tilespmem:s21], [sflag:$0x1] =	stream.indirect.gather [hbm4b:s4+s22], $0x80, s18, s22, $0xb8;
	[tilespmem:$0x1F780] =	vst v63  }
0x52: {  	_ =	swait.ge [sflag:s25], $0x2800  }
0x53: {  	[sflag:s25] =	ssyncset.done $0x0  }
0x54: {  	s20 =	simm.s32 $0x2800;
	[sflag:s25] =	ssyncadd.s32 $0xFFFFD800  }
0x55: {  	[spmem:s1] =	stream.indirect.scatter.add.f32 [tilespmem:s23], [sflag:$0x3], $0x80, s20, s22, $0xb8;
	[tilespmem:$0x1F780] =	vst v63  }
0x56: {  	_ =	swait.ge [sflag:s19], $0x2800  }
0x57: {  	s2 =	simm.s32 $0x400;
	[sflag:s19] =	ssyncset.done $0x0  }
0x58: {  	s0 =	simm.s32 $0xF0;
	s17 =	simm.s32 $0x190;
	[sflag:s19] =	ssyncadd.s32 $0xFFFFD800  }
.LBB2_4:
0x59: {  	[tilespmem:s23], [sflag:$0x2] =	stream.indirect.gather [hbm4b:s4+s22], $0x80, s0, s22, $0xb8;
	[tilespmem:$0x1F780] =	vst v63  }
0x5a: {  	s18 =	smov.u32 s2;
	s0 =	smov.u32 s17  }
0x5b: {  	p0 =	sne.s32 s2, $0xF000;
	s2 =	sadd.s32 $0x400, s2;
	_ =	swait.ge [sflag:s24], $0x2800  }
0x5c: {  	s18 =	sshra.s32 s18, $0x2;
	[sflag:s24] =	ssyncset.done $0x0  }
0x5d: {  	s20 =	sadd.s32 $0x2780, s18;
	[sflag:s24] =	ssyncadd.s32 $0xFFFFD800  }
0x5e: {  	[spmem:s1] =	stream.indirect.scatter.add.f32 [tilespmem:s21], [sflag:$0x3], $0x80, s20, s22, $0xb8;
	[tilespmem:$0x1F780] =	vst v63  }
0x5f: {  	_ =	swait.ge [sflag:s19], $0x2800  }
0x60: {  	[sflag:s19] =	ssyncset.done $0x0  }
0x61: {  	s20 =	sadd.s32 $0xFFFFFFB0, s17;
	[sflag:s19] =	ssyncadd.s32 $0xFFFFD800  }
0x62: {  	[tilespmem:s21], [sflag:$0x1] =	stream.indirect.gather [hbm4b:s4+s22], $0x80, s20, s22, $0xb8;
	[tilespmem:$0x1F780] =	vst v63  }
0x63: {  	_ =	swait.ge [sflag:s25], $0x2800  }
0x64: {  	[sflag:s25] =	ssyncset.done $0x0  }
.Ltmp1:
0x65: {  	s18 =	sadd.s32 $0x2800, s18;
	[sflag:s25] =	ssyncadd.s32 $0xFFFFD800;
	(pc) =	sbr.rel @p0 .LBB2_4-.Ltmp1, $4  }
0x66: {  	[spmem:s1] =	stream.indirect.scatter.add.f32 [tilespmem:s23], [sflag:$0x3], $0x80, s18, s22, $0xb8;
	[tilespmem:$0x1F780] =	vst v63  }
0x67: {  	_ =	swait.ge [sflag:s19], $0x2800  }
0x68: {  	[sflag:s19] =	ssyncset.done $0x0  }
0x69: {  	s17 =	sadd.s32 $0xA0, s17;
	[sflag:s19] =	ssyncadd.s32 $0xFFFFD800  }
0x6a: {  	[tilespmem:s23], [sflag:$0x2] =	stream.indirect.gather [hbm4b:s4+s22], $0x80, s0, s22, $0xb8;
	[tilespmem:$0x1F780] =	vst v63  }
0x6b: {  	_ =	swait.ge [sflag:s24], $0x2800  }
0x6c: {  	[sflag:s24] =	ssyncset.done $0x0  }
0x6d: {  	[sflag:s24] =	ssyncadd.s32 $0xFFFFD800  }
0x6e: {  	[spmem:s1] =	stream.indirect.scatter.add.f32 [tilespmem:s21], [sflag:$0x3], $0x80, s26, s22, $0xb8;
	[tilespmem:$0x1F780] =	vst v63  }
0x6f: {  	_ =	swait.ge [sflag:s19], $0x2800  }
0x70: {  	[sflag:s19] =	ssyncset.done $0x0  }
0x71: {  	[sflag:s19] =	ssyncadd.s32 $0xFFFFD800  }
0x72: {  	[tilespmem:s21], [sflag:$0x1] =	stream.indirect.gather [hbm4b:s4+s22], $0x80, s28, s22, $0xb8;
	[tilespmem:$0x1F780] =	vst v63  }
0x73: {  	_ =	swait.ge [sflag:s25], $0x2800  }
0x74: {  	[sflag:s25] =	ssyncset.done $0x0  }
0x75: {  	[sflag:s25] =	ssyncadd.s32 $0xFFFFD800  }
0x76: {  	[spmem:s1] =	stream.indirect.scatter.add.f32 [tilespmem:s23], [sflag:$0x3], $0x80, s29, s22, $0xb8;
	[tilespmem:$0x1F780] =	vst v63  }
0x77: {  	_ =	swait.ge [sflag:s19], $0x2800  }
0x78: {  	[sflag:s19] =	ssyncset.done $0x0  }
0x79: {  	[sflag:s19] =	ssyncadd.s32 $0xFFFFD800  }
0x7a: {  	_ =	swait.ge [sflag:s24], $0x2800  }
0x7b: {  	[sflag:s24] =	ssyncset.done $0x0  }
0x7c: {  	[sflag:s24] =	ssyncadd.s32 $0xFFFFD800  }
0x7d: {  	[spmem:s1] =	stream.indirect.scatter.add.f32 [tilespmem:s21], [sflag:$0x3], $0x80, s30, s22, $0xb8;
	[tilespmem:$0x1F780] =	vst v63  }
0x7e: {  	s20 =	stileid.u32;
	_ =	swait.ge [sflag:s19], $0x2800  }
0x7f: {  	s2 =	sshrl.u32 s6, $0x3;
	s31 =	sadd.s32 $0x1, s31;
	[sflag:s19] =	ssyncset.done $0x0  }
0x80: {  	s0 =	sshll.u32 s20, $0x6;
	p0 =	sne.s32 s31, s16;
	[sflag:s19] =	ssyncadd.s32 $0xFFFFD800  }
.Ltmp2:
0x81: {  	s0 =	sor.u32 $0x1C03, s0;
	[bflag:$0x0] =	sbarrier.arrive $0xFFFF;
	(pc) =	sbr.rel @p0 .LBB2_1-.Ltmp2, $4  }
0x82: {  	[hbm:s15], [sflag:s0] =	dma.local [spmem:s2], $0x2800  }
0x83: {  	_ =	swait.ge [sflag:s19], $0x2800  }
0x84: {  	[sflag:s19] =	ssyncset.done $0x0  }
0x85: {  	[sflag:s19] =	ssyncadd.s32 $0xFFFFD800  }
0x86: {  	_ =	sfence.sel $0x180000  }
0x87: {  	[bflag:$0x0] =	sbarrier.arrive $0xFFFF  }
0x88: {  	_ =	strace $0x9000004D  }
0x89: {  	s0 =	stileid.u32;
	[bflag:$0x2] =	sbarrier.arrive $0xFFFF  }
0x8a: {  	p0 =	sne.s32 s0, $0x0;
	s0 =	rddreg [dreg:$0x3]  }
0x8b: {  	s0 =	sadd.s32 @!p0 $0x100000, s0  }
0x8c: {  	[sflag:s0] =	ssyncadd.tile.s32 @!p0 $0x1;
	_ =	shalt  }
.Lfunc_end2:
_tile_overlayer_lowered:
.L_overlay_start_2:
0x8d: {  	(tag) =	ssettag $0x2  }
0x8e: {  	s0 =	rddreg [dreg:$0x0];
	s2 =	stileid.u32  }
0x8f: {  	s1 =	rddreg [dreg:$0x1];
	p0 =	sne.s32 s2, $0x0  }
0x90: {  	s3 =	rddreg [dreg:$0x2];
	[bflag:$0x3] =	sbarrier.arrive $0xFFFF;
	s2 =	simm.s32 @!p0 $0x1C03  }
0x91: {  	[timem:s3], [sflag:s2] =	dma.local @!p0 [hbm:s0], s1  }
0x92: {  	s0 =	simm.s32 @!p0 $0x3  }
0x93: {  	_ =	swait.ge @!p0 [sflag:s0], s1  }
0x94: {  	s1 =	ssub.s32 @!p0 $0x0, s1;
	[sflag:s0] =	ssyncset.done @!p0 $0x0  }
0x95: {  	[sflag:s0] =	ssyncadd.s32 @!p0 s1  }
0x96: {  	[bflag:$0x3] =	sbarrier.arrive $0xFFFF  }
0x97: {  	_ =	shalt  }

// kernel: kernel.22.cloned.1.call-start
scs
__scs_entry_jumppad:
0x0: {  	(pc) =	sbr.rel $0x88, $3  }
0x1: {  	(tag) =	ssettag $0x0;
	lr =	simm.s32 $0x1  }
0x2: {  	[smem:$0x3F93] =	sst lr;
	_ =	strace $0xD0000000  }
0x3: {  	_ = 	snop  }
0x4: {  	_ = 	snop  }
0x5: {  	_ = 	snop  }
0x6: {  	_ = 	snop  }
0x7: {  	_ = 	snop  }
__scs_overlays_trampoline_lowered:
0x8: {  	[smem:$0x3FA2] =	sst s0  }
0x9: {  	[smem:$0x3FA3] =	sst s1  }
0xa: {  	[smem:$0x3FA4] =	sst s2  }
0xb: {  	[smem:$0x3FA5] =	sst s3  }
0xc: {  	[smem:$0x3FA6] =	sst s4  }
0xd: {  	[smem:$0x3FA7] =	sst s5  }
0xe: {  	[smem:$0x3FA8] =	sst s6  }
0xf: {  	[smem:$0x3FA9] =	sst s7  }
0x10: {  	[smem:$0x3FAA] =	sst s8  }
0x11: {  	[smem:$0x3FAB] =	sst s9;
	s0 =	simm.s32 @!p0 $0x0  }
0x12: {  	s1 =	sld [smem:$0x3F91];
	s0 =	simm.s32 @p0 $0x1  }
0x13: {  	[smem:$0x3FAC] =	sst s0;
	s0 =	simm.s32 @!p1 $0x0  }
0x14: {  	s2 =	sld [smem:$0x3F90];
	s0 =	simm.s32 @p1 $0x1  }
0x15: {  	[smem:$0x3FAD] =	sst s0;
	s0 =	simm.s32 @!p2 $0x0  }
0x16: {  	s3 =	sld [smem:$0x3FDB];
	s0 =	simm.s32 @p2 $0x1  }
0x17: {  	s4 =	simm.s32 $0x1BF5;
	[smem:$0x3FAF] =	sst s0  }
0x18: {  	s0 =	sld [smem:$0x3F92];
	_ =	swait.ge [sflag:s4], $0x0  }
0x19: {  	s7 =	sld [smem:$0x3F93]  }
0x1a: {  	s8 =	sadd.s32 $0xFFFFE003, lr  }
0x1b: {  	s9 =	sadd.s32 $0xFFFFFEF7, lr;
	s5 =	simm.s32 $0xFFFFFFFF;
	p2 =	slt.u32 s8, $0xFFFFF086  }
0x1c: {  	p1 =	slt.u32 s9, $0xF7A;
	s5 =	simm.s32 @!p2 $0x0  }
0x1d: {  	s5 =	simm.s32 @p1 $0x1;
	p0 =	seq.s32 s7, s2  }
0x1e: {  	s7 =	smul.u32 @!p0 $0xF7A, s2;
	p2 =	seq.s32 @!p0 s5, $0x0  }
0x1f: {  	s9 =	smul.u32 $0xF7A, s1;
	s8 =	simm.s32 @!p0 $0x1BF5;
	p2 =	por !p2, p0  }
0x20: {  	[sflag:s8] =	ssyncset.s32 @!p0 $0xFFFFF086;
	s6 =	sadd.s32 @!p0 s3, s7;
	s7 =	simm.s32 @!p0 $0x108  }
0x21: {  	s3 =	sadd.s32 s3, s9;
	s6 =	sadd.s32 @!p0 $0x88, s6;
	s7 =	simm.s32 @p2 $0x1082  }
0x22: {  	[simem:s7], [sflag:s8] =	dma.local @!p0 [hbm:s6], $0xF7A  }
0x23: {  	s9 =	sor.u32 $0xD0000000, s2;
	s6 =	simm.s32 $0x108;
	_ =	swait.ge @!p0 [sflag:s8], $0x0  }
0x24: {  	s3 =	sadd.s32 $0x88, s3;
	s6 =	simm.s32 @!p1 $0x1082;
	[sflag:s4] =	ssyncset.s32 $0xFFFFF086  }
0x25: {  	[simem:s6], [sflag:s4] =	dma.local [hbm:s3], $0xF7A  }
0x26: {  	[smem:$0x3F93] =	sst s1;
	(tag) =	ssettag s2;
	_ =	strace s9  }
0x27: {  	s1 =	sld [smem:$0x3FA3]  }
0x28: {  	s2 =	sld [smem:$0x3FA4]  }
0x29: {  	s4 =	sld [smem:$0x3FA6]  }
0x2a: {  	p0 =	seq.s32 s5, $0x0;
	s5 =	sld [smem:$0x3FA7]  }
0x2b: {  	s6 =	sld [smem:$0x3FA8]  }
0x2c: {  	s7 =	sld [smem:$0x3FA9]  }
0x2d: {  	s3 =	simm.s32 $0x108;
	s8 =	sld [smem:$0x3FAA]  }
0x2e: {  	s3 =	simm.s32 @!p0 $0x1082;
	s9 =	sld [smem:$0x3FAB]  }
0x2f: {  	lr =	sadd.s32 s0, s3;
	s0 =	sld [smem:$0x3FA2]  }
0x30: {  	s3 =	sld [smem:$0x3FA5]  }
0x31: {  	[smem:$0x3FAE] =	sst s10  }
0x32: {  	s10 =	sld [smem:$0x3FAC];
	_ =	sdelay $0x3  }
0x33: {  	p0 =	seq.s32 s10, $0x1;
	s10 =	sld [smem:$0x3FAE];
	_ =	sdelay $0x3  }
0x34: {  	[smem:$0x3FAE] =	sst s10  }
0x35: {  	s10 =	sld [smem:$0x3FAD];
	_ =	sdelay $0x3  }
0x36: {  	p1 =	seq.s32 s10, $0x1;
	s10 =	sld [smem:$0x3FAE];
	_ =	sdelay $0x3  }
0x37: {  	[smem:$0x3FAE] =	sst s10  }
0x38: {  	s10 =	sld [smem:$0x3FAF]  }
0x39: {  	_ = 	snop;
	(pc) =	sbr.ind lr, $3  }
0x3a: {  	_ = 	snop  }
0x3b: {  	_ = 	snop  }
0x3c: {  	p2 =	seq.s32 s10, $0x1;
	s10 =	sld [smem:$0x3FAE]  }
0x3d: {  	_ =	shalt  }
0x3e: {  	_ =	shalt  }
0x3f: {  	_ =	shalt  }
0x40: {  	_ =	shalt  }
0x41: {  	_ =	shalt  }
0x42: {  	_ =	shalt  }
0x43: {  	_ =	shalt  }
0x44: {  	_ =	shalt  }
0x45: {  	_ =	shalt  }
0x46: {  	_ =	shalt  }
0x47: {  	_ =	shalt  }
0x48: {  	_ =	shalt  }
0x49: {  	_ =	shalt  }
0x4a: {  	_ =	shalt  }
0x4b: {  	_ =	shalt  }
0x4c: {  	_ =	shalt  }
0x4d: {  	_ =	shalt  }
0x4e: {  	_ =	shalt  }
0x4f: {  	_ =	shalt  }
0x50: {  	_ =	shalt  }
0x51: {  	_ =	shalt  }
0x52: {  	_ =	shalt  }
0x53: {  	_ =	shalt  }
0x54: {  	_ =	shalt  }
0x55: {  	_ =	shalt  }
0x56: {  	_ =	shalt  }
0x57: {  	_ =	shalt  }
0x58: {  	_ =	shalt  }
0x59: {  	_ =	shalt  }
0x5a: {  	_ =	shalt  }
0x5b: {  	_ =	shalt  }
0x5c: {  	_ =	shalt  }
0x5d: {  	_ =	shalt  }
0x5e: {  	_ =	shalt  }
0x5f: {  	_ =	shalt  }
0x60: {  	_ =	shalt  }
0x61: {  	_ =	shalt  }
0x62: {  	_ =	shalt  }
0x63: {  	_ =	shalt  }
0x64: {  	_ =	shalt  }
0x65: {  	_ =	shalt  }
0x66: {  	_ =	shalt  }
0x67: {  	_ =	shalt  }
0x68: {  	_ =	shalt  }
0x69: {  	_ =	shalt  }
0x6a: {  	_ =	shalt  }
0x6b: {  	_ =	shalt  }
0x6c: {  	_ =	shalt  }
0x6d: {  	_ =	shalt  }
0x6e: {  	_ =	shalt  }
0x6f: {  	_ =	shalt  }
0x70: {  	_ =	shalt  }
0x71: {  	_ =	shalt  }
0x72: {  	_ =	shalt  }
0x73: {  	_ =	shalt  }
0x74: {  	_ =	shalt  }
0x75: {  	_ =	shalt  }
0x76: {  	_ =	shalt  }
0x77: {  	_ =	shalt  }
0x78: {  	_ =	shalt  }
0x79: {  	_ =	shalt  }
0x7a: {  	_ =	shalt  }
0x7b: {  	_ =	shalt  }
0x7c: {  	_ =	shalt  }
0x7d: {  	_ =	shalt  }
0x7e: {  	_ =	shalt  }
0x7f: {  	_ =	shalt  }
0x80: {  	_ =	shalt  }
0x81: {  	_ =	shalt  }
0x82: {  	_ =	shalt  }
0x83: {  	_ =	shalt  }
0x84: {  	_ =	shalt  }
0x85: {  	_ =	shalt  }
0x86: {  	_ =	shalt  }
0x87: {  	_ =	shalt  }
.Lfunc_end0:
.L_simem_size_0:
called_computation.3_lowered:
.L_overlay_start_0:
0x88: {  	s2 =	sld [smem:$0x3FD9]  }
0x89: {  	s3 =	sld [smem:$0x3FFE];
	_ =	sdelay $0x1  }
0x8a: {  	s1 =	srdreg.scid  }
0x8b: {  	s0 =	sand.u32 $0x1, s1  }
0x8c: {  	s17 =	sshll.u32 s0, $0xA;
	s2 =	sadd.s32 s3, s2  }
0x8d: {  	s2 =	sadd.s32 s2, s17  }
0x8e: {  	[smem:$0x3FBA] =	sst s2  }
0x8f: {  	_ = 	snop  }
0x90: {  	s2 =	sld [smem:$0x3FD0];
	(tm) =	ssettm $0x1  }
0x91: {  	s18 =	sld [smem:$0x3FFB];
	_ =	sdelay $0x3  }
0x92: {  	_ =	strace s18  }
0x93: {  	s3 =	sld [smem:$0x3FFC];
	_ =	sdelay $0x3  }
0x94: {  	_ =	strace s3  }
0x95: {  	s3 =	sld [smem:$0x3FFD];
	_ =	sdelay $0x3  }
0x96: {  	_ =	strace s3  }
0x97: {  	_ =	strace $0x8FFFFFFF  }
0x98: {  	s19 =	sld [smem:$0x3FDB];
	_ =	sdelay $0x1  }
0x99: {  	s4 =	simm.s32 $_scs_section_size  }
0x9a: {  	s5 =	simm.s32 $_size__tile_overlayer_lowered;
	s6 =	simm.s32 $_tile_overlayer_lowered  }
0x9b: {  	s22 =	simm.s32 $0x1BFF;
	s21 =	sshll.u32 s6, $0x1;
	s3 =	sadd.s32 s4, s19  }
0x9c: {  	s7 =	simm.s32 $0x0;
	s20 =	sshll.u32 s5, $0x1;
	s5 =	sadd.s32 s21, s3  }
0x9d: {  	[timem:s7], [sflag:s22] =	dma.local [hbm:s5], s20  }
0x9e: {  	_ =	swait.ge [sflag:s22], s20  }
0x9f: {  	s4 =	ssub.s32 $0x0, s20;
	[sflag:s22] =	ssyncset.done $0x0  }
0xa0: {  	[sflag:s22] =	ssyncadd.s32 s4;
	_ =	sdelay $0x1  }
0xa1: {  	s23 =	simm.s32 $0x1B8B  }
0xa2: {  	_ =	swait.ge [sflag:s23], $0x1  }
0xa3: {  	[sflag:s23] =	ssyncset.done $0x0  }
0xa4: {  	s25 =	simm.s32 $0x1B8E;
	s24 =	sld [smem:$0x3FFE];
	[sflag:s23] =	ssyncadd.s32 $0xFFFFFFFF  }
0xa5: {  	s26 =	simm.s32 $execute0_lowered;
	[smem:$0x3FD2] =	sst s25  }
0xa6: {  	s5 =	sshll.u32 s26, $0x1;
	_ =	strace $0x8000004F;
	[dreg:$0x1] =	wrdreg $0xFFFFFFFF  }
0xa7: {  	s28 =	simm.s32 $_size_execute0_lowered;
	s3 =	sadd.s32 s3, s5;
	[dreg:$0x0] =	wrdreg $0x0  }
0xa8: {  	s5 =	sshll.u32 s28, $0x1;
	[dreg:$0x2] =	wrdreg s3  }
0xa9: {  	[dreg:$0x3] =	wrdreg s5  }
0xaa: {  	[dreg:$0x4] =	wrdreg $0xC0  }
0xab: {  	_ =	task [dreg:s7], $0x5FFFF  }
0xac: {  	[dreg:$0x1] =	wrdreg $0xFFFFFFFF  }
0xad: {  	[dreg:$0x0] =	wrdreg $0x60  }
0xae: {  	[dreg:$0x2] =	wrdreg s24  }
0xaf: {  	[dreg:$0x3] =	wrdreg s2  }
0xb0: {  	[dreg:$0x4] =	wrdreg $0xB7800  }
0xb1: {  	[dreg:$0x5] =	wrdreg $0x9  }
0xb2: {  	_ =	task.clear_ibuf [dreg:s7], $0x6FFFF;
	_ =	strace $0x9000004F  }
0xb3: {  	s29 =	simm.s32 $0x9;
	_ =	strace $0x80000051  }
0xb4: {  	_ =	swait.ge [sflag:s29], $0x1  }
0xb5: {  	[sflag:s29] =	ssyncadd.s32 $0xFFFFFFFF  }
0xb6: {  	_ =	strace $0x90000051  }
0xb7: {  	_ =	sfence  }
0xb8: {  	s30 =	sld [smem:$0x0];
	_ =	sdelay $0x2  }
0xb9: {  	s31 =	sshll.u32 s1, $0xD;
	s1 =	sshrl.u32 s1, $0x2  }
0xba: {  	s3 =	sand.u32 $0x4000, s31;
	s1 =	sadd.s32 s1, s30  }
0xbb: {  	s0 =	sor.u32 s3, s0;
	s1 =	sshll.u32 s1, $0x11  }
0xbc: {  	s0 =	sor.u32 s1, s0  }
0xbd: {  	s0 =	sadd.s32 $0x8F2B, s0  }
0xbe: {  	[sflag:s0] =	ssyncadd.remote.s32 $0x1  }
0xbf: {  	_ =	sfence.sel $0xFFFF  }
0xc0: {  	[dreg:$0x0] =	wrdreg $0xFFFFFFFF;
	(pc) =	sbr.abs _section_cstart, $3  }
0xc1: {  	[dreg:$0x1] =	wrdreg $0xFFFFFFFF  }
0xc2: {  	_ =	task.clear_ibuf [dreg:s7], $0x2FFFF;
	_ =	strace $0x9FFFFFFF  }
0xc3: {  	(tm) =	ssettm $0x7FFFFFFF  }
tec
execute0_lowered:
.L_overlay_start_1:
0x0: {  	(tag) =	ssettag $0x1  }
0x1: {  	s0 =	rddreg [dreg:$0x0]  }
0x2: {  	s2 =	rddreg [dreg:$0x1]  }
0x3: {  	s1 =	rddreg [dreg:$0x2]  }
0x4: {  	s3 =	srdreg.scid;
	s10 =	stileid.u32  }
0x5: {  	s19 =	simm.s32 $0x3;
	s21 =	simm.s32 $0x6780;
	s22 =	simm.s32 $0x50  }
0x6: {  	s23 =	simm.s32 $0x8F80;
	s28 =	simm.s32 $0x26C0;
	s29 =	simm.s32 $0x6500  }
0x7: {  	s30 =	simm.s32 $0x6580;
	s31 =	simm.s32 $0x0;
	s5 =	sand.u32 $0x1, s3  }
0x8: {  	s3 =	simm.s32 $0x0;
	s9 =	smul.u32 $0x14000, s10;
	s24 =	sshll.u32 s10, $0x7  }
0x9: {  	s4 =	sshll.u32 s5, $0x4;
	[smem:$0x7FF] =	sst s3;
	s7 =	smul.u32 $0x140000, s5  }
0xa: {  	s5 =	ssub.s32 $0x2, s5;
	s6 =	sor.u32 s10, s4;
	_ =	strace $0x80000050  }
0xb: {  	s4 =	sadd.s32 $0x14400, s0;
	s10 =	smul.u32 $0x50000, s10;
	s25 =	sshrl.u32 s5, $0x1  }
0xc: {  	s8 =	sshll.u32 s6, $0xB;
	s6 =	sshrl.u32 s6, $0x3;
	s7 =	sadd.s32 s9, s7  }
0xd: {  	s9 =	sand.u32 $0x380, s24;
	s16 =	ssub.s32 s5, s25;
	s6 =	smul.u32 $0x13C00, s6  }
0xe: {  	s24 =	simm.s32 $0x1;
	s25 =	simm.s32 $0x2;
	s8 =	sadd.s32 s8, s0  }
0xf: {  	s7 =	sshrl.u32 s7, $0x3;
	s26 =	sshrl.u32 s10, $0x2;
	s6 =	sor.u32 s9, s6  }
0x10: {  	s16 =	smax.u32 s16, $0x1;
	s0 =	sadd.s32 s7, s0;
	s6 =	sshrl.u32 s6, $0x3  }
0x11: {  	s7 =	sadd.s32 $0x4400, s8;
	s5 =	sadd.s32 s2, s6;
	s6 =	sadd.s32 s26, s1  }
0x12: {  	s15 =	sadd.s32 $0x3B600, s0;
	s26 =	simm.s32 $0x6480;
	s8 =	sadd.s32 $0x2800, s6  }
0x13: {  	s9 =	sadd.s32 $0x5000, s6;
	s10 =	sadd.s32 $0x7800, s6;
	s11 =	sadd.s32 $0xA000, s6  }
0x14: {  	v0 =	vimm.f32 $0.0e+00;
	s12 =	sadd.s32 $0xC800, s6;
	s13 =	sadd.s32 $0xF000, s6;
	s14 =	sadd.s32 $0x11800, s6  }
.LBB2_1:
0x15: {  	s0 =	simm.s32 $0x80;
	s2 =	simm.s32 $0x400  }
0x16: {  	[tilespmem:s3], [sflag:$0x3] =	stream.strided.gather [hbm4b:s5+s0], $0x2780, s2, s0, $0x38;
	[tilespmem:$0x1F780] =	vst v63  }
0x17: {  	_ =	swait.ge [sflag:s19], $0x2780  }
0x18: {  	[sflag:s19] =	ssyncset.done $0x0  }
0x19: {  	s17 =	simm.s32 $0x2780;
	[sflag:s19] =	ssyncadd.s32 $0xFFFFD880  }
0x1a: {  	[tilespmem:s17], [sflag:$0x3] =	stream.linear.gather [hbm4b:s7+s3], $0x3E80, $0x38;
	[tilespmem:$0x1F780] =	vst v63  }
0x1b: {  	s18 =	sand.u32 $0xFE00, s3;
	s20 =	sand.u32 $0x70, s3;
	_ =	swait.ge [sflag:s19], $0x3E80  }
0x1c: {  	s0 =	simm.s32 $0x40;
	s17 =	sshrl.u32 s18, $0x2;
	[sflag:s19] =	ssyncset.done $0x0  }
0x1d: {  	s2 =	simm.s32 $0x0;
	s17 =	sor.u32 s20, s17;
	[sflag:s19] =	ssyncadd.s32 $0xFFFFC180  }
.LBB2_2:
0x1e: {  	p0 =	sne.s32 s0, $0x9FC0  }
0x1f: {  	[tilespmem:s17+$0x6780] =	vst v0;
	s2 =	sadd.s32 $0x10, s2;
	s17 =	smov.u32 s0;
	s0 =	sadd.s32 $0x40, s0  }
.Ltmp0:
0x20: {  	(pc) =	sbr.rel @p0 .LBB2_2-.Ltmp0, $4  }
0x21: {  	_ = 	snop  }
0x22: {  	s17 =	sand.u32 $0xFE00, s17  }
0x23: {  	s18 =	sand.u32 $0x70, s2;
	s17 =	sshrl.u32 s17, $0x2  }
0x24: {  	s17 =	sor.u32 s18, s17  }
0x25: {  	[tilespmem:s17+$0x6780] =	vst v0  }
0x26: {  	[spmem:s6] =	stream.linear.scatter [tilespmem:s21], [sflag:$0x3], $0x2800, $0x38;
	[tilespmem:$0x1F780] =	vst v63  }
0x27: {  	_ =	swait.ge [sflag:s19], $0x2800  }
0x28: {  	[sflag:s19] =	ssyncset.done $0x0  }
0x29: {  	[sflag:s19] =	ssyncadd.s32 $0xFFFFD800  }
0x2a: {  	[spmem:s8] =	stream.linear.scatter [tilespmem:s21], [sflag:$0x3], $0x2800, $0x38;
	[tilespmem:$0x1F780] =	vst v63  }
0x2b: {  	_ =	swait.ge [sflag:s19], $0x2800  }
0x2c: {  	[sflag:s19] =	ssyncset.done $0x0  }
0x2d: {  	[sflag:s19] =	ssyncadd.s32 $0xFFFFD800  }
0x2e: {  	[spmem:s9] =	stream.linear.scatter [tilespmem:s21], [sflag:$0x3], $0x2800, $0x38;
	[tilespmem:$0x1F780] =	vst v63  }
0x2f: {  	_ =	swait.ge [sflag:s19], $0x2800  }
0x30: {  	[sflag:s19] =	ssyncset.done $0x0  }
0x31: {  	[sflag:s19] =	ssyncadd.s32 $0xFFFFD800  }
0x32: {  	[spmem:s10] =	stream.linear.scatter [tilespmem:s21], [sflag:$0x3], $0x2800, $0x38;
	[tilespmem:$0x1F780] =	vst v63  }
0x33: {  	_ =	swait.ge [sflag:s19], $0x2800  }
0x34: {  	[sflag:s19] =	ssyncset.done $0x0  }
0x35: {  	[sflag:s19] =	ssyncadd.s32 $0xFFFFD800  }
0x36: {  	[spmem:s11] =	stream.linear.scatter [tilespmem:s21], [sflag:$0x3], $0x2800, $0x38;
	[tilespmem:$0x1F780] =	vst v63  }
0x37: {  	_ =	swait.ge [sflag:s19], $0x2800  }
0x38: {  	[sflag:s19] =	ssyncset.done $0x0  }
0x39: {  	[sflag:s19] =	ssyncadd.s32 $0xFFFFD800  }
0x3a: {  	[spmem:s12] =	stream.linear.scatter [tilespmem:s21], [sflag:$0x3], $0x2800, $0x38;
	[tilespmem:$0x1F780] =	vst v63  }
0x3b: {  	_ =	swait.ge [sflag:s19], $0x2800  }
0x3c: {  	[sflag:s19] =	ssyncset.done $0x0  }
0x3d: {  	[sflag:s19] =	ssyncadd.s32 $0xFFFFD800  }
0x3e: {  	[spmem:s13] =	stream.linear.scatter [tilespmem:s21], [sflag:$0x3], $0x2800, $0x38;
	[tilespmem:$0x1F780] =	vst v63  }
0x3f: {  	_ =	swait.ge [sflag:s19], $0x2800  }
0x40: {  	[sflag:s19] =	ssyncset.done $0x0  }
0x41: {  	[sflag:s19] =	ssyncadd.s32 $0xFFFFD800  }
0x42: {  	[spmem:s14] =	stream.linear.scatter [tilespmem:s21], [sflag:$0x3], $0x2800, $0x38;
	[tilespmem:$0x1F780] =	vst v63  }
0x43: {  	_ =	swait.ge [sflag:s19], $0x2800  }
0x44: {  	[sflag:s19] =	ssyncset.done $0x0  }
0x45: {  	[sflag:s19] =	ssyncadd.s32 $0xFFFFD800  }
0x46: {  	s0 =	simm.s32 $0x0;
	[bflag:$0x0] =	sbarrier.arrive $0xFFFF  }
0x47: {  	[tilespmem:s21], [sflag:$0x1] =	stream.indirect.gather [hbm4b:s4+s22], $0x80, s0, s22, $0xb8;
	[tilespmem:$0x1F780] =	vst v63  }
0x48: {  	_ = 	snop  }
0x49: {  	[tilespmem:s23], [sflag:$0x2] =	stream.indirect.gather [hbm4b:s4+s22], $0x80, s22, s22, $0xb8;
	[tilespmem:$0x1F780] =	vst v63  }
0x4a: {  	_ =	swait.ge [sflag:s24], $0x2800  }
0x4b: {  	[sflag:s24] =	ssyncset.done $0x0  }
0x4c: {  	s17 =	simm.s32 $0x2780;
	[sflag:s24] =	ssyncadd.s32 $0xFFFFD800  }
0x4d: {  	[spmem:s1] =	stream.indirect.scatter.add.f32 [tilespmem:s21], [sflag:$0x3], $0x80, s17, s22, $0xb8;
	[tilespmem:$0x1F780] =	vst v63  }
0x4e: {  	_ =	swait.ge [sflag:s19], $0x2800  }
0x4f: {  	[sflag:s19] =	ssyncset.done $0x0  }
0x50: {  	s18 =	simm.s32 $0xA0;
	[sflag:s19] =	ssyncadd.s32 $0xFFFFD800  }
0x51: {  	[tilespmem:s21], [sflag:$0x1] =	stream.indirect.gather [hbm4b:s4+s22], $0x80, s18, s22, $0xb8;
	[tilespmem:$0x1F780] =	vst v63  }
0x52: {  	_ =	swait.ge [sflag:s25], $0x2800  }
0x53: {  	[sflag:s25] =	ssyncset.done $0x0  }
0x54: {  	s20 =	simm.s32 $0x2800;
	[sflag:s25] =	ssyncadd.s32 $0xFFFFD800  }
0x55: {  	[spmem:s1] =	stream.indirect.scatter.add.f32 [tilespmem:s23], [sflag:$0x3], $0x80, s20, s22, $0xb8;
	[tilespmem:$0x1F780] =	vst v63  }
0x56: {  	_ =	swait.ge [sflag:s19], $0x2800  }
0x57: {  	s2 =	simm.s32 $0x400;
	[sflag:s19] =	ssyncset.done $0x0  }
0x58: {  	s0 =	simm.s32 $0xF0;
	s17 =	simm.s32 $0x190;
	[sflag:s19] =	ssyncadd.s32 $0xFFFFD800  }
.LBB2_4:
0x59: {  	[tilespmem:s23], [sflag:$0x2] =	stream.indirect.gather [hbm4b:s4+s22], $0x80, s0, s22, $0xb8;
	[tilespmem:$0x1F780] =	vst v63  }
0x5a: {  	s18 =	smov.u32 s2;
	s0 =	smov.u32 s17  }
0x5b: {  	p0 =	sne.s32 s2, $0xF000;
	s2 =	sadd.s32 $0x400, s2;
	_ =	swait.ge [sflag:s24], $0x2800  }
0x5c: {  	s18 =	sshra.s32 s18, $0x2;
	[sflag:s24] =	ssyncset.done $0x0  }
0x5d: {  	s20 =	sadd.s32 $0x2780, s18;
	[sflag:s24] =	ssyncadd.s32 $0xFFFFD800  }
0x5e: {  	[spmem:s1] =	stream.indirect.scatter.add.f32 [tilespmem:s21], [sflag:$0x3], $0x80, s20, s22, $0xb8;
	[tilespmem:$0x1F780] =	vst v63  }
0x5f: {  	_ =	swait.ge [sflag:s19], $0x2800  }
0x60: {  	[sflag:s19] =	ssyncset.done $0x0  }
0x61: {  	s20 =	sadd.s32 $0xFFFFFFB0, s17;
	[sflag:s19] =	ssyncadd.s32 $0xFFFFD800  }
0x62: {  	[tilespmem:s21], [sflag:$0x1] =	stream.indirect.gather [hbm4b:s4+s22], $0x80, s20, s22, $0xb8;
	[tilespmem:$0x1F780] =	vst v63  }
0x63: {  	_ =	swait.ge [sflag:s25], $0x2800  }
0x64: {  	[sflag:s25] =	ssyncset.done $0x0  }
.Ltmp1:
0x65: {  	s18 =	sadd.s32 $0x2800, s18;
	[sflag:s25] =	ssyncadd.s32 $0xFFFFD800;
	(pc) =	sbr.rel @p0 .LBB2_4-.Ltmp1, $4  }
0x66: {  	[spmem:s1] =	stream.indirect.scatter.add.f32 [tilespmem:s23], [sflag:$0x3], $0x80, s18, s22, $0xb8;
	[tilespmem:$0x1F780] =	vst v63  }
0x67: {  	_ =	swait.ge [sflag:s19], $0x2800  }
0x68: {  	[sflag:s19] =	ssyncset.done $0x0  }
0x69: {  	s17 =	sadd.s32 $0xA0, s17;
	[sflag:s19] =	ssyncadd.s32 $0xFFFFD800  }
0x6a: {  	[tilespmem:s23], [sflag:$0x2] =	stream.indirect.gather [hbm4b:s4+s22], $0x80, s0, s22, $0xb8;
	[tilespmem:$0x1F780] =	vst v63  }
0x6b: {  	_ =	swait.ge [sflag:s24], $0x2800  }
0x6c: {  	[sflag:s24] =	ssyncset.done $0x0  }
0x6d: {  	[sflag:s24] =	ssyncadd.s32 $0xFFFFD800  }
0x6e: {  	[spmem:s1] =	stream.indirect.scatter.add.f32 [tilespmem:s21], [sflag:$0x3], $0x80, s26, s22, $0xb8;
	[tilespmem:$0x1F780] =	vst v63  }
0x6f: {  	_ =	swait.ge [sflag:s19], $0x2800  }
0x70: {  	[sflag:s19] =	ssyncset.done $0x0  }
0x71: {  	[sflag:s19] =	ssyncadd.s32 $0xFFFFD800  }
0x72: {  	[tilespmem:s21], [sflag:$0x1] =	stream.indirect.gather [hbm4b:s4+s22], $0x80, s28, s22, $0xb8;
	[tilespmem:$0x1F780] =	vst v63  }
0x73: {  	_ =	swait.ge [sflag:s25], $0x2800  }
0x74: {  	[sflag:s25] =	ssyncset.done $0x0  }
0x75: {  	[sflag:s25] =	ssyncadd.s32 $0xFFFFD800  }
0x76: {  	[spmem:s1] =	stream.indirect.scatter.add.f32 [tilespmem:s23], [sflag:$0x3], $0x80, s29, s22, $0xb8;
	[tilespmem:$0x1F780] =	vst v63  }
0x77: {  	_ =	swait.ge [sflag:s19], $0x2800  }
0x78: {  	[sflag:s19] =	ssyncset.done $0x0  }
0x79: {  	[sflag:s19] =	ssyncadd.s32 $0xFFFFD800  }
0x7a: {  	_ =	swait.ge [sflag:s24], $0x2800  }
0x7b: {  	[sflag:s24] =	ssyncset.done $0x0  }
0x7c: {  	[sflag:s24] =	ssyncadd.s32 $0xFFFFD800  }
0x7d: {  	[spmem:s1] =	stream.indirect.scatter.add.f32 [tilespmem:s21], [sflag:$0x3], $0x80, s30, s22, $0xb8;
	[tilespmem:$0x1F780] =	vst v63  }
0x7e: {  	s20 =	stileid.u32;
	_ =	swait.ge [sflag:s19], $0x2800  }
0x7f: {  	s2 =	sshrl.u32 s6, $0x3;
	s31 =	sadd.s32 $0x1, s31;
	[sflag:s19] =	ssyncset.done $0x0  }
0x80: {  	s0 =	sshll.u32 s20, $0x6;
	p0 =	sne.s32 s31, s16;
	[sflag:s19] =	ssyncadd.s32 $0xFFFFD800  }
.Ltmp2:
0x81: {  	s0 =	sor.u32 $0x1C03, s0;
	[bflag:$0x0] =	sbarrier.arrive $0xFFFF;
	(pc) =	sbr.rel @p0 .LBB2_1-.Ltmp2, $4  }
0x82: {  	[hbm:s15], [sflag:s0] =	dma.local [spmem:s2], $0x2800  }
0x83: {  	_ =	swait.ge [sflag:s19], $0x2800  }
0x84: {  	[sflag:s19] =	ssyncset.done $0x0  }
0x85: {  	[sflag:s19] =	ssyncadd.s32 $0xFFFFD800  }
0x86: {  	_ =	sfence.sel $0x180000  }
0x87: {  	[bflag:$0x0] =	sbarrier.arrive $0xFFFF  }
0x88: {  	_ =	strace $0x90000050  }
0x89: {  	s0 =	stileid.u32;
	[bflag:$0x2] =	sbarrier.arrive $0xFFFF  }
0x8a: {  	p0 =	sne.s32 s0, $0x0;
	s0 =	rddreg [dreg:$0x3]  }
0x8b: {  	s0 =	sadd.s32 @!p0 $0x100000, s0  }
0x8c: {  	[sflag:s0] =	ssyncadd.tile.s32 @!p0 $0x1;
	_ =	shalt  }
.Lfunc_end2:
_tile_overlayer_lowered:
.L_overlay_start_2:
0x8d: {  	(tag) =	ssettag $0x2  }
0x8e: {  	s0 =	rddreg [dreg:$0x0];
	s2 =	stileid.u32  }
0x8f: {  	s1 =	rddreg [dreg:$0x1];
	p0 =	sne.s32 s2, $0x0  }
0x90: {  	s3 =	rddreg [dreg:$0x2];
	[bflag:$0x3] =	sbarrier.arrive $0xFFFF;
	s2 =	simm.s32 @!p0 $0x1C03  }
0x91: {  	[timem:s3], [sflag:s2] =	dma.local @!p0 [hbm:s0], s1  }
0x92: {  	s0 =	simm.s32 @!p0 $0x3  }
0x93: {  	_ =	swait.ge @!p0 [sflag:s0], s1  }
0x94: {  	s1 =	ssub.s32 @!p0 $0x0, s1;
	[sflag:s0] =	ssyncset.done @!p0 $0x0  }
0x95: {  	[sflag:s0] =	ssyncadd.s32 @!p0 s1  }
0x96: {  	[bflag:$0x3] =	sbarrier.arrive $0xFFFF  }
0x97: {  	_ =	shalt  }

// kernel: kernel.25.cloned.1.call-start
scs
__scs_entry_jumppad:
0x0: {  	(pc) =	sbr.rel $0x88, $3  }
0x1: {  	(tag) =	ssettag $0x0;
	lr =	simm.s32 $0x1  }
0x2: {  	[smem:$0x3F93] =	sst lr;
	_ =	strace $0xD0000000  }
0x3: {  	_ = 	snop  }
0x4: {  	_ = 	snop  }
0x5: {  	_ = 	snop  }
0x6: {  	_ = 	snop  }
0x7: {  	_ = 	snop  }
__scs_overlays_trampoline_lowered:
0x8: {  	[smem:$0x3FA2] =	sst s0  }
0x9: {  	[smem:$0x3FA3] =	sst s1  }
0xa: {  	[smem:$0x3FA4] =	sst s2  }
0xb: {  	[smem:$0x3FA5] =	sst s3  }
0xc: {  	[smem:$0x3FA6] =	sst s4  }
0xd: {  	[smem:$0x3FA7] =	sst s5  }
0xe: {  	[smem:$0x3FA8] =	sst s6  }
0xf: {  	[smem:$0x3FA9] =	sst s7  }
0x10: {  	[smem:$0x3FAA] =	sst s8  }
0x11: {  	[smem:$0x3FAB] =	sst s9;
	s0 =	simm.s32 @!p0 $0x0  }
0x12: {  	s1 =	sld [smem:$0x3F91];
	s0 =	simm.s32 @p0 $0x1  }
0x13: {  	[smem:$0x3FAC] =	sst s0;
	s0 =	simm.s32 @!p1 $0x0  }
0x14: {  	s2 =	sld [smem:$0x3F90];
	s0 =	simm.s32 @p1 $0x1  }
0x15: {  	[smem:$0x3FAD] =	sst s0;
	s0 =	simm.s32 @!p2 $0x0  }
0x16: {  	s3 =	sld [smem:$0x3FDB];
	s0 =	simm.s32 @p2 $0x1  }
0x17: {  	s4 =	simm.s32 $0x1BF5;
	[smem:$0x3FAF] =	sst s0  }
0x18: {  	s0 =	sld [smem:$0x3F92];
	_ =	swait.ge [sflag:s4], $0x0  }
0x19: {  	s7 =	sld [smem:$0x3F93]  }
0x1a: {  	s8 =	sadd.s32 $0xFFFFE003, lr  }
0x1b: {  	s9 =	sadd.s32 $0xFFFFFEF7, lr;
	s5 =	simm.s32 $0xFFFFFFFF;
	p2 =	slt.u32 s8, $0xFFFFF086  }
0x1c: {  	p1 =	slt.u32 s9, $0xF7A;
	s5 =	simm.s32 @!p2 $0x0  }
0x1d: {  	s5 =	simm.s32 @p1 $0x1;
	p0 =	seq.s32 s7, s2  }
0x1e: {  	s7 =	smul.u32 @!p0 $0xF7A, s2;
	p2 =	seq.s32 @!p0 s5, $0x0  }
0x1f: {  	s9 =	smul.u32 $0xF7A, s1;
	s8 =	simm.s32 @!p0 $0x1BF5;
	p2 =	por !p2, p0  }
0x20: {  	[sflag:s8] =	ssyncset.s32 @!p0 $0xFFFFF086;
	s6 =	sadd.s32 @!p0 s3, s7;
	s7 =	simm.s32 @!p0 $0x108  }
0x21: {  	s3 =	sadd.s32 s3, s9;
	s6 =	sadd.s32 @!p0 $0x88, s6;
	s7 =	simm.s32 @p2 $0x1082  }
0x22: {  	[simem:s7], [sflag:s8] =	dma.local @!p0 [hbm:s6], $0xF7A  }
0x23: {  	s9 =	sor.u32 $0xD0000000, s2;
	s6 =	simm.s32 $0x108;
	_ =	swait.ge @!p0 [sflag:s8], $0x0  }
0x24: {  	s3 =	sadd.s32 $0x88, s3;
	s6 =	simm.s32 @!p1 $0x1082;
	[sflag:s4] =	ssyncset.s32 $0xFFFFF086  }
0x25: {  	[simem:s6], [sflag:s4] =	dma.local [hbm:s3], $0xF7A  }
0x26: {  	[smem:$0x3F93] =	sst s1;
	(tag) =	ssettag s2;
	_ =	strace s9  }
0x27: {  	s1 =	sld [smem:$0x3FA3]  }
0x28: {  	s2 =	sld [smem:$0x3FA4]  }
0x29: {  	s4 =	sld [smem:$0x3FA6]  }
0x2a: {  	p0 =	seq.s32 s5, $0x0;
	s5 =	sld [smem:$0x3FA7]  }
0x2b: {  	s6 =	sld [smem:$0x3FA8]  }
0x2c: {  	s7 =	sld [smem:$0x3FA9]  }
0x2d: {  	s3 =	simm.s32 $0x108;
	s8 =	sld [smem:$0x3FAA]  }
0x2e: {  	s3 =	simm.s32 @!p0 $0x1082;
	s9 =	sld [smem:$0x3FAB]  }
0x2f: {  	lr =	sadd.s32 s0, s3;
	s0 =	sld [smem:$0x3FA2]  }
0x30: {  	s3 =	sld [smem:$0x3FA5]  }
0x31: {  	[smem:$0x3FAE] =	sst s10  }
0x32: {  	s10 =	sld [smem:$0x3FAC];
	_ =	sdelay $0x3  }
0x33: {  	p0 =	seq.s32 s10, $0x1;
	s10 =	sld [smem:$0x3FAE];
	_ =	sdelay $0x3  }
0x34: {  	[smem:$0x3FAE] =	sst s10  }
0x35: {  	s10 =	sld [smem:$0x3FAD];
	_ =	sdelay $0x3  }
0x36: {  	p1 =	seq.s32 s10, $0x1;
	s10 =	sld [smem:$0x3FAE];
	_ =	sdelay $0x3  }
0x37: {  	[smem:$0x3FAE] =	sst s10  }
0x38: {  	s10 =	sld [smem:$0x3FAF]  }
0x39: {  	_ = 	snop;
	(pc) =	sbr.ind lr, $3  }
0x3a: {  	_ = 	snop  }
0x3b: {  	_ = 	snop  }
0x3c: {  	p2 =	seq.s32 s10, $0x1;
	s10 =	sld [smem:$0x3FAE]  }
0x3d: {  	_ =	shalt  }
0x3e: {  	_ =	shalt  }
0x3f: {  	_ =	shalt  }
0x40: {  	_ =	shalt  }
0x41: {  	_ =	shalt  }
0x42: {  	_ =	shalt  }
0x43: {  	_ =	shalt  }
0x44: {  	_ =	shalt  }
0x45: {  	_ =	shalt  }
0x46: {  	_ =	shalt  }
0x47: {  	_ =	shalt  }
0x48: {  	_ =	shalt  }
0x49: {  	_ =	shalt  }
0x4a: {  	_ =	shalt  }
0x4b: {  	_ =	shalt  }
0x4c: {  	_ =	shalt  }
0x4d: {  	_ =	shalt  }
0x4e: {  	_ =	shalt  }
0x4f: {  	_ =	shalt  }
0x50: {  	_ =	shalt  }
0x51: {  	_ =	shalt  }
0x52: {  	_ =	shalt  }
0x53: {  	_ =	shalt  }
0x54: {  	_ =	shalt  }
0x55: {  	_ =	shalt  }
0x56: {  	_ =	shalt  }
0x57: {  	_ =	shalt  }
0x58: {  	_ =	shalt  }
0x59: {  	_ =	shalt  }
0x5a: {  	_ =	shalt  }
0x5b: {  	_ =	shalt  }
0x5c: {  	_ =	shalt  }
0x5d: {  	_ =	shalt  }
0x5e: {  	_ =	shalt  }
0x5f: {  	_ =	shalt  }
0x60: {  	_ =	shalt  }
0x61: {  	_ =	shalt  }
0x62: {  	_ =	shalt  }
0x63: {  	_ =	shalt  }
0x64: {  	_ =	shalt  }
0x65: {  	_ =	shalt  }
0x66: {  	_ =	shalt  }
0x67: {  	_ =	shalt  }
0x68: {  	_ =	shalt  }
0x69: {  	_ =	shalt  }
0x6a: {  	_ =	shalt  }
0x6b: {  	_ =	shalt  }
0x6c: {  	_ =	shalt  }
0x6d: {  	_ =	shalt  }
0x6e: {  	_ =	shalt  }
0x6f: {  	_ =	shalt  }
0x70: {  	_ =	shalt  }
0x71: {  	_ =	shalt  }
0x72: {  	_ =	shalt  }
0x73: {  	_ =	shalt  }
0x74: {  	_ =	shalt  }
0x75: {  	_ =	shalt  }
0x76: {  	_ =	shalt  }
0x77: {  	_ =	shalt  }
0x78: {  	_ =	shalt  }
0x79: {  	_ =	shalt  }
0x7a: {  	_ =	shalt  }
0x7b: {  	_ =	shalt  }
0x7c: {  	_ =	shalt  }
0x7d: {  	_ =	shalt  }
0x7e: {  	_ =	shalt  }
0x7f: {  	_ =	shalt  }
0x80: {  	_ =	shalt  }
0x81: {  	_ =	shalt  }
0x82: {  	_ =	shalt  }
0x83: {  	_ =	shalt  }
0x84: {  	_ =	shalt  }
0x85: {  	_ =	shalt  }
0x86: {  	_ =	shalt  }
0x87: {  	_ =	shalt  }
.Lfunc_end0:
.L_simem_size_0:
called_computation.4_lowered:
.L_overlay_start_0:
0x88: {  	s2 =	sld [smem:$0x3FD9]  }
0x89: {  	s3 =	sld [smem:$0x3FFE];
	_ =	sdelay $0x1  }
0x8a: {  	s1 =	srdreg.scid  }
0x8b: {  	s0 =	sand.u32 $0x1, s1  }
0x8c: {  	s17 =	sshll.u32 s0, $0xA;
	s2 =	sadd.s32 s3, s2  }
0x8d: {  	s2 =	sadd.s32 s2, s17  }
0x8e: {  	[smem:$0x3FBA] =	sst s2  }
0x8f: {  	_ = 	snop  }
0x90: {  	s2 =	sld [smem:$0x3FD0];
	(tm) =	ssettm $0x1  }
0x91: {  	s18 =	sld [smem:$0x3FFB];
	_ =	sdelay $0x3  }
0x92: {  	_ =	strace s18  }
0x93: {  	s3 =	sld [smem:$0x3FFC];
	_ =	sdelay $0x3  }
0x94: {  	_ =	strace s3  }
0x95: {  	s3 =	sld [smem:$0x3FFD];
	_ =	sdelay $0x3  }
0x96: {  	_ =	strace s3  }
0x97: {  	_ =	strace $0x8FFFFFFF  }
0x98: {  	s19 =	sld [smem:$0x3FDB];
	_ =	sdelay $0x1  }
0x99: {  	s4 =	simm.s32 $_scs_section_size  }
0x9a: {  	s5 =	simm.s32 $_size__tile_overlayer_lowered;
	s6 =	simm.s32 $_tile_overlayer_lowered  }
0x9b: {  	s22 =	simm.s32 $0x1BFF;
	s21 =	sshll.u32 s6, $0x1;
	s3 =	sadd.s32 s4, s19  }
0x9c: {  	s7 =	simm.s32 $0x0;
	s20 =	sshll.u32 s5, $0x1;
	s5 =	sadd.s32 s21, s3  }
0x9d: {  	[timem:s7], [sflag:s22] =	dma.local [hbm:s5], s20  }
0x9e: {  	_ =	swait.ge [sflag:s22], s20  }
0x9f: {  	s4 =	ssub.s32 $0x0, s20;
	[sflag:s22] =	ssyncset.done $0x0  }
0xa0: {  	[sflag:s22] =	ssyncadd.s32 s4;
	_ =	sdelay $0x1  }
0xa1: {  	s23 =	simm.s32 $0x1B8B  }
0xa2: {  	_ =	swait.ge [sflag:s23], $0x1  }
0xa3: {  	[sflag:s23] =	ssyncset.done $0x0  }
0xa4: {  	s25 =	simm.s32 $0x1B8E;
	s24 =	sld [smem:$0x3FFE];
	[sflag:s23] =	ssyncadd.s32 $0xFFFFFFFF  }
0xa5: {  	s26 =	simm.s32 $execute0_lowered;
	[smem:$0x3FD2] =	sst s25  }
0xa6: {  	s5 =	sshll.u32 s26, $0x1;
	_ =	strace $0x80000052;
	[dreg:$0x1] =	wrdreg $0xFFFFFFFF  }
0xa7: {  	s28 =	simm.s32 $_size_execute0_lowered;
	s3 =	sadd.s32 s3, s5;
	[dreg:$0x0] =	wrdreg $0x0  }
0xa8: {  	s5 =	sshll.u32 s28, $0x1;
	[dreg:$0x2] =	wrdreg s3  }
0xa9: {  	[dreg:$0x3] =	wrdreg s5  }
0xaa: {  	[dreg:$0x4] =	wrdreg $0xC0  }
0xab: {  	_ =	task [dreg:s7], $0x5FFFF  }
0xac: {  	[dreg:$0x1] =	wrdreg $0xFFFFFFFF  }
0xad: {  	[dreg:$0x0] =	wrdreg $0x60  }
0xae: {  	[dreg:$0x2] =	wrdreg s24  }
0xaf: {  	[dreg:$0x3] =	wrdreg s2  }
0xb0: {  	[dreg:$0x4] =	wrdreg $0xB7800  }
0xb1: {  	[dreg:$0x5] =	wrdreg $0x9  }
0xb2: {  	_ =	task.clear_ibuf [dreg:s7], $0x6FFFF;
	_ =	strace $0x90000052  }
0xb3: {  	s29 =	simm.s32 $0x9;
	_ =	strace $0x80000054  }
0xb4: {  	_ =	swait.ge [sflag:s29], $0x1  }
0xb5: {  	[sflag:s29] =	ssyncadd.s32 $0xFFFFFFFF  }
0xb6: {  	_ =	strace $0x90000054  }
0xb7: {  	_ =	sfence  }
0xb8: {  	s30 =	sld [smem:$0x0];
	_ =	sdelay $0x2  }
0xb9: {  	s31 =	sshll.u32 s1, $0xD;
	s1 =	sshrl.u32 s1, $0x2  }
0xba: {  	s3 =	sand.u32 $0x4000, s31;
	s1 =	sadd.s32 s1, s30  }
0xbb: {  	s0 =	sor.u32 s3, s0;
	s1 =	sshll.u32 s1, $0x11  }
0xbc: {  	s0 =	sor.u32 s1, s0  }
0xbd: {  	s0 =	sadd.s32 $0x8F2B, s0  }
0xbe: {  	[sflag:s0] =	ssyncadd.remote.s32 $0x1  }
0xbf: {  	_ =	sfence.sel $0xFFFF  }
0xc0: {  	[dreg:$0x0] =	wrdreg $0xFFFFFFFF;
	(pc) =	sbr.abs _section_cstart, $3  }
0xc1: {  	[dreg:$0x1] =	wrdreg $0xFFFFFFFF  }
0xc2: {  	_ =	task.clear_ibuf [dreg:s7], $0x2FFFF;
	_ =	strace $0x9FFFFFFF  }
0xc3: {  	(tm) =	ssettm $0x7FFFFFFF  }
tec
execute0_lowered:
.L_overlay_start_1:
0x0: {  	(tag) =	ssettag $0x1  }
0x1: {  	s0 =	rddreg [dreg:$0x0]  }
0x2: {  	s2 =	rddreg [dreg:$0x1]  }
0x3: {  	s1 =	rddreg [dreg:$0x2]  }
0x4: {  	s3 =	srdreg.scid;
	s10 =	stileid.u32  }
0x5: {  	s19 =	simm.s32 $0x3;
	s21 =	simm.s32 $0x6780;
	s22 =	simm.s32 $0x50  }
0x6: {  	s23 =	simm.s32 $0x8F80;
	s28 =	simm.s32 $0x26C0;
	s29 =	simm.s32 $0x6500  }
0x7: {  	s30 =	simm.s32 $0x6580;
	s31 =	simm.s32 $0x0;
	s5 =	sand.u32 $0x1, s3  }
0x8: {  	s3 =	simm.s32 $0x0;
	s9 =	smul.u32 $0x14000, s10;
	s24 =	sshll.u32 s10, $0x7  }
0x9: {  	s4 =	sshll.u32 s5, $0x4;
	[smem:$0x7FF] =	sst s3;
	s7 =	smul.u32 $0x140000, s5  }
0xa: {  	s5 =	ssub.s32 $0x2, s5;
	s6 =	sor.u32 s10, s4;
	_ =	strace $0x80000053  }
0xb: {  	s4 =	sadd.s32 $0x14400, s0;
	s10 =	smul.u32 $0x50000, s10;
	s25 =	sshrl.u32 s5, $0x1  }
0xc: {  	s8 =	sshll.u32 s6, $0xB;
	s6 =	sshrl.u32 s6, $0x3;
	s7 =	sadd.s32 s9, s7  }
0xd: {  	s9 =	sand.u32 $0x380, s24;
	s16 =	ssub.s32 s5, s25;
	s6 =	smul.u32 $0x13C00, s6  }
0xe: {  	s24 =	simm.s32 $0x1;
	s25 =	simm.s32 $0x2;
	s8 =	sadd.s32 s8, s0  }
0xf: {  	s7 =	sshrl.u32 s7, $0x3;
	s26 =	sshrl.u32 s10, $0x2;
	s6 =	sor.u32 s9, s6  }
0x10: {  	s16 =	smax.u32 s16, $0x1;
	s0 =	sadd.s32 s7, s0;
	s6 =	sshrl.u32 s6, $0x3  }
0x11: {  	s7 =	sadd.s32 $0x4400, s8;
	s5 =	sadd.s32 s2, s6;
	s6 =	sadd.s32 s26, s1  }
0x12: {  	s15 =	sadd.s32 $0x3B600, s0;
	s26 =	simm.s32 $0x6480;
	s8 =	sadd.s32 $0x2800, s6  }
0x13: {  	s9 =	sadd.s32 $0x5000, s6;
	s10 =	sadd.s32 $0x7800, s6;
	s11 =	sadd.s32 $0xA000, s6  }
0x14: {  	v0 =	vimm.f32 $0.0e+00;
	s12 =	sadd.s32 $0xC800, s6;
	s13 =	sadd.s32 $0xF000, s6;
	s14 =	sadd.s32 $0x11800, s6  }
.LBB2_1:
0x15: {  	s0 =	simm.s32 $0x80;
	s2 =	simm.s32 $0x400  }
0x16: {  	[tilespmem:s3], [sflag:$0x3] =	stream.strided.gather [hbm4b:s5+s0], $0x2780, s2, s0, $0x38;
	[tilespmem:$0x1F780] =	vst v63  }
0x17: {  	_ =	swait.ge [sflag:s19], $0x2780  }
0x18: {  	[sflag:s19] =	ssyncset.done $0x0  }
0x19: {  	s17 =	simm.s32 $0x2780;
	[sflag:s19] =	ssyncadd.s32 $0xFFFFD880  }
0x1a: {  	[tilespmem:s17], [sflag:$0x3] =	stream.linear.gather [hbm4b:s7+s3], $0x3E80, $0x38;
	[tilespmem:$0x1F780] =	vst v63  }
0x1b: {  	s18 =	sand.u32 $0xFE00, s3;
	s20 =	sand.u32 $0x70, s3;
	_ =	swait.ge [sflag:s19], $0x3E80  }
0x1c: {  	s0 =	simm.s32 $0x40;
	s17 =	sshrl.u32 s18, $0x2;
	[sflag:s19] =	ssyncset.done $0x0  }
0x1d: {  	s2 =	simm.s32 $0x0;
	s17 =	sor.u32 s20, s17;
	[sflag:s19] =	ssyncadd.s32 $0xFFFFC180  }
.LBB2_2:
0x1e: {  	p0 =	sne.s32 s0, $0x9FC0  }
0x1f: {  	[tilespmem:s17+$0x6780] =	vst v0;
	s2 =	sadd.s32 $0x10, s2;
	s17 =	smov.u32 s0;
	s0 =	sadd.s32 $0x40, s0  }
.Ltmp0:
0x20: {  	(pc) =	sbr.rel @p0 .LBB2_2-.Ltmp0, $4  }
0x21: {  	_ = 	snop  }
0x22: {  	s17 =	sand.u32 $0xFE00, s17  }
0x23: {  	s18 =	sand.u32 $0x70, s2;
	s17 =	sshrl.u32 s17, $0x2  }
0x24: {  	s17 =	sor.u32 s18, s17  }
0x25: {  	[tilespmem:s17+$0x6780] =	vst v0  }
0x26: {  	[spmem:s6] =	stream.linear.scatter [tilespmem:s21], [sflag:$0x3], $0x2800, $0x38;
	[tilespmem:$0x1F780] =	vst v63  }
0x27: {  	_ =	swait.ge [sflag:s19], $0x2800  }
0x28: {  	[sflag:s19] =	ssyncset.done $0x0  }
0x29: {  	[sflag:s19] =	ssyncadd.s32 $0xFFFFD800  }
0x2a: {  	[spmem:s8] =	stream.linear.scatter [tilespmem:s21], [sflag:$0x3], $0x2800, $0x38;
	[tilespmem:$0x1F780] =	vst v63  }
0x2b: {  	_ =	swait.ge [sflag:s19], $0x2800  }
0x2c: {  	[sflag:s19] =	ssyncset.done $0x0  }
0x2d: {  	[sflag:s19] =	ssyncadd.s32 $0xFFFFD800  }
0x2e: {  	[spmem:s9] =	stream.linear.scatter [tilespmem:s21], [sflag:$0x3], $0x2800, $0x38;
	[tilespmem:$0x1F780] =	vst v63  }
0x2f: {  	_ =	swait.ge [sflag:s19], $0x2800  }
0x30: {  	[sflag:s19] =	ssyncset.done $0x0  }
0x31: {  	[sflag:s19] =	ssyncadd.s32 $0xFFFFD800  }
0x32: {  	[spmem:s10] =	stream.linear.scatter [tilespmem:s21], [sflag:$0x3], $0x2800, $0x38;
	[tilespmem:$0x1F780] =	vst v63  }
0x33: {  	_ =	swait.ge [sflag:s19], $0x2800  }
0x34: {  	[sflag:s19] =	ssyncset.done $0x0  }
0x35: {  	[sflag:s19] =	ssyncadd.s32 $0xFFFFD800  }
0x36: {  	[spmem:s11] =	stream.linear.scatter [tilespmem:s21], [sflag:$0x3], $0x2800, $0x38;
	[tilespmem:$0x1F780] =	vst v63  }
0x37: {  	_ =	swait.ge [sflag:s19], $0x2800  }
0x38: {  	[sflag:s19] =	ssyncset.done $0x0  }
0x39: {  	[sflag:s19] =	ssyncadd.s32 $0xFFFFD800  }
0x3a: {  	[spmem:s12] =	stream.linear.scatter [tilespmem:s21], [sflag:$0x3], $0x2800, $0x38;
	[tilespmem:$0x1F780] =	vst v63  }
0x3b: {  	_ =	swait.ge [sflag:s19], $0x2800  }
0x3c: {  	[sflag:s19] =	ssyncset.done $0x0  }
0x3d: {  	[sflag:s19] =	ssyncadd.s32 $0xFFFFD800  }
0x3e: {  	[spmem:s13] =	stream.linear.scatter [tilespmem:s21], [sflag:$0x3], $0x2800, $0x38;
	[tilespmem:$0x1F780] =	vst v63  }
0x3f: {  	_ =	swait.ge [sflag:s19], $0x2800  }
0x40: {  	[sflag:s19] =	ssyncset.done $0x0  }
0x41: {  	[sflag:s19] =	ssyncadd.s32 $0xFFFFD800  }
0x42: {  	[spmem:s14] =	stream.linear.scatter [tilespmem:s21], [sflag:$0x3], $0x2800, $0x38;
	[tilespmem:$0x1F780] =	vst v63  }
0x43: {  	_ =	swait.ge [sflag:s19], $0x2800  }
0x44: {  	[sflag:s19] =	ssyncset.done $0x0  }
0x45: {  	[sflag:s19] =	ssyncadd.s32 $0xFFFFD800  }
0x46: {  	s0 =	simm.s32 $0x0;
	[bflag:$0x0] =	sbarrier.arrive $0xFFFF  }
0x47: {  	[tilespmem:s21], [sflag:$0x1] =	stream.indirect.gather [hbm4b:s4+s22], $0x80, s0, s22, $0xb8;
	[tilespmem:$0x1F780] =	vst v63  }
0x48: {  	_ = 	snop  }
0x49: {  	[tilespmem:s23], [sflag:$0x2] =	stream.indirect.gather [hbm4b:s4+s22], $0x80, s22, s22, $0xb8;
	[tilespmem:$0x1F780] =	vst v63  }
0x4a: {  	_ =	swait.ge [sflag:s24], $0x2800  }
0x4b: {  	[sflag:s24] =	ssyncset.done $0x0  }
0x4c: {  	s17 =	simm.s32 $0x2780;
	[sflag:s24] =	ssyncadd.s32 $0xFFFFD800  }
0x4d: {  	[spmem:s1] =	stream.indirect.scatter.add.f32 [tilespmem:s21], [sflag:$0x3], $0x80, s17, s22, $0xb8;
	[tilespmem:$0x1F780] =	vst v63  }
0x4e: {  	_ =	swait.ge [sflag:s19], $0x2800  }
0x4f: {  	[sflag:s19] =	ssyncset.done $0x0  }
0x50: {  	s18 =	simm.s32 $0xA0;
	[sflag:s19] =	ssyncadd.s32 $0xFFFFD800  }
0x51: {  	[tilespmem:s21], [sflag:$0x1] =	stream.indirect.gather [hbm4b:s4+s22], $0x80, s18, s22, $0xb8;
	[tilespmem:$0x1F780] =	vst v63  }
0x52: {  	_ =	swait.ge [sflag:s25], $0x2800  }
0x53: {  	[sflag:s25] =	ssyncset.done $0x0  }
0x54: {  	s20 =	simm.s32 $0x2800;
	[sflag:s25] =	ssyncadd.s32 $0xFFFFD800  }
0x55: {  	[spmem:s1] =	stream.indirect.scatter.add.f32 [tilespmem:s23], [sflag:$0x3], $0x80, s20, s22, $0xb8;
	[tilespmem:$0x1F780] =	vst v63  }
0x56: {  	_ =	swait.ge [sflag:s19], $0x2800  }
0x57: {  	s2 =	simm.s32 $0x400;
	[sflag:s19] =	ssyncset.done $0x0  }
0x58: {  	s0 =	simm.s32 $0xF0;
	s17 =	simm.s32 $0x190;
	[sflag:s19] =	ssyncadd.s32 $0xFFFFD800  }
.LBB2_4:
0x59: {  	[tilespmem:s23], [sflag:$0x2] =	stream.indirect.gather [hbm4b:s4+s22], $0x80, s0, s22, $0xb8;
	[tilespmem:$0x1F780] =	vst v63  }
0x5a: {  	s18 =	smov.u32 s2;
	s0 =	smov.u32 s17  }
0x5b: {  	p0 =	sne.s32 s2, $0xF000;
	s2 =	sadd.s32 $0x400, s2;
	_ =	swait.ge [sflag:s24], $0x2800  }
0x5c: {  	s18 =	sshra.s32 s18, $0x2;
	[sflag:s24] =	ssyncset.done $0x0  }
0x5d: {  	s20 =	sadd.s32 $0x2780, s18;
	[sflag:s24] =	ssyncadd.s32 $0xFFFFD800  }
0x5e: {  	[spmem:s1] =	stream.indirect.scatter.add.f32 [tilespmem:s21], [sflag:$0x3], $0x80, s20, s22, $0xb8;
	[tilespmem:$0x1F780] =	vst v63  }
0x5f: {  	_ =	swait.ge [sflag:s19], $0x2800  }
0x60: {  	[sflag:s19] =	ssyncset.done $0x0  }
0x61: {  	s20 =	sadd.s32 $0xFFFFFFB0, s17;
	[sflag:s19] =	ssyncadd.s32 $0xFFFFD800  }
0x62: {  	[tilespmem:s21], [sflag:$0x1] =	stream.indirect.gather [hbm4b:s4+s22], $0x80, s20, s22, $0xb8;
	[tilespmem:$0x1F780] =	vst v63  }
0x63: {  	_ =	swait.ge [sflag:s25], $0x2800  }
0x64: {  	[sflag:s25] =	ssyncset.done $0x0  }
.Ltmp1:
0x65: {  	s18 =	sadd.s32 $0x2800, s18;
	[sflag:s25] =	ssyncadd.s32 $0xFFFFD800;
	(pc) =	sbr.rel @p0 .LBB2_4-.Ltmp1, $4  }
0x66: {  	[spmem:s1] =	stream.indirect.scatter.add.f32 [tilespmem:s23], [sflag:$0x3], $0x80, s18, s22, $0xb8;
	[tilespmem:$0x1F780] =	vst v63  }
0x67: {  	_ =	swait.ge [sflag:s19], $0x2800  }
0x68: {  	[sflag:s19] =	ssyncset.done $0x0  }
0x69: {  	s17 =	sadd.s32 $0xA0, s17;
	[sflag:s19] =	ssyncadd.s32 $0xFFFFD800  }
0x6a: {  	[tilespmem:s23], [sflag:$0x2] =	stream.indirect.gather [hbm4b:s4+s22], $0x80, s0, s22, $0xb8;
	[tilespmem:$0x1F780] =	vst v63  }
0x6b: {  	_ =	swait.ge [sflag:s24], $0x2800  }
0x6c: {  	[sflag:s24] =	ssyncset.done $0x0  }
0x6d: {  	[sflag:s24] =	ssyncadd.s32 $0xFFFFD800  }
0x6e: {  	[spmem:s1] =	stream.indirect.scatter.add.f32 [tilespmem:s21], [sflag:$0x3], $0x80, s26, s22, $0xb8;
	[tilespmem:$0x1F780] =	vst v63  }
0x6f: {  	_ =	swait.ge [sflag:s19], $0x2800  }
0x70: {  	[sflag:s19] =	ssyncset.done $0x0  }
0x71: {  	[sflag:s19] =	ssyncadd.s32 $0xFFFFD800  }
0x72: {  	[tilespmem:s21], [sflag:$0x1] =	stream.indirect.gather [hbm4b:s4+s22], $0x80, s28, s22, $0xb8;
	[tilespmem:$0x1F780] =	vst v63  }
0x73: {  	_ =	swait.ge [sflag:s25], $0x2800  }
0x74: {  	[sflag:s25] =	ssyncset.done $0x0  }
0x75: {  	[sflag:s25] =	ssyncadd.s32 $0xFFFFD800  }
0x76: {  	[spmem:s1] =	stream.indirect.scatter.add.f32 [tilespmem:s23], [sflag:$0x3], $0x80, s29, s22, $0xb8;
	[tilespmem:$0x1F780] =	vst v63  }
0x77: {  	_ =	swait.ge [sflag:s19], $0x2800  }
0x78: {  	[sflag:s19] =	ssyncset.done $0x0  }
0x79: {  	[sflag:s19] =	ssyncadd.s32 $0xFFFFD800  }
0x7a: {  	_ =	swait.ge [sflag:s24], $0x2800  }
0x7b: {  	[sflag:s24] =	ssyncset.done $0x0  }
0x7c: {  	[sflag:s24] =	ssyncadd.s32 $0xFFFFD800  }
0x7d: {  	[spmem:s1] =	stream.indirect.scatter.add.f32 [tilespmem:s21], [sflag:$0x3], $0x80, s30, s22, $0xb8;
	[tilespmem:$0x1F780] =	vst v63  }
0x7e: {  	s20 =	stileid.u32;
	_ =	swait.ge [sflag:s19], $0x2800  }
0x7f: {  	s2 =	sshrl.u32 s6, $0x3;
	s31 =	sadd.s32 $0x1, s31;
	[sflag:s19] =	ssyncset.done $0x0  }
0x80: {  	s0 =	sshll.u32 s20, $0x6;
	p0 =	sne.s32 s31, s16;
	[sflag:s19] =	ssyncadd.s32 $0xFFFFD800  }
.Ltmp2:
0x81: {  	s0 =	sor.u32 $0x1C03, s0;
	[bflag:$0x0] =	sbarrier.arrive $0xFFFF;
	(pc) =	sbr.rel @p0 .LBB2_1-.Ltmp2, $4  }
0x82: {  	[hbm:s15], [sflag:s0] =	dma.local [spmem:s2], $0x2800  }
0x83: {  	_ =	swait.ge [sflag:s19], $0x2800  }
0x84: {  	[sflag:s19] =	ssyncset.done $0x0  }
0x85: {  	[sflag:s19] =	ssyncadd.s32 $0xFFFFD800  }
0x86: {  	_ =	sfence.sel $0x180000  }
0x87: {  	[bflag:$0x0] =	sbarrier.arrive $0xFFFF  }
0x88: {  	_ =	strace $0x90000053  }
0x89: {  	s0 =	stileid.u32;
	[bflag:$0x2] =	sbarrier.arrive $0xFFFF  }
0x8a: {  	p0 =	sne.s32 s0, $0x0;
	s0 =	rddreg [dreg:$0x3]  }
0x8b: {  	s0 =	sadd.s32 @!p0 $0x100000, s0  }
0x8c: {  	[sflag:s0] =	ssyncadd.tile.s32 @!p0 $0x1;
	_ =	shalt  }
.Lfunc_end2:
_tile_overlayer_lowered:
.L_overlay_start_2:
0x8d: {  	(tag) =	ssettag $0x2  }
0x8e: {  	s0 =	rddreg [dreg:$0x0];
	s2 =	stileid.u32  }
0x8f: {  	s1 =	rddreg [dreg:$0x1];
	p0 =	sne.s32 s2, $0x0  }
0x90: {  	s3 =	rddreg [dreg:$0x2];
	[bflag:$0x3] =	sbarrier.arrive $0xFFFF;
	s2 =	simm.s32 @!p0 $0x1C03  }
0x91: {  	[timem:s3], [sflag:s2] =	dma.local @!p0 [hbm:s0], s1  }
0x92: {  	s0 =	simm.s32 @!p0 $0x3  }
0x93: {  	_ =	swait.ge @!p0 [sflag:s0], s1  }
0x94: {  	s1 =	ssub.s32 @!p0 $0x0, s1;
	[sflag:s0] =	ssyncset.done @!p0 $0x0  }
0x95: {  	[sflag:s0] =	ssyncadd.s32 @!p0 s1  }
0x96: {  	[bflag:$0x3] =	sbarrier.arrive $0xFFFF  }
0x97: {  	_ =	shalt  }

</sc_bundles>
